<compile_context>
chip_gen: v7x
topology: tpu7x:2x2x1
jax: 0.10.2.dev20260603
libtpu: 0.0.44.dev20260713+nightly
codegen_flags: <defaults>
</compile_context>

<pallas_src>
import functools

import jax
import jax.numpy as jnp
from jax import lax
from jax.experimental import pallas as pl
from jax.experimental.pallas import tpu as pltpu
from jax.experimental.pallas import tpu_sc as plsc

_LANES = 16
_A = (2.0 * 3.14159) ** 0.5
_L2E = 1.4426950408889634


def _sc_gather_xe(et_flat, x_flat, mul_flat, bias_flat):
    total = et_flat.shape[0]
    info = plsc.get_sparse_core_info()
    nw = info.num_cores * info.num_subcores
    chunk = total // nw
    tbl = mul_flat.shape[0]
    nc = info.num_cores
    mesh = plsc.VectorSubcoreMesh(core_axis_name="c", subcore_axis_name="s")

    grp = 128
    rows_w = chunk // grp

    @functools.partial(
        pl.kernel,
        mesh=mesh,
        out_type=jax.ShapeDtypeStruct((total // grp, grp), jnp.float32),
        compiler_params=pltpu.CompilerParams(needs_layout_passes=False),
        scratch_types=[
            pltpu.VMEM((chunk,), jnp.int32),
            pltpu.VMEM((chunk,), jnp.float32),
            pltpu.VMEM((tbl,), jnp.float32),
            pltpu.VMEM((tbl,), jnp.float32),
            pltpu.VMEM((rows_w, grp), jnp.float32),
            pltpu.SemaphoreType.DMA,
            pltpu.SemaphoreType.DMA,
            pltpu.SemaphoreType.DMA,
            pltpu.SemaphoreType.DMA,
        ],
    )
    def sc_kernel(et_hbm, x_hbm, mul_hbm, bias_hbm, out_hbm,
                  idx_v, x_v, mul_t, bias_t, xe_v, s0, s1, s2, s3):
        wid = lax.axis_index("s") * nc + lax.axis_index("c")
        base = wid * chunk
        cps = [
            pltpu.async_copy(mul_hbm, mul_t, s0),
            pltpu.async_copy(bias_hbm, bias_t, s1),
            pltpu.async_copy(et_hbm.at[pl.ds(base, chunk)], idx_v, s2),
            pltpu.async_copy(x_hbm.at[pl.ds(base, chunk)], x_v, s3),
        ]
        for cp in cps:
            cp.wait()

        unroll = grp // _LANES

        def body(i, carry):
            for j in range(unroll):
                sl = pl.ds((i * unroll + j) * _LANES, _LANES)
                idx = idx_v[sl]
                m = plsc.load_gather(mul_t, [idx])
                b = plsc.load_gather(bias_t, [idx])
                xe_v[i, pl.ds(j * _LANES, _LANES)] = m * x_v[sl] + b
            return carry

        lax.fori_loop(0, rows_w, body, 0)
        pltpu.sync_copy(xe_v, out_hbm.at[pl.ds(wid * rows_w, rows_w), :])

    return sc_kernel(et_flat, x_flat, mul_flat, bias_flat)


def _tc_expand(xe2, means, stds, rows):
    total = xe2.shape[0] * xe2.shape[1]
    k_dim = means.shape[-1]
    grp = xe2.shape[1]
    n_grp = rows // grp

    def body(xe_ref, m_ref, s_ref, o_ref, xt_ref):
        std = jnp.abs(s_ref[...]) + 1e-05
        inv = 1.0 / std
        c2 = (-0.5 * _L2E) * inv * inv
        lc = -_L2E * jnp.log(_A * std)
        xt_ref[...] = xe_ref[...].T
        for g in range(n_grp):
            col = xt_ref[:, g:g + 1]
            d = col - m_ref[...]
            o_ref[g * grp:(g + 1) * grp, :] = jnp.exp2(d * d * c2 + lc)

    return pl.pallas_call(
        body,
        grid=(total // rows,),
        in_specs=[
            pl.BlockSpec((n_grp, grp), lambda i: (i, 0)),
            pl.BlockSpec((1, k_dim), lambda i: (0, 0)),
            pl.BlockSpec((1, k_dim), lambda i: (0, 0)),
        ],
        out_specs=pl.BlockSpec((rows, k_dim), lambda i: (i, 0)),
        out_shape=jax.ShapeDtypeStruct((total, k_dim), jnp.float32),
        scratch_shapes=[pltpu.VMEM((grp, n_grp), jnp.float32)],
    )(xe2, means, stds)


def kernel(x, edge_types, means, stds, mul_w, bias_w):
    b, n, m = x.shape
    k_dim = means.shape[-1]
    total = b * n * m
    et = edge_types.reshape(total).astype(jnp.int32)
    xf = x.reshape(total).astype(jnp.float32)
    xe = _sc_gather_xe(et, xf, mul_w.reshape(-1).astype(jnp.float32),
                       bias_w.reshape(-1).astype(jnp.float32))
    out = _tc_expand(xe, means.astype(jnp.float32),
                     stds.astype(jnp.float32), 32768)
    return out.reshape(b, n, m, k_dim).astype(means.dtype)

# --- scband reference (transcript-rebuilt; emitter-appended) ---
"""Pipeline reference for scband-gaussian-layer-1047972020973 (READ-ONLY COPY).

The authoritative reference and input builder live on the scoring server;
editing this copy changes nothing except your own understanding.
"""

import jax, jax.numpy as jnp
import numpy as np

def gaussian(x, mean, std):
    pi = 3.14159
    a = (2 * pi) ** 0.5
    return jnp.exp(-0.5 * ((x - mean) / std) ** 2) / (a * std)

def setup_inputs(seed: int = 0):
    key = jax.random.key(seed)
    k1, k2, k3, k4 = jax.random.split(key, 4)
    B, N, K, ET = 8, 256, 128, 16384
    x = jax.random.uniform(k1, (B, N, N), dtype=jnp.float32) * 5.0
    edge_types = jax.random.randint(k2, (B, N, N), 0, ET)
    means = jax.random.uniform(k3, (1, K), dtype=jnp.float32) * 3.0
    stds = jax.random.uniform(k4, (1, K), dtype=jnp.float32) * 3.0
    mul_w = jnp.ones((ET, 1), dtype=jnp.float32)
    bias_w = jnp.zeros((ET, 1), dtype=jnp.float32)
    return {"x": x, "edge_types": edge_types, "means": means, "stds": stds, "mul_w": mul_w, "bias_w": bias_w}

def reference(x, edge_types, means, stds, mul_w, bias_w):
    # embedding lookups (gather) on edge-type tables
    mul = jnp.take(mul_w, edge_types, axis=0)   # [B, N, N, 1]
    bias = jnp.take(bias_w, edge_types, axis=0) # [B, N, N, 1]
    xe = mul * x[..., None] + bias              # [B, N, N, 1]
    # broadcast over K gaussian kernels (torch .expand equivalent via broadcasting)
    mean = means.astype(jnp.float32).reshape(-1)            # [K]
    std = jnp.abs(stds.astype(jnp.float32).reshape(-1)) + 1e-05  # [K]
    out = gaussian(xe.astype(jnp.float32), mean, std)       # [B, N, N, K]
    return out.astype(means.dtype)

if __name__ == "__main__":
    import jax
    _d = setup_inputs()
    print(jax.jit(kernel)(*tuple(_d.values())))

</pallas_src>

<mosaic_0001>
#map = affine_map<(d0, d1) -> (0)>
#map1 = affine_map<(d0, d1) -> (0, 0)>
module attributes {stable_mosaic.version = 14 : i64} {
  func.func @sc_kernel(%arg0: i32, %arg1: i32, %arg2: memref<524288xi32, #tpu.memory_space<hbm>>, %arg3: memref<524288xf32, #tpu.memory_space<hbm>>, %arg4: memref<16384xf32, #tpu.memory_space<hbm>>, %arg5: memref<16384xf32, #tpu.memory_space<hbm>>, %arg6: memref<4096x128xf32, #tpu.memory_space<hbm>>, %arg7: memref<16384xi32, #tpu.memory_space<vmem>>, %arg8: memref<16384xf32, #tpu.memory_space<vmem>>, %arg9: memref<16384xf32, #tpu.memory_space<vmem>>, %arg10: memref<16384xf32, #tpu.memory_space<vmem>>, %arg11: memref<128x128xf32, #tpu.memory_space<vmem>>, %arg12: memref<!tpu.dma_semaphore, #tpu.memory_space<semaphore_mem>>, %arg13: memref<!tpu.dma_semaphore, #tpu.memory_space<semaphore_mem>>, %arg14: memref<!tpu.dma_semaphore, #tpu.memory_space<semaphore_mem>>, %arg15: memref<!tpu.dma_semaphore, #tpu.memory_space<semaphore_mem>>) attributes {dimension_semantics = [#tpu.dimension_semantics<core_parallel>, #tpu.dimension_semantics<subcore_parallel>], iteration_bounds = array<i64: 2, 16>, scalar_prefetch = 0 : i64, scratch_operands = 9 : i64, tpu.core_type = #tpu.core_type<sc_vector_subcore>, window_params = [{transform_indices = #map}, {transform_indices = #map}, {transform_indices = #map}, {transform_indices = #map}, {transform_indices = #map1}]} {
    %mul3A = arith.constant 2 : i32
    %mul3A_0 = arith.muli %arg1, %mul3A : i32
    %add3A = arith.addi %mul3A_0, %arg0 : i32
    %mul3A_1 = arith.constant 16384 : i32
    %mul3A_2 = arith.muli %add3A, %mul3A_1 : i32
    tpu.enqueue_dma source(%arg4 : memref<16384xf32, #tpu.memory_space<hbm>>) target(%arg9 : memref<16384xf32, #tpu.memory_space<vmem>>) target_semaphore(%arg12 : memref<!tpu.dma_semaphore, #tpu.memory_space<semaphore_mem>>)
    tpu.enqueue_dma source(%arg5 : memref<16384xf32, #tpu.memory_space<hbm>>) target(%arg10 : memref<16384xf32, #tpu.memory_space<vmem>>) target_semaphore(%arg13 : memref<!tpu.dma_semaphore, #tpu.memory_space<semaphore_mem>>)
    %dma_start3A = tpu.memref_slice %arg2[%mul3A_2] : memref<524288xi32, #tpu.memory_space<hbm>> -> memref<16384xi32, #tpu.memory_space<hbm>>
    %dma_start3A_3 = tpu.memref_slice %arg2[%mul3A_2] : memref<524288xi32, #tpu.memory_space<hbm>> -> memref<16384xi32, #tpu.memory_space<hbm>>
    tpu.enqueue_dma source(%dma_start3A_3 : memref<16384xi32, #tpu.memory_space<hbm>>) target(%arg7 : memref<16384xi32, #tpu.memory_space<vmem>>) target_semaphore(%arg14 : memref<!tpu.dma_semaphore, #tpu.memory_space<semaphore_mem>>)
    %dma_start3A_4 = tpu.memref_slice %arg3[%mul3A_2] : memref<524288xf32, #tpu.memory_space<hbm>> -> memref<16384xf32, #tpu.memory_space<hbm>>
    %dma_start3A_5 = tpu.memref_slice %arg3[%mul3A_2] : memref<524288xf32, #tpu.memory_space<hbm>> -> memref<16384xf32, #tpu.memory_space<hbm>>
    tpu.enqueue_dma source(%dma_start3A_5 : memref<16384xf32, #tpu.memory_space<hbm>>) target(%arg8 : memref<16384xf32, #tpu.memory_space<vmem>>) target_semaphore(%arg15 : memref<!tpu.dma_semaphore, #tpu.memory_space<semaphore_mem>>)
    tpu.wait_dma2 semaphore(%arg12 : memref<!tpu.dma_semaphore, #tpu.memory_space<semaphore_mem>>) src(%arg4 : memref<16384xf32, #tpu.memory_space<hbm>>) dst(%arg9 : memref<16384xf32, #tpu.memory_space<vmem>>)
    tpu.wait_dma2 semaphore(%arg13 : memref<!tpu.dma_semaphore, #tpu.memory_space<semaphore_mem>>) src(%arg5 : memref<16384xf32, #tpu.memory_space<hbm>>) dst(%arg10 : memref<16384xf32, #tpu.memory_space<vmem>>)
    %dma_wait3A = tpu.memref_slice %arg2[%mul3A_2] : memref<524288xi32, #tpu.memory_space<hbm>> -> memref<16384xi32, #tpu.memory_space<hbm>>
    %dma_wait3A_6 = tpu.memref_slice %arg2[%mul3A_2] : memref<524288xi32, #tpu.memory_space<hbm>> -> memref<16384xi32, #tpu.memory_space<hbm>>
    tpu.wait_dma2 semaphore(%arg14 : memref<!tpu.dma_semaphore, #tpu.memory_space<semaphore_mem>>) src(%dma_wait3A_6 : memref<16384xi32, #tpu.memory_space<hbm>>) dst(%arg7 : memref<16384xi32, #tpu.memory_space<vmem>>)
    %dma_wait3A_7 = tpu.memref_slice %arg3[%mul3A_2] : memref<524288xf32, #tpu.memory_space<hbm>> -> memref<16384xf32, #tpu.memory_space<hbm>>
    %dma_wait3A_8 = tpu.memref_slice %arg3[%mul3A_2] : memref<524288xf32, #tpu.memory_space<hbm>> -> memref<16384xf32, #tpu.memory_space<hbm>>
    tpu.wait_dma2 semaphore(%arg15 : memref<!tpu.dma_semaphore, #tpu.memory_space<semaphore_mem>>) src(%dma_wait3A_8 : memref<16384xf32, #tpu.memory_space<hbm>>) dst(%arg8 : memref<16384xf32, #tpu.memory_space<vmem>>)
    %scan3A = arith.constant 0 : i32
    %scan3A_9 = arith.constant 0 : i32
    %scan3A_10 = arith.constant 128 : i32
    %scan3A_11 = arith.addi %scan3A_9, %scan3A_10 : i32
    %scan3A_12 = arith.constant 1 : i32
    scf.for %scan3A_16 = %scan3A_9 to %scan3A_11 step %scan3A_12  : i32 {
      %mul3A_17 = arith.constant 8 : i32
      %mul3A_18 = arith.muli %scan3A_16, %mul3A_17 : i32
      %add3A_19 = arith.constant 0 : i32
      %add3A_20 = arith.addi %mul3A_18, %add3A_19 : i32
      %mul3A_21 = arith.constant 16 : i32
      %mul3A_22 = arith.muli %add3A_20, %mul3A_21 : i32
      %get3A = arith.index_cast %mul3A_22 : i32 to index
      %get3A_23 = tpu.vector_load %arg7[%get3A] {strides = array<i32>} : memref<16384xi32, #tpu.memory_space<vmem>>, vector<16xi32>,
      %gather3A = tpu.vector_load_idx %arg9[%get3A_23] : memref<16384xf32, #tpu.memory_space<vmem>>[vector<16xi32>], vector<16xf32>,
      %gather3A_24 = tpu.vector_load_idx %arg10[%get3A_23] : memref<16384xf32, #tpu.memory_space<vmem>>[vector<16xi32>], vector<16xf32>,
      %get3A_25 = arith.index_cast %mul3A_22 : i32 to index
      %get3A_26 = tpu.vector_load %arg8[%get3A_25] {strides = array<i32>} : memref<16384xf32, #tpu.memory_space<vmem>>, vector<16xf32>,
      %mul3A_27 = arith.mulf %gather3A, %get3A_26 : vector<16xf32>
      %add3A_28 = arith.addf %mul3A_27, %gather3A_24 : vector<16xf32>
      %swap3A = arith.index_cast %scan3A_16 : i32 to index
      %swap3A_29 = arith.constant 0 : index
      %swap3A_30 = tpu.vector_load %arg11[%swap3A, %swap3A_29] {strides = array<i32>} : memref<128x128xf32, #tpu.memory_space<vmem>>, vector<16xf32>,
      tpu.vector_store %arg11[%swap3A, %swap3A_29], %add3A_28 {strides = array<i32>} : memref<128x128xf32, #tpu.memory_space<vmem>>, vector<16xf32>,
      %mul3A_31 = arith.constant 8 : i32
      %mul3A_32 = arith.muli %scan3A_16, %mul3A_31 : i32
      %add3A_33 = arith.constant 1 : i32
      %add3A_34 = arith.addi %mul3A_32, %add3A_33 : i32
      %mul3A_35 = arith.constant 16 : i32
      %mul3A_36 = arith.muli %add3A_34, %mul3A_35 : i32
      %get3A_37 = arith.index_cast %mul3A_36 : i32 to index
      %get3A_38 = tpu.vector_load %arg7[%get3A_37] {strides = array<i32>} : memref<16384xi32, #tpu.memory_space<vmem>>, vector<16xi32>,
      %gather3A_39 = tpu.vector_load_idx %arg9[%get3A_38] : memref<16384xf32, #tpu.memory_space<vmem>>[vector<16xi32>], vector<16xf32>,
      %gather3A_40 = tpu.vector_load_idx %arg10[%get3A_38] : memref<16384xf32, #tpu.memory_space<vmem>>[vector<16xi32>], vector<16xf32>,
      %get3A_41 = arith.index_cast %mul3A_36 : i32 to index
      %get3A_42 = tpu.vector_load %arg8[%get3A_41] {strides = array<i32>} : memref<16384xf32, #tpu.memory_space<vmem>>, vector<16xf32>,
      %mul3A_43 = arith.mulf %gather3A_39, %get3A_42 : vector<16xf32>
      %add3A_44 = arith.addf %mul3A_43, %gather3A_40 : vector<16xf32>
      %swap3A_45 = arith.index_cast %scan3A_16 : i32 to index
      %swap3A_46 = arith.constant 16 : index
      %swap3A_47 = tpu.vector_load %arg11[%swap3A_45, %swap3A_46] {strides = array<i32>} : memref<128x128xf32, #tpu.memory_space<vmem>>, vector<16xf32>,
      tpu.vector_store %arg11[%swap3A_45, %swap3A_46], %add3A_44 {strides = array<i32>} : memref<128x128xf32, #tpu.memory_space<vmem>>, vector<16xf32>,
      %mul3A_48 = arith.constant 8 : i32
      %mul3A_49 = arith.muli %scan3A_16, %mul3A_48 : i32
      %add3A_50 = arith.constant 2 : i32
      %add3A_51 = arith.addi %mul3A_49, %add3A_50 : i32
      %mul3A_52 = arith.constant 16 : i32
      %mul3A_53 = arith.muli %add3A_51, %mul3A_52 : i32
      %get3A_54 = arith.index_cast %mul3A_53 : i32 to index
      %get3A_55 = tpu.vector_load %arg7[%get3A_54] {strides = array<i32>} : memref<16384xi32, #tpu.memory_space<vmem>>, vector<16xi32>,
      %gather3A_56 = tpu.vector_load_idx %arg9[%get3A_55] : memref<16384xf32, #tpu.memory_space<vmem>>[vector<16xi32>], vector<16xf32>,
      %gather3A_57 = tpu.vector_load_idx %arg10[%get3A_55] : memref<16384xf32, #tpu.memory_space<vmem>>[vector<16xi32>], vector<16xf32>,
      %get3A_58 = arith.index_cast %mul3A_53 : i32 to index
      %get3A_59 = tpu.vector_load %arg8[%get3A_58] {strides = array<i32>} : memref<16384xf32, #tpu.memory_space<vmem>>, vector<16xf32>,
      %mul3A_60 = arith.mulf %gather3A_56, %get3A_59 : vector<16xf32>
      %add3A_61 = arith.addf %mul3A_60, %gather3A_57 : vector<16xf32>
      %swap3A_62 = arith.index_cast %scan3A_16 : i32 to index
      %swap3A_63 = arith.constant 32 : index
      %swap3A_64 = tpu.vector_load %arg11[%swap3A_62, %swap3A_63] {strides = array<i32>} : memref<128x128xf32, #tpu.memory_space<vmem>>, vector<16xf32>,
      tpu.vector_store %arg11[%swap3A_62, %swap3A_63], %add3A_61 {strides = array<i32>} : memref<128x128xf32, #tpu.memory_space<vmem>>, vector<16xf32>,
      %mul3A_65 = arith.constant 8 : i32
      %mul3A_66 = arith.muli %scan3A_16, %mul3A_65 : i32
      %add3A_67 = arith.constant 3 : i32
      %add3A_68 = arith.addi %mul3A_66, %add3A_67 : i32
      %mul3A_69 = arith.constant 16 : i32
      %mul3A_70 = arith.muli %add3A_68, %mul3A_69 : i32
      %get3A_71 = arith.index_cast %mul3A_70 : i32 to index
      %get3A_72 = tpu.vector_load %arg7[%get3A_71] {strides = array<i32>} : memref<16384xi32, #tpu.memory_space<vmem>>, vector<16xi32>,
      %gather3A_73 = tpu.vector_load_idx %arg9[%get3A_72] : memref<16384xf32, #tpu.memory_space<vmem>>[vector<16xi32>], vector<16xf32>,
      %gather3A_74 = tpu.vector_load_idx %arg10[%get3A_72] : memref<16384xf32, #tpu.memory_space<vmem>>[vector<16xi32>], vector<16xf32>,
      %get3A_75 = arith.index_cast %mul3A_70 : i32 to index
      %get3A_76 = tpu.vector_load %arg8[%get3A_75] {strides = array<i32>} : memref<16384xf32, #tpu.memory_space<vmem>>, vector<16xf32>,
      %mul3A_77 = arith.mulf %gather3A_73, %get3A_76 : vector<16xf32>
      %add3A_78 = arith.addf %mul3A_77, %gather3A_74 : vector<16xf32>
      %swap3A_79 = arith.index_cast %scan3A_16 : i32 to index
      %swap3A_80 = arith.constant 48 : index
      %swap3A_81 = tpu.vector_load %arg11[%swap3A_79, %swap3A_80] {strides = array<i32>} : memref<128x128xf32, #tpu.memory_space<vmem>>, vector<16xf32>,
      tpu.vector_store %arg11[%swap3A_79, %swap3A_80], %add3A_78 {strides = array<i32>} : memref<128x128xf32, #tpu.memory_space<vmem>>, vector<16xf32>,
      %mul3A_82 = arith.constant 8 : i32
      %mul3A_83 = arith.muli %scan3A_16, %mul3A_82 : i32
      %add3A_84 = arith.constant 4 : i32
      %add3A_85 = arith.addi %mul3A_83, %add3A_84 : i32
      %mul3A_86 = arith.constant 16 : i32
      %mul3A_87 = arith.muli %add3A_85, %mul3A_86 : i32
      %get3A_88 = arith.index_cast %mul3A_87 : i32 to index
      %get3A_89 = tpu.vector_load %arg7[%get3A_88] {strides = array<i32>} : memref<16384xi32, #tpu.memory_space<vmem>>, vector<16xi32>,
      %gather3A_90 = tpu.vector_load_idx %arg9[%get3A_89] : memref<16384xf32, #tpu.memory_space<vmem>>[vector<16xi32>], vector<16xf32>,
      %gather3A_91 = tpu.vector_load_idx %arg10[%get3A_89] : memref<16384xf32, #tpu.memory_space<vmem>>[vector<16xi32>], vector<16xf32>,
      %get3A_92 = arith.index_cast %mul3A_87 : i32 to index
      %get3A_93 = tpu.vector_load %arg8[%get3A_92] {strides = array<i32>} : memref<16384xf32, #tpu.memory_space<vmem>>, vector<16xf32>,
      %mul3A_94 = arith.mulf %gather3A_90, %get3A_93 : vector<16xf32>
      %add3A_95 = arith.addf %mul3A_94, %gather3A_91 : vector<16xf32>
      %swap3A_96 = arith.index_cast %scan3A_16 : i32 to index
      %swap3A_97 = arith.constant 64 : index
      %swap3A_98 = tpu.vector_load %arg11[%swap3A_96, %swap3A_97] {strides = array<i32>} : memref<128x128xf32, #tpu.memory_space<vmem>>, vector<16xf32>,
      tpu.vector_store %arg11[%swap3A_96, %swap3A_97], %add3A_95 {strides = array<i32>} : memref<128x128xf32, #tpu.memory_space<vmem>>, vector<16xf32>,
      %mul3A_99 = arith.constant 8 : i32
      %mul3A_100 = arith.muli %scan3A_16, %mul3A_99 : i32
      %add3A_101 = arith.constant 5 : i32
      %add3A_102 = arith.addi %mul3A_100, %add3A_101 : i32
      %mul3A_103 = arith.constant 16 : i32
      %mul3A_104 = arith.muli %add3A_102, %mul3A_103 : i32
      %get3A_105 = arith.index_cast %mul3A_104 : i32 to index
      %get3A_106 = tpu.vector_load %arg7[%get3A_105] {strides = array<i32>} : memref<16384xi32, #tpu.memory_space<vmem>>, vector<16xi32>,
      %gather3A_107 = tpu.vector_load_idx %arg9[%get3A_106] : memref<16384xf32, #tpu.memory_space<vmem>>[vector<16xi32>], vector<16xf32>,
      %gather3A_108 = tpu.vector_load_idx %arg10[%get3A_106] : memref<16384xf32, #tpu.memory_space<vmem>>[vector<16xi32>], vector<16xf32>,
      %get3A_109 = arith.index_cast %mul3A_104 : i32 to index
      %get3A_110 = tpu.vector_load %arg8[%get3A_109] {strides = array<i32>} : memref<16384xf32, #tpu.memory_space<vmem>>, vector<16xf32>,
      %mul3A_111 = arith.mulf %gather3A_107, %get3A_110 : vector<16xf32>
      %add3A_112 = arith.addf %mul3A_111, %gather3A_108 : vector<16xf32>
      %swap3A_113 = arith.index_cast %scan3A_16 : i32 to index
      %swap3A_114 = arith.constant 80 : index
      %swap3A_115 = tpu.vector_load %arg11[%swap3A_113, %swap3A_114] {strides = array<i32>} : memref<128x128xf32, #tpu.memory_space<vmem>>, vector<16xf32>,
      tpu.vector_store %arg11[%swap3A_113, %swap3A_114], %add3A_112 {strides = array<i32>} : memref<128x128xf32, #tpu.memory_space<vmem>>, vector<16xf32>,
      %mul3A_116 = arith.constant 8 : i32
      %mul3A_117 = arith.muli %scan3A_16, %mul3A_116 : i32
      %add3A_118 = arith.constant 6 : i32
      %add3A_119 = arith.addi %mul3A_117, %add3A_118 : i32
      %mul3A_120 = arith.constant 16 : i32
      %mul3A_121 = arith.muli %add3A_119, %mul3A_120 : i32
      %get3A_122 = arith.index_cast %mul3A_121 : i32 to index
      %get3A_123 = tpu.vector_load %arg7[%get3A_122] {strides = array<i32>} : memref<16384xi32, #tpu.memory_space<vmem>>, vector<16xi32>,
      %gather3A_124 = tpu.vector_load_idx %arg9[%get3A_123] : memref<16384xf32, #tpu.memory_space<vmem>>[vector<16xi32>], vector<16xf32>,
      %gather3A_125 = tpu.vector_load_idx %arg10[%get3A_123] : memref<16384xf32, #tpu.memory_space<vmem>>[vector<16xi32>], vector<16xf32>,
      %get3A_126 = arith.index_cast %mul3A_121 : i32 to index
      %get3A_127 = tpu.vector_load %arg8[%get3A_126] {strides = array<i32>} : memref<16384xf32, #tpu.memory_space<vmem>>, vector<16xf32>,
      %mul3A_128 = arith.mulf %gather3A_124, %get3A_127 : vector<16xf32>
      %add3A_129 = arith.addf %mul3A_128, %gather3A_125 : vector<16xf32>
      %swap3A_130 = arith.index_cast %scan3A_16 : i32 to index
      %swap3A_131 = arith.constant 96 : index
      %swap3A_132 = tpu.vector_load %arg11[%swap3A_130, %swap3A_131] {strides = array<i32>} : memref<128x128xf32, #tpu.memory_space<vmem>>, vector<16xf32>,
      tpu.vector_store %arg11[%swap3A_130, %swap3A_131], %add3A_129 {strides = array<i32>} : memref<128x128xf32, #tpu.memory_space<vmem>>, vector<16xf32>,
      %mul3A_133 = arith.constant 8 : i32
      %mul3A_134 = arith.muli %scan3A_16, %mul3A_133 : i32
      %add3A_135 = arith.constant 7 : i32
      %add3A_136 = arith.addi %mul3A_134, %add3A_135 : i32
      %mul3A_137 = arith.constant 16 : i32
      %mul3A_138 = arith.muli %add3A_136, %mul3A_137 : i32
      %get3A_139 = arith.index_cast %mul3A_138 : i32 to index
      %get3A_140 = tpu.vector_load %arg7[%get3A_139] {strides = array<i32>} : memref<16384xi32, #tpu.memory_space<vmem>>, vector<16xi32>,
      %gather3A_141 = tpu.vector_load_idx %arg9[%get3A_140] : memref<16384xf32, #tpu.memory_space<vmem>>[vector<16xi32>], vector<16xf32>,
      %gather3A_142 = tpu.vector_load_idx %arg10[%get3A_140] : memref<16384xf32, #tpu.memory_space<vmem>>[vector<16xi32>], vector<16xf32>,
      %get3A_143 = arith.index_cast %mul3A_138 : i32 to index
      %get3A_144 = tpu.vector_load %arg8[%get3A_143] {strides = array<i32>} : memref<16384xf32, #tpu.memory_space<vmem>>, vector<16xf32>,
      %mul3A_145 = arith.mulf %gather3A_141, %get3A_144 : vector<16xf32>
      %add3A_146 = arith.addf %mul3A_145, %gather3A_142 : vector<16xf32>
      %swap3A_147 = arith.index_cast %scan3A_16 : i32 to index
      %swap3A_148 = arith.constant 112 : index
      %swap3A_149 = tpu.vector_load %arg11[%swap3A_147, %swap3A_148] {strides = array<i32>} : memref<128x128xf32, #tpu.memory_space<vmem>>, vector<16xf32>,
      tpu.vector_store %arg11[%swap3A_147, %swap3A_148], %add3A_146 {strides = array<i32>} : memref<128x128xf32, #tpu.memory_space<vmem>>, vector<16xf32>,
    }
    %scan3A_13 = arith.constant 128 : i32
    %mul3A_14 = arith.constant 128 : i32
    %mul3A_15 = arith.muli %add3A, %mul3A_14 : i32
    "tpu.region"() ({
      %run_scoped3A = tpu.sem_alloc : memref<!tpu.dma_semaphore, #tpu.memory_space<semaphore_mem>>
      %dma_start3A_16 = arith.constant 0 : i32
      %dma_start3A_17 = tpu.memref_slice %arg6[%mul3A_15, %dma_start3A_16] : memref<4096x128xf32, #tpu.memory_space<hbm>> -> memref<128x128xf32, #tpu.memory_space<hbm>>
      %dma_start3A_18 = arith.constant 0 : i32
      %dma_start3A_19 = tpu.memref_slice %arg6[%mul3A_15, %dma_start3A_18] : memref<4096x128xf32, #tpu.memory_space<hbm>> -> memref<128x128xf32, #tpu.memory_space<hbm>>
      tpu.enqueue_dma source(%arg11 : memref<128x128xf32, #tpu.memory_space<vmem>>) target(%dma_start3A_19 : memref<128x128xf32, #tpu.memory_space<hbm>>) target_semaphore(%run_scoped3A : memref<!tpu.dma_semaphore, #tpu.memory_space<semaphore_mem>>)
      %dma_wait3A_20 = arith.constant 0 : i32
      %dma_wait3A_21 = tpu.memref_slice %arg6[%mul3A_15, %dma_wait3A_20] : memref<4096x128xf32, #tpu.memory_space<hbm>> -> memref<128x128xf32, #tpu.memory_space<hbm>>
      %dma_wait3A_22 = arith.constant 0 : i32
      %dma_wait3A_23 = tpu.memref_slice %arg6[%mul3A_15, %dma_wait3A_22] : memref<4096x128xf32, #tpu.memory_space<hbm>> -> memref<128x128xf32, #tpu.memory_space<hbm>>
      tpu.wait_dma2 semaphore(%run_scoped3A : memref<!tpu.dma_semaphore, #tpu.memory_space<semaphore_mem>>) src(%arg11 : memref<128x128xf32, #tpu.memory_space<vmem>>) dst(%dma_wait3A_23 : memref<128x128xf32, #tpu.memory_space<hbm>>)
      tpu.yield
    }) : () -> ()
    return
  }
}

module attributes {stable_mosaic.version = 14 : i64} {
  func.func @body(%arg0: i32, %arg1: memref<256x128xf32, #tpu.memory_space<vmem>>, %arg2: memref<1x128xf32, #tpu.memory_space<vmem>>, %arg3: memref<1x128xf32, #tpu.memory_space<vmem>>, %arg4: memref<32768x128xf32, #tpu.memory_space<vmem>>, %arg5: memref<128x256xf32, #tpu.memory_space<vmem>>) attributes {dimension_semantics = [#tpu.dimension_semantics<arbitrary>], iteration_bounds = array<i64: 16>, scalar_prefetch = 0 : i64, scratch_operands = 1 : i64, tpu.core_type = #tpu.core_type<tc>, window_params = [{transform_indices = @transform_0, window_bounds = array<i64: 256, 128>}, {pipeline_mode = #tpu.pipeline_mode<synchronous>, transform_indices = @transform_1, window_bounds = array<i64: 1, 128>}, {pipeline_mode = #tpu.pipeline_mode<synchronous>, transform_indices = @transform_2, window_bounds = array<i64: 1, 128>}, {transform_indices = @transform_3, window_bounds = array<i64: 32768, 128>}]} {
    %get3A = arith.constant 0 : index
    %get3A_0 = arith.constant 0 : index
    %get3A_1 = vector.load %arg3[%get3A, %get3A_0] : memref<1x128xf32, #tpu.memory_space<vmem>>, vector<1x128xf32>
    %abs3A = math.absf %get3A_1 : vector<1x128xf32>
    %add3A = arith.constant 9.99999974E-6 : f32
    %add3A_2 = vector.broadcast %add3A : f32 to vector<1x128xf32>
    %add3A_3 = arith.addf %abs3A, %add3A_2 : vector<1x128xf32>
    %div3A = arith.constant 1.000000e+00 : f32
    %div3A_4 = vector.broadcast %div3A : f32 to vector<1x128xf32>
    %div3A_5 = arith.divf %div3A_4, %add3A_3 : vector<1x128xf32>
    %mul3A = arith.constant -0.72134751 : f32
    %mul3A_6 = vector.broadcast %mul3A : f32 to vector<1x128xf32>
    %mul3A_7 = arith.mulf %mul3A_6, %div3A_5 : vector<1x128xf32>
    %mul3A_8 = arith.mulf %mul3A_7, %div3A_5 : vector<1x128xf32>
    %mul3A_9 = arith.constant 2.50662732 : f32
    %mul3A_10 = vector.broadcast %mul3A_9 : f32 to vector<1x128xf32>
    %mul3A_11 = arith.mulf %mul3A_10, %add3A_3 : vector<1x128xf32>
    %log3A = math.log %mul3A_11 : vector<1x128xf32>
    %mul3A_12 = arith.constant -1.44269502 : f32
    %mul3A_13 = vector.broadcast %mul3A_12 : f32 to vector<1x128xf32>
    %mul3A_14 = arith.mulf %mul3A_13, %log3A : vector<1x128xf32>
    %get3A_15 = arith.constant 0 : index
    %get3A_16 = arith.constant 0 : index
    %get3A_17 = vector.load %arg1[%get3A_15, %get3A_16] : memref<256x128xf32, #tpu.memory_space<vmem>>, vector<256x128xf32>
    %transpose3A = tpu.transpose %get3A_17, [1, 0] : vector<256x128xf32> -> vector<128x256xf32>
    %swap3A = arith.constant 0 : index
    %swap3A_18 = arith.constant 0 : index
    %swap3A_19 = vector.load %arg5[%swap3A, %swap3A_18] : memref<128x256xf32, #tpu.memory_space<vmem>>, vector<128x256xf32>
    tpu.vector_store %arg5[%swap3A, %swap3A_18], %transpose3A {strides = array<i32>} : memref<128x256xf32, #tpu.memory_space<vmem>>, vector<128x256xf32>,
    %get3A_20 = arith.constant 0 : index
    %get3A_21 = arith.constant 0 : index
    %get3A_22 = vector.load %arg5[%get3A_20, %get3A_21] : memref<128x256xf32, #tpu.memory_space<vmem>>, vector<128x1xf32>
    %get3A_23 = arith.constant 0 : index
    %get3A_24 = arith.constant 0 : index
    %get3A_25 = vector.load %arg2[%get3A_23, %get3A_24] : memref<1x128xf32, #tpu.memory_space<vmem>>, vector<1x128xf32>
    %sub3A = vector.broadcast %get3A_22 : vector<128x1xf32> to vector<128x128xf32>
    %sub3A_26 = vector.broadcast %get3A_25 : vector<1x128xf32> to vector<128x128xf32>
    %sub3A_27 = arith.subf %sub3A, %sub3A_26 : vector<128x128xf32>
    %mul3A_28 = arith.mulf %sub3A_27, %sub3A_27 : vector<128x128xf32>
    %mul3A_29 = vector.broadcast %mul3A_8 : vector<1x128xf32> to vector<128x128xf32>
    %mul3A_30 = arith.mulf %mul3A_28, %mul3A_29 : vector<128x128xf32>
    %add3A_31 = vector.broadcast %mul3A_14 : vector<1x128xf32> to vector<128x128xf32>
    %add3A_32 = arith.addf %mul3A_30, %add3A_31 : vector<128x128xf32>
    %exp23A = math.exp2 %add3A_32 : vector<128x128xf32>
    %swap3A_33 = arith.constant 0 : index
    %swap3A_34 = arith.constant 0 : index
    %swap3A_35 = vector.load %arg4[%swap3A_33, %swap3A_34] : memref<32768x128xf32, #tpu.memory_space<vmem>>, vector<128x128xf32>
    tpu.vector_store %arg4[%swap3A_33, %swap3A_34], %exp23A {strides = array<i32>} : memref<32768x128xf32, #tpu.memory_space<vmem>>, vector<128x128xf32>,
    %get3A_36 = arith.constant 0 : index
    %get3A_37 = arith.constant 1 : index
    %get3A_38 = vector.load %arg5[%get3A_36, %get3A_37] : memref<128x256xf32, #tpu.memory_space<vmem>>, vector<128x1xf32>
    %get3A_39 = arith.constant 0 : index
    %get3A_40 = arith.constant 0 : index
    %get3A_41 = vector.load %arg2[%get3A_39, %get3A_40] : memref<1x128xf32, #tpu.memory_space<vmem>>, vector<1x128xf32>
    %sub3A_42 = vector.broadcast %get3A_38 : vector<128x1xf32> to vector<128x128xf32>
    %sub3A_43 = vector.broadcast %get3A_41 : vector<1x128xf32> to vector<128x128xf32>
    %sub3A_44 = arith.subf %sub3A_42, %sub3A_43 : vector<128x128xf32>
    %mul3A_45 = arith.mulf %sub3A_44, %sub3A_44 : vector<128x128xf32>
    %mul3A_46 = vector.broadcast %mul3A_8 : vector<1x128xf32> to vector<128x128xf32>
    %mul3A_47 = arith.mulf %mul3A_45, %mul3A_46 : vector<128x128xf32>
    %add3A_48 = vector.broadcast %mul3A_14 : vector<1x128xf32> to vector<128x128xf32>
    %add3A_49 = arith.addf %mul3A_47, %add3A_48 : vector<128x128xf32>
    %exp23A_50 = math.exp2 %add3A_49 : vector<128x128xf32>
    %swap3A_51 = arith.constant 128 : index
    %swap3A_52 = arith.constant 0 : index
    %swap3A_53 = vector.load %arg4[%swap3A_51, %swap3A_52] : memref<32768x128xf32, #tpu.memory_space<vmem>>, vector<128x128xf32>
    tpu.vector_store %arg4[%swap3A_51, %swap3A_52], %exp23A_50 {strides = array<i32>} : memref<32768x128xf32, #tpu.memory_space<vmem>>, vector<128x128xf32>,
    %get3A_54 = arith.constant 0 : index
    %get3A_55 = arith.constant 2 : index
    %get3A_56 = vector.load %arg5[%get3A_54, %get3A_55] : memref<128x256xf32, #tpu.memory_space<vmem>>, vector<128x1xf32>
    %get3A_57 = arith.constant 0 : index
    %get3A_58 = arith.constant 0 : index
    %get3A_59 = vector.load %arg2[%get3A_57, %get3A_58] : memref<1x128xf32, #tpu.memory_space<vmem>>, vector<1x128xf32>
    %sub3A_60 = vector.broadcast %get3A_56 : vector<128x1xf32> to vector<128x128xf32>
    %sub3A_61 = vector.broadcast %get3A_59 : vector<1x128xf32> to vector<128x128xf32>
    %sub3A_62 = arith.subf %sub3A_60, %sub3A_61 : vector<128x128xf32>
    %mul3A_63 = arith.mulf %sub3A_62, %sub3A_62 : vector<128x128xf32>
    %mul3A_64 = vector.broadcast %mul3A_8 : vector<1x128xf32> to vector<128x128xf32>
    %mul3A_65 = arith.mulf %mul3A_63, %mul3A_64 : vector<128x128xf32>
    %add3A_66 = vector.broadcast %mul3A_14 : vector<1x128xf32> to vector<128x128xf32>
    %add3A_67 = arith.addf %mul3A_65, %add3A_66 : vector<128x128xf32>
    %exp23A_68 = math.exp2 %add3A_67 : vector<128x128xf32>
    %swap3A_69 = arith.constant 256 : index
    %swap3A_70 = arith.constant 0 : index
    %swap3A_71 = vector.load %arg4[%swap3A_69, %swap3A_70] : memref<32768x128xf32, #tpu.memory_space<vmem>>, vector<128x128xf32>
    tpu.vector_store %arg4[%swap3A_69, %swap3A_70], %exp23A_68 {strides = array<i32>} : memref<32768x128xf32, #tpu.memory_space<vmem>>, vector<128x128xf32>,
    %get3A_72 = arith.constant 0 : index
    %get3A_73 = arith.constant 3 : index
    %get3A_74 = vector.load %arg5[%get3A_72, %get3A_73] : memref<128x256xf32, #tpu.memory_space<vmem>>, vector<128x1xf32>
    %get3A_75 = arith.constant 0 : index
    %get3A_76 = arith.constant 0 : index
    %get3A_77 = vector.load %arg2[%get3A_75, %get3A_76] : memref<1x128xf32, #tpu.memory_space<vmem>>, vector<1x128xf32>
    %sub3A_78 = vector.broadcast %get3A_74 : vector<128x1xf32> to vector<128x128xf32>
    %sub3A_79 = vector.broadcast %get3A_77 : vector<1x128xf32> to vector<128x128xf32>
    %sub3A_80 = arith.subf %sub3A_78, %sub3A_79 : vector<128x128xf32>
    %mul3A_81 = arith.mulf %sub3A_80, %sub3A_80 : vector<128x128xf32>
    %mul3A_82 = vector.broadcast %mul3A_8 : vector<1x128xf32> to vector<128x128xf32>
    %mul3A_83 = arith.mulf %mul3A_81, %mul3A_82 : vector<128x128xf32>
    %add3A_84 = vector.broadcast %mul3A_14 : vector<1x128xf32> to vector<128x128xf32>
    %add3A_85 = arith.addf %mul3A_83, %add3A_84 : vector<128x128xf32>
    %exp23A_86 = math.exp2 %add3A_85 : vector<128x128xf32>
    %swap3A_87 = arith.constant 384 : index
    %swap3A_88 = arith.constant 0 : index
    %swap3A_89 = vector.load %arg4[%swap3A_87, %swap3A_88] : memref<32768x128xf32, #tpu.memory_space<vmem>>, vector<128x128xf32>
    tpu.vector_store %arg4[%swap3A_87, %swap3A_88], %exp23A_86 {strides = array<i32>} : memref<32768x128xf32, #tpu.memory_space<vmem>>, vector<128x128xf32>,
    %get3A_90 = arith.constant 0 : index
    %get3A_91 = arith.constant 4 : index
    %get3A_92 = vector.load %arg5[%get3A_90, %get3A_91] : memref<128x256xf32, #tpu.memory_space<vmem>>, vector<128x1xf32>
    %get3A_93 = arith.constant 0 : index
    %get3A_94 = arith.constant 0 : index
    %get3A_95 = vector.load %arg2[%get3A_93, %get3A_94] : memref<1x128xf32, #tpu.memory_space<vmem>>, vector<1x128xf32>
    %sub3A_96 = vector.broadcast %get3A_92 : vector<128x1xf32> to vector<128x128xf32>
    %sub3A_97 = vector.broadcast %get3A_95 : vector<1x128xf32> to vector<128x128xf32>
    %sub3A_98 = arith.subf %sub3A_96, %sub3A_97 : vector<128x128xf32>
    %mul3A_99 = arith.mulf %sub3A_98, %sub3A_98 : vector<128x128xf32>
    %mul3A_100 = vector.broadcast %mul3A_8 : vector<1x128xf32> to vector<128x128xf32>
    %mul3A_101 = arith.mulf %mul3A_99, %mul3A_100 : vector<128x128xf32>
    %add3A_102 = vector.broadcast %mul3A_14 : vector<1x128xf32> to vector<128x128xf32>
    %add3A_103 = arith.addf %mul3A_101, %add3A_102 : vector<128x128xf32>
    %exp23A_104 = math.exp2 %add3A_103 : vector<128x128xf32>
    %swap3A_105 = arith.constant 512 : index
    %swap3A_106 = arith.constant 0 : index
    %swap3A_107 = vector.load %arg4[%swap3A_105, %swap3A_106] : memref<32768x128xf32, #tpu.memory_space<vmem>>, vector<128x128xf32>
    tpu.vector_store %arg4[%swap3A_105, %swap3A_106], %exp23A_104 {strides = array<i32>} : memref<32768x128xf32, #tpu.memory_space<vmem>>, vector<128x128xf32>,
    %get3A_108 = arith.constant 0 : index
    %get3A_109 = arith.constant 5 : index
    %get3A_110 = vector.load %arg5[%get3A_108, %get3A_109] : memref<128x256xf32, #tpu.memory_space<vmem>>, vector<128x1xf32>
    %get3A_111 = arith.constant 0 : index
    %get3A_112 = arith.constant 0 : index
    %get3A_113 = vector.load %arg2[%get3A_111, %get3A_112] : memref<1x128xf32, #tpu.memory_space<vmem>>, vector<1x128xf32>
    %sub3A_114 = vector.broadcast %get3A_110 : vector<128x1xf32> to vector<128x128xf32>
    %sub3A_115 = vector.broadcast %get3A_113 : vector<1x128xf32> to vector<128x128xf32>
    %sub3A_116 = arith.subf %sub3A_114, %sub3A_115 : vector<128x128xf32>
    %mul3A_117 = arith.mulf %sub3A_116, %sub3A_116 : vector<128x128xf32>
    %mul3A_118 = vector.broadcast %mul3A_8 : vector<1x128xf32> to vector<128x128xf32>
    %mul3A_119 = arith.mulf %mul3A_117, %mul3A_118 : vector<128x128xf32>
    %add3A_120 = vector.broadcast %mul3A_14 : vector<1x128xf32> to vector<128x128xf32>
    %add3A_121 = arith.addf %mul3A_119, %add3A_120 : vector<128x128xf32>
    %exp23A_122 = math.exp2 %add3A_121 : vector<128x128xf32>
    %swap3A_123 = arith.constant 640 : index
    %swap3A_124 = arith.constant 0 : index
    %swap3A_125 = vector.load %arg4[%swap3A_123, %swap3A_124] : memref<32768x128xf32, #tpu.memory_space<vmem>>, vector<128x128xf32>
    tpu.vector_store %arg4[%swap3A_123, %swap3A_124], %exp23A_122 {strides = array<i32>} : memref<32768x128xf32, #tpu.memory_space<vmem>>, vector<128x128xf32>,
    %get3A_126 = arith.constant 0 : index
    %get3A_127 = arith.constant 6 : index
    %get3A_128 = vector.load %arg5[%get3A_126, %get3A_127] : memref<128x256xf32, #tpu.memory_space<vmem>>, vector<128x1xf32>
    %get3A_129 = arith.constant 0 : index
    %get3A_130 = arith.constant 0 : index
    %get3A_131 = vector.load %arg2[%get3A_129, %get3A_130] : memref<1x128xf32, #tpu.memory_space<vmem>>, vector<1x128xf32>
    %sub3A_132 = vector.broadcast %get3A_128 : vector<128x1xf32> to vector<128x128xf32>
    %sub3A_133 = vector.broadcast %get3A_131 : vector<1x128xf32> to vector<128x128xf32>
    %sub3A_134 = arith.subf %sub3A_132, %sub3A_133 : vector<128x128xf32>
    %mul3A_135 = arith.mulf %sub3A_134, %sub3A_134 : vector<128x128xf32>
    %mul3A_136 = vector.broadcast %mul3A_8 : vector<1x128xf32> to vector<128x128xf32>
    %mul3A_137 = arith.mulf %mul3A_135, %mul3A_136 : vector<128x128xf32>
    %add3A_138 = vector.broadcast %mul3A_14 : vector<1x128xf32> to vector<128x128xf32>
    %add3A_139 = arith.addf %mul3A_137, %add3A_138 : vector<128x128xf32>
    %exp23A_140 = math.exp2 %add3A_139 : vector<128x128xf32>
    %swap3A_141 = arith.constant 768 : index
    %swap3A_142 = arith.constant 0 : index
    %swap3A_143 = vector.load %arg4[%swap3A_141, %swap3A_142] : memref<32768x128xf32, #tpu.memory_space<vmem>>, vector<128x128xf32>
    tpu.vector_store %arg4[%swap3A_141, %swap3A_142], %exp23A_140 {strides = array<i32>} : memref<32768x128xf32, #tpu.memory_space<vmem>>, vector<128x128xf32>,
    %get3A_144 = arith.constant 0 : index
    %get3A_145 = arith.constant 7 : index
    %get3A_146 = vector.load %arg5[%get3A_144, %get3A_145] : memref<128x256xf32, #tpu.memory_space<vmem>>, vector<128x1xf32>
    %get3A_147 = arith.constant 0 : index
    %get3A_148 = arith.constant 0 : index
    %get3A_149 = vector.load %arg2[%get3A_147, %get3A_148] : memref<1x128xf32, #tpu.memory_space<vmem>>, vector<1x128xf32>
    %sub3A_150 = vector.broadcast %get3A_146 : vector<128x1xf32> to vector<128x128xf32>
    %sub3A_151 = vector.broadcast %get3A_149 : vector<1x128xf32> to vector<128x128xf32>
    %sub3A_152 = arith.subf %sub3A_150, %sub3A_151 : vector<128x128xf32>
    %mul3A_153 = arith.mulf %sub3A_152, %sub3A_152 : vector<128x128xf32>
    %mul3A_154 = vector.broadcast %mul3A_8 : vector<1x128xf32> to vector<128x128xf32>
    %mul3A_155 = arith.mulf %mul3A_153, %mul3A_154 : vector<128x128xf32>
    %add3A_156 = vector.broadcast %mul3A_14 : vector<1x128xf32> to vector<128x128xf32>
    %add3A_157 = arith.addf %mul3A_155, %add3A_156 : vector<128x128xf32>
    %exp23A_158 = math.exp2 %add3A_157 : vector<128x128xf32>
    %swap3A_159 = arith.constant 896 : index
    %swap3A_160 = arith.constant 0 : index
    %swap3A_161 = vector.load %arg4[%swap3A_159, %swap3A_160] : memref<32768x128xf32, #tpu.memory_space<vmem>>, vector<128x128xf32>
    tpu.vector_store %arg4[%swap3A_159, %swap3A_160], %exp23A_158 {strides = array<i32>} : memref<32768x128xf32, #tpu.memory_space<vmem>>, vector<128x128xf32>,
    %get3A_162 = arith.constant 0 : index
    %get3A_163 = arith.constant 8 : index
    %get3A_164 = vector.load %arg5[%get3A_162, %get3A_163] : memref<128x256xf32, #tpu.memory_space<vmem>>, vector<128x1xf32>
    %get3A_165 = arith.constant 0 : index
    %get3A_166 = arith.constant 0 : index
    %get3A_167 = vector.load %arg2[%get3A_165, %get3A_166] : memref<1x128xf32, #tpu.memory_space<vmem>>, vector<1x128xf32>
    %sub3A_168 = vector.broadcast %get3A_164 : vector<128x1xf32> to vector<128x128xf32>
    %sub3A_169 = vector.broadcast %get3A_167 : vector<1x128xf32> to vector<128x128xf32>
    %sub3A_170 = arith.subf %sub3A_168, %sub3A_169 : vector<128x128xf32>
    %mul3A_171 = arith.mulf %sub3A_170, %sub3A_170 : vector<128x128xf32>
    %mul3A_172 = vector.broadcast %mul3A_8 : vector<1x128xf32> to vector<128x128xf32>
    %mul3A_173 = arith.mulf %mul3A_171, %mul3A_172 : vector<128x128xf32>
    %add3A_174 = vector.broadcast %mul3A_14 : vector<1x128xf32> to vector<128x128xf32>
    %add3A_175 = arith.addf %mul3A_173, %add3A_174 : vector<128x128xf32>
    %exp23A_176 = math.exp2 %add3A_175 : vector<128x128xf32>
    %swap3A_177 = arith.constant 1024 : index
    %swap3A_178 = arith.constant 0 : index
    %swap3A_179 = vector.load %arg4[%swap3A_177, %swap3A_178] : memref<32768x128xf32, #tpu.memory_space<vmem>>, vector<128x128xf32>
    tpu.vector_store %arg4[%swap3A_177, %swap3A_178], %exp23A_176 {strides = array<i32>} : memref<32768x128xf32, #tpu.memory_space<vmem>>, vector<128x128xf32>,
    %get3A_180 = arith.constant 0 : index
    %get3A_181 = arith.constant 9 : index
    %get3A_182 = vector.load %arg5[%get3A_180, %get3A_181] : memref<128x256xf32, #tpu.memory_space<vmem>>, vector<128x1xf32>
    %get3A_183 = arith.constant 0 : index
    %get3A_184 = arith.constant 0 : index
    %get3A_185 = vector.load %arg2[%get3A_183, %get3A_184] : memref<1x128xf32, #tpu.memory_space<vmem>>, vector<1x128xf32>
    %sub3A_186 = vector.broadcast %get3A_182 : vector<128x1xf32> to vector<128x128xf32>
    %sub3A_187 = vector.broadcast %get3A_185 : vector<1x128xf32> to vector<128x128xf32>
    %sub3A_188 = arith.subf %sub3A_186, %sub3A_187 : vector<128x128xf32>
    %mul3A_189 = arith.mulf %sub3A_188, %sub3A_188 : vector<128x128xf32>
    %mul3A_190 = vector.broadcast %mul3A_8 : vector<1x128xf32> to vector<128x128xf32>
    %mul3A_191 = arith.mulf %mul3A_189, %mul3A_190 : vector<128x128xf32>
    %add3A_192 = vector.broadcast %mul3A_14 : vector<1x128xf32> to vector<128x128xf32>
    %add3A_193 = arith.addf %mul3A_191, %add3A_192 : vector<128x128xf32>
    %exp23A_194 = math.exp2 %add3A_193 : vector<128x128xf32>
    %swap3A_195 = arith.constant 1152 : index
    %swap3A_196 = arith.constant 0 : index
    %swap3A_197 = vector.load %arg4[%swap3A_195, %swap3A_196] : memref<32768x128xf32, #tpu.memory_space<vmem>>, vector<128x128xf32>
    tpu.vector_store %arg4[%swap3A_195, %swap3A_196], %exp23A_194 {strides = array<i32>} : memref<32768x128xf32, #tpu.memory_space<vmem>>, vector<128x128xf32>,
    %get3A_198 = arith.constant 0 : index
    %get3A_199 = arith.constant 10 : index
    %get3A_200 = vector.load %arg5[%get3A_198, %get3A_199] : memref<128x256xf32, #tpu.memory_space<vmem>>, vector<128x1xf32>
    %get3A_201 = arith.constant 0 : index
    %get3A_202 = arith.constant 0 : index
    %get3A_203 = vector.load %arg2[%get3A_201, %get3A_202] : memref<1x128xf32, #tpu.memory_space<vmem>>, vector<1x128xf32>
    %sub3A_204 = vector.broadcast %get3A_200 : vector<128x1xf32> to vector<128x128xf32>
    %sub3A_205 = vector.broadcast %get3A_203 : vector<1x128xf32> to vector<128x128xf32>
    %sub3A_206 = arith.subf %sub3A_204, %sub3A_205 : vector<128x128xf32>
    %mul3A_207 = arith.mulf %sub3A_206, %sub3A_206 : vector<128x128xf32>
    %mul3A_208 = vector.broadcast %mul3A_8 : vector<1x128xf32> to vector<128x128xf32>
    %mul3A_209 = arith.mulf %mul3A_207, %mul3A_208 : vector<128x128xf32>
    %add3A_210 = vector.broadcast %mul3A_14 : vector<1x128xf32> to vector<128x128xf32>
    %add3A_211 = arith.addf %mul3A_209, %add3A_210 : vector<128x128xf32>
    %exp23A_212 = math.exp2 %add3A_211 : vector<128x128xf32>
    %swap3A_213 = arith.constant 1280 : index
    %swap3A_214 = arith.constant 0 : index
    %swap3A_215 = vector.load %arg4[%swap3A_213, %swap3A_214] : memref<32768x128xf32, #tpu.memory_space<vmem>>, vector<128x128xf32>
    tpu.vector_store %arg4[%swap3A_213, %swap3A_214], %exp23A_212 {strides = array<i32>} : memref<32768x128xf32, #tpu.memory_space<vmem>>, vector<128x128xf32>,
    %get3A_216 = arith.constant 0 : index
    %get3A_217 = arith.constant 11 : index
    %get3A_218 = vector.load %arg5[%get3A_216, %get3A_217] : memref<128x256xf32, #tpu.memory_space<vmem>>, vector<128x1xf32>
    %get3A_219 = arith.constant 0 : index
    %get3A_220 = arith.constant 0 : index
    %get3A_221 = vector.load %arg2[%get3A_219, %get3A_220] : memref<1x128xf32, #tpu.memory_space<vmem>>, vector<1x128xf32>
    %sub3A_222 = vector.broadcast %get3A_218 : vector<128x1xf32> to vector<128x128xf32>
    %sub3A_223 = vector.broadcast %get3A_221 : vector<1x128xf32> to vector<128x128xf32>
    %sub3A_224 = arith.subf %sub3A_222, %sub3A_223 : vector<128x128xf32>
    %mul3A_225 = arith.mulf %sub3A_224, %sub3A_224 : vector<128x128xf32>
    %mul3A_226 = vector.broadcast %mul3A_8 : vector<1x128xf32> to vector<128x128xf32>
    %mul3A_227 = arith.mulf %mul3A_225, %mul3A_226 : vector<128x128xf32>
    %add3A_228 = vector.broadcast %mul3A_14 : vector<1x128xf32> to vector<128x128xf32>
    %add3A_229 = arith.addf %mul3A_227, %add3A_228 : vector<128x128xf32>
    %exp23A_230 = math.exp2 %add3A_229 : vector<128x128xf32>
    %swap3A_231 = arith.constant 1408 : index
    %swap3A_232 = arith.constant 0 : index
    %swap3A_233 = vector.load %arg4[%swap3A_231, %swap3A_232] : memref<32768x128xf32, #tpu.memory_space<vmem>>, vector<128x128xf32>
    tpu.vector_store %arg4[%swap3A_231, %swap3A_232], %exp23A_230 {strides = array<i32>} : memref<32768x128xf32, #tpu.memory_space<vmem>>, vector<128x128xf32>,
    %get3A_234 = arith.constant 0 : index
    %get3A_235 = arith.constant 12 : index
    %get3A_236 = vector.load %arg5[%get3A_234, %get3A_235] : memref<128x256xf32, #tpu.memory_space<vmem>>, vector<128x1xf32>
    %get3A_237 = arith.constant 0 : index
    %get3A_238 = arith.constant 0 : index
    %get3A_239 = vector.load %arg2[%get3A_237, %get3A_238] : memref<1x128xf32, #tpu.memory_space<vmem>>, vector<1x128xf32>
    %sub3A_240 = vector.broadcast %get3A_236 : vector<128x1xf32> to vector<128x128xf32>
    %sub3A_241 = vector.broadcast %get3A_239 : vector<1x128xf32> to vector<128x128xf32>
    %sub3A_242 = arith.subf %sub3A_240, %sub3A_241 : vector<128x128xf32>
    %mul3A_243 = arith.mulf %sub3A_242, %sub3A_242 : vector<128x128xf32>
    %mul3A_244 = vector.broadcast %mul3A_8 : vector<1x128xf32> to vector<128x128xf32>
    %mul3A_245 = arith.mulf %mul3A_243, %mul3A_244 : vector<128x128xf32>
    %add3A_246 = vector.broadcast %mul3A_14 : vector<1x128xf32> to vector<128x128xf32>
    %add3A_247 = arith.addf %mul3A_245, %add3A_246 : vector<128x128xf32>
    %exp23A_248 = math.exp2 %add3A_247 : vector<128x128xf32>
    %swap3A_249 = arith.constant 1536 : index
    %swap3A_250 = arith.constant 0 : index
    %swap3A_251 = vector.load %arg4[%swap3A_249, %swap3A_250] : memref<32768x128xf32, #tpu.memory_space<vmem>>, vector<128x128xf32>
    tpu.vector_store %arg4[%swap3A_249, %swap3A_250], %exp23A_248 {strides = array<i32>} : memref<32768x128xf32, #tpu.memory_space<vmem>>, vector<128x128xf32>,
    %get3A_252 = arith.constant 0 : index
    %get3A_253 = arith.constant 13 : index
    %get3A_254 = vector.load %arg5[%get3A_252, %get3A_253] : memref<128x256xf32, #tpu.memory_space<vmem>>, vector<128x1xf32>
    %get3A_255 = arith.constant 0 : index
    %get3A_256 = arith.constant 0 : index
    %get3A_257 = vector.load %arg2[%get3A_255, %get3A_256] : memref<1x128xf32, #tpu.memory_space<vmem>>, vector<1x128xf32>
    %sub3A_258 = vector.broadcast %get3A_254 : vector<128x1xf32> to vector<128x128xf32>
    %sub3A_259 = vector.broadcast %get3A_257 : vector<1x128xf32> to vector<128x128xf32>
    %sub3A_260 = arith.subf %sub3A_258, %sub3A_259 : vector<128x128xf32>
    %mul3A_261 = arith.mulf %sub3A_260, %sub3A_260 : vector<128x128xf32>
    %mul3A_262 = vector.broadcast %mul3A_8 : vector<1x128xf32> to vector<128x128xf32>
    %mul3A_263 = arith.mulf %mul3A_261, %mul3A_262 : vector<128x128xf32>
    %add3A_264 = vector.broadcast %mul3A_14 : vector<1x128xf32> to vector<128x128xf32>
    %add3A_265 = arith.addf %mul3A_263, %add3A_264 : vector<128x128xf32>
    %exp23A_266 = math.exp2 %add3A_265 : vector<128x128xf32>
    %swap3A_267 = arith.constant 1664 : index
    %swap3A_268 = arith.constant 0 : index
    %swap3A_269 = vector.load %arg4[%swap3A_267, %swap3A_268] : memref<32768x128xf32, #tpu.memory_space<vmem>>, vector<128x128xf32>
    tpu.vector_store %arg4[%swap3A_267, %swap3A_268], %exp23A_266 {strides = array<i32>} : memref<32768x128xf32, #tpu.memory_space<vmem>>, vector<128x128xf32>,
    %get3A_270 = arith.constant 0 : index
    %get3A_271 = arith.constant 14 : index
    %get3A_272 = vector.load %arg5[%get3A_270, %get3A_271] : memref<128x256xf32, #tpu.memory_space<vmem>>, vector<128x1xf32>
    %get3A_273 = arith.constant 0 : index
    %get3A_274 = arith.constant 0 : index
    %get3A_275 = vector.load %arg2[%get3A_273, %get3A_274] : memref<1x128xf32, #tpu.memory_space<vmem>>, vector<1x128xf32>
    %sub3A_276 = vector.broadcast %get3A_272 : vector<128x1xf32> to vector<128x128xf32>
    %sub3A_277 = vector.broadcast %get3A_275 : vector<1x128xf32> to vector<128x128xf32>
    %sub3A_278 = arith.subf %sub3A_276, %sub3A_277 : vector<128x128xf32>
    %mul3A_279 = arith.mulf %sub3A_278, %sub3A_278 : vector<128x128xf32>
    %mul3A_280 = vector.broadcast %mul3A_8 : vector<1x128xf32> to vector<128x128xf32>
    %mul3A_281 = arith.mulf %mul3A_279, %mul3A_280 : vector<128x128xf32>
    %add3A_282 = vector.broadcast %mul3A_14 : vector<1x128xf32> to vector<128x128xf32>
    %add3A_283 = arith.addf %mul3A_281, %add3A_282 : vector<128x128xf32>
    %exp23A_284 = math.exp2 %add3A_283 : vector<128x128xf32>
    %swap3A_285 = arith.constant 1792 : index
    %swap3A_286 = arith.constant 0 : index
    %swap3A_287 = vector.load %arg4[%swap3A_285, %swap3A_286] : memref<32768x128xf32, #tpu.memory_space<vmem>>, vector<128x128xf32>
    tpu.vector_store %arg4[%swap3A_285, %swap3A_286], %exp23A_284 {strides = array<i32>} : memref<32768x128xf32, #tpu.memory_space<vmem>>, vector<128x128xf32>,
    %get3A_288 = arith.constant 0 : index
    %get3A_289 = arith.constant 15 : index
    %get3A_290 = vector.load %arg5[%get3A_288, %get3A_289] : memref<128x256xf32, #tpu.memory_space<vmem>>, vector<128x1xf32>
    %get3A_291 = arith.constant 0 : index
    %get3A_292 = arith.constant 0 : index
    %get3A_293 = vector.load %arg2[%get3A_291, %get3A_292] : memref<1x128xf32, #tpu.memory_space<vmem>>, vector<1x128xf32>
    %sub3A_294 = vector.broadcast %get3A_290 : vector<128x1xf32> to vector<128x128xf32>
    %sub3A_295 = vector.broadcast %get3A_293 : vector<1x128xf32> to vector<128x128xf32>
    %sub3A_296 = arith.subf %sub3A_294, %sub3A_295 : vector<128x128xf32>
    %mul3A_297 = arith.mulf %sub3A_296, %sub3A_296 : vector<128x128xf32>
    %mul3A_298 = vector.broadcast %mul3A_8 : vector<1x128xf32> to vector<128x128xf32>
    %mul3A_299 = arith.mulf %mul3A_297, %mul3A_298 : vector<128x128xf32>
    %add3A_300 = vector.broadcast %mul3A_14 : vector<1x128xf32> to vector<128x128xf32>
    %add3A_301 = arith.addf %mul3A_299, %add3A_300 : vector<128x128xf32>
    %exp23A_302 = math.exp2 %add3A_301 : vector<128x128xf32>
    %swap3A_303 = arith.constant 1920 : index
    %swap3A_304 = arith.constant 0 : index
    %swap3A_305 = vector.load %arg4[%swap3A_303, %swap3A_304] : memref<32768x128xf32, #tpu.memory_space<vmem>>, vector<128x128xf32>
    tpu.vector_store %arg4[%swap3A_303, %swap3A_304], %exp23A_302 {strides = array<i32>} : memref<32768x128xf32, #tpu.memory_space<vmem>>, vector<128x128xf32>,
    %get3A_306 = arith.constant 0 : index
    %get3A_307 = arith.constant 16 : index
    %get3A_308 = vector.load %arg5[%get3A_306, %get3A_307] : memref<128x256xf32, #tpu.memory_space<vmem>>, vector<128x1xf32>
    %get3A_309 = arith.constant 0 : index
    %get3A_310 = arith.constant 0 : index
    %get3A_311 = vector.load %arg2[%get3A_309, %get3A_310] : memref<1x128xf32, #tpu.memory_space<vmem>>, vector<1x128xf32>
    %sub3A_312 = vector.broadcast %get3A_308 : vector<128x1xf32> to vector<128x128xf32>
    %sub3A_313 = vector.broadcast %get3A_311 : vector<1x128xf32> to vector<128x128xf32>
    %sub3A_314 = arith.subf %sub3A_312, %sub3A_313 : vector<128x128xf32>
    %mul3A_315 = arith.mulf %sub3A_314, %sub3A_314 : vector<128x128xf32>
    %mul3A_316 = vector.broadcast %mul3A_8 : vector<1x128xf32> to vector<128x128xf32>
    %mul3A_317 = arith.mulf %mul3A_315, %mul3A_316 : vector<128x128xf32>
    %add3A_318 = vector.broadcast %mul3A_14 : vector<1x128xf32> to vector<128x128xf32>
    %add3A_319 = arith.addf %mul3A_317, %add3A_318 : vector<128x128xf32>
    %exp23A_320 = math.exp2 %add3A_319 : vector<128x128xf32>
    %swap3A_321 = arith.constant 2048 : index
    %swap3A_322 = arith.constant 0 : index
    %swap3A_323 = vector.load %arg4[%swap3A_321, %swap3A_322] : memref<32768x128xf32, #tpu.memory_space<vmem>>, vector<128x128xf32>
    tpu.vector_store %arg4[%swap3A_321, %swap3A_322], %exp23A_320 {strides = array<i32>} : memref<32768x128xf32, #tpu.memory_space<vmem>>, vector<128x128xf32>,
    %get3A_324 = arith.constant 0 : index
    %get3A_325 = arith.constant 17 : index
    %get3A_326 = vector.load %arg5[%get3A_324, %get3A_325] : memref<128x256xf32, #tpu.memory_space<vmem>>, vector<128x1xf32>
    %get3A_327 = arith.constant 0 : index
    %get3A_328 = arith.constant 0 : index
    %get3A_329 = vector.load %arg2[%get3A_327, %get3A_328] : memref<1x128xf32, #tpu.memory_space<vmem>>, vector<1x128xf32>
    %sub3A_330 = vector.broadcast %get3A_326 : vector<128x1xf32> to vector<128x128xf32>
    %sub3A_331 = vector.broadcast %get3A_329 : vector<1x128xf32> to vector<128x128xf32>
    %sub3A_332 = arith.subf %sub3A_330, %sub3A_331 : vector<128x128xf32>
    %mul3A_333 = arith.mulf %sub3A_332, %sub3A_332 : vector<128x128xf32>
    %mul3A_334 = vector.broadcast %mul3A_8 : vector<1x128xf32> to vector<128x128xf32>
    %mul3A_335 = arith.mulf %mul3A_333, %mul3A_334 : vector<128x128xf32>
    %add3A_336 = vector.broadcast %mul3A_14 : vector<1x128xf32> to vector<128x128xf32>
    %add3A_337 = arith.addf %mul3A_335, %add3A_336 : vector<128x128xf32>
    %exp23A_338 = math.exp2 %add3A_337 : vector<128x128xf32>
    %swap3A_339 = arith.constant 2176 : index
    %swap3A_340 = arith.constant 0 : index
    %swap3A_341 = vector.load %arg4[%swap3A_339, %swap3A_340] : memref<32768x128xf32, #tpu.memory_space<vmem>>, vector<128x128xf32>
    tpu.vector_store %arg4[%swap3A_339, %swap3A_340], %exp23A_338 {strides = array<i32>} : memref<32768x128xf32, #tpu.memory_space<vmem>>, vector<128x128xf32>,
    %get3A_342 = arith.constant 0 : index
    %get3A_343 = arith.constant 18 : index
    %get3A_344 = vector.load %arg5[%get3A_342, %get3A_343] : memref<128x256xf32, #tpu.memory_space<vmem>>, vector<128x1xf32>
    %get3A_345 = arith.constant 0 : index
    %get3A_346 = arith.constant 0 : index
    %get3A_347 = vector.load %arg2[%get3A_345, %get3A_346] : memref<1x128xf32, #tpu.memory_space<vmem>>, vector<1x128xf32>
    %sub3A_348 = vector.broadcast %get3A_344 : vector<128x1xf32> to vector<128x128xf32>
    %sub3A_349 = vector.broadcast %get3A_347 : vector<1x128xf32> to vector<128x128xf32>
    %sub3A_350 = arith.subf %sub3A_348, %sub3A_349 : vector<128x128xf32>
    %mul3A_351 = arith.mulf %sub3A_350, %sub3A_350 : vector<128x128xf32>
    %mul3A_352 = vector.broadcast %mul3A_8 : vector<1x128xf32> to vector<128x128xf32>
    %mul3A_353 = arith.mulf %mul3A_351, %mul3A_352 : vector<128x128xf32>
    %add3A_354 = vector.broadcast %mul3A_14 : vector<1x128xf32> to vector<128x128xf32>
    %add3A_355 = arith.addf %mul3A_353, %add3A_354 : vector<128x128xf32>
    %exp23A_356 = math.exp2 %add3A_355 : vector<128x128xf32>
    %swap3A_357 = arith.constant 2304 : index
    %swap3A_358 = arith.constant 0 : index
    %swap3A_359 = vector.load %arg4[%swap3A_357, %swap3A_358] : memref<32768x128xf32, #tpu.memory_space<vmem>>, vector<128x128xf32>
    tpu.vector_store %arg4[%swap3A_357, %swap3A_358], %exp23A_356 {strides = array<i32>} : memref<32768x128xf32, #tpu.memory_space<vmem>>, vector<128x128xf32>,
    %get3A_360 = arith.constant 0 : index
    %get3A_361 = arith.constant 19 : index
    %get3A_362 = vector.load %arg5[%get3A_360, %get3A_361] : memref<128x256xf32, #tpu.memory_space<vmem>>, vector<128x1xf32>
    %get3A_363 = arith.constant 0 : index
    %get3A_364 = arith.constant 0 : index
    %get3A_365 = vector.load %arg2[%get3A_363, %get3A_364] : memref<1x128xf32, #tpu.memory_space<vmem>>, vector<1x128xf32>
    %sub3A_366 = vector.broadcast %get3A_362 : vector<128x1xf32> to vector<128x128xf32>
    %sub3A_367 = vector.broadcast %get3A_365 : vector<1x128xf32> to vector<128x128xf32>
    %sub3A_368 = arith.subf %sub3A_366, %sub3A_367 : vector<128x128xf32>
    %mul3A_369 = arith.mulf %sub3A_368, %sub3A_368 : vector<128x128xf32>
    %mul3A_370 = vector.broadcast %mul3A_8 : vector<1x128xf32> to vector<128x128xf32>
    %mul3A_371 = arith.mulf %mul3A_369, %mul3A_370 : vector<128x128xf32>
    %add3A_372 = vector.broadcast %mul3A_14 : vector<1x128xf32> to vector<128x128xf32>
    %add3A_373 = arith.addf %mul3A_371, %add3A_372 : vector<128x128xf32>
    %exp23A_374 = math.exp2 %add3A_373 : vector<128x128xf32>
    %swap3A_375 = arith.constant 2432 : index
    %swap3A_376 = arith.constant 0 : index
    %swap3A_377 = vector.load %arg4[%swap3A_375, %swap3A_376] : memref<32768x128xf32, #tpu.memory_space<vmem>>, vector<128x128xf32>
    tpu.vector_store %arg4[%swap3A_375, %swap3A_376], %exp23A_374 {strides = array<i32>} : memref<32768x128xf32, #tpu.memory_space<vmem>>, vector<128x128xf32>,
    %get3A_378 = arith.constant 0 : index
    %get3A_379 = arith.constant 20 : index
    %get3A_380 = vector.load %arg5[%get3A_378, %get3A_379] : memref<128x256xf32, #tpu.memory_space<vmem>>, vector<128x1xf32>
    %get3A_381 = arith.constant 0 : index
    %get3A_382 = arith.constant 0 : index
    %get3A_383 = vector.load %arg2[%get3A_381, %get3A_382] : memref<1x128xf32, #tpu.memory_space<vmem>>, vector<1x128xf32>
    %sub3A_384 = vector.broadcast %get3A_380 : vector<128x1xf32> to vector<128x128xf32>
    %sub3A_385 = vector.broadcast %get3A_383 : vector<1x128xf32> to vector<128x128xf32>
    %sub3A_386 = arith.subf %sub3A_384, %sub3A_385 : vector<128x128xf32>
    %mul3A_387 = arith.mulf %sub3A_386, %sub3A_386 : vector<128x128xf32>
    %mul3A_388 = vector.broadcast %mul3A_8 : vector<1x128xf32> to vector<128x128xf32>
    %mul3A_389 = arith.mulf %mul3A_387, %mul3A_388 : vector<128x128xf32>
    %add3A_390 = vector.broadcast %mul3A_14 : vector<1x128xf32> to vector<128x128xf32>
    %add3A_391 = arith.addf %mul3A_389, %add3A_390 : vector<128x128xf32>
    %exp23A_392 = math.exp2 %add3A_391 : vector<128x128xf32>
    %swap3A_393 = arith.constant 2560 : index
    %swap3A_394 = arith.constant 0 : index
    %swap3A_395 = vector.load %arg4[%swap3A_393, %swap3A_394] : memref<32768x128xf32, #tpu.memory_space<vmem>>, vector<128x128xf32>
    tpu.vector_store %arg4[%swap3A_393, %swap3A_394], %exp23A_392 {strides = array<i32>} : memref<32768x128xf32, #tpu.memory_space<vmem>>, vector<128x128xf32>,
    %get3A_396 = arith.constant 0 : index
    %get3A_397 = arith.constant 21 : index
    %get3A_398 = vector.load %arg5[%get3A_396, %get3A_397] : memref<128x256xf32, #tpu.memory_space<vmem>>, vector<128x1xf32>
    %get3A_399 = arith.constant 0 : index
    %get3A_400 = arith.constant 0 : index
    %get3A_401 = vector.load %arg2[%get3A_399, %get3A_400] : memref<1x128xf32, #tpu.memory_space<vmem>>, vector<1x128xf32>
    %sub3A_402 = vector.broadcast %get3A_398 : vector<128x1xf32> to vector<128x128xf32>
    %sub3A_403 = vector.broadcast %get3A_401 : vector<1x128xf32> to vector<128x128xf32>
    %sub3A_404 = arith.subf %sub3A_402, %sub3A_403 : vector<128x128xf32>
    %mul3A_405 = arith.mulf %sub3A_404, %sub3A_404 : vector<128x128xf32>
    %mul3A_406 = vector.broadcast %mul3A_8 : vector<1x128xf32> to vector<128x128xf32>
    %mul3A_407 = arith.mulf %mul3A_405, %mul3A_406 : vector<128x128xf32>
    %add3A_408 = vector.broadcast %mul3A_14 : vector<1x128xf32> to vector<128x128xf32>
    %add3A_409 = arith.addf %mul3A_407, %add3A_408 : vector<128x128xf32>
    %exp23A_410 = math.exp2 %add3A_409 : vector<128x128xf32>
    %swap3A_411 = arith.constant 2688 : index
    %swap3A_412 = arith.constant 0 : index
    %swap3A_413 = vector.load %arg4[%swap3A_411, %swap3A_412] : memref<32768x128xf32, #tpu.memory_space<vmem>>, vector<128x128xf32>
    tpu.vector_store %arg4[%swap3A_411, %swap3A_412], %exp23A_410 {strides = array<i32>} : memref<32768x128xf32, #tpu.memory_space<vmem>>, vector<128x128xf32>,
    %get3A_414 = arith.constant 0 : index
    %get3A_415 = arith.constant 22 : index
    %get3A_416 = vector.load %arg5[%get3A_414, %get3A_415] : memref<128x256xf32, #tpu.memory_space<vmem>>, vector<128x1xf32>
    %get3A_417 = arith.constant 0 : index
    %get3A_418 = arith.constant 0 : index
    %get3A_419 = vector.load %arg2[%get3A_417, %get3A_418] : memref<1x128xf32, #tpu.memory_space<vmem>>, vector<1x128xf32>
    %sub3A_420 = vector.broadcast %get3A_416 : vector<128x1xf32> to vector<128x128xf32>
    %sub3A_421 = vector.broadcast %get3A_419 : vector<1x128xf32> to vector<128x128xf32>
    %sub3A_422 = arith.subf %sub3A_420, %sub3A_421 : vector<128x128xf32>
    %mul3A_423 = arith.mulf %sub3A_422, %sub3A_422 : vector<128x128xf32>
    %mul3A_424 = vector.broadcast %mul3A_8 : vector<1x128xf32> to vector<128x128xf32>
    %mul3A_425 = arith.mulf %mul3A_423, %mul3A_424 : vector<128x128xf32>
    %add3A_426 = vector.broadcast %mul3A_14 : vector<1x128xf32> to vector<128x128xf32>
    %add3A_427 = arith.addf %mul3A_425, %add3A_426 : vector<128x128xf32>
    %exp23A_428 = math.exp2 %add3A_427 : vector<128x128xf32>
    %swap3A_429 = arith.constant 2816 : index
    %swap3A_430 = arith.constant 0 : index
    %swap3A_431 = vector.load %arg4[%swap3A_429, %swap3A_430] : memref<32768x128xf32, #tpu.memory_space<vmem>>, vector<128x128xf32>
    tpu.vector_store %arg4[%swap3A_429, %swap3A_430], %exp23A_428 {strides = array<i32>} : memref<32768x128xf32, #tpu.memory_space<vmem>>, vector<128x128xf32>,
    %get3A_432 = arith.constant 0 : index
    %get3A_433 = arith.constant 23 : index
    %get3A_434 = vector.load %arg5[%get3A_432, %get3A_433] : memref<128x256xf32, #tpu.memory_space<vmem>>, vector<128x1xf32>
    %get3A_435 = arith.constant 0 : index
    %get3A_436 = arith.constant 0 : index
    %get3A_437 = vector.load %arg2[%get3A_435, %get3A_436] : memref<1x128xf32, #tpu.memory_space<vmem>>, vector<1x128xf32>
    %sub3A_438 = vector.broadcast %get3A_434 : vector<128x1xf32> to vector<128x128xf32>
    %sub3A_439 = vector.broadcast %get3A_437 : vector<1x128xf32> to vector<128x128xf32>
    %sub3A_440 = arith.subf %sub3A_438, %sub3A_439 : vector<128x128xf32>
    %mul3A_441 = arith.mulf %sub3A_440, %sub3A_440 : vector<128x128xf32>
    %mul3A_442 = vector.broadcast %mul3A_8 : vector<1x128xf32> to vector<128x128xf32>
    %mul3A_443 = arith.mulf %mul3A_441, %mul3A_442 : vector<128x128xf32>
    %add3A_444 = vector.broadcast %mul3A_14 : vector<1x128xf32> to vector<128x128xf32>
    %add3A_445 = arith.addf %mul3A_443, %add3A_444 : vector<128x128xf32>
    %exp23A_446 = math.exp2 %add3A_445 : vector<128x128xf32>
    %swap3A_447 = arith.constant 2944 : index
    %swap3A_448 = arith.constant 0 : index
    %swap3A_449 = vector.load %arg4[%swap3A_447, %swap3A_448] : memref<32768x128xf32, #tpu.memory_space<vmem>>, vector<128x128xf32>
    tpu.vector_store %arg4[%swap3A_447, %swap3A_448], %exp23A_446 {strides = array<i32>} : memref<32768x128xf32, #tpu.memory_space<vmem>>, vector<128x128xf32>,
    %get3A_450 = arith.constant 0 : index
    %get3A_451 = arith.constant 24 : index
    %get3A_452 = vector.load %arg5[%get3A_450, %get3A_451] : memref<128x256xf32, #tpu.memory_space<vmem>>, vector<128x1xf32>
    %get3A_453 = arith.constant 0 : index
    %get3A_454 = arith.constant 0 : index
    %get3A_455 = vector.load %arg2[%get3A_453, %get3A_454] : memref<1x128xf32, #tpu.memory_space<vmem>>, vector<1x128xf32>
    %sub3A_456 = vector.broadcast %get3A_452 : vector<128x1xf32> to vector<128x128xf32>
    %sub3A_457 = vector.broadcast %get3A_455 : vector<1x128xf32> to vector<128x128xf32>
    %sub3A_458 = arith.subf %sub3A_456, %sub3A_457 : vector<128x128xf32>
    %mul3A_459 = arith.mulf %sub3A_458, %sub3A_458 : vector<128x128xf32>
    %mul3A_460 = vector.broadcast %mul3A_8 : vector<1x128xf32> to vector<128x128xf32>
    %mul3A_461 = arith.mulf %mul3A_459, %mul3A_460 : vector<128x128xf32>
    %add3A_462 = vector.broadcast %mul3A_14 : vector<1x128xf32> to vector<128x128xf32>
    %add3A_463 = arith.addf %mul3A_461, %add3A_462 : vector<128x128xf32>
    %exp23A_464 = math.exp2 %add3A_463 : vector<128x128xf32>
    %swap3A_465 = arith.constant 3072 : index
    %swap3A_466 = arith.constant 0 : index
    %swap3A_467 = vector.load %arg4[%swap3A_465, %swap3A_466] : memref<32768x128xf32, #tpu.memory_space<vmem>>, vector<128x128xf32>
    tpu.vector_store %arg4[%swap3A_465, %swap3A_466], %exp23A_464 {strides = array<i32>} : memref<32768x128xf32, #tpu.memory_space<vmem>>, vector<128x128xf32>,
    %get3A_468 = arith.constant 0 : index
    %get3A_469 = arith.constant 25 : index
    %get3A_470 = vector.load %arg5[%get3A_468, %get3A_469] : memref<128x256xf32, #tpu.memory_space<vmem>>, vector<128x1xf32>
    %get3A_471 = arith.constant 0 : index
    %get3A_472 = arith.constant 0 : index
    %get3A_473 = vector.load %arg2[%get3A_471, %get3A_472] : memref<1x128xf32, #tpu.memory_space<vmem>>, vector<1x128xf32>
    %sub3A_474 = vector.broadcast %get3A_470 : vector<128x1xf32> to vector<128x128xf32>
    %sub3A_475 = vector.broadcast %get3A_473 : vector<1x128xf32> to vector<128x128xf32>
    %sub3A_476 = arith.subf %sub3A_474, %sub3A_475 : vector<128x128xf32>
    %mul3A_477 = arith.mulf %sub3A_476, %sub3A_476 : vector<128x128xf32>
    %mul3A_478 = vector.broadcast %mul3A_8 : vector<1x128xf32> to vector<128x128xf32>
    %mul3A_479 = arith.mulf %mul3A_477, %mul3A_478 : vector<128x128xf32>
    %add3A_480 = vector.broadcast %mul3A_14 : vector<1x128xf32> to vector<128x128xf32>
    %add3A_481 = arith.addf %mul3A_479, %add3A_480 : vector<128x128xf32>
    %exp23A_482 = math.exp2 %add3A_481 : vector<128x128xf32>
    %swap3A_483 = arith.constant 3200 : index
    %swap3A_484 = arith.constant 0 : index
    %swap3A_485 = vector.load %arg4[%swap3A_483, %swap3A_484] : memref<32768x128xf32, #tpu.memory_space<vmem>>, vector<128x128xf32>
    tpu.vector_store %arg4[%swap3A_483, %swap3A_484], %exp23A_482 {strides = array<i32>} : memref<32768x128xf32, #tpu.memory_space<vmem>>, vector<128x128xf32>,
    %get3A_486 = arith.constant 0 : index
    %get3A_487 = arith.constant 26 : index
    %get3A_488 = vector.load %arg5[%get3A_486, %get3A_487] : memref<128x256xf32, #tpu.memory_space<vmem>>, vector<128x1xf32>
    %get3A_489 = arith.constant 0 : index
    %get3A_490 = arith.constant 0 : index
    %get3A_491 = vector.load %arg2[%get3A_489, %get3A_490] : memref<1x128xf32, #tpu.memory_space<vmem>>, vector<1x128xf32>
    %sub3A_492 = vector.broadcast %get3A_488 : vector<128x1xf32> to vector<128x128xf32>
    %sub3A_493 = vector.broadcast %get3A_491 : vector<1x128xf32> to vector<128x128xf32>
    %sub3A_494 = arith.subf %sub3A_492, %sub3A_493 : vector<128x128xf32>
    %mul3A_495 = arith.mulf %sub3A_494, %sub3A_494 : vector<128x128xf32>
    %mul3A_496 = vector.broadcast %mul3A_8 : vector<1x128xf32> to vector<128x128xf32>
    %mul3A_497 = arith.mulf %mul3A_495, %mul3A_496 : vector<128x128xf32>
    %add3A_498 = vector.broadcast %mul3A_14 : vector<1x128xf32> to vector<128x128xf32>
    %add3A_499 = arith.addf %mul3A_497, %add3A_498 : vector<128x128xf32>
    %exp23A_500 = math.exp2 %add3A_499 : vector<128x128xf32>
    %swap3A_501 = arith.constant 3328 : index
    %swap3A_502 = arith.constant 0 : index
    %swap3A_503 = vector.load %arg4[%swap3A_501, %swap3A_502] : memref<32768x128xf32, #tpu.memory_space<vmem>>, vector<128x128xf32>
    tpu.vector_store %arg4[%swap3A_501, %swap3A_502], %exp23A_500 {strides = array<i32>} : memref<32768x128xf32, #tpu.memory_space<vmem>>, vector<128x128xf32>,
    %get3A_504 = arith.constant 0 : index
    %get3A_505 = arith.constant 27 : index
    %get3A_506 = vector.load %arg5[%get3A_504, %get3A_505] : memref<128x256xf32, #tpu.memory_space<vmem>>, vector<128x1xf32>
    %get3A_507 = arith.constant 0 : index
    %get3A_508 = arith.constant 0 : index
    %get3A_509 = vector.load %arg2[%get3A_507, %get3A_508] : memref<1x128xf32, #tpu.memory_space<vmem>>, vector<1x128xf32>
    %sub3A_510 = vector.broadcast %get3A_506 : vector<128x1xf32> to vector<128x128xf32>
    %sub3A_511 = vector.broadcast %get3A_509 : vector<1x128xf32> to vector<128x128xf32>
    %sub3A_512 = arith.subf %sub3A_510, %sub3A_511 : vector<128x128xf32>
    %mul3A_513 = arith.mulf %sub3A_512, %sub3A_512 : vector<128x128xf32>
    %mul3A_514 = vector.broadcast %mul3A_8 : vector<1x128xf32> to vector<128x128xf32>
    %mul3A_515 = arith.mulf %mul3A_513, %mul3A_514 : vector<128x128xf32>
    %add3A_516 = vector.broadcast %mul3A_14 : vector<1x128xf32> to vector<128x128xf32>
    %add3A_517 = arith.addf %mul3A_515, %add3A_516 : vector<128x128xf32>
    %exp23A_518 = math.exp2 %add3A_517 : vector<128x128xf32>
    %swap3A_519 = arith.constant 3456 : index
    %swap3A_520 = arith.constant 0 : index
    %swap3A_521 = vector.load %arg4[%swap3A_519, %swap3A_520] : memref<32768x128xf32, #tpu.memory_space<vmem>>, vector<128x128xf32>
    tpu.vector_store %arg4[%swap3A_519, %swap3A_520], %exp23A_518 {strides = array<i32>} : memref<32768x128xf32, #tpu.memory_space<vmem>>, vector<128x128xf32>,
    %get3A_522 = arith.constant 0 : index
    %get3A_523 = arith.constant 28 : index
    %get3A_524 = vector.load %arg5[%get3A_522, %get3A_523] : memref<128x256xf32, #tpu.memory_space<vmem>>, vector<128x1xf32>
    %get3A_525 = arith.constant 0 : index
    %get3A_526 = arith.constant 0 : index
    %get3A_527 = vector.load %arg2[%get3A_525, %get3A_526] : memref<1x128xf32, #tpu.memory_space<vmem>>, vector<1x128xf32>
    %sub3A_528 = vector.broadcast %get3A_524 : vector<128x1xf32> to vector<128x128xf32>
    %sub3A_529 = vector.broadcast %get3A_527 : vector<1x128xf32> to vector<128x128xf32>
    %sub3A_530 = arith.subf %sub3A_528, %sub3A_529 : vector<128x128xf32>
    %mul3A_531 = arith.mulf %sub3A_530, %sub3A_530 : vector<128x128xf32>
    %mul3A_532 = vector.broadcast %mul3A_8 : vector<1x128xf32> to vector<128x128xf32>
    %mul3A_533 = arith.mulf %mul3A_531, %mul3A_532 : vector<128x128xf32>
    %add3A_534 = vector.broadcast %mul3A_14 : vector<1x128xf32> to vector<128x128xf32>
    %add3A_535 = arith.addf %mul3A_533, %add3A_534 : vector<128x128xf32>
    %exp23A_536 = math.exp2 %add3A_535 : vector<128x128xf32>
    %swap3A_537 = arith.constant 3584 : index
    %swap3A_538 = arith.constant 0 : index
    %swap3A_539 = vector.load %arg4[%swap3A_537, %swap3A_538] : memref<32768x128xf32, #tpu.memory_space<vmem>>, vector<128x128xf32>
    tpu.vector_store %arg4[%swap3A_537, %swap3A_538], %exp23A_536 {strides = array<i32>} : memref<32768x128xf32, #tpu.memory_space<vmem>>, vector<128x128xf32>,
    %get3A_540 = arith.constant 0 : index
    %get3A_541 = arith.constant 29 : index
    %get3A_542 = vector.load %arg5[%get3A_540, %get3A_541] : memref<128x256xf32, #tpu.memory_space<vmem>>, vector<128x1xf32>
    %get3A_543 = arith.constant 0 : index
    %get3A_544 = arith.constant 0 : index
    %get3A_545 = vector.load %arg2[%get3A_543, %get3A_544] : memref<1x128xf32, #tpu.memory_space<vmem>>, vector<1x128xf32>
    %sub3A_546 = vector.broadcast %get3A_542 : vector<128x1xf32> to vector<128x128xf32>
    %sub3A_547 = vector.broadcast %get3A_545 : vector<1x128xf32> to vector<128x128xf32>
    %sub3A_548 = arith.subf %sub3A_546, %sub3A_547 : vector<128x128xf32>
    %mul3A_549 = arith.mulf %sub3A_548, %sub3A_548 : vector<128x128xf32>
    %mul3A_550 = vector.broadcast %mul3A_8 : vector<1x128xf32> to vector<128x128xf32>
    %mul3A_551 = arith.mulf %mul3A_549, %mul3A_550 : vector<128x128xf32>
    %add3A_552 = vector.broadcast %mul3A_14 : vector<1x128xf32> to vector<128x128xf32>
    %add3A_553 = arith.addf %mul3A_551, %add3A_552 : vector<128x128xf32>
    %exp23A_554 = math.exp2 %add3A_553 : vector<128x128xf32>
    %swap3A_555 = arith.constant 3712 : index
    %swap3A_556 = arith.constant 0 : index
    %swap3A_557 = vector.load %arg4[%swap3A_555, %swap3A_556] : memref<32768x128xf32, #tpu.memory_space<vmem>>, vector<128x128xf32>
    tpu.vector_store %arg4[%swap3A_555, %swap3A_556], %exp23A_554 {strides = array<i32>} : memref<32768x128xf32, #tpu.memory_space<vmem>>, vector<128x128xf32>,
    %get3A_558 = arith.constant 0 : index
    %get3A_559 = arith.constant 30 : index
    %get3A_560 = vector.load %arg5[%get3A_558, %get3A_559] : memref<128x256xf32, #tpu.memory_space<vmem>>, vector<128x1xf32>
    %get3A_561 = arith.constant 0 : index
    %get3A_562 = arith.constant 0 : index
    %get3A_563 = vector.load %arg2[%get3A_561, %get3A_562] : memref<1x128xf32, #tpu.memory_space<vmem>>, vector<1x128xf32>
    %sub3A_564 = vector.broadcast %get3A_560 : vector<128x1xf32> to vector<128x128xf32>
    %sub3A_565 = vector.broadcast %get3A_563 : vector<1x128xf32> to vector<128x128xf32>
    %sub3A_566 = arith.subf %sub3A_564, %sub3A_565 : vector<128x128xf32>
    %mul3A_567 = arith.mulf %sub3A_566, %sub3A_566 : vector<128x128xf32>
    %mul3A_568 = vector.broadcast %mul3A_8 : vector<1x128xf32> to vector<128x128xf32>
    %mul3A_569 = arith.mulf %mul3A_567, %mul3A_568 : vector<128x128xf32>
    %add3A_570 = vector.broadcast %mul3A_14 : vector<1x128xf32> to vector<128x128xf32>
    %add3A_571 = arith.addf %mul3A_569, %add3A_570 : vector<128x128xf32>
    %exp23A_572 = math.exp2 %add3A_571 : vector<128x128xf32>
    %swap3A_573 = arith.constant 3840 : index
    %swap3A_574 = arith.constant 0 : index
    %swap3A_575 = vector.load %arg4[%swap3A_573, %swap3A_574] : memref<32768x128xf32, #tpu.memory_space<vmem>>, vector<128x128xf32>
    tpu.vector_store %arg4[%swap3A_573, %swap3A_574], %exp23A_572 {strides = array<i32>} : memref<32768x128xf32, #tpu.memory_space<vmem>>, vector<128x128xf32>,
    %get3A_576 = arith.constant 0 : index
    %get3A_577 = arith.constant 31 : index
    %get3A_578 = vector.load %arg5[%get3A_576, %get3A_577] : memref<128x256xf32, #tpu.memory_space<vmem>>, vector<128x1xf32>
    %get3A_579 = arith.constant 0 : index
    %get3A_580 = arith.constant 0 : index
    %get3A_581 = vector.load %arg2[%get3A_579, %get3A_580] : memref<1x128xf32, #tpu.memory_space<vmem>>, vector<1x128xf32>
    %sub3A_582 = vector.broadcast %get3A_578 : vector<128x1xf32> to vector<128x128xf32>
    %sub3A_583 = vector.broadcast %get3A_581 : vector<1x128xf32> to vector<128x128xf32>
    %sub3A_584 = arith.subf %sub3A_582, %sub3A_583 : vector<128x128xf32>
    %mul3A_585 = arith.mulf %sub3A_584, %sub3A_584 : vector<128x128xf32>
    %mul3A_586 = vector.broadcast %mul3A_8 : vector<1x128xf32> to vector<128x128xf32>
    %mul3A_587 = arith.mulf %mul3A_585, %mul3A_586 : vector<128x128xf32>
    %add3A_588 = vector.broadcast %mul3A_14 : vector<1x128xf32> to vector<128x128xf32>
    %add3A_589 = arith.addf %mul3A_587, %add3A_588 : vector<128x128xf32>
    %exp23A_590 = math.exp2 %add3A_589 : vector<128x128xf32>
    %swap3A_591 = arith.constant 3968 : index
    %swap3A_592 = arith.constant 0 : index
    %swap3A_593 = vector.load %arg4[%swap3A_591, %swap3A_592] : memref<32768x128xf32, #tpu.memory_space<vmem>>, vector<128x128xf32>
    tpu.vector_store %arg4[%swap3A_591, %swap3A_592], %exp23A_590 {strides = array<i32>} : memref<32768x128xf32, #tpu.memory_space<vmem>>, vector<128x128xf32>,
    %get3A_594 = arith.constant 0 : index
    %get3A_595 = arith.constant 32 : index
    %get3A_596 = vector.load %arg5[%get3A_594, %get3A_595] : memref<128x256xf32, #tpu.memory_space<vmem>>, vector<128x1xf32>
    %get3A_597 = arith.constant 0 : index
    %get3A_598 = arith.constant 0 : index
    %get3A_599 = vector.load %arg2[%get3A_597, %get3A_598] : memref<1x128xf32, #tpu.memory_space<vmem>>, vector<1x128xf32>
    %sub3A_600 = vector.broadcast %get3A_596 : vector<128x1xf32> to vector<128x128xf32>
    %sub3A_601 = vector.broadcast %get3A_599 : vector<1x128xf32> to vector<128x128xf32>
    %sub3A_602 = arith.subf %sub3A_600, %sub3A_601 : vector<128x128xf32>
    %mul3A_603 = arith.mulf %sub3A_602, %sub3A_602 : vector<128x128xf32>
    %mul3A_604 = vector.broadcast %mul3A_8 : vector<1x128xf32> to vector<128x128xf32>
    %mul3A_605 = arith.mulf %mul3A_603, %mul3A_604 : vector<128x128xf32>
    %add3A_606 = vector.broadcast %mul3A_14 : vector<1x128xf32> to vector<128x128xf32>
    %add3A_607 = arith.addf %mul3A_605, %add3A_606 : vector<128x128xf32>
    %exp23A_608 = math.exp2 %add3A_607 : vector<128x128xf32>
    %swap3A_609 = arith.constant 4096 : index
    %swap3A_610 = arith.constant 0 : index
    %swap3A_611 = vector.load %arg4[%swap3A_609, %swap3A_610] : memref<32768x128xf32, #tpu.memory_space<vmem>>, vector<128x128xf32>
    tpu.vector_store %arg4[%swap3A_609, %swap3A_610], %exp23A_608 {strides = array<i32>} : memref<32768x128xf32, #tpu.memory_space<vmem>>, vector<128x128xf32>,
    %get3A_612 = arith.constant 0 : index
    %get3A_613 = arith.constant 33 : index
    %get3A_614 = vector.load %arg5[%get3A_612, %get3A_613] : memref<128x256xf32, #tpu.memory_space<vmem>>, vector<128x1xf32>
    %get3A_615 = arith.constant 0 : index
    %get3A_616 = arith.constant 0 : index
    %get3A_617 = vector.load %arg2[%get3A_615, %get3A_616] : memref<1x128xf32, #tpu.memory_space<vmem>>, vector<1x128xf32>
    %sub3A_618 = vector.broadcast %get3A_614 : vector<128x1xf32> to vector<128x128xf32>
    %sub3A_619 = vector.broadcast %get3A_617 : vector<1x128xf32> to vector<128x128xf32>
    %sub3A_620 = arith.subf %sub3A_618, %sub3A_619 : vector<128x128xf32>
    %mul3A_621 = arith.mulf %sub3A_620, %sub3A_620 : vector<128x128xf32>
    %mul3A_622 = vector.broadcast %mul3A_8 : vector<1x128xf32> to vector<128x128xf32>
    %mul3A_623 = arith.mulf %mul3A_621, %mul3A_622 : vector<128x128xf32>
    %add3A_624 = vector.broadcast %mul3A_14 : vector<1x128xf32> to vector<128x128xf32>
    %add3A_625 = arith.addf %mul3A_623, %add3A_624 : vector<128x128xf32>
    %exp23A_626 = math.exp2 %add3A_625 : vector<128x128xf32>
    %swap3A_627 = arith.constant 4224 : index
    %swap3A_628 = arith.constant 0 : index
    %swap3A_629 = vector.load %arg4[%swap3A_627, %swap3A_628] : memref<32768x128xf32, #tpu.memory_space<vmem>>, vector<128x128xf32>
    tpu.vector_store %arg4[%swap3A_627, %swap3A_628], %exp23A_626 {strides = array<i32>} : memref<32768x128xf32, #tpu.memory_space<vmem>>, vector<128x128xf32>,
    %get3A_630 = arith.constant 0 : index
    %get3A_631 = arith.constant 34 : index
    %get3A_632 = vector.load %arg5[%get3A_630, %get3A_631] : memref<128x256xf32, #tpu.memory_space<vmem>>, vector<128x1xf32>
    %get3A_633 = arith.constant 0 : index
    %get3A_634 = arith.constant 0 : index
    %get3A_635 = vector.load %arg2[%get3A_633, %get3A_634] : memref<1x128xf32, #tpu.memory_space<vmem>>, vector<1x128xf32>
    %sub3A_636 = vector.broadcast %get3A_632 : vector<128x1xf32> to vector<128x128xf32>
    %sub3A_637 = vector.broadcast %get3A_635 : vector<1x128xf32> to vector<128x128xf32>
    %sub3A_638 = arith.subf %sub3A_636, %sub3A_637 : vector<128x128xf32>
    %mul3A_639 = arith.mulf %sub3A_638, %sub3A_638 : vector<128x128xf32>
    %mul3A_640 = vector.broadcast %mul3A_8 : vector<1x128xf32> to vector<128x128xf32>
    %mul3A_641 = arith.mulf %mul3A_639, %mul3A_640 : vector<128x128xf32>
    %add3A_642 = vector.broadcast %mul3A_14 : vector<1x128xf32> to vector<128x128xf32>
    %add3A_643 = arith.addf %mul3A_641, %add3A_642 : vector<128x128xf32>
    %exp23A_644 = math.exp2 %add3A_643 : vector<128x128xf32>
    %swap3A_645 = arith.constant 4352 : index
    %swap3A_646 = arith.constant 0 : index
    %swap3A_647 = vector.load %arg4[%swap3A_645, %swap3A_646] : memref<32768x128xf32, #tpu.memory_space<vmem>>, vector<128x128xf32>
    tpu.vector_store %arg4[%swap3A_645, %swap3A_646], %exp23A_644 {strides = array<i32>} : memref<32768x128xf32, #tpu.memory_space<vmem>>, vector<128x128xf32>,
    %get3A_648 = arith.constant 0 : index
    %get3A_649 = arith.constant 35 : index
    %get3A_650 = vector.load %arg5[%get3A_648, %get3A_649] : memref<128x256xf32, #tpu.memory_space<vmem>>, vector<128x1xf32>
    %get3A_651 = arith.constant 0 : index
    %get3A_652 = arith.constant 0 : index
    %get3A_653 = vector.load %arg2[%get3A_651, %get3A_652] : memref<1x128xf32, #tpu.memory_space<vmem>>, vector<1x128xf32>
    %sub3A_654 = vector.broadcast %get3A_650 : vector<128x1xf32> to vector<128x128xf32>
    %sub3A_655 = vector.broadcast %get3A_653 : vector<1x128xf32> to vector<128x128xf32>
    %sub3A_656 = arith.subf %sub3A_654, %sub3A_655 : vector<128x128xf32>
    %mul3A_657 = arith.mulf %sub3A_656, %sub3A_656 : vector<128x128xf32>
    %mul3A_658 = vector.broadcast %mul3A_8 : vector<1x128xf32> to vector<128x128xf32>
    %mul3A_659 = arith.mulf %mul3A_657, %mul3A_658 : vector<128x128xf32>
    %add3A_660 = vector.broadcast %mul3A_14 : vector<1x128xf32> to vector<128x128xf32>
    %add3A_661 = arith.addf %mul3A_659, %add3A_660 : vector<128x128xf32>
    %exp23A_662 = math.exp2 %add3A_661 : vector<128x128xf32>
    %swap3A_663 = arith.constant 4480 : index
    %swap3A_664 = arith.constant 0 : index
    %swap3A_665 = vector.load %arg4[%swap3A_663, %swap3A_664] : memref<32768x128xf32, #tpu.memory_space<vmem>>, vector<128x128xf32>
    tpu.vector_store %arg4[%swap3A_663, %swap3A_664], %exp23A_662 {strides = array<i32>} : memref<32768x128xf32, #tpu.memory_space<vmem>>, vector<128x128xf32>,
    %get3A_666 = arith.constant 0 : index
    %get3A_667 = arith.constant 36 : index
    %get3A_668 = vector.load %arg5[%get3A_666, %get3A_667] : memref<128x256xf32, #tpu.memory_space<vmem>>, vector<128x1xf32>
    %get3A_669 = arith.constant 0 : index
    %get3A_670 = arith.constant 0 : index
    %get3A_671 = vector.load %arg2[%get3A_669, %get3A_670] : memref<1x128xf32, #tpu.memory_space<vmem>>, vector<1x128xf32>
    %sub3A_672 = vector.broadcast %get3A_668 : vector<128x1xf32> to vector<128x128xf32>
    %sub3A_673 = vector.broadcast %get3A_671 : vector<1x128xf32> to vector<128x128xf32>
    %sub3A_674 = arith.subf %sub3A_672, %sub3A_673 : vector<128x128xf32>
    %mul3A_675 = arith.mulf %sub3A_674, %sub3A_674 : vector<128x128xf32>
    %mul3A_676 = vector.broadcast %mul3A_8 : vector<1x128xf32> to vector<128x128xf32>
    %mul3A_677 = arith.mulf %mul3A_675, %mul3A_676 : vector<128x128xf32>
    %add3A_678 = vector.broadcast %mul3A_14 : vector<1x128xf32> to vector<128x128xf32>
    %add3A_679 = arith.addf %mul3A_677, %add3A_678 : vector<128x128xf32>
    %exp23A_680 = math.exp2 %add3A_679 : vector<128x128xf32>
    %swap3A_681 = arith.constant 4608 : index
    %swap3A_682 = arith.constant 0 : index
    %swap3A_683 = vector.load %arg4[%swap3A_681, %swap3A_682] : memref<32768x128xf32, #tpu.memory_space<vmem>>, vector<128x128xf32>
    tpu.vector_store %arg4[%swap3A_681, %swap3A_682], %exp23A_680 {strides = array<i32>} : memref<32768x128xf32, #tpu.memory_space<vmem>>, vector<128x128xf32>,
    %get3A_684 = arith.constant 0 : index
    %get3A_685 = arith.constant 37 : index
    %get3A_686 = vector.load %arg5[%get3A_684, %get3A_685] : memref<128x256xf32, #tpu.memory_space<vmem>>, vector<128x1xf32>
    %get3A_687 = arith.constant 0 : index
    %get3A_688 = arith.constant 0 : index
    %get3A_689 = vector.load %arg2[%get3A_687, %get3A_688] : memref<1x128xf32, #tpu.memory_space<vmem>>, vector<1x128xf32>
    %sub3A_690 = vector.broadcast %get3A_686 : vector<128x1xf32> to vector<128x128xf32>
    %sub3A_691 = vector.broadcast %get3A_689 : vector<1x128xf32> to vector<128x128xf32>
    %sub3A_692 = arith.subf %sub3A_690, %sub3A_691 : vector<128x128xf32>
    %mul3A_693 = arith.mulf %sub3A_692, %sub3A_692 : vector<128x128xf32>
    %mul3A_694 = vector.broadcast %mul3A_8 : vector<1x128xf32> to vector<128x128xf32>
    %mul3A_695 = arith.mulf %mul3A_693, %mul3A_694 : vector<128x128xf32>
    %add3A_696 = vector.broadcast %mul3A_14 : vector<1x128xf32> to vector<128x128xf32>
    %add3A_697 = arith.addf %mul3A_695, %add3A_696 : vector<128x128xf32>
    %exp23A_698 = math.exp2 %add3A_697 : vector<128x128xf32>
    %swap3A_699 = arith.constant 4736 : index
    %swap3A_700 = arith.constant 0 : index
    %swap3A_701 = vector.load %arg4[%swap3A_699, %swap3A_700] : memref<32768x128xf32, #tpu.memory_space<vmem>>, vector<128x128xf32>
    tpu.vector_store %arg4[%swap3A_699, %swap3A_700], %exp23A_698 {strides = array<i32>} : memref<32768x128xf32, #tpu.memory_space<vmem>>, vector<128x128xf32>,
    %get3A_702 = arith.constant 0 : index
    %get3A_703 = arith.constant 38 : index
    %get3A_704 = vector.load %arg5[%get3A_702, %get3A_703] : memref<128x256xf32, #tpu.memory_space<vmem>>, vector<128x1xf32>
    %get3A_705 = arith.constant 0 : index
    %get3A_706 = arith.constant 0 : index
    %get3A_707 = vector.load %arg2[%get3A_705, %get3A_706] : memref<1x128xf32, #tpu.memory_space<vmem>>, vector<1x128xf32>
    %sub3A_708 = vector.broadcast %get3A_704 : vector<128x1xf32> to vector<128x128xf32>
    %sub3A_709 = vector.broadcast %get3A_707 : vector<1x128xf32> to vector<128x128xf32>
    %sub3A_710 = arith.subf %sub3A_708, %sub3A_709 : vector<128x128xf32>
    %mul3A_711 = arith.mulf %sub3A_710, %sub3A_710 : vector<128x128xf32>
    %mul3A_712 = vector.broadcast %mul3A_8 : vector<1x128xf32> to vector<128x128xf32>
    %mul3A_713 = arith.mulf %mul3A_711, %mul3A_712 : vector<128x128xf32>
    %add3A_714 = vector.broadcast %mul3A_14 : vector<1x128xf32> to vector<128x128xf32>
    %add3A_715 = arith.addf %mul3A_713, %add3A_714 : vector<128x128xf32>
    %exp23A_716 = math.exp2 %add3A_715 : vector<128x128xf32>
    %swap3A_717 = arith.constant 4864 : index
    %swap3A_718 = arith.constant 0 : index
    %swap3A_719 = vector.load %arg4[%swap3A_717, %swap3A_718] : memref<32768x128xf32, #tpu.memory_space<vmem>>, vector<128x128xf32>
    tpu.vector_store %arg4[%swap3A_717, %swap3A_718], %exp23A_716 {strides = array<i32>} : memref<32768x128xf32, #tpu.memory_space<vmem>>, vector<128x128xf32>,
    %get3A_720 = arith.constant 0 : index
    %get3A_721 = arith.constant 39 : index
    %get3A_722 = vector.load %arg5[%get3A_720, %get3A_721] : memref<128x256xf32, #tpu.memory_space<vmem>>, vector<128x1xf32>
    %get3A_723 = arith.constant 0 : index
    %get3A_724 = arith.constant 0 : index
    %get3A_725 = vector.load %arg2[%get3A_723, %get3A_724] : memref<1x128xf32, #tpu.memory_space<vmem>>, vector<1x128xf32>
    %sub3A_726 = vector.broadcast %get3A_722 : vector<128x1xf32> to vector<128x128xf32>
    %sub3A_727 = vector.broadcast %get3A_725 : vector<1x128xf32> to vector<128x128xf32>
    %sub3A_728 = arith.subf %sub3A_726, %sub3A_727 : vector<128x128xf32>
    %mul3A_729 = arith.mulf %sub3A_728, %sub3A_728 : vector<128x128xf32>
    %mul3A_730 = vector.broadcast %mul3A_8 : vector<1x128xf32> to vector<128x128xf32>
    %mul3A_731 = arith.mulf %mul3A_729, %mul3A_730 : vector<128x128xf32>
    %add3A_732 = vector.broadcast %mul3A_14 : vector<1x128xf32> to vector<128x128xf32>
    %add3A_733 = arith.addf %mul3A_731, %add3A_732 : vector<128x128xf32>
    %exp23A_734 = math.exp2 %add3A_733 : vector<128x128xf32>
    %swap3A_735 = arith.constant 4992 : index
    %swap3A_736 = arith.constant 0 : index
    %swap3A_737 = vector.load %arg4[%swap3A_735, %swap3A_736] : memref<32768x128xf32, #tpu.memory_space<vmem>>, vector<128x128xf32>
    tpu.vector_store %arg4[%swap3A_735, %swap3A_736], %exp23A_734 {strides = array<i32>} : memref<32768x128xf32, #tpu.memory_space<vmem>>, vector<128x128xf32>,
    %get3A_738 = arith.constant 0 : index
    %get3A_739 = arith.constant 40 : index
    %get3A_740 = vector.load %arg5[%get3A_738, %get3A_739] : memref<128x256xf32, #tpu.memory_space<vmem>>, vector<128x1xf32>
    %get3A_741 = arith.constant 0 : index
    %get3A_742 = arith.constant 0 : index
    %get3A_743 = vector.load %arg2[%get3A_741, %get3A_742] : memref<1x128xf32, #tpu.memory_space<vmem>>, vector<1x128xf32>
    %sub3A_744 = vector.broadcast %get3A_740 : vector<128x1xf32> to vector<128x128xf32>
    %sub3A_745 = vector.broadcast %get3A_743 : vector<1x128xf32> to vector<128x128xf32>
    %sub3A_746 = arith.subf %sub3A_744, %sub3A_745 : vector<128x128xf32>
    %mul3A_747 = arith.mulf %sub3A_746, %sub3A_746 : vector<128x128xf32>
    %mul3A_748 = vector.broadcast %mul3A_8 : vector<1x128xf32> to vector<128x128xf32>
    %mul3A_749 = arith.mulf %mul3A_747, %mul3A_748 : vector<128x128xf32>
    %add3A_750 = vector.broadcast %mul3A_14 : vector<1x128xf32> to vector<128x128xf32>
    %add3A_751 = arith.addf %mul3A_749, %add3A_750 : vector<128x128xf32>
    %exp23A_752 = math.exp2 %add3A_751 : vector<128x128xf32>
    %swap3A_753 = arith.constant 5120 : index
    %swap3A_754 = arith.constant 0 : index
    %swap3A_755 = vector.load %arg4[%swap3A_753, %swap3A_754] : memref<32768x128xf32, #tpu.memory_space<vmem>>, vector<128x128xf32>
    tpu.vector_store %arg4[%swap3A_753, %swap3A_754], %exp23A_752 {strides = array<i32>} : memref<32768x128xf32, #tpu.memory_space<vmem>>, vector<128x128xf32>,
    %get3A_756 = arith.constant 0 : index
    %get3A_757 = arith.constant 41 : index
    %get3A_758 = vector.load %arg5[%get3A_756, %get3A_757] : memref<128x256xf32, #tpu.memory_space<vmem>>, vector<128x1xf32>
    %get3A_759 = arith.constant 0 : index
    %get3A_760 = arith.constant 0 : index
    %get3A_761 = vector.load %arg2[%get3A_759, %get3A_760] : memref<1x128xf32, #tpu.memory_space<vmem>>, vector<1x128xf32>
    %sub3A_762 = vector.broadcast %get3A_758 : vector<128x1xf32> to vector<128x128xf32>
    %sub3A_763 = vector.broadcast %get3A_761 : vector<1x128xf32> to vector<128x128xf32>
    %sub3A_764 = arith.subf %sub3A_762, %sub3A_763 : vector<128x128xf32>
    %mul3A_765 = arith.mulf %sub3A_764, %sub3A_764 : vector<128x128xf32>
    %mul3A_766 = vector.broadcast %mul3A_8 : vector<1x128xf32> to vector<128x128xf32>
    %mul3A_767 = arith.mulf %mul3A_765, %mul3A_766 : vector<128x128xf32>
    %add3A_768 = vector.broadcast %mul3A_14 : vector<1x128xf32> to vector<128x128xf32>
    %add3A_769 = arith.addf %mul3A_767, %add3A_768 : vector<128x128xf32>
    %exp23A_770 = math.exp2 %add3A_769 : vector<128x128xf32>
    %swap3A_771 = arith.constant 5248 : index
    %swap3A_772 = arith.constant 0 : index
    %swap3A_773 = vector.load %arg4[%swap3A_771, %swap3A_772] : memref<32768x128xf32, #tpu.memory_space<vmem>>, vector<128x128xf32>
    tpu.vector_store %arg4[%swap3A_771, %swap3A_772], %exp23A_770 {strides = array<i32>} : memref<32768x128xf32, #tpu.memory_space<vmem>>, vector<128x128xf32>,
    %get3A_774 = arith.constant 0 : index
    %get3A_775 = arith.constant 42 : index
    %get3A_776 = vector.load %arg5[%get3A_774, %get3A_775] : memref<128x256xf32, #tpu.memory_space<vmem>>, vector<128x1xf32>
    %get3A_777 = arith.constant 0 : index
    %get3A_778 = arith.constant 0 : index
    %get3A_779 = vector.load %arg2[%get3A_777, %get3A_778] : memref<1x128xf32, #tpu.memory_space<vmem>>, vector<1x128xf32>
    %sub3A_780 = vector.broadcast %get3A_776 : vector<128x1xf32> to vector<128x128xf32>
    %sub3A_781 = vector.broadcast %get3A_779 : vector<1x128xf32> to vector<128x128xf32>
    %sub3A_782 = arith.subf %sub3A_780, %sub3A_781 : vector<128x128xf32>
    %mul3A_783 = arith.mulf %sub3A_782, %sub3A_782 : vector<128x128xf32>
    %mul3A_784 = vector.broadcast %mul3A_8 : vector<1x128xf32> to vector<128x128xf32>
    %mul3A_785 = arith.mulf %mul3A_783, %mul3A_784 : vector<128x128xf32>
    %add3A_786 = vector.broadcast %mul3A_14 : vector<1x128xf32> to vector<128x128xf32>
    %add3A_787 = arith.addf %mul3A_785, %add3A_786 : vector<128x128xf32>
    %exp23A_788 = math.exp2 %add3A_787 : vector<128x128xf32>
    %swap3A_789 = arith.constant 5376 : index
    %swap3A_790 = arith.constant 0 : index
    %swap3A_791 = vector.load %arg4[%swap3A_789, %swap3A_790] : memref<32768x128xf32, #tpu.memory_space<vmem>>, vector<128x128xf32>
    tpu.vector_store %arg4[%swap3A_789, %swap3A_790], %exp23A_788 {strides = array<i32>} : memref<32768x128xf32, #tpu.memory_space<vmem>>, vector<128x128xf32>,
    %get3A_792 = arith.constant 0 : index
    %get3A_793 = arith.constant 43 : index
    %get3A_794 = vector.load %arg5[%get3A_792, %get3A_793] : memref<128x256xf32, #tpu.memory_space<vmem>>, vector<128x1xf32>
    %get3A_795 = arith.constant 0 : index
    %get3A_796 = arith.constant 0 : index
    %get3A_797 = vector.load %arg2[%get3A_795, %get3A_796] : memref<1x128xf32, #tpu.memory_space<vmem>>, vector<1x128xf32>
    %sub3A_798 = vector.broadcast %get3A_794 : vector<128x1xf32> to vector<128x128xf32>
    %sub3A_799 = vector.broadcast %get3A_797 : vector<1x128xf32> to vector<128x128xf32>
    %sub3A_800 = arith.subf %sub3A_798, %sub3A_799 : vector<128x128xf32>
    %mul3A_801 = arith.mulf %sub3A_800, %sub3A_800 : vector<128x128xf32>
    %mul3A_802 = vector.broadcast %mul3A_8 : vector<1x128xf32> to vector<128x128xf32>
    %mul3A_803 = arith.mulf %mul3A_801, %mul3A_802 : vector<128x128xf32>
    %add3A_804 = vector.broadcast %mul3A_14 : vector<1x128xf32> to vector<128x128xf32>
    %add3A_805 = arith.addf %mul3A_803, %add3A_804 : vector<128x128xf32>
    %exp23A_806 = math.exp2 %add3A_805 : vector<128x128xf32>
    %swap3A_807 = arith.constant 5504 : index
    %swap3A_808 = arith.constant 0 : index
    %swap3A_809 = vector.load %arg4[%swap3A_807, %swap3A_808] : memref<32768x128xf32, #tpu.memory_space<vmem>>, vector<128x128xf32>
    tpu.vector_store %arg4[%swap3A_807, %swap3A_808], %exp23A_806 {strides = array<i32>} : memref<32768x128xf32, #tpu.memory_space<vmem>>, vector<128x128xf32>,
    %get3A_810 = arith.constant 0 : index
    %get3A_811 = arith.constant 44 : index
    %get3A_812 = vector.load %arg5[%get3A_810, %get3A_811] : memref<128x256xf32, #tpu.memory_space<vmem>>, vector<128x1xf32>
    %get3A_813 = arith.constant 0 : index
    %get3A_814 = arith.constant 0 : index
    %get3A_815 = vector.load %arg2[%get3A_813, %get3A_814] : memref<1x128xf32, #tpu.memory_space<vmem>>, vector<1x128xf32>
    %sub3A_816 = vector.broadcast %get3A_812 : vector<128x1xf32> to vector<128x128xf32>
    %sub3A_817 = vector.broadcast %get3A_815 : vector<1x128xf32> to vector<128x128xf32>
    %sub3A_818 = arith.subf %sub3A_816, %sub3A_817 : vector<128x128xf32>
    %mul3A_819 = arith.mulf %sub3A_818, %sub3A_818 : vector<128x128xf32>
    %mul3A_820 = vector.broadcast %mul3A_8 : vector<1x128xf32> to vector<128x128xf32>
    %mul3A_821 = arith.mulf %mul3A_819, %mul3A_820 : vector<128x128xf32>
    %add3A_822 = vector.broadcast %mul3A_14 : vector<1x128xf32> to vector<128x128xf32>
    %add3A_823 = arith.addf %mul3A_821, %add3A_822 : vector<128x128xf32>
    %exp23A_824 = math.exp2 %add3A_823 : vector<128x128xf32>
    %swap3A_825 = arith.constant 5632 : index
    %swap3A_826 = arith.constant 0 : index
    %swap3A_827 = vector.load %arg4[%swap3A_825, %swap3A_826] : memref<32768x128xf32, #tpu.memory_space<vmem>>, vector<128x128xf32>
    tpu.vector_store %arg4[%swap3A_825, %swap3A_826], %exp23A_824 {strides = array<i32>} : memref<32768x128xf32, #tpu.memory_space<vmem>>, vector<128x128xf32>,
    %get3A_828 = arith.constant 0 : index
    %get3A_829 = arith.constant 45 : index
    %get3A_830 = vector.load %arg5[%get3A_828, %get3A_829] : memref<128x256xf32, #tpu.memory_space<vmem>>, vector<128x1xf32>
    %get3A_831 = arith.constant 0 : index
    %get3A_832 = arith.constant 0 : index
    %get3A_833 = vector.load %arg2[%get3A_831, %get3A_832] : memref<1x128xf32, #tpu.memory_space<vmem>>, vector<1x128xf32>
    %sub3A_834 = vector.broadcast %get3A_830 : vector<128x1xf32> to vector<128x128xf32>
    %sub3A_835 = vector.broadcast %get3A_833 : vector<1x128xf32> to vector<128x128xf32>
    %sub3A_836 = arith.subf %sub3A_834, %sub3A_835 : vector<128x128xf32>
    %mul3A_837 = arith.mulf %sub3A_836, %sub3A_836 : vector<128x128xf32>
    %mul3A_838 = vector.broadcast %mul3A_8 : vector<1x128xf32> to vector<128x128xf32>
    %mul3A_839 = arith.mulf %mul3A_837, %mul3A_838 : vector<128x128xf32>
    %add3A_840 = vector.broadcast %mul3A_14 : vector<1x128xf32> to vector<128x128xf32>
    %add3A_841 = arith.addf %mul3A_839, %add3A_840 : vector<128x128xf32>
    %exp23A_842 = math.exp2 %add3A_841 : vector<128x128xf32>
    %swap3A_843 = arith.constant 5760 : index
    %swap3A_844 = arith.constant 0 : index
    %swap3A_845 = vector.load %arg4[%swap3A_843, %swap3A_844] : memref<32768x128xf32, #tpu.memory_space<vmem>>, vector<128x128xf32>
    tpu.vector_store %arg4[%swap3A_843, %swap3A_844], %exp23A_842 {strides = array<i32>} : memref<32768x128xf32, #tpu.memory_space<vmem>>, vector<128x128xf32>,
    %get3A_846 = arith.constant 0 : index
    %get3A_847 = arith.constant 46 : index
    %get3A_848 = vector.load %arg5[%get3A_846, %get3A_847] : memref<128x256xf32, #tpu.memory_space<vmem>>, vector<128x1xf32>
    %get3A_849 = arith.constant 0 : index
    %get3A_850 = arith.constant 0 : index
    %get3A_851 = vector.load %arg2[%get3A_849, %get3A_850] : memref<1x128xf32, #tpu.memory_space<vmem>>, vector<1x128xf32>
    %sub3A_852 = vector.broadcast %get3A_848 : vector<128x1xf32> to vector<128x128xf32>
    %sub3A_853 = vector.broadcast %get3A_851 : vector<1x128xf32> to vector<128x128xf32>
    %sub3A_854 = arith.subf %sub3A_852, %sub3A_853 : vector<128x128xf32>
    %mul3A_855 = arith.mulf %sub3A_854, %sub3A_854 : vector<128x128xf32>
    %mul3A_856 = vector.broadcast %mul3A_8 : vector<1x128xf32> to vector<128x128xf32>
    %mul3A_857 = arith.mulf %mul3A_855, %mul3A_856 : vector<128x128xf32>
    %add3A_858 = vector.broadcast %mul3A_14 : vector<1x128xf32> to vector<128x128xf32>
    %add3A_859 = arith.addf %mul3A_857, %add3A_858 : vector<128x128xf32>
    %exp23A_860 = math.exp2 %add3A_859 : vector<128x128xf32>
    %swap3A_861 = arith.constant 5888 : index
    %swap3A_862 = arith.constant 0 : index
    %swap3A_863 = vector.load %arg4[%swap3A_861, %swap3A_862] : memref<32768x128xf32, #tpu.memory_space<vmem>>, vector<128x128xf32>
    tpu.vector_store %arg4[%swap3A_861, %swap3A_862], %exp23A_860 {strides = array<i32>} : memref<32768x128xf32, #tpu.memory_space<vmem>>, vector<128x128xf32>,
    %get3A_864 = arith.constant 0 : index
    %get3A_865 = arith.constant 47 : index
    %get3A_866 = vector.load %arg5[%get3A_864, %get3A_865] : memref<128x256xf32, #tpu.memory_space<vmem>>, vector<128x1xf32>
    %get3A_867 = arith.constant 0 : index
    %get3A_868 = arith.constant 0 : index
    %get3A_869 = vector.load %arg2[%get3A_867, %get3A_868] : memref<1x128xf32, #tpu.memory_space<vmem>>, vector<1x128xf32>
    %sub3A_870 = vector.broadcast %get3A_866 : vector<128x1xf32> to vector<128x128xf32>
    %sub3A_871 = vector.broadcast %get3A_869 : vector<1x128xf32> to vector<128x128xf32>
    %sub3A_872 = arith.subf %sub3A_870, %sub3A_871 : vector<128x128xf32>
    %mul3A_873 = arith.mulf %sub3A_872, %sub3A_872 : vector<128x128xf32>
    %mul3A_874 = vector.broadcast %mul3A_8 : vector<1x128xf32> to vector<128x128xf32>
    %mul3A_875 = arith.mulf %mul3A_873, %mul3A_874 : vector<128x128xf32>
    %add3A_876 = vector.broadcast %mul3A_14 : vector<1x128xf32> to vector<128x128xf32>
    %add3A_877 = arith.addf %mul3A_875, %add3A_876 : vector<128x128xf32>
    %exp23A_878 = math.exp2 %add3A_877 : vector<128x128xf32>
    %swap3A_879 = arith.constant 6016 : index
    %swap3A_880 = arith.constant 0 : index
    %swap3A_881 = vector.load %arg4[%swap3A_879, %swap3A_880] : memref<32768x128xf32, #tpu.memory_space<vmem>>, vector<128x128xf32>
    tpu.vector_store %arg4[%swap3A_879, %swap3A_880], %exp23A_878 {strides = array<i32>} : memref<32768x128xf32, #tpu.memory_space<vmem>>, vector<128x128xf32>,
    %get3A_882 = arith.constant 0 : index
    %get3A_883 = arith.constant 48 : index
    %get3A_884 = vector.load %arg5[%get3A_882, %get3A_883] : memref<128x256xf32, #tpu.memory_space<vmem>>, vector<128x1xf32>
    %get3A_885 = arith.constant 0 : index
    %get3A_886 = arith.constant 0 : index
    %get3A_887 = vector.load %arg2[%get3A_885, %get3A_886] : memref<1x128xf32, #tpu.memory_space<vmem>>, vector<1x128xf32>
    %sub3A_888 = vector.broadcast %get3A_884 : vector<128x1xf32> to vector<128x128xf32>
    %sub3A_889 = vector.broadcast %get3A_887 : vector<1x128xf32> to vector<128x128xf32>
    %sub3A_890 = arith.subf %sub3A_888, %sub3A_889 : vector<128x128xf32>
    %mul3A_891 = arith.mulf %sub3A_890, %sub3A_890 : vector<128x128xf32>
    %mul3A_892 = vector.broadcast %mul3A_8 : vector<1x128xf32> to vector<128x128xf32>
    %mul3A_893 = arith.mulf %mul3A_891, %mul3A_892 : vector<128x128xf32>
    %add3A_894 = vector.broadcast %mul3A_14 : vector<1x128xf32> to vector<128x128xf32>
    %add3A_895 = arith.addf %mul3A_893, %add3A_894 : vector<128x128xf32>
    %exp23A_896 = math.exp2 %add3A_895 : vector<128x128xf32>
    %swap3A_897 = arith.constant 6144 : index
    %swap3A_898 = arith.constant 0 : index
    %swap3A_899 = vector.load %arg4[%swap3A_897, %swap3A_898] : memref<32768x128xf32, #tpu.memory_space<vmem>>, vector<128x128xf32>
    tpu.vector_store %arg4[%swap3A_897, %swap3A_898], %exp23A_896 {strides = array<i32>} : memref<32768x128xf32, #tpu.memory_space<vmem>>, vector<128x128xf32>,
    %get3A_900 = arith.constant 0 : index
    %get3A_901 = arith.constant 49 : index
    %get3A_902 = vector.load %arg5[%get3A_900, %get3A_901] : memref<128x256xf32, #tpu.memory_space<vmem>>, vector<128x1xf32>
    %get3A_903 = arith.constant 0 : index
    %get3A_904 = arith.constant 0 : index
    %get3A_905 = vector.load %arg2[%get3A_903, %get3A_904] : memref<1x128xf32, #tpu.memory_space<vmem>>, vector<1x128xf32>
    %sub3A_906 = vector.broadcast %get3A_902 : vector<128x1xf32> to vector<128x128xf32>
    %sub3A_907 = vector.broadcast %get3A_905 : vector<1x128xf32> to vector<128x128xf32>
    %sub3A_908 = arith.subf %sub3A_906, %sub3A_907 : vector<128x128xf32>
    %mul3A_909 = arith.mulf %sub3A_908, %sub3A_908 : vector<128x128xf32>
    %mul3A_910 = vector.broadcast %mul3A_8 : vector<1x128xf32> to vector<128x128xf32>
    %mul3A_911 = arith.mulf %mul3A_909, %mul3A_910 : vector<128x128xf32>
    %add3A_912 = vector.broadcast %mul3A_14 : vector<1x128xf32> to vector<128x128xf32>
    %add3A_913 = arith.addf %mul3A_911, %add3A_912 : vector<128x128xf32>
    %exp23A_914 = math.exp2 %add3A_913 : vector<128x128xf32>
    %swap3A_915 = arith.constant 6272 : index
    %swap3A_916 = arith.constant 0 : index
    %swap3A_917 = vector.load %arg4[%swap3A_915, %swap3A_916] : memref<32768x128xf32, #tpu.memory_space<vmem>>, vector<128x128xf32>
    tpu.vector_store %arg4[%swap3A_915, %swap3A_916], %exp23A_914 {strides = array<i32>} : memref<32768x128xf32, #tpu.memory_space<vmem>>, vector<128x128xf32>,
    %get3A_918 = arith.constant 0 : index
    %get3A_919 = arith.constant 50 : index
    %get3A_920 = vector.load %arg5[%get3A_918, %get3A_919] : memref<128x256xf32, #tpu.memory_space<vmem>>, vector<128x1xf32>
    %get3A_921 = arith.constant 0 : index
    %get3A_922 = arith.constant 0 : index
    %get3A_923 = vector.load %arg2[%get3A_921, %get3A_922] : memref<1x128xf32, #tpu.memory_space<vmem>>, vector<1x128xf32>
    %sub3A_924 = vector.broadcast %get3A_920 : vector<128x1xf32> to vector<128x128xf32>
    %sub3A_925 = vector.broadcast %get3A_923 : vector<1x128xf32> to vector<128x128xf32>
    %sub3A_926 = arith.subf %sub3A_924, %sub3A_925 : vector<128x128xf32>
    %mul3A_927 = arith.mulf %sub3A_926, %sub3A_926 : vector<128x128xf32>
    %mul3A_928 = vector.broadcast %mul3A_8 : vector<1x128xf32> to vector<128x128xf32>
    %mul3A_929 = arith.mulf %mul3A_927, %mul3A_928 : vector<128x128xf32>
    %add3A_930 = vector.broadcast %mul3A_14 : vector<1x128xf32> to vector<128x128xf32>
    %add3A_931 = arith.addf %mul3A_929, %add3A_930 : vector<128x128xf32>
    %exp23A_932 = math.exp2 %add3A_931 : vector<128x128xf32>
    %swap3A_933 = arith.constant 6400 : index
    %swap3A_934 = arith.constant 0 : index
    %swap3A_935 = vector.load %arg4[%swap3A_933, %swap3A_934] : memref<32768x128xf32, #tpu.memory_space<vmem>>, vector<128x128xf32>
    tpu.vector_store %arg4[%swap3A_933, %swap3A_934], %exp23A_932 {strides = array<i32>} : memref<32768x128xf32, #tpu.memory_space<vmem>>, vector<128x128xf32>,
    %get3A_936 = arith.constant 0 : index
    %get3A_937 = arith.constant 51 : index
    %get3A_938 = vector.load %arg5[%get3A_936, %get3A_937] : memref<128x256xf32, #tpu.memory_space<vmem>>, vector<128x1xf32>
    %get3A_939 = arith.constant 0 : index
    %get3A_940 = arith.constant 0 : index
    %get3A_941 = vector.load %arg2[%get3A_939, %get3A_940] : memref<1x128xf32, #tpu.memory_space<vmem>>, vector<1x128xf32>
    %sub3A_942 = vector.broadcast %get3A_938 : vector<128x1xf32> to vector<128x128xf32>
    %sub3A_943 = vector.broadcast %get3A_941 : vector<1x128xf32> to vector<128x128xf32>
    %sub3A_944 = arith.subf %sub3A_942, %sub3A_943 : vector<128x128xf32>
    %mul3A_945 = arith.mulf %sub3A_944, %sub3A_944 : vector<128x128xf32>
    %mul3A_946 = vector.broadcast %mul3A_8 : vector<1x128xf32> to vector<128x128xf32>
    %mul3A_947 = arith.mulf %mul3A_945, %mul3A_946 : vector<128x128xf32>
    %add3A_948 = vector.broadcast %mul3A_14 : vector<1x128xf32> to vector<128x128xf32>
    %add3A_949 = arith.addf %mul3A_947, %add3A_948 : vector<128x128xf32>
    %exp23A_950 = math.exp2 %add3A_949 : vector<128x128xf32>
    %swap3A_951 = arith.constant 6528 : index
    %swap3A_952 = arith.constant 0 : index
    %swap3A_953 = vector.load %arg4[%swap3A_951, %swap3A_952] : memref<32768x128xf32, #tpu.memory_space<vmem>>, vector<128x128xf32>
    tpu.vector_store %arg4[%swap3A_951, %swap3A_952], %exp23A_950 {strides = array<i32>} : memref<32768x128xf32, #tpu.memory_space<vmem>>, vector<128x128xf32>,
    %get3A_954 = arith.constant 0 : index
    %get3A_955 = arith.constant 52 : index
    %get3A_956 = vector.load %arg5[%get3A_954, %get3A_955] : memref<128x256xf32, #tpu.memory_space<vmem>>, vector<128x1xf32>
    %get3A_957 = arith.constant 0 : index
    %get3A_958 = arith.constant 0 : index
    %get3A_959 = vector.load %arg2[%get3A_957, %get3A_958] : memref<1x128xf32, #tpu.memory_space<vmem>>, vector<1x128xf32>
    %sub3A_960 = vector.broadcast %get3A_956 : vector<128x1xf32> to vector<128x128xf32>
    %sub3A_961 = vector.broadcast %get3A_959 : vector<1x128xf32> to vector<128x128xf32>
    %sub3A_962 = arith.subf %sub3A_960, %sub3A_961 : vector<128x128xf32>
    %mul3A_963 = arith.mulf %sub3A_962, %sub3A_962 : vector<128x128xf32>
    %mul3A_964 = vector.broadcast %mul3A_8 : vector<1x128xf32> to vector<128x128xf32>
    %mul3A_965 = arith.mulf %mul3A_963, %mul3A_964 : vector<128x128xf32>
    %add3A_966 = vector.broadcast %mul3A_14 : vector<1x128xf32> to vector<128x128xf32>
    %add3A_967 = arith.addf %mul3A_965, %add3A_966 : vector<128x128xf32>
    %exp23A_968 = math.exp2 %add3A_967 : vector<128x128xf32>
    %swap3A_969 = arith.constant 6656 : index
    %swap3A_970 = arith.constant 0 : index
    %swap3A_971 = vector.load %arg4[%swap3A_969, %swap3A_970] : memref<32768x128xf32, #tpu.memory_space<vmem>>, vector<128x128xf32>
    tpu.vector_store %arg4[%swap3A_969, %swap3A_970], %exp23A_968 {strides = array<i32>} : memref<32768x128xf32, #tpu.memory_space<vmem>>, vector<128x128xf32>,
    %get3A_972 = arith.constant 0 : index
    %get3A_973 = arith.constant 53 : index
    %get3A_974 = vector.load %arg5[%get3A_972, %get3A_973] : memref<128x256xf32, #tpu.memory_space<vmem>>, vector<128x1xf32>
    %get3A_975 = arith.constant 0 : index
    %get3A_976 = arith.constant 0 : index
    %get3A_977 = vector.load %arg2[%get3A_975, %get3A_976] : memref<1x128xf32, #tpu.memory_space<vmem>>, vector<1x128xf32>
    %sub3A_978 = vector.broadcast %get3A_974 : vector<128x1xf32> to vector<128x128xf32>
    %sub3A_979 = vector.broadcast %get3A_977 : vector<1x128xf32> to vector<128x128xf32>
    %sub3A_980 = arith.subf %sub3A_978, %sub3A_979 : vector<128x128xf32>
    %mul3A_981 = arith.mulf %sub3A_980, %sub3A_980 : vector<128x128xf32>
    %mul3A_982 = vector.broadcast %mul3A_8 : vector<1x128xf32> to vector<128x128xf32>
    %mul3A_983 = arith.mulf %mul3A_981, %mul3A_982 : vector<128x128xf32>
    %add3A_984 = vector.broadcast %mul3A_14 : vector<1x128xf32> to vector<128x128xf32>
    %add3A_985 = arith.addf %mul3A_983, %add3A_984 : vector<128x128xf32>
    %exp23A_986 = math.exp2 %add3A_985 : vector<128x128xf32>
    %swap3A_987 = arith.constant 6784 : index
    %swap3A_988 = arith.constant 0 : index
    %swap3A_989 = vector.load %arg4[%swap3A_987, %swap3A_988] : memref<32768x128xf32, #tpu.memory_space<vmem>>, vector<128x128xf32>
    tpu.vector_store %arg4[%swap3A_987, %swap3A_988], %exp23A_986 {strides = array<i32>} : memref<32768x128xf32, #tpu.memory_space<vmem>>, vector<128x128xf32>,
    %get3A_990 = arith.constant 0 : index
    %get3A_991 = arith.constant 54 : index
    %get3A_992 = vector.load %arg5[%get3A_990, %get3A_991] : memref<128x256xf32, #tpu.memory_space<vmem>>, vector<128x1xf32>
    %get3A_993 = arith.constant 0 : index
    %get3A_994 = arith.constant 0 : index
    %get3A_995 = vector.load %arg2[%get3A_993, %get3A_994] : memref<1x128xf32, #tpu.memory_space<vmem>>, vector<1x128xf32>
    %sub3A_996 = vector.broadcast %get3A_992 : vector<128x1xf32> to vector<128x128xf32>
    %sub3A_997 = vector.broadcast %get3A_995 : vector<1x128xf32> to vector<128x128xf32>
    %sub3A_998 = arith.subf %sub3A_996, %sub3A_997 : vector<128x128xf32>
    %mul3A_999 = arith.mulf %sub3A_998, %sub3A_998 : vector<128x128xf32>
    %mul3A_1000 = vector.broadcast %mul3A_8 : vector<1x128xf32> to vector<128x128xf32>
    %mul3A_1001 = arith.mulf %mul3A_999, %mul3A_1000 : vector<128x128xf32>
    %add3A_1002 = vector.broadcast %mul3A_14 : vector<1x128xf32> to vector<128x128xf32>
    %add3A_1003 = arith.addf %mul3A_1001, %add3A_1002 : vector<128x128xf32>
    %exp23A_1004 = math.exp2 %add3A_1003 : vector<128x128xf32>
    %swap3A_1005 = arith.constant 6912 : index
    %swap3A_1006 = arith.constant 0 : index
    %swap3A_1007 = vector.load %arg4[%swap3A_1005, %swap3A_1006] : memref<32768x128xf32, #tpu.memory_space<vmem>>, vector<128x128xf32>
    tpu.vector_store %arg4[%swap3A_1005, %swap3A_1006], %exp23A_1004 {strides = array<i32>} : memref<32768x128xf32, #tpu.memory_space<vmem>>, vector<128x128xf32>,
    %get3A_1008 = arith.constant 0 : index
    %get3A_1009 = arith.constant 55 : index
    %get3A_1010 = vector.load %arg5[%get3A_1008, %get3A_1009] : memref<128x256xf32, #tpu.memory_space<vmem>>, vector<128x1xf32>
    %get3A_1011 = arith.constant 0 : index
    %get3A_1012 = arith.constant 0 : index
    %get3A_1013 = vector.load %arg2[%get3A_1011, %get3A_1012] : memref<1x128xf32, #tpu.memory_space<vmem>>, vector<1x128xf32>
    %sub3A_1014 = vector.broadcast %get3A_1010 : vector<128x1xf32> to vector<128x128xf32>
    %sub3A_1015 = vector.broadcast %get3A_1013 : vector<1x128xf32> to vector<128x128xf32>
    %sub3A_1016 = arith.subf %sub3A_1014, %sub3A_1015 : vector<128x128xf32>
    %mul3A_1017 = arith.mulf %sub3A_1016, %sub3A_1016 : vector<128x128xf32>
    %mul3A_1018 = vector.broadcast %mul3A_8 : vector<1x128xf32> to vector<128x128xf32>
    %mul3A_1019 = arith.mulf %mul3A_1017, %mul3A_1018 : vector<128x128xf32>
    %add3A_1020 = vector.broadcast %mul3A_14 : vector<1x128xf32> to vector<128x128xf32>
    %add3A_1021 = arith.addf %mul3A_1019, %add3A_1020 : vector<128x128xf32>
    %exp23A_1022 = math.exp2 %add3A_1021 : vector<128x128xf32>
    %swap3A_1023 = arith.constant 7040 : index
    %swap3A_1024 = arith.constant 0 : index
    %swap3A_1025 = vector.load %arg4[%swap3A_1023, %swap3A_1024] : memref<32768x128xf32, #tpu.memory_space<vmem>>, vector<128x128xf32>
    tpu.vector_store %arg4[%swap3A_1023, %swap3A_1024], %exp23A_1022 {strides = array<i32>} : memref<32768x128xf32, #tpu.memory_space<vmem>>, vector<128x128xf32>,
    %get3A_1026 = arith.constant 0 : index
    %get3A_1027 = arith.constant 56 : index
    %get3A_1028 = vector.load %arg5[%get3A_1026, %get3A_1027] : memref<128x256xf32, #tpu.memory_space<vmem>>, vector<128x1xf32>
    %get3A_1029 = arith.constant 0 : index
    %get3A_1030 = arith.constant 0 : index
    %get3A_1031 = vector.load %arg2[%get3A_1029, %get3A_1030] : memref<1x128xf32, #tpu.memory_space<vmem>>, vector<1x128xf32>
    %sub3A_1032 = vector.broadcast %get3A_1028 : vector<128x1xf32> to vector<128x128xf32>
    %sub3A_1033 = vector.broadcast %get3A_1031 : vector<1x128xf32> to vector<128x128xf32>
    %sub3A_1034 = arith.subf %sub3A_1032, %sub3A_1033 : vector<128x128xf32>
    %mul3A_1035 = arith.mulf %sub3A_1034, %sub3A_1034 : vector<128x128xf32>
    %mul3A_1036 = vector.broadcast %mul3A_8 : vector<1x128xf32> to vector<128x128xf32>
    %mul3A_1037 = arith.mulf %mul3A_1035, %mul3A_1036 : vector<128x128xf32>
    %add3A_1038 = vector.broadcast %mul3A_14 : vector<1x128xf32> to vector<128x128xf32>
    %add3A_1039 = arith.addf %mul3A_1037, %add3A_1038 : vector<128x128xf32>
    %exp23A_1040 = math.exp2 %add3A_1039 : vector<128x128xf32>
    %swap3A_1041 = arith.constant 7168 : index
    %swap3A_1042 = arith.constant 0 : index
    %swap3A_1043 = vector.load %arg4[%swap3A_1041, %swap3A_1042] : memref<32768x128xf32, #tpu.memory_space<vmem>>, vector<128x128xf32>
    tpu.vector_store %arg4[%swap3A_1041, %swap3A_1042], %exp23A_1040 {strides = array<i32>} : memref<32768x128xf32, #tpu.memory_space<vmem>>, vector<128x128xf32>,
    %get3A_1044 = arith.constant 0 : index
    %get3A_1045 = arith.constant 57 : index
    %get3A_1046 = vector.load %arg5[%get3A_1044, %get3A_1045] : memref<128x256xf32, #tpu.memory_space<vmem>>, vector<128x1xf32>
    %get3A_1047 = arith.constant 0 : index
    %get3A_1048 = arith.constant 0 : index
    %get3A_1049 = vector.load %arg2[%get3A_1047, %get3A_1048] : memref<1x128xf32, #tpu.memory_space<vmem>>, vector<1x128xf32>
    %sub3A_1050 = vector.broadcast %get3A_1046 : vector<128x1xf32> to vector<128x128xf32>
    %sub3A_1051 = vector.broadcast %get3A_1049 : vector<1x128xf32> to vector<128x128xf32>
    %sub3A_1052 = arith.subf %sub3A_1050, %sub3A_1051 : vector<128x128xf32>
    %mul3A_1053 = arith.mulf %sub3A_1052, %sub3A_1052 : vector<128x128xf32>
    %mul3A_1054 = vector.broadcast %mul3A_8 : vector<1x128xf32> to vector<128x128xf32>
    %mul3A_1055 = arith.mulf %mul3A_1053, %mul3A_1054 : vector<128x128xf32>
    %add3A_1056 = vector.broadcast %mul3A_14 : vector<1x128xf32> to vector<128x128xf32>
    %add3A_1057 = arith.addf %mul3A_1055, %add3A_1056 : vector<128x128xf32>
    %exp23A_1058 = math.exp2 %add3A_1057 : vector<128x128xf32>
    %swap3A_1059 = arith.constant 7296 : index
    %swap3A_1060 = arith.constant 0 : index
    %swap3A_1061 = vector.load %arg4[%swap3A_1059, %swap3A_1060] : memref<32768x128xf32, #tpu.memory_space<vmem>>, vector<128x128xf32>
    tpu.vector_store %arg4[%swap3A_1059, %swap3A_1060], %exp23A_1058 {strides = array<i32>} : memref<32768x128xf32, #tpu.memory_space<vmem>>, vector<128x128xf32>,
    %get3A_1062 = arith.constant 0 : index
    %get3A_1063 = arith.constant 58 : index
    %get3A_1064 = vector.load %arg5[%get3A_1062, %get3A_1063] : memref<128x256xf32, #tpu.memory_space<vmem>>, vector<128x1xf32>
    %get3A_1065 = arith.constant 0 : index
    %get3A_1066 = arith.constant 0 : index
    %get3A_1067 = vector.load %arg2[%get3A_1065, %get3A_1066] : memref<1x128xf32, #tpu.memory_space<vmem>>, vector<1x128xf32>
    %sub3A_1068 = vector.broadcast %get3A_1064 : vector<128x1xf32> to vector<128x128xf32>
    %sub3A_1069 = vector.broadcast %get3A_1067 : vector<1x128xf32> to vector<128x128xf32>
    %sub3A_1070 = arith.subf %sub3A_1068, %sub3A_1069 : vector<128x128xf32>
    %mul3A_1071 = arith.mulf %sub3A_1070, %sub3A_1070 : vector<128x128xf32>
    %mul3A_1072 = vector.broadcast %mul3A_8 : vector<1x128xf32> to vector<128x128xf32>
    %mul3A_1073 = arith.mulf %mul3A_1071, %mul3A_1072 : vector<128x128xf32>
    %add3A_1074 = vector.broadcast %mul3A_14 : vector<1x128xf32> to vector<128x128xf32>
    %add3A_1075 = arith.addf %mul3A_1073, %add3A_1074 : vector<128x128xf32>
    %exp23A_1076 = math.exp2 %add3A_1075 : vector<128x128xf32>
    %swap3A_1077 = arith.constant 7424 : index
    %swap3A_1078 = arith.constant 0 : index
    %swap3A_1079 = vector.load %arg4[%swap3A_1077, %swap3A_1078] : memref<32768x128xf32, #tpu.memory_space<vmem>>, vector<128x128xf32>
    tpu.vector_store %arg4[%swap3A_1077, %swap3A_1078], %exp23A_1076 {strides = array<i32>} : memref<32768x128xf32, #tpu.memory_space<vmem>>, vector<128x128xf32>,
    %get3A_1080 = arith.constant 0 : index
    %get3A_1081 = arith.constant 59 : index
    %get3A_1082 = vector.load %arg5[%get3A_1080, %get3A_1081] : memref<128x256xf32, #tpu.memory_space<vmem>>, vector<128x1xf32>
    %get3A_1083 = arith.constant 0 : index
    %get3A_1084 = arith.constant 0 : index
    %get3A_1085 = vector.load %arg2[%get3A_1083, %get3A_1084] : memref<1x128xf32, #tpu.memory_space<vmem>>, vector<1x128xf32>
    %sub3A_1086 = vector.broadcast %get3A_1082 : vector<128x1xf32> to vector<128x128xf32>
    %sub3A_1087 = vector.broadcast %get3A_1085 : vector<1x128xf32> to vector<128x128xf32>
    %sub3A_1088 = arith.subf %sub3A_1086, %sub3A_1087 : vector<128x128xf32>
    %mul3A_1089 = arith.mulf %sub3A_1088, %sub3A_1088 : vector<128x128xf32>
    %mul3A_1090 = vector.broadcast %mul3A_8 : vector<1x128xf32> to vector<128x128xf32>
    %mul3A_1091 = arith.mulf %mul3A_1089, %mul3A_1090 : vector<128x128xf32>
    %add3A_1092 = vector.broadcast %mul3A_14 : vector<1x128xf32> to vector<128x128xf32>
    %add3A_1093 = arith.addf %mul3A_1091, %add3A_1092 : vector<128x128xf32>
    %exp23A_1094 = math.exp2 %add3A_1093 : vector<128x128xf32>
    %swap3A_1095 = arith.constant 7552 : index
    %swap3A_1096 = arith.constant 0 : index
    %swap3A_1097 = vector.load %arg4[%swap3A_1095, %swap3A_1096] : memref<32768x128xf32, #tpu.memory_space<vmem>>, vector<128x128xf32>
    tpu.vector_store %arg4[%swap3A_1095, %swap3A_1096], %exp23A_1094 {strides = array<i32>} : memref<32768x128xf32, #tpu.memory_space<vmem>>, vector<128x128xf32>,
    %get3A_1098 = arith.constant 0 : index
    %get3A_1099 = arith.constant 60 : index
    %get3A_1100 = vector.load %arg5[%get3A_1098, %get3A_1099] : memref<128x256xf32, #tpu.memory_space<vmem>>, vector<128x1xf32>
    %get3A_1101 = arith.constant 0 : index
    %get3A_1102 = arith.constant 0 : index
    %get3A_1103 = vector.load %arg2[%get3A_1101, %get3A_1102] : memref<1x128xf32, #tpu.memory_space<vmem>>, vector<1x128xf32>
    %sub3A_1104 = vector.broadcast %get3A_1100 : vector<128x1xf32> to vector<128x128xf32>
    %sub3A_1105 = vector.broadcast %get3A_1103 : vector<1x128xf32> to vector<128x128xf32>
    %sub3A_1106 = arith.subf %sub3A_1104, %sub3A_1105 : vector<128x128xf32>
    %mul3A_1107 = arith.mulf %sub3A_1106, %sub3A_1106 : vector<128x128xf32>
    %mul3A_1108 = vector.broadcast %mul3A_8 : vector<1x128xf32> to vector<128x128xf32>
    %mul3A_1109 = arith.mulf %mul3A_1107, %mul3A_1108 : vector<128x128xf32>
    %add3A_1110 = vector.broadcast %mul3A_14 : vector<1x128xf32> to vector<128x128xf32>
    %add3A_1111 = arith.addf %mul3A_1109, %add3A_1110 : vector<128x128xf32>
    %exp23A_1112 = math.exp2 %add3A_1111 : vector<128x128xf32>
    %swap3A_1113 = arith.constant 7680 : index
    %swap3A_1114 = arith.constant 0 : index
    %swap3A_1115 = vector.load %arg4[%swap3A_1113, %swap3A_1114] : memref<32768x128xf32, #tpu.memory_space<vmem>>, vector<128x128xf32>
    tpu.vector_store %arg4[%swap3A_1113, %swap3A_1114], %exp23A_1112 {strides = array<i32>} : memref<32768x128xf32, #tpu.memory_space<vmem>>, vector<128x128xf32>,
    %get3A_1116 = arith.constant 0 : index
    %get3A_1117 = arith.constant 61 : index
    %get3A_1118 = vector.load %arg5[%get3A_1116, %get3A_1117] : memref<128x256xf32, #tpu.memory_space<vmem>>, vector<128x1xf32>
    %get3A_1119 = arith.constant 0 : index
    %get3A_1120 = arith.constant 0 : index
    %get3A_1121 = vector.load %arg2[%get3A_1119, %get3A_1120] : memref<1x128xf32, #tpu.memory_space<vmem>>, vector<1x128xf32>
    %sub3A_1122 = vector.broadcast %get3A_1118 : vector<128x1xf32> to vector<128x128xf32>
    %sub3A_1123 = vector.broadcast %get3A_1121 : vector<1x128xf32> to vector<128x128xf32>
    %sub3A_1124 = arith.subf %sub3A_1122, %sub3A_1123 : vector<128x128xf32>
    %mul3A_1125 = arith.mulf %sub3A_1124, %sub3A_1124 : vector<128x128xf32>
    %mul3A_1126 = vector.broadcast %mul3A_8 : vector<1x128xf32> to vector<128x128xf32>
    %mul3A_1127 = arith.mulf %mul3A_1125, %mul3A_1126 : vector<128x128xf32>
    %add3A_1128 = vector.broadcast %mul3A_14 : vector<1x128xf32> to vector<128x128xf32>
    %add3A_1129 = arith.addf %mul3A_1127, %add3A_1128 : vector<128x128xf32>
    %exp23A_1130 = math.exp2 %add3A_1129 : vector<128x128xf32>
    %swap3A_1131 = arith.constant 7808 : index
    %swap3A_1132 = arith.constant 0 : index
    %swap3A_1133 = vector.load %arg4[%swap3A_1131, %swap3A_1132] : memref<32768x128xf32, #tpu.memory_space<vmem>>, vector<128x128xf32>
    tpu.vector_store %arg4[%swap3A_1131, %swap3A_1132], %exp23A_1130 {strides = array<i32>} : memref<32768x128xf32, #tpu.memory_space<vmem>>, vector<128x128xf32>,
    %get3A_1134 = arith.constant 0 : index
    %get3A_1135 = arith.constant 62 : index
    %get3A_1136 = vector.load %arg5[%get3A_1134, %get3A_1135] : memref<128x256xf32, #tpu.memory_space<vmem>>, vector<128x1xf32>
    %get3A_1137 = arith.constant 0 : index
    %get3A_1138 = arith.constant 0 : index
    %get3A_1139 = vector.load %arg2[%get3A_1137, %get3A_1138] : memref<1x128xf32, #tpu.memory_space<vmem>>, vector<1x128xf32>
    %sub3A_1140 = vector.broadcast %get3A_1136 : vector<128x1xf32> to vector<128x128xf32>
    %sub3A_1141 = vector.broadcast %get3A_1139 : vector<1x128xf32> to vector<128x128xf32>
    %sub3A_1142 = arith.subf %sub3A_1140, %sub3A_1141 : vector<128x128xf32>
    %mul3A_1143 = arith.mulf %sub3A_1142, %sub3A_1142 : vector<128x128xf32>
    %mul3A_1144 = vector.broadcast %mul3A_8 : vector<1x128xf32> to vector<128x128xf32>
    %mul3A_1145 = arith.mulf %mul3A_1143, %mul3A_1144 : vector<128x128xf32>
    %add3A_1146 = vector.broadcast %mul3A_14 : vector<1x128xf32> to vector<128x128xf32>
    %add3A_1147 = arith.addf %mul3A_1145, %add3A_1146 : vector<128x128xf32>
    %exp23A_1148 = math.exp2 %add3A_1147 : vector<128x128xf32>
    %swap3A_1149 = arith.constant 7936 : index
    %swap3A_1150 = arith.constant 0 : index
    %swap3A_1151 = vector.load %arg4[%swap3A_1149, %swap3A_1150] : memref<32768x128xf32, #tpu.memory_space<vmem>>, vector<128x128xf32>
    tpu.vector_store %arg4[%swap3A_1149, %swap3A_1150], %exp23A_1148 {strides = array<i32>} : memref<32768x128xf32, #tpu.memory_space<vmem>>, vector<128x128xf32>,
    %get3A_1152 = arith.constant 0 : index
    %get3A_1153 = arith.constant 63 : index
    %get3A_1154 = vector.load %arg5[%get3A_1152, %get3A_1153] : memref<128x256xf32, #tpu.memory_space<vmem>>, vector<128x1xf32>
    %get3A_1155 = arith.constant 0 : index
    %get3A_1156 = arith.constant 0 : index
    %get3A_1157 = vector.load %arg2[%get3A_1155, %get3A_1156] : memref<1x128xf32, #tpu.memory_space<vmem>>, vector<1x128xf32>
    %sub3A_1158 = vector.broadcast %get3A_1154 : vector<128x1xf32> to vector<128x128xf32>
    %sub3A_1159 = vector.broadcast %get3A_1157 : vector<1x128xf32> to vector<128x128xf32>
    %sub3A_1160 = arith.subf %sub3A_1158, %sub3A_1159 : vector<128x128xf32>
    %mul3A_1161 = arith.mulf %sub3A_1160, %sub3A_1160 : vector<128x128xf32>
    %mul3A_1162 = vector.broadcast %mul3A_8 : vector<1x128xf32> to vector<128x128xf32>
    %mul3A_1163 = arith.mulf %mul3A_1161, %mul3A_1162 : vector<128x128xf32>
    %add3A_1164 = vector.broadcast %mul3A_14 : vector<1x128xf32> to vector<128x128xf32>
    %add3A_1165 = arith.addf %mul3A_1163, %add3A_1164 : vector<128x128xf32>
    %exp23A_1166 = math.exp2 %add3A_1165 : vector<128x128xf32>
    %swap3A_1167 = arith.constant 8064 : index
    %swap3A_1168 = arith.constant 0 : index
    %swap3A_1169 = vector.load %arg4[%swap3A_1167, %swap3A_1168] : memref<32768x128xf32, #tpu.memory_space<vmem>>, vector<128x128xf32>
    tpu.vector_store %arg4[%swap3A_1167, %swap3A_1168], %exp23A_1166 {strides = array<i32>} : memref<32768x128xf32, #tpu.memory_space<vmem>>, vector<128x128xf32>,
    %get3A_1170 = arith.constant 0 : index
    %get3A_1171 = arith.constant 64 : index
    %get3A_1172 = vector.load %arg5[%get3A_1170, %get3A_1171] : memref<128x256xf32, #tpu.memory_space<vmem>>, vector<128x1xf32>
    %get3A_1173 = arith.constant 0 : index
    %get3A_1174 = arith.constant 0 : index
    %get3A_1175 = vector.load %arg2[%get3A_1173, %get3A_1174] : memref<1x128xf32, #tpu.memory_space<vmem>>, vector<1x128xf32>
    %sub3A_1176 = vector.broadcast %get3A_1172 : vector<128x1xf32> to vector<128x128xf32>
    %sub3A_1177 = vector.broadcast %get3A_1175 : vector<1x128xf32> to vector<128x128xf32>
    %sub3A_1178 = arith.subf %sub3A_1176, %sub3A_1177 : vector<128x128xf32>
    %mul3A_1179 = arith.mulf %sub3A_1178, %sub3A_1178 : vector<128x128xf32>
    %mul3A_1180 = vector.broadcast %mul3A_8 : vector<1x128xf32> to vector<128x128xf32>
    %mul3A_1181 = arith.mulf %mul3A_1179, %mul3A_1180 : vector<128x128xf32>
    %add3A_1182 = vector.broadcast %mul3A_14 : vector<1x128xf32> to vector<128x128xf32>
    %add3A_1183 = arith.addf %mul3A_1181, %add3A_1182 : vector<128x128xf32>
    %exp23A_1184 = math.exp2 %add3A_1183 : vector<128x128xf32>
    %swap3A_1185 = arith.constant 8192 : index
    %swap3A_1186 = arith.constant 0 : index
    %swap3A_1187 = vector.load %arg4[%swap3A_1185, %swap3A_1186] : memref<32768x128xf32, #tpu.memory_space<vmem>>, vector<128x128xf32>
    tpu.vector_store %arg4[%swap3A_1185, %swap3A_1186], %exp23A_1184 {strides = array<i32>} : memref<32768x128xf32, #tpu.memory_space<vmem>>, vector<128x128xf32>,
    %get3A_1188 = arith.constant 0 : index
    %get3A_1189 = arith.constant 65 : index
    %get3A_1190 = vector.load %arg5[%get3A_1188, %get3A_1189] : memref<128x256xf32, #tpu.memory_space<vmem>>, vector<128x1xf32>
    %get3A_1191 = arith.constant 0 : index
    %get3A_1192 = arith.constant 0 : index
    %get3A_1193 = vector.load %arg2[%get3A_1191, %get3A_1192] : memref<1x128xf32, #tpu.memory_space<vmem>>, vector<1x128xf32>
    %sub3A_1194 = vector.broadcast %get3A_1190 : vector<128x1xf32> to vector<128x128xf32>
    %sub3A_1195 = vector.broadcast %get3A_1193 : vector<1x128xf32> to vector<128x128xf32>
    %sub3A_1196 = arith.subf %sub3A_1194, %sub3A_1195 : vector<128x128xf32>
    %mul3A_1197 = arith.mulf %sub3A_1196, %sub3A_1196 : vector<128x128xf32>
    %mul3A_1198 = vector.broadcast %mul3A_8 : vector<1x128xf32> to vector<128x128xf32>
    %mul3A_1199 = arith.mulf %mul3A_1197, %mul3A_1198 : vector<128x128xf32>
    %add3A_1200 = vector.broadcast %mul3A_14 : vector<1x128xf32> to vector<128x128xf32>
    %add3A_1201 = arith.addf %mul3A_1199, %add3A_1200 : vector<128x128xf32>
    %exp23A_1202 = math.exp2 %add3A_1201 : vector<128x128xf32>
    %swap3A_1203 = arith.constant 8320 : index
    %swap3A_1204 = arith.constant 0 : index
    %swap3A_1205 = vector.load %arg4[%swap3A_1203, %swap3A_1204] : memref<32768x128xf32, #tpu.memory_space<vmem>>, vector<128x128xf32>
    tpu.vector_store %arg4[%swap3A_1203, %swap3A_1204], %exp23A_1202 {strides = array<i32>} : memref<32768x128xf32, #tpu.memory_space<vmem>>, vector<128x128xf32>,
    %get3A_1206 = arith.constant 0 : index
    %get3A_1207 = arith.constant 66 : index
    %get3A_1208 = vector.load %arg5[%get3A_1206, %get3A_1207] : memref<128x256xf32, #tpu.memory_space<vmem>>, vector<128x1xf32>
    %get3A_1209 = arith.constant 0 : index
    %get3A_1210 = arith.constant 0 : index
    %get3A_1211 = vector.load %arg2[%get3A_1209, %get3A_1210] : memref<1x128xf32, #tpu.memory_space<vmem>>, vector<1x128xf32>
    %sub3A_1212 = vector.broadcast %get3A_1208 : vector<128x1xf32> to vector<128x128xf32>
    %sub3A_1213 = vector.broadcast %get3A_1211 : vector<1x128xf32> to vector<128x128xf32>
    %sub3A_1214 = arith.subf %sub3A_1212, %sub3A_1213 : vector<128x128xf32>
    %mul3A_1215 = arith.mulf %sub3A_1214, %sub3A_1214 : vector<128x128xf32>
    %mul3A_1216 = vector.broadcast %mul3A_8 : vector<1x128xf32> to vector<128x128xf32>
    %mul3A_1217 = arith.mulf %mul3A_1215, %mul3A_1216 : vector<128x128xf32>
    %add3A_1218 = vector.broadcast %mul3A_14 : vector<1x128xf32> to vector<128x128xf32>
    %add3A_1219 = arith.addf %mul3A_1217, %add3A_1218 : vector<128x128xf32>
    %exp23A_1220 = math.exp2 %add3A_1219 : vector<128x128xf32>
    %swap3A_1221 = arith.constant 8448 : index
    %swap3A_1222 = arith.constant 0 : index
    %swap3A_1223 = vector.load %arg4[%swap3A_1221, %swap3A_1222] : memref<32768x128xf32, #tpu.memory_space<vmem>>, vector<128x128xf32>
    tpu.vector_store %arg4[%swap3A_1221, %swap3A_1222], %exp23A_1220 {strides = array<i32>} : memref<32768x128xf32, #tpu.memory_space<vmem>>, vector<128x128xf32>,
    %get3A_1224 = arith.constant 0 : index
    %get3A_1225 = arith.constant 67 : index
    %get3A_1226 = vector.load %arg5[%get3A_1224, %get3A_1225] : memref<128x256xf32, #tpu.memory_space<vmem>>, vector<128x1xf32>
    %get3A_1227 = arith.constant 0 : index
    %get3A_1228 = arith.constant 0 : index
    %get3A_1229 = vector.load %arg2[%get3A_1227, %get3A_1228] : memref<1x128xf32, #tpu.memory_space<vmem>>, vector<1x128xf32>
    %sub3A_1230 = vector.broadcast %get3A_1226 : vector<128x1xf32> to vector<128x128xf32>
    %sub3A_1231 = vector.broadcast %get3A_1229 : vector<1x128xf32> to vector<128x128xf32>
    %sub3A_1232 = arith.subf %sub3A_1230, %sub3A_1231 : vector<128x128xf32>
    %mul3A_1233 = arith.mulf %sub3A_1232, %sub3A_1232 : vector<128x128xf32>
    %mul3A_1234 = vector.broadcast %mul3A_8 : vector<1x128xf32> to vector<128x128xf32>
    %mul3A_1235 = arith.mulf %mul3A_1233, %mul3A_1234 : vector<128x128xf32>
    %add3A_1236 = vector.broadcast %mul3A_14 : vector<1x128xf32> to vector<128x128xf32>
    %add3A_1237 = arith.addf %mul3A_1235, %add3A_1236 : vector<128x128xf32>
    %exp23A_1238 = math.exp2 %add3A_1237 : vector<128x128xf32>
    %swap3A_1239 = arith.constant 8576 : index
    %swap3A_1240 = arith.constant 0 : index
    %swap3A_1241 = vector.load %arg4[%swap3A_1239, %swap3A_1240] : memref<32768x128xf32, #tpu.memory_space<vmem>>, vector<128x128xf32>
    tpu.vector_store %arg4[%swap3A_1239, %swap3A_1240], %exp23A_1238 {strides = array<i32>} : memref<32768x128xf32, #tpu.memory_space<vmem>>, vector<128x128xf32>,
    %get3A_1242 = arith.constant 0 : index
    %get3A_1243 = arith.constant 68 : index
    %get3A_1244 = vector.load %arg5[%get3A_1242, %get3A_1243] : memref<128x256xf32, #tpu.memory_space<vmem>>, vector<128x1xf32>
    %get3A_1245 = arith.constant 0 : index
    %get3A_1246 = arith.constant 0 : index
    %get3A_1247 = vector.load %arg2[%get3A_1245, %get3A_1246] : memref<1x128xf32, #tpu.memory_space<vmem>>, vector<1x128xf32>
    %sub3A_1248 = vector.broadcast %get3A_1244 : vector<128x1xf32> to vector<128x128xf32>
    %sub3A_1249 = vector.broadcast %get3A_1247 : vector<1x128xf32> to vector<128x128xf32>
    %sub3A_1250 = arith.subf %sub3A_1248, %sub3A_1249 : vector<128x128xf32>
    %mul3A_1251 = arith.mulf %sub3A_1250, %sub3A_1250 : vector<128x128xf32>
    %mul3A_1252 = vector.broadcast %mul3A_8 : vector<1x128xf32> to vector<128x128xf32>
    %mul3A_1253 = arith.mulf %mul3A_1251, %mul3A_1252 : vector<128x128xf32>
    %add3A_1254 = vector.broadcast %mul3A_14 : vector<1x128xf32> to vector<128x128xf32>
    %add3A_1255 = arith.addf %mul3A_1253, %add3A_1254 : vector<128x128xf32>
    %exp23A_1256 = math.exp2 %add3A_1255 : vector<128x128xf32>
    %swap3A_1257 = arith.constant 8704 : index
    %swap3A_1258 = arith.constant 0 : index
    %swap3A_1259 = vector.load %arg4[%swap3A_1257, %swap3A_1258] : memref<32768x128xf32, #tpu.memory_space<vmem>>, vector<128x128xf32>
    tpu.vector_store %arg4[%swap3A_1257, %swap3A_1258], %exp23A_1256 {strides = array<i32>} : memref<32768x128xf32, #tpu.memory_space<vmem>>, vector<128x128xf32>,
    %get3A_1260 = arith.constant 0 : index
    %get3A_1261 = arith.constant 69 : index
    %get3A_1262 = vector.load %arg5[%get3A_1260, %get3A_1261] : memref<128x256xf32, #tpu.memory_space<vmem>>, vector<128x1xf32>
    %get3A_1263 = arith.constant 0 : index
    %get3A_1264 = arith.constant 0 : index
    %get3A_1265 = vector.load %arg2[%get3A_1263, %get3A_1264] : memref<1x128xf32, #tpu.memory_space<vmem>>, vector<1x128xf32>
    %sub3A_1266 = vector.broadcast %get3A_1262 : vector<128x1xf32> to vector<128x128xf32>
    %sub3A_1267 = vector.broadcast %get3A_1265 : vector<1x128xf32> to vector<128x128xf32>
    %sub3A_1268 = arith.subf %sub3A_1266, %sub3A_1267 : vector<128x128xf32>
    %mul3A_1269 = arith.mulf %sub3A_1268, %sub3A_1268 : vector<128x128xf32>
    %mul3A_1270 = vector.broadcast %mul3A_8 : vector<1x128xf32> to vector<128x128xf32>
    %mul3A_1271 = arith.mulf %mul3A_1269, %mul3A_1270 : vector<128x128xf32>
    %add3A_1272 = vector.broadcast %mul3A_14 : vector<1x128xf32> to vector<128x128xf32>
    %add3A_1273 = arith.addf %mul3A_1271, %add3A_1272 : vector<128x128xf32>
    %exp23A_1274 = math.exp2 %add3A_1273 : vector<128x128xf32>
    %swap3A_1275 = arith.constant 8832 : index
    %swap3A_1276 = arith.constant 0 : index
    %swap3A_1277 = vector.load %arg4[%swap3A_1275, %swap3A_1276] : memref<32768x128xf32, #tpu.memory_space<vmem>>, vector<128x128xf32>
    tpu.vector_store %arg4[%swap3A_1275, %swap3A_1276], %exp23A_1274 {strides = array<i32>} : memref<32768x128xf32, #tpu.memory_space<vmem>>, vector<128x128xf32>,
    %get3A_1278 = arith.constant 0 : index
    %get3A_1279 = arith.constant 70 : index
    %get3A_1280 = vector.load %arg5[%get3A_1278, %get3A_1279] : memref<128x256xf32, #tpu.memory_space<vmem>>, vector<128x1xf32>
    %get3A_1281 = arith.constant 0 : index
    %get3A_1282 = arith.constant 0 : index
    %get3A_1283 = vector.load %arg2[%get3A_1281, %get3A_1282] : memref<1x128xf32, #tpu.memory_space<vmem>>, vector<1x128xf32>
    %sub3A_1284 = vector.broadcast %get3A_1280 : vector<128x1xf32> to vector<128x128xf32>
    %sub3A_1285 = vector.broadcast %get3A_1283 : vector<1x128xf32> to vector<128x128xf32>
    %sub3A_1286 = arith.subf %sub3A_1284, %sub3A_1285 : vector<128x128xf32>
    %mul3A_1287 = arith.mulf %sub3A_1286, %sub3A_1286 : vector<128x128xf32>
    %mul3A_1288 = vector.broadcast %mul3A_8 : vector<1x128xf32> to vector<128x128xf32>
    %mul3A_1289 = arith.mulf %mul3A_1287, %mul3A_1288 : vector<128x128xf32>
    %add3A_1290 = vector.broadcast %mul3A_14 : vector<1x128xf32> to vector<128x128xf32>
    %add3A_1291 = arith.addf %mul3A_1289, %add3A_1290 : vector<128x128xf32>
    %exp23A_1292 = math.exp2 %add3A_1291 : vector<128x128xf32>
    %swap3A_1293 = arith.constant 8960 : index
    %swap3A_1294 = arith.constant 0 : index
    %swap3A_1295 = vector.load %arg4[%swap3A_1293, %swap3A_1294] : memref<32768x128xf32, #tpu.memory_space<vmem>>, vector<128x128xf32>
    tpu.vector_store %arg4[%swap3A_1293, %swap3A_1294], %exp23A_1292 {strides = array<i32>} : memref<32768x128xf32, #tpu.memory_space<vmem>>, vector<128x128xf32>,
    %get3A_1296 = arith.constant 0 : index
    %get3A_1297 = arith.constant 71 : index
    %get3A_1298 = vector.load %arg5[%get3A_1296, %get3A_1297] : memref<128x256xf32, #tpu.memory_space<vmem>>, vector<128x1xf32>
    %get3A_1299 = arith.constant 0 : index
    %get3A_1300 = arith.constant 0 : index
    %get3A_1301 = vector.load %arg2[%get3A_1299, %get3A_1300] : memref<1x128xf32, #tpu.memory_space<vmem>>, vector<1x128xf32>
    %sub3A_1302 = vector.broadcast %get3A_1298 : vector<128x1xf32> to vector<128x128xf32>
    %sub3A_1303 = vector.broadcast %get3A_1301 : vector<1x128xf32> to vector<128x128xf32>
    %sub3A_1304 = arith.subf %sub3A_1302, %sub3A_1303 : vector<128x128xf32>
    %mul3A_1305 = arith.mulf %sub3A_1304, %sub3A_1304 : vector<128x128xf32>
    %mul3A_1306 = vector.broadcast %mul3A_8 : vector<1x128xf32> to vector<128x128xf32>
    %mul3A_1307 = arith.mulf %mul3A_1305, %mul3A_1306 : vector<128x128xf32>
    %add3A_1308 = vector.broadcast %mul3A_14 : vector<1x128xf32> to vector<128x128xf32>
    %add3A_1309 = arith.addf %mul3A_1307, %add3A_1308 : vector<128x128xf32>
    %exp23A_1310 = math.exp2 %add3A_1309 : vector<128x128xf32>
    %swap3A_1311 = arith.constant 9088 : index
    %swap3A_1312 = arith.constant 0 : index
    %swap3A_1313 = vector.load %arg4[%swap3A_1311, %swap3A_1312] : memref<32768x128xf32, #tpu.memory_space<vmem>>, vector<128x128xf32>
    tpu.vector_store %arg4[%swap3A_1311, %swap3A_1312], %exp23A_1310 {strides = array<i32>} : memref<32768x128xf32, #tpu.memory_space<vmem>>, vector<128x128xf32>,
    %get3A_1314 = arith.constant 0 : index
    %get3A_1315 = arith.constant 72 : index
    %get3A_1316 = vector.load %arg5[%get3A_1314, %get3A_1315] : memref<128x256xf32, #tpu.memory_space<vmem>>, vector<128x1xf32>
    %get3A_1317 = arith.constant 0 : index
    %get3A_1318 = arith.constant 0 : index
    %get3A_1319 = vector.load %arg2[%get3A_1317, %get3A_1318] : memref<1x128xf32, #tpu.memory_space<vmem>>, vector<1x128xf32>
    %sub3A_1320 = vector.broadcast %get3A_1316 : vector<128x1xf32> to vector<128x128xf32>
    %sub3A_1321 = vector.broadcast %get3A_1319 : vector<1x128xf32> to vector<128x128xf32>
    %sub3A_1322 = arith.subf %sub3A_1320, %sub3A_1321 : vector<128x128xf32>
    %mul3A_1323 = arith.mulf %sub3A_1322, %sub3A_1322 : vector<128x128xf32>
    %mul3A_1324 = vector.broadcast %mul3A_8 : vector<1x128xf32> to vector<128x128xf32>
    %mul3A_1325 = arith.mulf %mul3A_1323, %mul3A_1324 : vector<128x128xf32>
    %add3A_1326 = vector.broadcast %mul3A_14 : vector<1x128xf32> to vector<128x128xf32>
    %add3A_1327 = arith.addf %mul3A_1325, %add3A_1326 : vector<128x128xf32>
    %exp23A_1328 = math.exp2 %add3A_1327 : vector<128x128xf32>
    %swap3A_1329 = arith.constant 9216 : index
    %swap3A_1330 = arith.constant 0 : index
    %swap3A_1331 = vector.load %arg4[%swap3A_1329, %swap3A_1330] : memref<32768x128xf32, #tpu.memory_space<vmem>>, vector<128x128xf32>
    tpu.vector_store %arg4[%swap3A_1329, %swap3A_1330], %exp23A_1328 {strides = array<i32>} : memref<32768x128xf32, #tpu.memory_space<vmem>>, vector<128x128xf32>,
    %get3A_1332 = arith.constant 0 : index
    %get3A_1333 = arith.constant 73 : index
    %get3A_1334 = vector.load %arg5[%get3A_1332, %get3A_1333] : memref<128x256xf32, #tpu.memory_space<vmem>>, vector<128x1xf32>
    %get3A_1335 = arith.constant 0 : index
    %get3A_1336 = arith.constant 0 : index
    %get3A_1337 = vector.load %arg2[%get3A_1335, %get3A_1336] : memref<1x128xf32, #tpu.memory_space<vmem>>, vector<1x128xf32>
    %sub3A_1338 = vector.broadcast %get3A_1334 : vector<128x1xf32> to vector<128x128xf32>
    %sub3A_1339 = vector.broadcast %get3A_1337 : vector<1x128xf32> to vector<128x128xf32>
    %sub3A_1340 = arith.subf %sub3A_1338, %sub3A_1339 : vector<128x128xf32>
    %mul3A_1341 = arith.mulf %sub3A_1340, %sub3A_1340 : vector<128x128xf32>
    %mul3A_1342 = vector.broadcast %mul3A_8 : vector<1x128xf32> to vector<128x128xf32>
    %mul3A_1343 = arith.mulf %mul3A_1341, %mul3A_1342 : vector<128x128xf32>
    %add3A_1344 = vector.broadcast %mul3A_14 : vector<1x128xf32> to vector<128x128xf32>
    %add3A_1345 = arith.addf %mul3A_1343, %add3A_1344 : vector<128x128xf32>
    %exp23A_1346 = math.exp2 %add3A_1345 : vector<128x128xf32>
    %swap3A_1347 = arith.constant 9344 : index
    %swap3A_1348 = arith.constant 0 : index
    %swap3A_1349 = vector.load %arg4[%swap3A_1347, %swap3A_1348] : memref<32768x128xf32, #tpu.memory_space<vmem>>, vector<128x128xf32>
    tpu.vector_store %arg4[%swap3A_1347, %swap3A_1348], %exp23A_1346 {strides = array<i32>} : memref<32768x128xf32, #tpu.memory_space<vmem>>, vector<128x128xf32>,
    %get3A_1350 = arith.constant 0 : index
    %get3A_1351 = arith.constant 74 : index
    %get3A_1352 = vector.load %arg5[%get3A_1350, %get3A_1351] : memref<128x256xf32, #tpu.memory_space<vmem>>, vector<128x1xf32>
    %get3A_1353 = arith.constant 0 : index
    %get3A_1354 = arith.constant 0 : index
    %get3A_1355 = vector.load %arg2[%get3A_1353, %get3A_1354] : memref<1x128xf32, #tpu.memory_space<vmem>>, vector<1x128xf32>
    %sub3A_1356 = vector.broadcast %get3A_1352 : vector<128x1xf32> to vector<128x128xf32>
    %sub3A_1357 = vector.broadcast %get3A_1355 : vector<1x128xf32> to vector<128x128xf32>
    %sub3A_1358 = arith.subf %sub3A_1356, %sub3A_1357 : vector<128x128xf32>
    %mul3A_1359 = arith.mulf %sub3A_1358, %sub3A_1358 : vector<128x128xf32>
    %mul3A_1360 = vector.broadcast %mul3A_8 : vector<1x128xf32> to vector<128x128xf32>
    %mul3A_1361 = arith.mulf %mul3A_1359, %mul3A_1360 : vector<128x128xf32>
    %add3A_1362 = vector.broadcast %mul3A_14 : vector<1x128xf32> to vector<128x128xf32>
    %add3A_1363 = arith.addf %mul3A_1361, %add3A_1362 : vector<128x128xf32>
    %exp23A_1364 = math.exp2 %add3A_1363 : vector<128x128xf32>
    %swap3A_1365 = arith.constant 9472 : index
    %swap3A_1366 = arith.constant 0 : index
    %swap3A_1367 = vector.load %arg4[%swap3A_1365, %swap3A_1366] : memref<32768x128xf32, #tpu.memory_space<vmem>>, vector<128x128xf32>
    tpu.vector_store %arg4[%swap3A_1365, %swap3A_1366], %exp23A_1364 {strides = array<i32>} : memref<32768x128xf32, #tpu.memory_space<vmem>>, vector<128x128xf32>,
    %get3A_1368 = arith.constant 0 : index
    %get3A_1369 = arith.constant 75 : index
    %get3A_1370 = vector.load %arg5[%get3A_1368, %get3A_1369] : memref<128x256xf32, #tpu.memory_space<vmem>>, vector<128x1xf32>
    %get3A_1371 = arith.constant 0 : index
    %get3A_1372 = arith.constant 0 : index
    %get3A_1373 = vector.load %arg2[%get3A_1371, %get3A_1372] : memref<1x128xf32, #tpu.memory_space<vmem>>, vector<1x128xf32>
    %sub3A_1374 = vector.broadcast %get3A_1370 : vector<128x1xf32> to vector<128x128xf32>
    %sub3A_1375 = vector.broadcast %get3A_1373 : vector<1x128xf32> to vector<128x128xf32>
    %sub3A_1376 = arith.subf %sub3A_1374, %sub3A_1375 : vector<128x128xf32>
    %mul3A_1377 = arith.mulf %sub3A_1376, %sub3A_1376 : vector<128x128xf32>
    %mul3A_1378 = vector.broadcast %mul3A_8 : vector<1x128xf32> to vector<128x128xf32>
    %mul3A_1379 = arith.mulf %mul3A_1377, %mul3A_1378 : vector<128x128xf32>
    %add3A_1380 = vector.broadcast %mul3A_14 : vector<1x128xf32> to vector<128x128xf32>
    %add3A_1381 = arith.addf %mul3A_1379, %add3A_1380 : vector<128x128xf32>
    %exp23A_1382 = math.exp2 %add3A_1381 : vector<128x128xf32>
    %swap3A_1383 = arith.constant 9600 : index
    %swap3A_1384 = arith.constant 0 : index
    %swap3A_1385 = vector.load %arg4[%swap3A_1383, %swap3A_1384] : memref<32768x128xf32, #tpu.memory_space<vmem>>, vector<128x128xf32>
    tpu.vector_store %arg4[%swap3A_1383, %swap3A_1384], %exp23A_1382 {strides = array<i32>} : memref<32768x128xf32, #tpu.memory_space<vmem>>, vector<128x128xf32>,
    %get3A_1386 = arith.constant 0 : index
    %get3A_1387 = arith.constant 76 : index
    %get3A_1388 = vector.load %arg5[%get3A_1386, %get3A_1387] : memref<128x256xf32, #tpu.memory_space<vmem>>, vector<128x1xf32>
    %get3A_1389 = arith.constant 0 : index
    %get3A_1390 = arith.constant 0 : index
    %get3A_1391 = vector.load %arg2[%get3A_1389, %get3A_1390] : memref<1x128xf32, #tpu.memory_space<vmem>>, vector<1x128xf32>
    %sub3A_1392 = vector.broadcast %get3A_1388 : vector<128x1xf32> to vector<128x128xf32>
    %sub3A_1393 = vector.broadcast %get3A_1391 : vector<1x128xf32> to vector<128x128xf32>
    %sub3A_1394 = arith.subf %sub3A_1392, %sub3A_1393 : vector<128x128xf32>
    %mul3A_1395 = arith.mulf %sub3A_1394, %sub3A_1394 : vector<128x128xf32>
    %mul3A_1396 = vector.broadcast %mul3A_8 : vector<1x128xf32> to vector<128x128xf32>
    %mul3A_1397 = arith.mulf %mul3A_1395, %mul3A_1396 : vector<128x128xf32>
    %add3A_1398 = vector.broadcast %mul3A_14 : vector<1x128xf32> to vector<128x128xf32>
    %add3A_1399 = arith.addf %mul3A_1397, %add3A_1398 : vector<128x128xf32>
    %exp23A_1400 = math.exp2 %add3A_1399 : vector<128x128xf32>
    %swap3A_1401 = arith.constant 9728 : index
    %swap3A_1402 = arith.constant 0 : index
    %swap3A_1403 = vector.load %arg4[%swap3A_1401, %swap3A_1402] : memref<32768x128xf32, #tpu.memory_space<vmem>>, vector<128x128xf32>
    tpu.vector_store %arg4[%swap3A_1401, %swap3A_1402], %exp23A_1400 {strides = array<i32>} : memref<32768x128xf32, #tpu.memory_space<vmem>>, vector<128x128xf32>,
    %get3A_1404 = arith.constant 0 : index
    %get3A_1405 = arith.constant 77 : index
    %get3A_1406 = vector.load %arg5[%get3A_1404, %get3A_1405] : memref<128x256xf32, #tpu.memory_space<vmem>>, vector<128x1xf32>
    %get3A_1407 = arith.constant 0 : index
    %get3A_1408 = arith.constant 0 : index
    %get3A_1409 = vector.load %arg2[%get3A_1407, %get3A_1408] : memref<1x128xf32, #tpu.memory_space<vmem>>, vector<1x128xf32>
    %sub3A_1410 = vector.broadcast %get3A_1406 : vector<128x1xf32> to vector<128x128xf32>
    %sub3A_1411 = vector.broadcast %get3A_1409 : vector<1x128xf32> to vector<128x128xf32>
    %sub3A_1412 = arith.subf %sub3A_1410, %sub3A_1411 : vector<128x128xf32>
    %mul3A_1413 = arith.mulf %sub3A_1412, %sub3A_1412 : vector<128x128xf32>
    %mul3A_1414 = vector.broadcast %mul3A_8 : vector<1x128xf32> to vector<128x128xf32>
    %mul3A_1415 = arith.mulf %mul3A_1413, %mul3A_1414 : vector<128x128xf32>
    %add3A_1416 = vector.broadcast %mul3A_14 : vector<1x128xf32> to vector<128x128xf32>
    %add3A_1417 = arith.addf %mul3A_1415, %add3A_1416 : vector<128x128xf32>
    %exp23A_1418 = math.exp2 %add3A_1417 : vector<128x128xf32>
    %swap3A_1419 = arith.constant 9856 : index
    %swap3A_1420 = arith.constant 0 : index
    %swap3A_1421 = vector.load %arg4[%swap3A_1419, %swap3A_1420] : memref<32768x128xf32, #tpu.memory_space<vmem>>, vector<128x128xf32>
    tpu.vector_store %arg4[%swap3A_1419, %swap3A_1420], %exp23A_1418 {strides = array<i32>} : memref<32768x128xf32, #tpu.memory_space<vmem>>, vector<128x128xf32>,
    %get3A_1422 = arith.constant 0 : index
    %get3A_1423 = arith.constant 78 : index
    %get3A_1424 = vector.load %arg5[%get3A_1422, %get3A_1423] : memref<128x256xf32, #tpu.memory_space<vmem>>, vector<128x1xf32>
    %get3A_1425 = arith.constant 0 : index
    %get3A_1426 = arith.constant 0 : index
    %get3A_1427 = vector.load %arg2[%get3A_1425, %get3A_1426] : memref<1x128xf32, #tpu.memory_space<vmem>>, vector<1x128xf32>
    %sub3A_1428 = vector.broadcast %get3A_1424 : vector<128x1xf32> to vector<128x128xf32>
    %sub3A_1429 = vector.broadcast %get3A_1427 : vector<1x128xf32> to vector<128x128xf32>
    %sub3A_1430 = arith.subf %sub3A_1428, %sub3A_1429 : vector<128x128xf32>
    %mul3A_1431 = arith.mulf %sub3A_1430, %sub3A_1430 : vector<128x128xf32>
    %mul3A_1432 = vector.broadcast %mul3A_8 : vector<1x128xf32> to vector<128x128xf32>
    %mul3A_1433 = arith.mulf %mul3A_1431, %mul3A_1432 : vector<128x128xf32>
    %add3A_1434 = vector.broadcast %mul3A_14 : vector<1x128xf32> to vector<128x128xf32>
    %add3A_1435 = arith.addf %mul3A_1433, %add3A_1434 : vector<128x128xf32>
    %exp23A_1436 = math.exp2 %add3A_1435 : vector<128x128xf32>
    %swap3A_1437 = arith.constant 9984 : index
    %swap3A_1438 = arith.constant 0 : index
    %swap3A_1439 = vector.load %arg4[%swap3A_1437, %swap3A_1438] : memref<32768x128xf32, #tpu.memory_space<vmem>>, vector<128x128xf32>
    tpu.vector_store %arg4[%swap3A_1437, %swap3A_1438], %exp23A_1436 {strides = array<i32>} : memref<32768x128xf32, #tpu.memory_space<vmem>>, vector<128x128xf32>,
    %get3A_1440 = arith.constant 0 : index
    %get3A_1441 = arith.constant 79 : index
    %get3A_1442 = vector.load %arg5[%get3A_1440, %get3A_1441] : memref<128x256xf32, #tpu.memory_space<vmem>>, vector<128x1xf32>
    %get3A_1443 = arith.constant 0 : index
    %get3A_1444 = arith.constant 0 : index
    %get3A_1445 = vector.load %arg2[%get3A_1443, %get3A_1444] : memref<1x128xf32, #tpu.memory_space<vmem>>, vector<1x128xf32>
    %sub3A_1446 = vector.broadcast %get3A_1442 : vector<128x1xf32> to vector<128x128xf32>
    %sub3A_1447 = vector.broadcast %get3A_1445 : vector<1x128xf32> to vector<128x128xf32>
    %sub3A_1448 = arith.subf %sub3A_1446, %sub3A_1447 : vector<128x128xf32>
    %mul3A_1449 = arith.mulf %sub3A_1448, %sub3A_1448 : vector<128x128xf32>
    %mul3A_1450 = vector.broadcast %mul3A_8 : vector<1x128xf32> to vector<128x128xf32>
    %mul3A_1451 = arith.mulf %mul3A_1449, %mul3A_1450 : vector<128x128xf32>
    %add3A_1452 = vector.broadcast %mul3A_14 : vector<1x128xf32> to vector<128x128xf32>
    %add3A_1453 = arith.addf %mul3A_1451, %add3A_1452 : vector<128x128xf32>
    %exp23A_1454 = math.exp2 %add3A_1453 : vector<128x128xf32>
    %swap3A_1455 = arith.constant 10112 : index
    %swap3A_1456 = arith.constant 0 : index
    %swap3A_1457 = vector.load %arg4[%swap3A_1455, %swap3A_1456] : memref<32768x128xf32, #tpu.memory_space<vmem>>, vector<128x128xf32>
    tpu.vector_store %arg4[%swap3A_1455, %swap3A_1456], %exp23A_1454 {strides = array<i32>} : memref<32768x128xf32, #tpu.memory_space<vmem>>, vector<128x128xf32>,
    %get3A_1458 = arith.constant 0 : index
    %get3A_1459 = arith.constant 80 : index
    %get3A_1460 = vector.load %arg5[%get3A_1458, %get3A_1459] : memref<128x256xf32, #tpu.memory_space<vmem>>, vector<128x1xf32>
    %get3A_1461 = arith.constant 0 : index
    %get3A_1462 = arith.constant 0 : index
    %get3A_1463 = vector.load %arg2[%get3A_1461, %get3A_1462] : memref<1x128xf32, #tpu.memory_space<vmem>>, vector<1x128xf32>
    %sub3A_1464 = vector.broadcast %get3A_1460 : vector<128x1xf32> to vector<128x128xf32>
    %sub3A_1465 = vector.broadcast %get3A_1463 : vector<1x128xf32> to vector<128x128xf32>
    %sub3A_1466 = arith.subf %sub3A_1464, %sub3A_1465 : vector<128x128xf32>
    %mul3A_1467 = arith.mulf %sub3A_1466, %sub3A_1466 : vector<128x128xf32>
    %mul3A_1468 = vector.broadcast %mul3A_8 : vector<1x128xf32> to vector<128x128xf32>
    %mul3A_1469 = arith.mulf %mul3A_1467, %mul3A_1468 : vector<128x128xf32>
    %add3A_1470 = vector.broadcast %mul3A_14 : vector<1x128xf32> to vector<128x128xf32>
    %add3A_1471 = arith.addf %mul3A_1469, %add3A_1470 : vector<128x128xf32>
    %exp23A_1472 = math.exp2 %add3A_1471 : vector<128x128xf32>
    %swap3A_1473 = arith.constant 10240 : index
    %swap3A_1474 = arith.constant 0 : index
    %swap3A_1475 = vector.load %arg4[%swap3A_1473, %swap3A_1474] : memref<32768x128xf32, #tpu.memory_space<vmem>>, vector<128x128xf32>
    tpu.vector_store %arg4[%swap3A_1473, %swap3A_1474], %exp23A_1472 {strides = array<i32>} : memref<32768x128xf32, #tpu.memory_space<vmem>>, vector<128x128xf32>,
    %get3A_1476 = arith.constant 0 : index
    %get3A_1477 = arith.constant 81 : index
    %get3A_1478 = vector.load %arg5[%get3A_1476, %get3A_1477] : memref<128x256xf32, #tpu.memory_space<vmem>>, vector<128x1xf32>
    %get3A_1479 = arith.constant 0 : index
    %get3A_1480 = arith.constant 0 : index
    %get3A_1481 = vector.load %arg2[%get3A_1479, %get3A_1480] : memref<1x128xf32, #tpu.memory_space<vmem>>, vector<1x128xf32>
    %sub3A_1482 = vector.broadcast %get3A_1478 : vector<128x1xf32> to vector<128x128xf32>
    %sub3A_1483 = vector.broadcast %get3A_1481 : vector<1x128xf32> to vector<128x128xf32>
    %sub3A_1484 = arith.subf %sub3A_1482, %sub3A_1483 : vector<128x128xf32>
    %mul3A_1485 = arith.mulf %sub3A_1484, %sub3A_1484 : vector<128x128xf32>
    %mul3A_1486 = vector.broadcast %mul3A_8 : vector<1x128xf32> to vector<128x128xf32>
    %mul3A_1487 = arith.mulf %mul3A_1485, %mul3A_1486 : vector<128x128xf32>
    %add3A_1488 = vector.broadcast %mul3A_14 : vector<1x128xf32> to vector<128x128xf32>
    %add3A_1489 = arith.addf %mul3A_1487, %add3A_1488 : vector<128x128xf32>
    %exp23A_1490 = math.exp2 %add3A_1489 : vector<128x128xf32>
    %swap3A_1491 = arith.constant 10368 : index
    %swap3A_1492 = arith.constant 0 : index
    %swap3A_1493 = vector.load %arg4[%swap3A_1491, %swap3A_1492] : memref<32768x128xf32, #tpu.memory_space<vmem>>, vector<128x128xf32>
    tpu.vector_store %arg4[%swap3A_1491, %swap3A_1492], %exp23A_1490 {strides = array<i32>} : memref<32768x128xf32, #tpu.memory_space<vmem>>, vector<128x128xf32>,
    %get3A_1494 = arith.constant 0 : index
    %get3A_1495 = arith.constant 82 : index
    %get3A_1496 = vector.load %arg5[%get3A_1494, %get3A_1495] : memref<128x256xf32, #tpu.memory_space<vmem>>, vector<128x1xf32>
    %get3A_1497 = arith.constant 0 : index
    %get3A_1498 = arith.constant 0 : index
    %get3A_1499 = vector.load %arg2[%get3A_1497, %get3A_1498] : memref<1x128xf32, #tpu.memory_space<vmem>>, vector<1x128xf32>
    %sub3A_1500 = vector.broadcast %get3A_1496 : vector<128x1xf32> to vector<128x128xf32>
    %sub3A_1501 = vector.broadcast %get3A_1499 : vector<1x128xf32> to vector<128x128xf32>
    %sub3A_1502 = arith.subf %sub3A_1500, %sub3A_1501 : vector<128x128xf32>
    %mul3A_1503 = arith.mulf %sub3A_1502, %sub3A_1502 : vector<128x128xf32>
    %mul3A_1504 = vector.broadcast %mul3A_8 : vector<1x128xf32> to vector<128x128xf32>
    %mul3A_1505 = arith.mulf %mul3A_1503, %mul3A_1504 : vector<128x128xf32>
    %add3A_1506 = vector.broadcast %mul3A_14 : vector<1x128xf32> to vector<128x128xf32>
    %add3A_1507 = arith.addf %mul3A_1505, %add3A_1506 : vector<128x128xf32>
    %exp23A_1508 = math.exp2 %add3A_1507 : vector<128x128xf32>
    %swap3A_1509 = arith.constant 10496 : index
    %swap3A_1510 = arith.constant 0 : index
    %swap3A_1511 = vector.load %arg4[%swap3A_1509, %swap3A_1510] : memref<32768x128xf32, #tpu.memory_space<vmem>>, vector<128x128xf32>
    tpu.vector_store %arg4[%swap3A_1509, %swap3A_1510], %exp23A_1508 {strides = array<i32>} : memref<32768x128xf32, #tpu.memory_space<vmem>>, vector<128x128xf32>,
    %get3A_1512 = arith.constant 0 : index
    %get3A_1513 = arith.constant 83 : index
    %get3A_1514 = vector.load %arg5[%get3A_1512, %get3A_1513] : memref<128x256xf32, #tpu.memory_space<vmem>>, vector<128x1xf32>
    %get3A_1515 = arith.constant 0 : index
    %get3A_1516 = arith.constant 0 : index
    %get3A_1517 = vector.load %arg2[%get3A_1515, %get3A_1516] : memref<1x128xf32, #tpu.memory_space<vmem>>, vector<1x128xf32>
    %sub3A_1518 = vector.broadcast %get3A_1514 : vector<128x1xf32> to vector<128x128xf32>
    %sub3A_1519 = vector.broadcast %get3A_1517 : vector<1x128xf32> to vector<128x128xf32>
    %sub3A_1520 = arith.subf %sub3A_1518, %sub3A_1519 : vector<128x128xf32>
    %mul3A_1521 = arith.mulf %sub3A_1520, %sub3A_1520 : vector<128x128xf32>
    %mul3A_1522 = vector.broadcast %mul3A_8 : vector<1x128xf32> to vector<128x128xf32>
    %mul3A_1523 = arith.mulf %mul3A_1521, %mul3A_1522 : vector<128x128xf32>
    %add3A_1524 = vector.broadcast %mul3A_14 : vector<1x128xf32> to vector<128x128xf32>
    %add3A_1525 = arith.addf %mul3A_1523, %add3A_1524 : vector<128x128xf32>
    %exp23A_1526 = math.exp2 %add3A_1525 : vector<128x128xf32>
    %swap3A_1527 = arith.constant 10624 : index
    %swap3A_1528 = arith.constant 0 : index
    %swap3A_1529 = vector.load %arg4[%swap3A_1527, %swap3A_1528] : memref<32768x128xf32, #tpu.memory_space<vmem>>, vector<128x128xf32>
    tpu.vector_store %arg4[%swap3A_1527, %swap3A_1528], %exp23A_1526 {strides = array<i32>} : memref<32768x128xf32, #tpu.memory_space<vmem>>, vector<128x128xf32>,
    %get3A_1530 = arith.constant 0 : index
    %get3A_1531 = arith.constant 84 : index
    %get3A_1532 = vector.load %arg5[%get3A_1530, %get3A_1531] : memref<128x256xf32, #tpu.memory_space<vmem>>, vector<128x1xf32>
    %get3A_1533 = arith.constant 0 : index
    %get3A_1534 = arith.constant 0 : index
    %get3A_1535 = vector.load %arg2[%get3A_1533, %get3A_1534] : memref<1x128xf32, #tpu.memory_space<vmem>>, vector<1x128xf32>
    %sub3A_1536 = vector.broadcast %get3A_1532 : vector<128x1xf32> to vector<128x128xf32>
    %sub3A_1537 = vector.broadcast %get3A_1535 : vector<1x128xf32> to vector<128x128xf32>
    %sub3A_1538 = arith.subf %sub3A_1536, %sub3A_1537 : vector<128x128xf32>
    %mul3A_1539 = arith.mulf %sub3A_1538, %sub3A_1538 : vector<128x128xf32>
    %mul3A_1540 = vector.broadcast %mul3A_8 : vector<1x128xf32> to vector<128x128xf32>
    %mul3A_1541 = arith.mulf %mul3A_1539, %mul3A_1540 : vector<128x128xf32>
    %add3A_1542 = vector.broadcast %mul3A_14 : vector<1x128xf32> to vector<128x128xf32>
    %add3A_1543 = arith.addf %mul3A_1541, %add3A_1542 : vector<128x128xf32>
    %exp23A_1544 = math.exp2 %add3A_1543 : vector<128x128xf32>
    %swap3A_1545 = arith.constant 10752 : index
    %swap3A_1546 = arith.constant 0 : index
    %swap3A_1547 = vector.load %arg4[%swap3A_1545, %swap3A_1546] : memref<32768x128xf32, #tpu.memory_space<vmem>>, vector<128x128xf32>
    tpu.vector_store %arg4[%swap3A_1545, %swap3A_1546], %exp23A_1544 {strides = array<i32>} : memref<32768x128xf32, #tpu.memory_space<vmem>>, vector<128x128xf32>,
    %get3A_1548 = arith.constant 0 : index
    %get3A_1549 = arith.constant 85 : index
    %get3A_1550 = vector.load %arg5[%get3A_1548, %get3A_1549] : memref<128x256xf32, #tpu.memory_space<vmem>>, vector<128x1xf32>
    %get3A_1551 = arith.constant 0 : index
    %get3A_1552 = arith.constant 0 : index
    %get3A_1553 = vector.load %arg2[%get3A_1551, %get3A_1552] : memref<1x128xf32, #tpu.memory_space<vmem>>, vector<1x128xf32>
    %sub3A_1554 = vector.broadcast %get3A_1550 : vector<128x1xf32> to vector<128x128xf32>
    %sub3A_1555 = vector.broadcast %get3A_1553 : vector<1x128xf32> to vector<128x128xf32>
    %sub3A_1556 = arith.subf %sub3A_1554, %sub3A_1555 : vector<128x128xf32>
    %mul3A_1557 = arith.mulf %sub3A_1556, %sub3A_1556 : vector<128x128xf32>
    %mul3A_1558 = vector.broadcast %mul3A_8 : vector<1x128xf32> to vector<128x128xf32>
    %mul3A_1559 = arith.mulf %mul3A_1557, %mul3A_1558 : vector<128x128xf32>
    %add3A_1560 = vector.broadcast %mul3A_14 : vector<1x128xf32> to vector<128x128xf32>
    %add3A_1561 = arith.addf %mul3A_1559, %add3A_1560 : vector<128x128xf32>
    %exp23A_1562 = math.exp2 %add3A_1561 : vector<128x128xf32>
    %swap3A_1563 = arith.constant 10880 : index
    %swap3A_1564 = arith.constant 0 : index
    %swap3A_1565 = vector.load %arg4[%swap3A_1563, %swap3A_1564] : memref<32768x128xf32, #tpu.memory_space<vmem>>, vector<128x128xf32>
    tpu.vector_store %arg4[%swap3A_1563, %swap3A_1564], %exp23A_1562 {strides = array<i32>} : memref<32768x128xf32, #tpu.memory_space<vmem>>, vector<128x128xf32>,
    %get3A_1566 = arith.constant 0 : index
    %get3A_1567 = arith.constant 86 : index
    %get3A_1568 = vector.load %arg5[%get3A_1566, %get3A_1567] : memref<128x256xf32, #tpu.memory_space<vmem>>, vector<128x1xf32>
    %get3A_1569 = arith.constant 0 : index
    %get3A_1570 = arith.constant 0 : index
    %get3A_1571 = vector.load %arg2[%get3A_1569, %get3A_1570] : memref<1x128xf32, #tpu.memory_space<vmem>>, vector<1x128xf32>
    %sub3A_1572 = vector.broadcast %get3A_1568 : vector<128x1xf32> to vector<128x128xf32>
    %sub3A_1573 = vector.broadcast %get3A_1571 : vector<1x128xf32> to vector<128x128xf32>
    %sub3A_1574 = arith.subf %sub3A_1572, %sub3A_1573 : vector<128x128xf32>
    %mul3A_1575 = arith.mulf %sub3A_1574, %sub3A_1574 : vector<128x128xf32>
    %mul3A_1576 = vector.broadcast %mul3A_8 : vector<1x128xf32> to vector<128x128xf32>
    %mul3A_1577 = arith.mulf %mul3A_1575, %mul3A_1576 : vector<128x128xf32>
    %add3A_1578 = vector.broadcast %mul3A_14 : vector<1x128xf32> to vector<128x128xf32>
    %add3A_1579 = arith.addf %mul3A_1577, %add3A_1578 : vector<128x128xf32>
    %exp23A_1580 = math.exp2 %add3A_1579 : vector<128x128xf32>
    %swap3A_1581 = arith.constant 11008 : index
    %swap3A_1582 = arith.constant 0 : index
    %swap3A_1583 = vector.load %arg4[%swap3A_1581, %swap3A_1582] : memref<32768x128xf32, #tpu.memory_space<vmem>>, vector<128x128xf32>
    tpu.vector_store %arg4[%swap3A_1581, %swap3A_1582], %exp23A_1580 {strides = array<i32>} : memref<32768x128xf32, #tpu.memory_space<vmem>>, vector<128x128xf32>,
    %get3A_1584 = arith.constant 0 : index
    %get3A_1585 = arith.constant 87 : index
    %get3A_1586 = vector.load %arg5[%get3A_1584, %get3A_1585] : memref<128x256xf32, #tpu.memory_space<vmem>>, vector<128x1xf32>
    %get3A_1587 = arith.constant 0 : index
    %get3A_1588 = arith.constant 0 : index
    %get3A_1589 = vector.load %arg2[%get3A_1587, %get3A_1588] : memref<1x128xf32, #tpu.memory_space<vmem>>, vector<1x128xf32>
    %sub3A_1590 = vector.broadcast %get3A_1586 : vector<128x1xf32> to vector<128x128xf32>
    %sub3A_1591 = vector.broadcast %get3A_1589 : vector<1x128xf32> to vector<128x128xf32>
    %sub3A_1592 = arith.subf %sub3A_1590, %sub3A_1591 : vector<128x128xf32>
    %mul3A_1593 = arith.mulf %sub3A_1592, %sub3A_1592 : vector<128x128xf32>
    %mul3A_1594 = vector.broadcast %mul3A_8 : vector<1x128xf32> to vector<128x128xf32>
    %mul3A_1595 = arith.mulf %mul3A_1593, %mul3A_1594 : vector<128x128xf32>
    %add3A_1596 = vector.broadcast %mul3A_14 : vector<1x128xf32> to vector<128x128xf32>
    %add3A_1597 = arith.addf %mul3A_1595, %add3A_1596 : vector<128x128xf32>
    %exp23A_1598 = math.exp2 %add3A_1597 : vector<128x128xf32>
    %swap3A_1599 = arith.constant 11136 : index
    %swap3A_1600 = arith.constant 0 : index
    %swap3A_1601 = vector.load %arg4[%swap3A_1599, %swap3A_1600] : memref<32768x128xf32, #tpu.memory_space<vmem>>, vector<128x128xf32>
    tpu.vector_store %arg4[%swap3A_1599, %swap3A_1600], %exp23A_1598 {strides = array<i32>} : memref<32768x128xf32, #tpu.memory_space<vmem>>, vector<128x128xf32>,
    %get3A_1602 = arith.constant 0 : index
    %get3A_1603 = arith.constant 88 : index
    %get3A_1604 = vector.load %arg5[%get3A_1602, %get3A_1603] : memref<128x256xf32, #tpu.memory_space<vmem>>, vector<128x1xf32>
    %get3A_1605 = arith.constant 0 : index
    %get3A_1606 = arith.constant 0 : index
    %get3A_1607 = vector.load %arg2[%get3A_1605, %get3A_1606] : memref<1x128xf32, #tpu.memory_space<vmem>>, vector<1x128xf32>
    %sub3A_1608 = vector.broadcast %get3A_1604 : vector<128x1xf32> to vector<128x128xf32>
    %sub3A_1609 = vector.broadcast %get3A_1607 : vector<1x128xf32> to vector<128x128xf32>
    %sub3A_1610 = arith.subf %sub3A_1608, %sub3A_1609 : vector<128x128xf32>
    %mul3A_1611 = arith.mulf %sub3A_1610, %sub3A_1610 : vector<128x128xf32>
    %mul3A_1612 = vector.broadcast %mul3A_8 : vector<1x128xf32> to vector<128x128xf32>
    %mul3A_1613 = arith.mulf %mul3A_1611, %mul3A_1612 : vector<128x128xf32>
    %add3A_1614 = vector.broadcast %mul3A_14 : vector<1x128xf32> to vector<128x128xf32>
    %add3A_1615 = arith.addf %mul3A_1613, %add3A_1614 : vector<128x128xf32>
    %exp23A_1616 = math.exp2 %add3A_1615 : vector<128x128xf32>
    %swap3A_1617 = arith.constant 11264 : index
    %swap3A_1618 = arith.constant 0 : index
    %swap3A_1619 = vector.load %arg4[%swap3A_1617, %swap3A_1618] : memref<32768x128xf32, #tpu.memory_space<vmem>>, vector<128x128xf32>
    tpu.vector_store %arg4[%swap3A_1617, %swap3A_1618], %exp23A_1616 {strides = array<i32>} : memref<32768x128xf32, #tpu.memory_space<vmem>>, vector<128x128xf32>,
    %get3A_1620 = arith.constant 0 : index
    %get3A_1621 = arith.constant 89 : index
    %get3A_1622 = vector.load %arg5[%get3A_1620, %get3A_1621] : memref<128x256xf32, #tpu.memory_space<vmem>>, vector<128x1xf32>
    %get3A_1623 = arith.constant 0 : index
    %get3A_1624 = arith.constant 0 : index
    %get3A_1625 = vector.load %arg2[%get3A_1623, %get3A_1624] : memref<1x128xf32, #tpu.memory_space<vmem>>, vector<1x128xf32>
    %sub3A_1626 = vector.broadcast %get3A_1622 : vector<128x1xf32> to vector<128x128xf32>
    %sub3A_1627 = vector.broadcast %get3A_1625 : vector<1x128xf32> to vector<128x128xf32>
    %sub3A_1628 = arith.subf %sub3A_1626, %sub3A_1627 : vector<128x128xf32>
    %mul3A_1629 = arith.mulf %sub3A_1628, %sub3A_1628 : vector<128x128xf32>
    %mul3A_1630 = vector.broadcast %mul3A_8 : vector<1x128xf32> to vector<128x128xf32>
    %mul3A_1631 = arith.mulf %mul3A_1629, %mul3A_1630 : vector<128x128xf32>
    %add3A_1632 = vector.broadcast %mul3A_14 : vector<1x128xf32> to vector<128x128xf32>
    %add3A_1633 = arith.addf %mul3A_1631, %add3A_1632 : vector<128x128xf32>
    %exp23A_1634 = math.exp2 %add3A_1633 : vector<128x128xf32>
    %swap3A_1635 = arith.constant 11392 : index
    %swap3A_1636 = arith.constant 0 : index
    %swap3A_1637 = vector.load %arg4[%swap3A_1635, %swap3A_1636] : memref<32768x128xf32, #tpu.memory_space<vmem>>, vector<128x128xf32>
    tpu.vector_store %arg4[%swap3A_1635, %swap3A_1636], %exp23A_1634 {strides = array<i32>} : memref<32768x128xf32, #tpu.memory_space<vmem>>, vector<128x128xf32>,
    %get3A_1638 = arith.constant 0 : index
    %get3A_1639 = arith.constant 90 : index
    %get3A_1640 = vector.load %arg5[%get3A_1638, %get3A_1639] : memref<128x256xf32, #tpu.memory_space<vmem>>, vector<128x1xf32>
    %get3A_1641 = arith.constant 0 : index
    %get3A_1642 = arith.constant 0 : index
    %get3A_1643 = vector.load %arg2[%get3A_1641, %get3A_1642] : memref<1x128xf32, #tpu.memory_space<vmem>>, vector<1x128xf32>
    %sub3A_1644 = vector.broadcast %get3A_1640 : vector<128x1xf32> to vector<128x128xf32>
    %sub3A_1645 = vector.broadcast %get3A_1643 : vector<1x128xf32> to vector<128x128xf32>
    %sub3A_1646 = arith.subf %sub3A_1644, %sub3A_1645 : vector<128x128xf32>
    %mul3A_1647 = arith.mulf %sub3A_1646, %sub3A_1646 : vector<128x128xf32>
    %mul3A_1648 = vector.broadcast %mul3A_8 : vector<1x128xf32> to vector<128x128xf32>
    %mul3A_1649 = arith.mulf %mul3A_1647, %mul3A_1648 : vector<128x128xf32>
    %add3A_1650 = vector.broadcast %mul3A_14 : vector<1x128xf32> to vector<128x128xf32>
    %add3A_1651 = arith.addf %mul3A_1649, %add3A_1650 : vector<128x128xf32>
    %exp23A_1652 = math.exp2 %add3A_1651 : vector<128x128xf32>
    %swap3A_1653 = arith.constant 11520 : index
    %swap3A_1654 = arith.constant 0 : index
    %swap3A_1655 = vector.load %arg4[%swap3A_1653, %swap3A_1654] : memref<32768x128xf32, #tpu.memory_space<vmem>>, vector<128x128xf32>
    tpu.vector_store %arg4[%swap3A_1653, %swap3A_1654], %exp23A_1652 {strides = array<i32>} : memref<32768x128xf32, #tpu.memory_space<vmem>>, vector<128x128xf32>,
    %get3A_1656 = arith.constant 0 : index
    %get3A_1657 = arith.constant 91 : index
    %get3A_1658 = vector.load %arg5[%get3A_1656, %get3A_1657] : memref<128x256xf32, #tpu.memory_space<vmem>>, vector<128x1xf32>
    %get3A_1659 = arith.constant 0 : index
    %get3A_1660 = arith.constant 0 : index
    %get3A_1661 = vector.load %arg2[%get3A_1659, %get3A_1660] : memref<1x128xf32, #tpu.memory_space<vmem>>, vector<1x128xf32>
    %sub3A_1662 = vector.broadcast %get3A_1658 : vector<128x1xf32> to vector<128x128xf32>
    %sub3A_1663 = vector.broadcast %get3A_1661 : vector<1x128xf32> to vector<128x128xf32>
    %sub3A_1664 = arith.subf %sub3A_1662, %sub3A_1663 : vector<128x128xf32>
    %mul3A_1665 = arith.mulf %sub3A_1664, %sub3A_1664 : vector<128x128xf32>
    %mul3A_1666 = vector.broadcast %mul3A_8 : vector<1x128xf32> to vector<128x128xf32>
    %mul3A_1667 = arith.mulf %mul3A_1665, %mul3A_1666 : vector<128x128xf32>
    %add3A_1668 = vector.broadcast %mul3A_14 : vector<1x128xf32> to vector<128x128xf32>
    %add3A_1669 = arith.addf %mul3A_1667, %add3A_1668 : vector<128x128xf32>
    %exp23A_1670 = math.exp2 %add3A_1669 : vector<128x128xf32>
    %swap3A_1671 = arith.constant 11648 : index
    %swap3A_1672 = arith.constant 0 : index
    %swap3A_1673 = vector.load %arg4[%swap3A_1671, %swap3A_1672] : memref<32768x128xf32, #tpu.memory_space<vmem>>, vector<128x128xf32>
    tpu.vector_store %arg4[%swap3A_1671, %swap3A_1672], %exp23A_1670 {strides = array<i32>} : memref<32768x128xf32, #tpu.memory_space<vmem>>, vector<128x128xf32>,
    %get3A_1674 = arith.constant 0 : index
    %get3A_1675 = arith.constant 92 : index
    %get3A_1676 = vector.load %arg5[%get3A_1674, %get3A_1675] : memref<128x256xf32, #tpu.memory_space<vmem>>, vector<128x1xf32>
    %get3A_1677 = arith.constant 0 : index
    %get3A_1678 = arith.constant 0 : index
    %get3A_1679 = vector.load %arg2[%get3A_1677, %get3A_1678] : memref<1x128xf32, #tpu.memory_space<vmem>>, vector<1x128xf32>
    %sub3A_1680 = vector.broadcast %get3A_1676 : vector<128x1xf32> to vector<128x128xf32>
    %sub3A_1681 = vector.broadcast %get3A_1679 : vector<1x128xf32> to vector<128x128xf32>
    %sub3A_1682 = arith.subf %sub3A_1680, %sub3A_1681 : vector<128x128xf32>
    %mul3A_1683 = arith.mulf %sub3A_1682, %sub3A_1682 : vector<128x128xf32>
    %mul3A_1684 = vector.broadcast %mul3A_8 : vector<1x128xf32> to vector<128x128xf32>
    %mul3A_1685 = arith.mulf %mul3A_1683, %mul3A_1684 : vector<128x128xf32>
    %add3A_1686 = vector.broadcast %mul3A_14 : vector<1x128xf32> to vector<128x128xf32>
    %add3A_1687 = arith.addf %mul3A_1685, %add3A_1686 : vector<128x128xf32>
    %exp23A_1688 = math.exp2 %add3A_1687 : vector<128x128xf32>
    %swap3A_1689 = arith.constant 11776 : index
    %swap3A_1690 = arith.constant 0 : index
    %swap3A_1691 = vector.load %arg4[%swap3A_1689, %swap3A_1690] : memref<32768x128xf32, #tpu.memory_space<vmem>>, vector<128x128xf32>
    tpu.vector_store %arg4[%swap3A_1689, %swap3A_1690], %exp23A_1688 {strides = array<i32>} : memref<32768x128xf32, #tpu.memory_space<vmem>>, vector<128x128xf32>,
    %get3A_1692 = arith.constant 0 : index
    %get3A_1693 = arith.constant 93 : index
    %get3A_1694 = vector.load %arg5[%get3A_1692, %get3A_1693] : memref<128x256xf32, #tpu.memory_space<vmem>>, vector<128x1xf32>
    %get3A_1695 = arith.constant 0 : index
    %get3A_1696 = arith.constant 0 : index
    %get3A_1697 = vector.load %arg2[%get3A_1695, %get3A_1696] : memref<1x128xf32, #tpu.memory_space<vmem>>, vector<1x128xf32>
    %sub3A_1698 = vector.broadcast %get3A_1694 : vector<128x1xf32> to vector<128x128xf32>
    %sub3A_1699 = vector.broadcast %get3A_1697 : vector<1x128xf32> to vector<128x128xf32>
    %sub3A_1700 = arith.subf %sub3A_1698, %sub3A_1699 : vector<128x128xf32>
    %mul3A_1701 = arith.mulf %sub3A_1700, %sub3A_1700 : vector<128x128xf32>
    %mul3A_1702 = vector.broadcast %mul3A_8 : vector<1x128xf32> to vector<128x128xf32>
    %mul3A_1703 = arith.mulf %mul3A_1701, %mul3A_1702 : vector<128x128xf32>
    %add3A_1704 = vector.broadcast %mul3A_14 : vector<1x128xf32> to vector<128x128xf32>
    %add3A_1705 = arith.addf %mul3A_1703, %add3A_1704 : vector<128x128xf32>
    %exp23A_1706 = math.exp2 %add3A_1705 : vector<128x128xf32>
    %swap3A_1707 = arith.constant 11904 : index
    %swap3A_1708 = arith.constant 0 : index
    %swap3A_1709 = vector.load %arg4[%swap3A_1707, %swap3A_1708] : memref<32768x128xf32, #tpu.memory_space<vmem>>, vector<128x128xf32>
    tpu.vector_store %arg4[%swap3A_1707, %swap3A_1708], %exp23A_1706 {strides = array<i32>} : memref<32768x128xf32, #tpu.memory_space<vmem>>, vector<128x128xf32>,
    %get3A_1710 = arith.constant 0 : index
    %get3A_1711 = arith.constant 94 : index
    %get3A_1712 = vector.load %arg5[%get3A_1710, %get3A_1711] : memref<128x256xf32, #tpu.memory_space<vmem>>, vector<128x1xf32>
    %get3A_1713 = arith.constant 0 : index
    %get3A_1714 = arith.constant 0 : index
    %get3A_1715 = vector.load %arg2[%get3A_1713, %get3A_1714] : memref<1x128xf32, #tpu.memory_space<vmem>>, vector<1x128xf32>
    %sub3A_1716 = vector.broadcast %get3A_1712 : vector<128x1xf32> to vector<128x128xf32>
    %sub3A_1717 = vector.broadcast %get3A_1715 : vector<1x128xf32> to vector<128x128xf32>
    %sub3A_1718 = arith.subf %sub3A_1716, %sub3A_1717 : vector<128x128xf32>
    %mul3A_1719 = arith.mulf %sub3A_1718, %sub3A_1718 : vector<128x128xf32>
    %mul3A_1720 = vector.broadcast %mul3A_8 : vector<1x128xf32> to vector<128x128xf32>
    %mul3A_1721 = arith.mulf %mul3A_1719, %mul3A_1720 : vector<128x128xf32>
    %add3A_1722 = vector.broadcast %mul3A_14 : vector<1x128xf32> to vector<128x128xf32>
    %add3A_1723 = arith.addf %mul3A_1721, %add3A_1722 : vector<128x128xf32>
    %exp23A_1724 = math.exp2 %add3A_1723 : vector<128x128xf32>
    %swap3A_1725 = arith.constant 12032 : index
    %swap3A_1726 = arith.constant 0 : index
    %swap3A_1727 = vector.load %arg4[%swap3A_1725, %swap3A_1726] : memref<32768x128xf32, #tpu.memory_space<vmem>>, vector<128x128xf32>
    tpu.vector_store %arg4[%swap3A_1725, %swap3A_1726], %exp23A_1724 {strides = array<i32>} : memref<32768x128xf32, #tpu.memory_space<vmem>>, vector<128x128xf32>,
    %get3A_1728 = arith.constant 0 : index
    %get3A_1729 = arith.constant 95 : index
    %get3A_1730 = vector.load %arg5[%get3A_1728, %get3A_1729] : memref<128x256xf32, #tpu.memory_space<vmem>>, vector<128x1xf32>
    %get3A_1731 = arith.constant 0 : index
    %get3A_1732 = arith.constant 0 : index
    %get3A_1733 = vector.load %arg2[%get3A_1731, %get3A_1732] : memref<1x128xf32, #tpu.memory_space<vmem>>, vector<1x128xf32>
    %sub3A_1734 = vector.broadcast %get3A_1730 : vector<128x1xf32> to vector<128x128xf32>
    %sub3A_1735 = vector.broadcast %get3A_1733 : vector<1x128xf32> to vector<128x128xf32>
    %sub3A_1736 = arith.subf %sub3A_1734, %sub3A_1735 : vector<128x128xf32>
    %mul3A_1737 = arith.mulf %sub3A_1736, %sub3A_1736 : vector<128x128xf32>
    %mul3A_1738 = vector.broadcast %mul3A_8 : vector<1x128xf32> to vector<128x128xf32>
    %mul3A_1739 = arith.mulf %mul3A_1737, %mul3A_1738 : vector<128x128xf32>
    %add3A_1740 = vector.broadcast %mul3A_14 : vector<1x128xf32> to vector<128x128xf32>
    %add3A_1741 = arith.addf %mul3A_1739, %add3A_1740 : vector<128x128xf32>
    %exp23A_1742 = math.exp2 %add3A_1741 : vector<128x128xf32>
    %swap3A_1743 = arith.constant 12160 : index
    %swap3A_1744 = arith.constant 0 : index
    %swap3A_1745 = vector.load %arg4[%swap3A_1743, %swap3A_1744] : memref<32768x128xf32, #tpu.memory_space<vmem>>, vector<128x128xf32>
    tpu.vector_store %arg4[%swap3A_1743, %swap3A_1744], %exp23A_1742 {strides = array<i32>} : memref<32768x128xf32, #tpu.memory_space<vmem>>, vector<128x128xf32>,
    %get3A_1746 = arith.constant 0 : index
    %get3A_1747 = arith.constant 96 : index
    %get3A_1748 = vector.load %arg5[%get3A_1746, %get3A_1747] : memref<128x256xf32, #tpu.memory_space<vmem>>, vector<128x1xf32>
    %get3A_1749 = arith.constant 0 : index
    %get3A_1750 = arith.constant 0 : index
    %get3A_1751 = vector.load %arg2[%get3A_1749, %get3A_1750] : memref<1x128xf32, #tpu.memory_space<vmem>>, vector<1x128xf32>
    %sub3A_1752 = vector.broadcast %get3A_1748 : vector<128x1xf32> to vector<128x128xf32>
    %sub3A_1753 = vector.broadcast %get3A_1751 : vector<1x128xf32> to vector<128x128xf32>
    %sub3A_1754 = arith.subf %sub3A_1752, %sub3A_1753 : vector<128x128xf32>
    %mul3A_1755 = arith.mulf %sub3A_1754, %sub3A_1754 : vector<128x128xf32>
    %mul3A_1756 = vector.broadcast %mul3A_8 : vector<1x128xf32> to vector<128x128xf32>
    %mul3A_1757 = arith.mulf %mul3A_1755, %mul3A_1756 : vector<128x128xf32>
    %add3A_1758 = vector.broadcast %mul3A_14 : vector<1x128xf32> to vector<128x128xf32>
    %add3A_1759 = arith.addf %mul3A_1757, %add3A_1758 : vector<128x128xf32>
    %exp23A_1760 = math.exp2 %add3A_1759 : vector<128x128xf32>
    %swap3A_1761 = arith.constant 12288 : index
    %swap3A_1762 = arith.constant 0 : index
    %swap3A_1763 = vector.load %arg4[%swap3A_1761, %swap3A_1762] : memref<32768x128xf32, #tpu.memory_space<vmem>>, vector<128x128xf32>
    tpu.vector_store %arg4[%swap3A_1761, %swap3A_1762], %exp23A_1760 {strides = array<i32>} : memref<32768x128xf32, #tpu.memory_space<vmem>>, vector<128x128xf32>,
    %get3A_1764 = arith.constant 0 : index
    %get3A_1765 = arith.constant 97 : index
    %get3A_1766 = vector.load %arg5[%get3A_1764, %get3A_1765] : memref<128x256xf32, #tpu.memory_space<vmem>>, vector<128x1xf32>
    %get3A_1767 = arith.constant 0 : index
    %get3A_1768 = arith.constant 0 : index
    %get3A_1769 = vector.load %arg2[%get3A_1767, %get3A_1768] : memref<1x128xf32, #tpu.memory_space<vmem>>, vector<1x128xf32>
    %sub3A_1770 = vector.broadcast %get3A_1766 : vector<128x1xf32> to vector<128x128xf32>
    %sub3A_1771 = vector.broadcast %get3A_1769 : vector<1x128xf32> to vector<128x128xf32>
    %sub3A_1772 = arith.subf %sub3A_1770, %sub3A_1771 : vector<128x128xf32>
    %mul3A_1773 = arith.mulf %sub3A_1772, %sub3A_1772 : vector<128x128xf32>
    %mul3A_1774 = vector.broadcast %mul3A_8 : vector<1x128xf32> to vector<128x128xf32>
    %mul3A_1775 = arith.mulf %mul3A_1773, %mul3A_1774 : vector<128x128xf32>
    %add3A_1776 = vector.broadcast %mul3A_14 : vector<1x128xf32> to vector<128x128xf32>
    %add3A_1777 = arith.addf %mul3A_1775, %add3A_1776 : vector<128x128xf32>
    %exp23A_1778 = math.exp2 %add3A_1777 : vector<128x128xf32>
    %swap3A_1779 = arith.constant 12416 : index
    %swap3A_1780 = arith.constant 0 : index
    %swap3A_1781 = vector.load %arg4[%swap3A_1779, %swap3A_1780] : memref<32768x128xf32, #tpu.memory_space<vmem>>, vector<128x128xf32>
    tpu.vector_store %arg4[%swap3A_1779, %swap3A_1780], %exp23A_1778 {strides = array<i32>} : memref<32768x128xf32, #tpu.memory_space<vmem>>, vector<128x128xf32>,
    %get3A_1782 = arith.constant 0 : index
    %get3A_1783 = arith.constant 98 : index
    %get3A_1784 = vector.load %arg5[%get3A_1782, %get3A_1783] : memref<128x256xf32, #tpu.memory_space<vmem>>, vector<128x1xf32>
    %get3A_1785 = arith.constant 0 : index
    %get3A_1786 = arith.constant 0 : index
    %get3A_1787 = vector.load %arg2[%get3A_1785, %get3A_1786] : memref<1x128xf32, #tpu.memory_space<vmem>>, vector<1x128xf32>
    %sub3A_1788 = vector.broadcast %get3A_1784 : vector<128x1xf32> to vector<128x128xf32>
    %sub3A_1789 = vector.broadcast %get3A_1787 : vector<1x128xf32> to vector<128x128xf32>
    %sub3A_1790 = arith.subf %sub3A_1788, %sub3A_1789 : vector<128x128xf32>
    %mul3A_1791 = arith.mulf %sub3A_1790, %sub3A_1790 : vector<128x128xf32>
    %mul3A_1792 = vector.broadcast %mul3A_8 : vector<1x128xf32> to vector<128x128xf32>
    %mul3A_1793 = arith.mulf %mul3A_1791, %mul3A_1792 : vector<128x128xf32>
    %add3A_1794 = vector.broadcast %mul3A_14 : vector<1x128xf32> to vector<128x128xf32>
    %add3A_1795 = arith.addf %mul3A_1793, %add3A_1794 : vector<128x128xf32>
    %exp23A_1796 = math.exp2 %add3A_1795 : vector<128x128xf32>
    %swap3A_1797 = arith.constant 12544 : index
    %swap3A_1798 = arith.constant 0 : index
    %swap3A_1799 = vector.load %arg4[%swap3A_1797, %swap3A_1798] : memref<32768x128xf32, #tpu.memory_space<vmem>>, vector<128x128xf32>
    tpu.vector_store %arg4[%swap3A_1797, %swap3A_1798], %exp23A_1796 {strides = array<i32>} : memref<32768x128xf32, #tpu.memory_space<vmem>>, vector<128x128xf32>,
    %get3A_1800 = arith.constant 0 : index
    %get3A_1801 = arith.constant 99 : index
    %get3A_1802 = vector.load %arg5[%get3A_1800, %get3A_1801] : memref<128x256xf32, #tpu.memory_space<vmem>>, vector<128x1xf32>
    %get3A_1803 = arith.constant 0 : index
    %get3A_1804 = arith.constant 0 : index
    %get3A_1805 = vector.load %arg2[%get3A_1803, %get3A_1804] : memref<1x128xf32, #tpu.memory_space<vmem>>, vector<1x128xf32>
    %sub3A_1806 = vector.broadcast %get3A_1802 : vector<128x1xf32> to vector<128x128xf32>
    %sub3A_1807 = vector.broadcast %get3A_1805 : vector<1x128xf32> to vector<128x128xf32>
    %sub3A_1808 = arith.subf %sub3A_1806, %sub3A_1807 : vector<128x128xf32>
    %mul3A_1809 = arith.mulf %sub3A_1808, %sub3A_1808 : vector<128x128xf32>
    %mul3A_1810 = vector.broadcast %mul3A_8 : vector<1x128xf32> to vector<128x128xf32>
    %mul3A_1811 = arith.mulf %mul3A_1809, %mul3A_1810 : vector<128x128xf32>
    %add3A_1812 = vector.broadcast %mul3A_14 : vector<1x128xf32> to vector<128x128xf32>
    %add3A_1813 = arith.addf %mul3A_1811, %add3A_1812 : vector<128x128xf32>
    %exp23A_1814 = math.exp2 %add3A_1813 : vector<128x128xf32>
    %swap3A_1815 = arith.constant 12672 : index
    %swap3A_1816 = arith.constant 0 : index
    %swap3A_1817 = vector.load %arg4[%swap3A_1815, %swap3A_1816] : memref<32768x128xf32, #tpu.memory_space<vmem>>, vector<128x128xf32>
    tpu.vector_store %arg4[%swap3A_1815, %swap3A_1816], %exp23A_1814 {strides = array<i32>} : memref<32768x128xf32, #tpu.memory_space<vmem>>, vector<128x128xf32>,
    %get3A_1818 = arith.constant 0 : index
    %get3A_1819 = arith.constant 100 : index
    %get3A_1820 = vector.load %arg5[%get3A_1818, %get3A_1819] : memref<128x256xf32, #tpu.memory_space<vmem>>, vector<128x1xf32>
    %get3A_1821 = arith.constant 0 : index
    %get3A_1822 = arith.constant 0 : index
    %get3A_1823 = vector.load %arg2[%get3A_1821, %get3A_1822] : memref<1x128xf32, #tpu.memory_space<vmem>>, vector<1x128xf32>
    %sub3A_1824 = vector.broadcast %get3A_1820 : vector<128x1xf32> to vector<128x128xf32>
    %sub3A_1825 = vector.broadcast %get3A_1823 : vector<1x128xf32> to vector<128x128xf32>
    %sub3A_1826 = arith.subf %sub3A_1824, %sub3A_1825 : vector<128x128xf32>
    %mul3A_1827 = arith.mulf %sub3A_1826, %sub3A_1826 : vector<128x128xf32>
    %mul3A_1828 = vector.broadcast %mul3A_8 : vector<1x128xf32> to vector<128x128xf32>
    %mul3A_1829 = arith.mulf %mul3A_1827, %mul3A_1828 : vector<128x128xf32>
    %add3A_1830 = vector.broadcast %mul3A_14 : vector<1x128xf32> to vector<128x128xf32>
    %add3A_1831 = arith.addf %mul3A_1829, %add3A_1830 : vector<128x128xf32>
    %exp23A_1832 = math.exp2 %add3A_1831 : vector<128x128xf32>
    %swap3A_1833 = arith.constant 12800 : index
    %swap3A_1834 = arith.constant 0 : index
    %swap3A_1835 = vector.load %arg4[%swap3A_1833, %swap3A_1834] : memref<32768x128xf32, #tpu.memory_space<vmem>>, vector<128x128xf32>
    tpu.vector_store %arg4[%swap3A_1833, %swap3A_1834], %exp23A_1832 {strides = array<i32>} : memref<32768x128xf32, #tpu.memory_space<vmem>>, vector<128x128xf32>,
    %get3A_1836 = arith.constant 0 : index
    %get3A_1837 = arith.constant 101 : index
    %get3A_1838 = vector.load %arg5[%get3A_1836, %get3A_1837] : memref<128x256xf32, #tpu.memory_space<vmem>>, vector<128x1xf32>
    %get3A_1839 = arith.constant 0 : index
    %get3A_1840 = arith.constant 0 : index
    %get3A_1841 = vector.load %arg2[%get3A_1839, %get3A_1840] : memref<1x128xf32, #tpu.memory_space<vmem>>, vector<1x128xf32>
    %sub3A_1842 = vector.broadcast %get3A_1838 : vector<128x1xf32> to vector<128x128xf32>
    %sub3A_1843 = vector.broadcast %get3A_1841 : vector<1x128xf32> to vector<128x128xf32>
    %sub3A_1844 = arith.subf %sub3A_1842, %sub3A_1843 : vector<128x128xf32>
    %mul3A_1845 = arith.mulf %sub3A_1844, %sub3A_1844 : vector<128x128xf32>
    %mul3A_1846 = vector.broadcast %mul3A_8 : vector<1x128xf32> to vector<128x128xf32>
    %mul3A_1847 = arith.mulf %mul3A_1845, %mul3A_1846 : vector<128x128xf32>
    %add3A_1848 = vector.broadcast %mul3A_14 : vector<1x128xf32> to vector<128x128xf32>
    %add3A_1849 = arith.addf %mul3A_1847, %add3A_1848 : vector<128x128xf32>
    %exp23A_1850 = math.exp2 %add3A_1849 : vector<128x128xf32>
    %swap3A_1851 = arith.constant 12928 : index
    %swap3A_1852 = arith.constant 0 : index
    %swap3A_1853 = vector.load %arg4[%swap3A_1851, %swap3A_1852] : memref<32768x128xf32, #tpu.memory_space<vmem>>, vector<128x128xf32>
    tpu.vector_store %arg4[%swap3A_1851, %swap3A_1852], %exp23A_1850 {strides = array<i32>} : memref<32768x128xf32, #tpu.memory_space<vmem>>, vector<128x128xf32>,
    %get3A_1854 = arith.constant 0 : index
    %get3A_1855 = arith.constant 102 : index
    %get3A_1856 = vector.load %arg5[%get3A_1854, %get3A_1855] : memref<128x256xf32, #tpu.memory_space<vmem>>, vector<128x1xf32>
    %get3A_1857 = arith.constant 0 : index
    %get3A_1858 = arith.constant 0 : index
    %get3A_1859 = vector.load %arg2[%get3A_1857, %get3A_1858] : memref<1x128xf32, #tpu.memory_space<vmem>>, vector<1x128xf32>
    %sub3A_1860 = vector.broadcast %get3A_1856 : vector<128x1xf32> to vector<128x128xf32>
    %sub3A_1861 = vector.broadcast %get3A_1859 : vector<1x128xf32> to vector<128x128xf32>
    %sub3A_1862 = arith.subf %sub3A_1860, %sub3A_1861 : vector<128x128xf32>
    %mul3A_1863 = arith.mulf %sub3A_1862, %sub3A_1862 : vector<128x128xf32>
    %mul3A_1864 = vector.broadcast %mul3A_8 : vector<1x128xf32> to vector<128x128xf32>
    %mul3A_1865 = arith.mulf %mul3A_1863, %mul3A_1864 : vector<128x128xf32>
    %add3A_1866 = vector.broadcast %mul3A_14 : vector<1x128xf32> to vector<128x128xf32>
    %add3A_1867 = arith.addf %mul3A_1865, %add3A_1866 : vector<128x128xf32>
    %exp23A_1868 = math.exp2 %add3A_1867 : vector<128x128xf32>
    %swap3A_1869 = arith.constant 13056 : index
    %swap3A_1870 = arith.constant 0 : index
    %swap3A_1871 = vector.load %arg4[%swap3A_1869, %swap3A_1870] : memref<32768x128xf32, #tpu.memory_space<vmem>>, vector<128x128xf32>
    tpu.vector_store %arg4[%swap3A_1869, %swap3A_1870], %exp23A_1868 {strides = array<i32>} : memref<32768x128xf32, #tpu.memory_space<vmem>>, vector<128x128xf32>,
    %get3A_1872 = arith.constant 0 : index
    %get3A_1873 = arith.constant 103 : index
    %get3A_1874 = vector.load %arg5[%get3A_1872, %get3A_1873] : memref<128x256xf32, #tpu.memory_space<vmem>>, vector<128x1xf32>
    %get3A_1875 = arith.constant 0 : index
    %get3A_1876 = arith.constant 0 : index
    %get3A_1877 = vector.load %arg2[%get3A_1875, %get3A_1876] : memref<1x128xf32, #tpu.memory_space<vmem>>, vector<1x128xf32>
    %sub3A_1878 = vector.broadcast %get3A_1874 : vector<128x1xf32> to vector<128x128xf32>
    %sub3A_1879 = vector.broadcast %get3A_1877 : vector<1x128xf32> to vector<128x128xf32>
    %sub3A_1880 = arith.subf %sub3A_1878, %sub3A_1879 : vector<128x128xf32>
    %mul3A_1881 = arith.mulf %sub3A_1880, %sub3A_1880 : vector<128x128xf32>
    %mul3A_1882 = vector.broadcast %mul3A_8 : vector<1x128xf32> to vector<128x128xf32>
    %mul3A_1883 = arith.mulf %mul3A_1881, %mul3A_1882 : vector<128x128xf32>
    %add3A_1884 = vector.broadcast %mul3A_14 : vector<1x128xf32> to vector<128x128xf32>
    %add3A_1885 = arith.addf %mul3A_1883, %add3A_1884 : vector<128x128xf32>
    %exp23A_1886 = math.exp2 %add3A_1885 : vector<128x128xf32>
    %swap3A_1887 = arith.constant 13184 : index
    %swap3A_1888 = arith.constant 0 : index
    %swap3A_1889 = vector.load %arg4[%swap3A_1887, %swap3A_1888] : memref<32768x128xf32, #tpu.memory_space<vmem>>, vector<128x128xf32>
    tpu.vector_store %arg4[%swap3A_1887, %swap3A_1888], %exp23A_1886 {strides = array<i32>} : memref<32768x128xf32, #tpu.memory_space<vmem>>, vector<128x128xf32>,
    %get3A_1890 = arith.constant 0 : index
    %get3A_1891 = arith.constant 104 : index
    %get3A_1892 = vector.load %arg5[%get3A_1890, %get3A_1891] : memref<128x256xf32, #tpu.memory_space<vmem>>, vector<128x1xf32>
    %get3A_1893 = arith.constant 0 : index
    %get3A_1894 = arith.constant 0 : index
    %get3A_1895 = vector.load %arg2[%get3A_1893, %get3A_1894] : memref<1x128xf32, #tpu.memory_space<vmem>>, vector<1x128xf32>
    %sub3A_1896 = vector.broadcast %get3A_1892 : vector<128x1xf32> to vector<128x128xf32>
    %sub3A_1897 = vector.broadcast %get3A_1895 : vector<1x128xf32> to vector<128x128xf32>
    %sub3A_1898 = arith.subf %sub3A_1896, %sub3A_1897 : vector<128x128xf32>
    %mul3A_1899 = arith.mulf %sub3A_1898, %sub3A_1898 : vector<128x128xf32>
    %mul3A_1900 = vector.broadcast %mul3A_8 : vector<1x128xf32> to vector<128x128xf32>
    %mul3A_1901 = arith.mulf %mul3A_1899, %mul3A_1900 : vector<128x128xf32>
    %add3A_1902 = vector.broadcast %mul3A_14 : vector<1x128xf32> to vector<128x128xf32>
    %add3A_1903 = arith.addf %mul3A_1901, %add3A_1902 : vector<128x128xf32>
    %exp23A_1904 = math.exp2 %add3A_1903 : vector<128x128xf32>
    %swap3A_1905 = arith.constant 13312 : index
    %swap3A_1906 = arith.constant 0 : index
    %swap3A_1907 = vector.load %arg4[%swap3A_1905, %swap3A_1906] : memref<32768x128xf32, #tpu.memory_space<vmem>>, vector<128x128xf32>
    tpu.vector_store %arg4[%swap3A_1905, %swap3A_1906], %exp23A_1904 {strides = array<i32>} : memref<32768x128xf32, #tpu.memory_space<vmem>>, vector<128x128xf32>,
    %get3A_1908 = arith.constant 0 : index
    %get3A_1909 = arith.constant 105 : index
    %get3A_1910 = vector.load %arg5[%get3A_1908, %get3A_1909] : memref<128x256xf32, #tpu.memory_space<vmem>>, vector<128x1xf32>
    %get3A_1911 = arith.constant 0 : index
    %get3A_1912 = arith.constant 0 : index
    %get3A_1913 = vector.load %arg2[%get3A_1911, %get3A_1912] : memref<1x128xf32, #tpu.memory_space<vmem>>, vector<1x128xf32>
    %sub3A_1914 = vector.broadcast %get3A_1910 : vector<128x1xf32> to vector<128x128xf32>
    %sub3A_1915 = vector.broadcast %get3A_1913 : vector<1x128xf32> to vector<128x128xf32>
    %sub3A_1916 = arith.subf %sub3A_1914, %sub3A_1915 : vector<128x128xf32>
    %mul3A_1917 = arith.mulf %sub3A_1916, %sub3A_1916 : vector<128x128xf32>
    %mul3A_1918 = vector.broadcast %mul3A_8 : vector<1x128xf32> to vector<128x128xf32>
    %mul3A_1919 = arith.mulf %mul3A_1917, %mul3A_1918 : vector<128x128xf32>
    %add3A_1920 = vector.broadcast %mul3A_14 : vector<1x128xf32> to vector<128x128xf32>
    %add3A_1921 = arith.addf %mul3A_1919, %add3A_1920 : vector<128x128xf32>
    %exp23A_1922 = math.exp2 %add3A_1921 : vector<128x128xf32>
    %swap3A_1923 = arith.constant 13440 : index
    %swap3A_1924 = arith.constant 0 : index
    %swap3A_1925 = vector.load %arg4[%swap3A_1923, %swap3A_1924] : memref<32768x128xf32, #tpu.memory_space<vmem>>, vector<128x128xf32>
    tpu.vector_store %arg4[%swap3A_1923, %swap3A_1924], %exp23A_1922 {strides = array<i32>} : memref<32768x128xf32, #tpu.memory_space<vmem>>, vector<128x128xf32>,
    %get3A_1926 = arith.constant 0 : index
    %get3A_1927 = arith.constant 106 : index
    %get3A_1928 = vector.load %arg5[%get3A_1926, %get3A_1927] : memref<128x256xf32, #tpu.memory_space<vmem>>, vector<128x1xf32>
    %get3A_1929 = arith.constant 0 : index
    %get3A_1930 = arith.constant 0 : index
    %get3A_1931 = vector.load %arg2[%get3A_1929, %get3A_1930] : memref<1x128xf32, #tpu.memory_space<vmem>>, vector<1x128xf32>
    %sub3A_1932 = vector.broadcast %get3A_1928 : vector<128x1xf32> to vector<128x128xf32>
    %sub3A_1933 = vector.broadcast %get3A_1931 : vector<1x128xf32> to vector<128x128xf32>
    %sub3A_1934 = arith.subf %sub3A_1932, %sub3A_1933 : vector<128x128xf32>
    %mul3A_1935 = arith.mulf %sub3A_1934, %sub3A_1934 : vector<128x128xf32>
    %mul3A_1936 = vector.broadcast %mul3A_8 : vector<1x128xf32> to vector<128x128xf32>
    %mul3A_1937 = arith.mulf %mul3A_1935, %mul3A_1936 : vector<128x128xf32>
    %add3A_1938 = vector.broadcast %mul3A_14 : vector<1x128xf32> to vector<128x128xf32>
    %add3A_1939 = arith.addf %mul3A_1937, %add3A_1938 : vector<128x128xf32>
    %exp23A_1940 = math.exp2 %add3A_1939 : vector<128x128xf32>
    %swap3A_1941 = arith.constant 13568 : index
    %swap3A_1942 = arith.constant 0 : index
    %swap3A_1943 = vector.load %arg4[%swap3A_1941, %swap3A_1942] : memref<32768x128xf32, #tpu.memory_space<vmem>>, vector<128x128xf32>
    tpu.vector_store %arg4[%swap3A_1941, %swap3A_1942], %exp23A_1940 {strides = array<i32>} : memref<32768x128xf32, #tpu.memory_space<vmem>>, vector<128x128xf32>,
    %get3A_1944 = arith.constant 0 : index
    %get3A_1945 = arith.constant 107 : index
    %get3A_1946 = vector.load %arg5[%get3A_1944, %get3A_1945] : memref<128x256xf32, #tpu.memory_space<vmem>>, vector<128x1xf32>
    %get3A_1947 = arith.constant 0 : index
    %get3A_1948 = arith.constant 0 : index
    %get3A_1949 = vector.load %arg2[%get3A_1947, %get3A_1948] : memref<1x128xf32, #tpu.memory_space<vmem>>, vector<1x128xf32>
    %sub3A_1950 = vector.broadcast %get3A_1946 : vector<128x1xf32> to vector<128x128xf32>
    %sub3A_1951 = vector.broadcast %get3A_1949 : vector<1x128xf32> to vector<128x128xf32>
    %sub3A_1952 = arith.subf %sub3A_1950, %sub3A_1951 : vector<128x128xf32>
    %mul3A_1953 = arith.mulf %sub3A_1952, %sub3A_1952 : vector<128x128xf32>
    %mul3A_1954 = vector.broadcast %mul3A_8 : vector<1x128xf32> to vector<128x128xf32>
    %mul3A_1955 = arith.mulf %mul3A_1953, %mul3A_1954 : vector<128x128xf32>
    %add3A_1956 = vector.broadcast %mul3A_14 : vector<1x128xf32> to vector<128x128xf32>
    %add3A_1957 = arith.addf %mul3A_1955, %add3A_1956 : vector<128x128xf32>
    %exp23A_1958 = math.exp2 %add3A_1957 : vector<128x128xf32>
    %swap3A_1959 = arith.constant 13696 : index
    %swap3A_1960 = arith.constant 0 : index
    %swap3A_1961 = vector.load %arg4[%swap3A_1959, %swap3A_1960] : memref<32768x128xf32, #tpu.memory_space<vmem>>, vector<128x128xf32>
    tpu.vector_store %arg4[%swap3A_1959, %swap3A_1960], %exp23A_1958 {strides = array<i32>} : memref<32768x128xf32, #tpu.memory_space<vmem>>, vector<128x128xf32>,
    %get3A_1962 = arith.constant 0 : index
    %get3A_1963 = arith.constant 108 : index
    %get3A_1964 = vector.load %arg5[%get3A_1962, %get3A_1963] : memref<128x256xf32, #tpu.memory_space<vmem>>, vector<128x1xf32>
    %get3A_1965 = arith.constant 0 : index
    %get3A_1966 = arith.constant 0 : index
    %get3A_1967 = vector.load %arg2[%get3A_1965, %get3A_1966] : memref<1x128xf32, #tpu.memory_space<vmem>>, vector<1x128xf32>
    %sub3A_1968 = vector.broadcast %get3A_1964 : vector<128x1xf32> to vector<128x128xf32>
    %sub3A_1969 = vector.broadcast %get3A_1967 : vector<1x128xf32> to vector<128x128xf32>
    %sub3A_1970 = arith.subf %sub3A_1968, %sub3A_1969 : vector<128x128xf32>
    %mul3A_1971 = arith.mulf %sub3A_1970, %sub3A_1970 : vector<128x128xf32>
    %mul3A_1972 = vector.broadcast %mul3A_8 : vector<1x128xf32> to vector<128x128xf32>
    %mul3A_1973 = arith.mulf %mul3A_1971, %mul3A_1972 : vector<128x128xf32>
    %add3A_1974 = vector.broadcast %mul3A_14 : vector<1x128xf32> to vector<128x128xf32>
    %add3A_1975 = arith.addf %mul3A_1973, %add3A_1974 : vector<128x128xf32>
    %exp23A_1976 = math.exp2 %add3A_1975 : vector<128x128xf32>
    %swap3A_1977 = arith.constant 13824 : index
    %swap3A_1978 = arith.constant 0 : index
    %swap3A_1979 = vector.load %arg4[%swap3A_1977, %swap3A_1978] : memref<32768x128xf32, #tpu.memory_space<vmem>>, vector<128x128xf32>
    tpu.vector_store %arg4[%swap3A_1977, %swap3A_1978], %exp23A_1976 {strides = array<i32>} : memref<32768x128xf32, #tpu.memory_space<vmem>>, vector<128x128xf32>,
    %get3A_1980 = arith.constant 0 : index
    %get3A_1981 = arith.constant 109 : index
    %get3A_1982 = vector.load %arg5[%get3A_1980, %get3A_1981] : memref<128x256xf32, #tpu.memory_space<vmem>>, vector<128x1xf32>
    %get3A_1983 = arith.constant 0 : index
    %get3A_1984 = arith.constant 0 : index
    %get3A_1985 = vector.load %arg2[%get3A_1983, %get3A_1984] : memref<1x128xf32, #tpu.memory_space<vmem>>, vector<1x128xf32>
    %sub3A_1986 = vector.broadcast %get3A_1982 : vector<128x1xf32> to vector<128x128xf32>
    %sub3A_1987 = vector.broadcast %get3A_1985 : vector<1x128xf32> to vector<128x128xf32>
    %sub3A_1988 = arith.subf %sub3A_1986, %sub3A_1987 : vector<128x128xf32>
    %mul3A_1989 = arith.mulf %sub3A_1988, %sub3A_1988 : vector<128x128xf32>
    %mul3A_1990 = vector.broadcast %mul3A_8 : vector<1x128xf32> to vector<128x128xf32>
    %mul3A_1991 = arith.mulf %mul3A_1989, %mul3A_1990 : vector<128x128xf32>
    %add3A_1992 = vector.broadcast %mul3A_14 : vector<1x128xf32> to vector<128x128xf32>
    %add3A_1993 = arith.addf %mul3A_1991, %add3A_1992 : vector<128x128xf32>
    %exp23A_1994 = math.exp2 %add3A_1993 : vector<128x128xf32>
    %swap3A_1995 = arith.constant 13952 : index
    %swap3A_1996 = arith.constant 0 : index
    %swap3A_1997 = vector.load %arg4[%swap3A_1995, %swap3A_1996] : memref<32768x128xf32, #tpu.memory_space<vmem>>, vector<128x128xf32>
    tpu.vector_store %arg4[%swap3A_1995, %swap3A_1996], %exp23A_1994 {strides = array<i32>} : memref<32768x128xf32, #tpu.memory_space<vmem>>, vector<128x128xf32>,
    %get3A_1998 = arith.constant 0 : index
    %get3A_1999 = arith.constant 110 : index
    %get3A_2000 = vector.load %arg5[%get3A_1998, %get3A_1999] : memref<128x256xf32, #tpu.memory_space<vmem>>, vector<128x1xf32>
    %get3A_2001 = arith.constant 0 : index
    %get3A_2002 = arith.constant 0 : index
    %get3A_2003 = vector.load %arg2[%get3A_2001, %get3A_2002] : memref<1x128xf32, #tpu.memory_space<vmem>>, vector<1x128xf32>
    %sub3A_2004 = vector.broadcast %get3A_2000 : vector<128x1xf32> to vector<128x128xf32>
    %sub3A_2005 = vector.broadcast %get3A_2003 : vector<1x128xf32> to vector<128x128xf32>
    %sub3A_2006 = arith.subf %sub3A_2004, %sub3A_2005 : vector<128x128xf32>
    %mul3A_2007 = arith.mulf %sub3A_2006, %sub3A_2006 : vector<128x128xf32>
    %mul3A_2008 = vector.broadcast %mul3A_8 : vector<1x128xf32> to vector<128x128xf32>
    %mul3A_2009 = arith.mulf %mul3A_2007, %mul3A_2008 : vector<128x128xf32>
    %add3A_2010 = vector.broadcast %mul3A_14 : vector<1x128xf32> to vector<128x128xf32>
    %add3A_2011 = arith.addf %mul3A_2009, %add3A_2010 : vector<128x128xf32>
    %exp23A_2012 = math.exp2 %add3A_2011 : vector<128x128xf32>
    %swap3A_2013 = arith.constant 14080 : index
    %swap3A_2014 = arith.constant 0 : index
    %swap3A_2015 = vector.load %arg4[%swap3A_2013, %swap3A_2014] : memref<32768x128xf32, #tpu.memory_space<vmem>>, vector<128x128xf32>
    tpu.vector_store %arg4[%swap3A_2013, %swap3A_2014], %exp23A_2012 {strides = array<i32>} : memref<32768x128xf32, #tpu.memory_space<vmem>>, vector<128x128xf32>,
    %get3A_2016 = arith.constant 0 : index
    %get3A_2017 = arith.constant 111 : index
    %get3A_2018 = vector.load %arg5[%get3A_2016, %get3A_2017] : memref<128x256xf32, #tpu.memory_space<vmem>>, vector<128x1xf32>
    %get3A_2019 = arith.constant 0 : index
    %get3A_2020 = arith.constant 0 : index
    %get3A_2021 = vector.load %arg2[%get3A_2019, %get3A_2020] : memref<1x128xf32, #tpu.memory_space<vmem>>, vector<1x128xf32>
    %sub3A_2022 = vector.broadcast %get3A_2018 : vector<128x1xf32> to vector<128x128xf32>
    %sub3A_2023 = vector.broadcast %get3A_2021 : vector<1x128xf32> to vector<128x128xf32>
    %sub3A_2024 = arith.subf %sub3A_2022, %sub3A_2023 : vector<128x128xf32>
    %mul3A_2025 = arith.mulf %sub3A_2024, %sub3A_2024 : vector<128x128xf32>
    %mul3A_2026 = vector.broadcast %mul3A_8 : vector<1x128xf32> to vector<128x128xf32>
    %mul3A_2027 = arith.mulf %mul3A_2025, %mul3A_2026 : vector<128x128xf32>
    %add3A_2028 = vector.broadcast %mul3A_14 : vector<1x128xf32> to vector<128x128xf32>
    %add3A_2029 = arith.addf %mul3A_2027, %add3A_2028 : vector<128x128xf32>
    %exp23A_2030 = math.exp2 %add3A_2029 : vector<128x128xf32>
    %swap3A_2031 = arith.constant 14208 : index
    %swap3A_2032 = arith.constant 0 : index
    %swap3A_2033 = vector.load %arg4[%swap3A_2031, %swap3A_2032] : memref<32768x128xf32, #tpu.memory_space<vmem>>, vector<128x128xf32>
    tpu.vector_store %arg4[%swap3A_2031, %swap3A_2032], %exp23A_2030 {strides = array<i32>} : memref<32768x128xf32, #tpu.memory_space<vmem>>, vector<128x128xf32>,
    %get3A_2034 = arith.constant 0 : index
    %get3A_2035 = arith.constant 112 : index
    %get3A_2036 = vector.load %arg5[%get3A_2034, %get3A_2035] : memref<128x256xf32, #tpu.memory_space<vmem>>, vector<128x1xf32>
    %get3A_2037 = arith.constant 0 : index
    %get3A_2038 = arith.constant 0 : index
    %get3A_2039 = vector.load %arg2[%get3A_2037, %get3A_2038] : memref<1x128xf32, #tpu.memory_space<vmem>>, vector<1x128xf32>
    %sub3A_2040 = vector.broadcast %get3A_2036 : vector<128x1xf32> to vector<128x128xf32>
    %sub3A_2041 = vector.broadcast %get3A_2039 : vector<1x128xf32> to vector<128x128xf32>
    %sub3A_2042 = arith.subf %sub3A_2040, %sub3A_2041 : vector<128x128xf32>
    %mul3A_2043 = arith.mulf %sub3A_2042, %sub3A_2042 : vector<128x128xf32>
    %mul3A_2044 = vector.broadcast %mul3A_8 : vector<1x128xf32> to vector<128x128xf32>
    %mul3A_2045 = arith.mulf %mul3A_2043, %mul3A_2044 : vector<128x128xf32>
    %add3A_2046 = vector.broadcast %mul3A_14 : vector<1x128xf32> to vector<128x128xf32>
    %add3A_2047 = arith.addf %mul3A_2045, %add3A_2046 : vector<128x128xf32>
    %exp23A_2048 = math.exp2 %add3A_2047 : vector<128x128xf32>
    %swap3A_2049 = arith.constant 14336 : index
    %swap3A_2050 = arith.constant 0 : index
    %swap3A_2051 = vector.load %arg4[%swap3A_2049, %swap3A_2050] : memref<32768x128xf32, #tpu.memory_space<vmem>>, vector<128x128xf32>
    tpu.vector_store %arg4[%swap3A_2049, %swap3A_2050], %exp23A_2048 {strides = array<i32>} : memref<32768x128xf32, #tpu.memory_space<vmem>>, vector<128x128xf32>,
    %get3A_2052 = arith.constant 0 : index
    %get3A_2053 = arith.constant 113 : index
    %get3A_2054 = vector.load %arg5[%get3A_2052, %get3A_2053] : memref<128x256xf32, #tpu.memory_space<vmem>>, vector<128x1xf32>
    %get3A_2055 = arith.constant 0 : index
    %get3A_2056 = arith.constant 0 : index
    %get3A_2057 = vector.load %arg2[%get3A_2055, %get3A_2056] : memref<1x128xf32, #tpu.memory_space<vmem>>, vector<1x128xf32>
    %sub3A_2058 = vector.broadcast %get3A_2054 : vector<128x1xf32> to vector<128x128xf32>
    %sub3A_2059 = vector.broadcast %get3A_2057 : vector<1x128xf32> to vector<128x128xf32>
    %sub3A_2060 = arith.subf %sub3A_2058, %sub3A_2059 : vector<128x128xf32>
    %mul3A_2061 = arith.mulf %sub3A_2060, %sub3A_2060 : vector<128x128xf32>
    %mul3A_2062 = vector.broadcast %mul3A_8 : vector<1x128xf32> to vector<128x128xf32>
    %mul3A_2063 = arith.mulf %mul3A_2061, %mul3A_2062 : vector<128x128xf32>
    %add3A_2064 = vector.broadcast %mul3A_14 : vector<1x128xf32> to vector<128x128xf32>
    %add3A_2065 = arith.addf %mul3A_2063, %add3A_2064 : vector<128x128xf32>
    %exp23A_2066 = math.exp2 %add3A_2065 : vector<128x128xf32>
    %swap3A_2067 = arith.constant 14464 : index
    %swap3A_2068 = arith.constant 0 : index
    %swap3A_2069 = vector.load %arg4[%swap3A_2067, %swap3A_2068] : memref<32768x128xf32, #tpu.memory_space<vmem>>, vector<128x128xf32>
    tpu.vector_store %arg4[%swap3A_2067, %swap3A_2068], %exp23A_2066 {strides = array<i32>} : memref<32768x128xf32, #tpu.memory_space<vmem>>, vector<128x128xf32>,
    %get3A_2070 = arith.constant 0 : index
    %get3A_2071 = arith.constant 114 : index
    %get3A_2072 = vector.load %arg5[%get3A_2070, %get3A_2071] : memref<128x256xf32, #tpu.memory_space<vmem>>, vector<128x1xf32>
    %get3A_2073 = arith.constant 0 : index
    %get3A_2074 = arith.constant 0 : index
    %get3A_2075 = vector.load %arg2[%get3A_2073, %get3A_2074] : memref<1x128xf32, #tpu.memory_space<vmem>>, vector<1x128xf32>
    %sub3A_2076 = vector.broadcast %get3A_2072 : vector<128x1xf32> to vector<128x128xf32>
    %sub3A_2077 = vector.broadcast %get3A_2075 : vector<1x128xf32> to vector<128x128xf32>
    %sub3A_2078 = arith.subf %sub3A_2076, %sub3A_2077 : vector<128x128xf32>
    %mul3A_2079 = arith.mulf %sub3A_2078, %sub3A_2078 : vector<128x128xf32>
    %mul3A_2080 = vector.broadcast %mul3A_8 : vector<1x128xf32> to vector<128x128xf32>
    %mul3A_2081 = arith.mulf %mul3A_2079, %mul3A_2080 : vector<128x128xf32>
    %add3A_2082 = vector.broadcast %mul3A_14 : vector<1x128xf32> to vector<128x128xf32>
    %add3A_2083 = arith.addf %mul3A_2081, %add3A_2082 : vector<128x128xf32>
    %exp23A_2084 = math.exp2 %add3A_2083 : vector<128x128xf32>
    %swap3A_2085 = arith.constant 14592 : index
    %swap3A_2086 = arith.constant 0 : index
    %swap3A_2087 = vector.load %arg4[%swap3A_2085, %swap3A_2086] : memref<32768x128xf32, #tpu.memory_space<vmem>>, vector<128x128xf32>
    tpu.vector_store %arg4[%swap3A_2085, %swap3A_2086], %exp23A_2084 {strides = array<i32>} : memref<32768x128xf32, #tpu.memory_space<vmem>>, vector<128x128xf32>,
    %get3A_2088 = arith.constant 0 : index
    %get3A_2089 = arith.constant 115 : index
    %get3A_2090 = vector.load %arg5[%get3A_2088, %get3A_2089] : memref<128x256xf32, #tpu.memory_space<vmem>>, vector<128x1xf32>
    %get3A_2091 = arith.constant 0 : index
    %get3A_2092 = arith.constant 0 : index
    %get3A_2093 = vector.load %arg2[%get3A_2091, %get3A_2092] : memref<1x128xf32, #tpu.memory_space<vmem>>, vector<1x128xf32>
    %sub3A_2094 = vector.broadcast %get3A_2090 : vector<128x1xf32> to vector<128x128xf32>
    %sub3A_2095 = vector.broadcast %get3A_2093 : vector<1x128xf32> to vector<128x128xf32>
    %sub3A_2096 = arith.subf %sub3A_2094, %sub3A_2095 : vector<128x128xf32>
    %mul3A_2097 = arith.mulf %sub3A_2096, %sub3A_2096 : vector<128x128xf32>
    %mul3A_2098 = vector.broadcast %mul3A_8 : vector<1x128xf32> to vector<128x128xf32>
    %mul3A_2099 = arith.mulf %mul3A_2097, %mul3A_2098 : vector<128x128xf32>
    %add3A_2100 = vector.broadcast %mul3A_14 : vector<1x128xf32> to vector<128x128xf32>
    %add3A_2101 = arith.addf %mul3A_2099, %add3A_2100 : vector<128x128xf32>
    %exp23A_2102 = math.exp2 %add3A_2101 : vector<128x128xf32>
    %swap3A_2103 = arith.constant 14720 : index
    %swap3A_2104 = arith.constant 0 : index
    %swap3A_2105 = vector.load %arg4[%swap3A_2103, %swap3A_2104] : memref<32768x128xf32, #tpu.memory_space<vmem>>, vector<128x128xf32>
    tpu.vector_store %arg4[%swap3A_2103, %swap3A_2104], %exp23A_2102 {strides = array<i32>} : memref<32768x128xf32, #tpu.memory_space<vmem>>, vector<128x128xf32>,
    %get3A_2106 = arith.constant 0 : index
    %get3A_2107 = arith.constant 116 : index
    %get3A_2108 = vector.load %arg5[%get3A_2106, %get3A_2107] : memref<128x256xf32, #tpu.memory_space<vmem>>, vector<128x1xf32>
    %get3A_2109 = arith.constant 0 : index
    %get3A_2110 = arith.constant 0 : index
    %get3A_2111 = vector.load %arg2[%get3A_2109, %get3A_2110] : memref<1x128xf32, #tpu.memory_space<vmem>>, vector<1x128xf32>
    %sub3A_2112 = vector.broadcast %get3A_2108 : vector<128x1xf32> to vector<128x128xf32>
    %sub3A_2113 = vector.broadcast %get3A_2111 : vector<1x128xf32> to vector<128x128xf32>
    %sub3A_2114 = arith.subf %sub3A_2112, %sub3A_2113 : vector<128x128xf32>
    %mul3A_2115 = arith.mulf %sub3A_2114, %sub3A_2114 : vector<128x128xf32>
    %mul3A_2116 = vector.broadcast %mul3A_8 : vector<1x128xf32> to vector<128x128xf32>
    %mul3A_2117 = arith.mulf %mul3A_2115, %mul3A_2116 : vector<128x128xf32>
    %add3A_2118 = vector.broadcast %mul3A_14 : vector<1x128xf32> to vector<128x128xf32>
    %add3A_2119 = arith.addf %mul3A_2117, %add3A_2118 : vector<128x128xf32>
    %exp23A_2120 = math.exp2 %add3A_2119 : vector<128x128xf32>
    %swap3A_2121 = arith.constant 14848 : index
    %swap3A_2122 = arith.constant 0 : index
    %swap3A_2123 = vector.load %arg4[%swap3A_2121, %swap3A_2122] : memref<32768x128xf32, #tpu.memory_space<vmem>>, vector<128x128xf32>
    tpu.vector_store %arg4[%swap3A_2121, %swap3A_2122], %exp23A_2120 {strides = array<i32>} : memref<32768x128xf32, #tpu.memory_space<vmem>>, vector<128x128xf32>,
    %get3A_2124 = arith.constant 0 : index
    %get3A_2125 = arith.constant 117 : index
    %get3A_2126 = vector.load %arg5[%get3A_2124, %get3A_2125] : memref<128x256xf32, #tpu.memory_space<vmem>>, vector<128x1xf32>
    %get3A_2127 = arith.constant 0 : index
    %get3A_2128 = arith.constant 0 : index
    %get3A_2129 = vector.load %arg2[%get3A_2127, %get3A_2128] : memref<1x128xf32, #tpu.memory_space<vmem>>, vector<1x128xf32>
    %sub3A_2130 = vector.broadcast %get3A_2126 : vector<128x1xf32> to vector<128x128xf32>
    %sub3A_2131 = vector.broadcast %get3A_2129 : vector<1x128xf32> to vector<128x128xf32>
    %sub3A_2132 = arith.subf %sub3A_2130, %sub3A_2131 : vector<128x128xf32>
    %mul3A_2133 = arith.mulf %sub3A_2132, %sub3A_2132 : vector<128x128xf32>
    %mul3A_2134 = vector.broadcast %mul3A_8 : vector<1x128xf32> to vector<128x128xf32>
    %mul3A_2135 = arith.mulf %mul3A_2133, %mul3A_2134 : vector<128x128xf32>
    %add3A_2136 = vector.broadcast %mul3A_14 : vector<1x128xf32> to vector<128x128xf32>
    %add3A_2137 = arith.addf %mul3A_2135, %add3A_2136 : vector<128x128xf32>
    %exp23A_2138 = math.exp2 %add3A_2137 : vector<128x128xf32>
    %swap3A_2139 = arith.constant 14976 : index
    %swap3A_2140 = arith.constant 0 : index
    %swap3A_2141 = vector.load %arg4[%swap3A_2139, %swap3A_2140] : memref<32768x128xf32, #tpu.memory_space<vmem>>, vector<128x128xf32>
    tpu.vector_store %arg4[%swap3A_2139, %swap3A_2140], %exp23A_2138 {strides = array<i32>} : memref<32768x128xf32, #tpu.memory_space<vmem>>, vector<128x128xf32>,
    %get3A_2142 = arith.constant 0 : index
    %get3A_2143 = arith.constant 118 : index
    %get3A_2144 = vector.load %arg5[%get3A_2142, %get3A_2143] : memref<128x256xf32, #tpu.memory_space<vmem>>, vector<128x1xf32>
    %get3A_2145 = arith.constant 0 : index
    %get3A_2146 = arith.constant 0 : index
    %get3A_2147 = vector.load %arg2[%get3A_2145, %get3A_2146] : memref<1x128xf32, #tpu.memory_space<vmem>>, vector<1x128xf32>
    %sub3A_2148 = vector.broadcast %get3A_2144 : vector<128x1xf32> to vector<128x128xf32>
    %sub3A_2149 = vector.broadcast %get3A_2147 : vector<1x128xf32> to vector<128x128xf32>
    %sub3A_2150 = arith.subf %sub3A_2148, %sub3A_2149 : vector<128x128xf32>
    %mul3A_2151 = arith.mulf %sub3A_2150, %sub3A_2150 : vector<128x128xf32>
    %mul3A_2152 = vector.broadcast %mul3A_8 : vector<1x128xf32> to vector<128x128xf32>
    %mul3A_2153 = arith.mulf %mul3A_2151, %mul3A_2152 : vector<128x128xf32>
    %add3A_2154 = vector.broadcast %mul3A_14 : vector<1x128xf32> to vector<128x128xf32>
    %add3A_2155 = arith.addf %mul3A_2153, %add3A_2154 : vector<128x128xf32>
    %exp23A_2156 = math.exp2 %add3A_2155 : vector<128x128xf32>
    %swap3A_2157 = arith.constant 15104 : index
    %swap3A_2158 = arith.constant 0 : index
    %swap3A_2159 = vector.load %arg4[%swap3A_2157, %swap3A_2158] : memref<32768x128xf32, #tpu.memory_space<vmem>>, vector<128x128xf32>
    tpu.vector_store %arg4[%swap3A_2157, %swap3A_2158], %exp23A_2156 {strides = array<i32>} : memref<32768x128xf32, #tpu.memory_space<vmem>>, vector<128x128xf32>,
    %get3A_2160 = arith.constant 0 : index
    %get3A_2161 = arith.constant 119 : index
    %get3A_2162 = vector.load %arg5[%get3A_2160, %get3A_2161] : memref<128x256xf32, #tpu.memory_space<vmem>>, vector<128x1xf32>
    %get3A_2163 = arith.constant 0 : index
    %get3A_2164 = arith.constant 0 : index
    %get3A_2165 = vector.load %arg2[%get3A_2163, %get3A_2164] : memref<1x128xf32, #tpu.memory_space<vmem>>, vector<1x128xf32>
    %sub3A_2166 = vector.broadcast %get3A_2162 : vector<128x1xf32> to vector<128x128xf32>
    %sub3A_2167 = vector.broadcast %get3A_2165 : vector<1x128xf32> to vector<128x128xf32>
    %sub3A_2168 = arith.subf %sub3A_2166, %sub3A_2167 : vector<128x128xf32>
    %mul3A_2169 = arith.mulf %sub3A_2168, %sub3A_2168 : vector<128x128xf32>
    %mul3A_2170 = vector.broadcast %mul3A_8 : vector<1x128xf32> to vector<128x128xf32>
    %mul3A_2171 = arith.mulf %mul3A_2169, %mul3A_2170 : vector<128x128xf32>
    %add3A_2172 = vector.broadcast %mul3A_14 : vector<1x128xf32> to vector<128x128xf32>
    %add3A_2173 = arith.addf %mul3A_2171, %add3A_2172 : vector<128x128xf32>
    %exp23A_2174 = math.exp2 %add3A_2173 : vector<128x128xf32>
    %swap3A_2175 = arith.constant 15232 : index
    %swap3A_2176 = arith.constant 0 : index
    %swap3A_2177 = vector.load %arg4[%swap3A_2175, %swap3A_2176] : memref<32768x128xf32, #tpu.memory_space<vmem>>, vector<128x128xf32>
    tpu.vector_store %arg4[%swap3A_2175, %swap3A_2176], %exp23A_2174 {strides = array<i32>} : memref<32768x128xf32, #tpu.memory_space<vmem>>, vector<128x128xf32>,
    %get3A_2178 = arith.constant 0 : index
    %get3A_2179 = arith.constant 120 : index
    %get3A_2180 = vector.load %arg5[%get3A_2178, %get3A_2179] : memref<128x256xf32, #tpu.memory_space<vmem>>, vector<128x1xf32>
    %get3A_2181 = arith.constant 0 : index
    %get3A_2182 = arith.constant 0 : index
    %get3A_2183 = vector.load %arg2[%get3A_2181, %get3A_2182] : memref<1x128xf32, #tpu.memory_space<vmem>>, vector<1x128xf32>
    %sub3A_2184 = vector.broadcast %get3A_2180 : vector<128x1xf32> to vector<128x128xf32>
    %sub3A_2185 = vector.broadcast %get3A_2183 : vector<1x128xf32> to vector<128x128xf32>
    %sub3A_2186 = arith.subf %sub3A_2184, %sub3A_2185 : vector<128x128xf32>
    %mul3A_2187 = arith.mulf %sub3A_2186, %sub3A_2186 : vector<128x128xf32>
    %mul3A_2188 = vector.broadcast %mul3A_8 : vector<1x128xf32> to vector<128x128xf32>
    %mul3A_2189 = arith.mulf %mul3A_2187, %mul3A_2188 : vector<128x128xf32>
    %add3A_2190 = vector.broadcast %mul3A_14 : vector<1x128xf32> to vector<128x128xf32>
    %add3A_2191 = arith.addf %mul3A_2189, %add3A_2190 : vector<128x128xf32>
    %exp23A_2192 = math.exp2 %add3A_2191 : vector<128x128xf32>
    %swap3A_2193 = arith.constant 15360 : index
    %swap3A_2194 = arith.constant 0 : index
    %swap3A_2195 = vector.load %arg4[%swap3A_2193, %swap3A_2194] : memref<32768x128xf32, #tpu.memory_space<vmem>>, vector<128x128xf32>
    tpu.vector_store %arg4[%swap3A_2193, %swap3A_2194], %exp23A_2192 {strides = array<i32>} : memref<32768x128xf32, #tpu.memory_space<vmem>>, vector<128x128xf32>,
    %get3A_2196 = arith.constant 0 : index
    %get3A_2197 = arith.constant 121 : index
    %get3A_2198 = vector.load %arg5[%get3A_2196, %get3A_2197] : memref<128x256xf32, #tpu.memory_space<vmem>>, vector<128x1xf32>
    %get3A_2199 = arith.constant 0 : index
    %get3A_2200 = arith.constant 0 : index
    %get3A_2201 = vector.load %arg2[%get3A_2199, %get3A_2200] : memref<1x128xf32, #tpu.memory_space<vmem>>, vector<1x128xf32>
    %sub3A_2202 = vector.broadcast %get3A_2198 : vector<128x1xf32> to vector<128x128xf32>
    %sub3A_2203 = vector.broadcast %get3A_2201 : vector<1x128xf32> to vector<128x128xf32>
    %sub3A_2204 = arith.subf %sub3A_2202, %sub3A_2203 : vector<128x128xf32>
    %mul3A_2205 = arith.mulf %sub3A_2204, %sub3A_2204 : vector<128x128xf32>
    %mul3A_2206 = vector.broadcast %mul3A_8 : vector<1x128xf32> to vector<128x128xf32>
    %mul3A_2207 = arith.mulf %mul3A_2205, %mul3A_2206 : vector<128x128xf32>
    %add3A_2208 = vector.broadcast %mul3A_14 : vector<1x128xf32> to vector<128x128xf32>
    %add3A_2209 = arith.addf %mul3A_2207, %add3A_2208 : vector<128x128xf32>
    %exp23A_2210 = math.exp2 %add3A_2209 : vector<128x128xf32>
    %swap3A_2211 = arith.constant 15488 : index
    %swap3A_2212 = arith.constant 0 : index
    %swap3A_2213 = vector.load %arg4[%swap3A_2211, %swap3A_2212] : memref<32768x128xf32, #tpu.memory_space<vmem>>, vector<128x128xf32>
    tpu.vector_store %arg4[%swap3A_2211, %swap3A_2212], %exp23A_2210 {strides = array<i32>} : memref<32768x128xf32, #tpu.memory_space<vmem>>, vector<128x128xf32>,
    %get3A_2214 = arith.constant 0 : index
    %get3A_2215 = arith.constant 122 : index
    %get3A_2216 = vector.load %arg5[%get3A_2214, %get3A_2215] : memref<128x256xf32, #tpu.memory_space<vmem>>, vector<128x1xf32>
    %get3A_2217 = arith.constant 0 : index
    %get3A_2218 = arith.constant 0 : index
    %get3A_2219 = vector.load %arg2[%get3A_2217, %get3A_2218] : memref<1x128xf32, #tpu.memory_space<vmem>>, vector<1x128xf32>
    %sub3A_2220 = vector.broadcast %get3A_2216 : vector<128x1xf32> to vector<128x128xf32>
    %sub3A_2221 = vector.broadcast %get3A_2219 : vector<1x128xf32> to vector<128x128xf32>
    %sub3A_2222 = arith.subf %sub3A_2220, %sub3A_2221 : vector<128x128xf32>
    %mul3A_2223 = arith.mulf %sub3A_2222, %sub3A_2222 : vector<128x128xf32>
    %mul3A_2224 = vector.broadcast %mul3A_8 : vector<1x128xf32> to vector<128x128xf32>
    %mul3A_2225 = arith.mulf %mul3A_2223, %mul3A_2224 : vector<128x128xf32>
    %add3A_2226 = vector.broadcast %mul3A_14 : vector<1x128xf32> to vector<128x128xf32>
    %add3A_2227 = arith.addf %mul3A_2225, %add3A_2226 : vector<128x128xf32>
    %exp23A_2228 = math.exp2 %add3A_2227 : vector<128x128xf32>
    %swap3A_2229 = arith.constant 15616 : index
    %swap3A_2230 = arith.constant 0 : index
    %swap3A_2231 = vector.load %arg4[%swap3A_2229, %swap3A_2230] : memref<32768x128xf32, #tpu.memory_space<vmem>>, vector<128x128xf32>
    tpu.vector_store %arg4[%swap3A_2229, %swap3A_2230], %exp23A_2228 {strides = array<i32>} : memref<32768x128xf32, #tpu.memory_space<vmem>>, vector<128x128xf32>,
    %get3A_2232 = arith.constant 0 : index
    %get3A_2233 = arith.constant 123 : index
    %get3A_2234 = vector.load %arg5[%get3A_2232, %get3A_2233] : memref<128x256xf32, #tpu.memory_space<vmem>>, vector<128x1xf32>
    %get3A_2235 = arith.constant 0 : index
    %get3A_2236 = arith.constant 0 : index
    %get3A_2237 = vector.load %arg2[%get3A_2235, %get3A_2236] : memref<1x128xf32, #tpu.memory_space<vmem>>, vector<1x128xf32>
    %sub3A_2238 = vector.broadcast %get3A_2234 : vector<128x1xf32> to vector<128x128xf32>
    %sub3A_2239 = vector.broadcast %get3A_2237 : vector<1x128xf32> to vector<128x128xf32>
    %sub3A_2240 = arith.subf %sub3A_2238, %sub3A_2239 : vector<128x128xf32>
    %mul3A_2241 = arith.mulf %sub3A_2240, %sub3A_2240 : vector<128x128xf32>
    %mul3A_2242 = vector.broadcast %mul3A_8 : vector<1x128xf32> to vector<128x128xf32>
    %mul3A_2243 = arith.mulf %mul3A_2241, %mul3A_2242 : vector<128x128xf32>
    %add3A_2244 = vector.broadcast %mul3A_14 : vector<1x128xf32> to vector<128x128xf32>
    %add3A_2245 = arith.addf %mul3A_2243, %add3A_2244 : vector<128x128xf32>
    %exp23A_2246 = math.exp2 %add3A_2245 : vector<128x128xf32>
    %swap3A_2247 = arith.constant 15744 : index
    %swap3A_2248 = arith.constant 0 : index
    %swap3A_2249 = vector.load %arg4[%swap3A_2247, %swap3A_2248] : memref<32768x128xf32, #tpu.memory_space<vmem>>, vector<128x128xf32>
    tpu.vector_store %arg4[%swap3A_2247, %swap3A_2248], %exp23A_2246 {strides = array<i32>} : memref<32768x128xf32, #tpu.memory_space<vmem>>, vector<128x128xf32>,
    %get3A_2250 = arith.constant 0 : index
    %get3A_2251 = arith.constant 124 : index
    %get3A_2252 = vector.load %arg5[%get3A_2250, %get3A_2251] : memref<128x256xf32, #tpu.memory_space<vmem>>, vector<128x1xf32>
    %get3A_2253 = arith.constant 0 : index
    %get3A_2254 = arith.constant 0 : index
    %get3A_2255 = vector.load %arg2[%get3A_2253, %get3A_2254] : memref<1x128xf32, #tpu.memory_space<vmem>>, vector<1x128xf32>
    %sub3A_2256 = vector.broadcast %get3A_2252 : vector<128x1xf32> to vector<128x128xf32>
    %sub3A_2257 = vector.broadcast %get3A_2255 : vector<1x128xf32> to vector<128x128xf32>
    %sub3A_2258 = arith.subf %sub3A_2256, %sub3A_2257 : vector<128x128xf32>
    %mul3A_2259 = arith.mulf %sub3A_2258, %sub3A_2258 : vector<128x128xf32>
    %mul3A_2260 = vector.broadcast %mul3A_8 : vector<1x128xf32> to vector<128x128xf32>
    %mul3A_2261 = arith.mulf %mul3A_2259, %mul3A_2260 : vector<128x128xf32>
    %add3A_2262 = vector.broadcast %mul3A_14 : vector<1x128xf32> to vector<128x128xf32>
    %add3A_2263 = arith.addf %mul3A_2261, %add3A_2262 : vector<128x128xf32>
    %exp23A_2264 = math.exp2 %add3A_2263 : vector<128x128xf32>
    %swap3A_2265 = arith.constant 15872 : index
    %swap3A_2266 = arith.constant 0 : index
    %swap3A_2267 = vector.load %arg4[%swap3A_2265, %swap3A_2266] : memref<32768x128xf32, #tpu.memory_space<vmem>>, vector<128x128xf32>
    tpu.vector_store %arg4[%swap3A_2265, %swap3A_2266], %exp23A_2264 {strides = array<i32>} : memref<32768x128xf32, #tpu.memory_space<vmem>>, vector<128x128xf32>,
    %get3A_2268 = arith.constant 0 : index
    %get3A_2269 = arith.constant 125 : index
    %get3A_2270 = vector.load %arg5[%get3A_2268, %get3A_2269] : memref<128x256xf32, #tpu.memory_space<vmem>>, vector<128x1xf32>
    %get3A_2271 = arith.constant 0 : index
    %get3A_2272 = arith.constant 0 : index
    %get3A_2273 = vector.load %arg2[%get3A_2271, %get3A_2272] : memref<1x128xf32, #tpu.memory_space<vmem>>, vector<1x128xf32>
    %sub3A_2274 = vector.broadcast %get3A_2270 : vector<128x1xf32> to vector<128x128xf32>
    %sub3A_2275 = vector.broadcast %get3A_2273 : vector<1x128xf32> to vector<128x128xf32>
    %sub3A_2276 = arith.subf %sub3A_2274, %sub3A_2275 : vector<128x128xf32>
    %mul3A_2277 = arith.mulf %sub3A_2276, %sub3A_2276 : vector<128x128xf32>
    %mul3A_2278 = vector.broadcast %mul3A_8 : vector<1x128xf32> to vector<128x128xf32>
    %mul3A_2279 = arith.mulf %mul3A_2277, %mul3A_2278 : vector<128x128xf32>
    %add3A_2280 = vector.broadcast %mul3A_14 : vector<1x128xf32> to vector<128x128xf32>
    %add3A_2281 = arith.addf %mul3A_2279, %add3A_2280 : vector<128x128xf32>
    %exp23A_2282 = math.exp2 %add3A_2281 : vector<128x128xf32>
    %swap3A_2283 = arith.constant 16000 : index
    %swap3A_2284 = arith.constant 0 : index
    %swap3A_2285 = vector.load %arg4[%swap3A_2283, %swap3A_2284] : memref<32768x128xf32, #tpu.memory_space<vmem>>, vector<128x128xf32>
    tpu.vector_store %arg4[%swap3A_2283, %swap3A_2284], %exp23A_2282 {strides = array<i32>} : memref<32768x128xf32, #tpu.memory_space<vmem>>, vector<128x128xf32>,
    %get3A_2286 = arith.constant 0 : index
    %get3A_2287 = arith.constant 126 : index
    %get3A_2288 = vector.load %arg5[%get3A_2286, %get3A_2287] : memref<128x256xf32, #tpu.memory_space<vmem>>, vector<128x1xf32>
    %get3A_2289 = arith.constant 0 : index
    %get3A_2290 = arith.constant 0 : index
    %get3A_2291 = vector.load %arg2[%get3A_2289, %get3A_2290] : memref<1x128xf32, #tpu.memory_space<vmem>>, vector<1x128xf32>
    %sub3A_2292 = vector.broadcast %get3A_2288 : vector<128x1xf32> to vector<128x128xf32>
    %sub3A_2293 = vector.broadcast %get3A_2291 : vector<1x128xf32> to vector<128x128xf32>
    %sub3A_2294 = arith.subf %sub3A_2292, %sub3A_2293 : vector<128x128xf32>
    %mul3A_2295 = arith.mulf %sub3A_2294, %sub3A_2294 : vector<128x128xf32>
    %mul3A_2296 = vector.broadcast %mul3A_8 : vector<1x128xf32> to vector<128x128xf32>
    %mul3A_2297 = arith.mulf %mul3A_2295, %mul3A_2296 : vector<128x128xf32>
    %add3A_2298 = vector.broadcast %mul3A_14 : vector<1x128xf32> to vector<128x128xf32>
    %add3A_2299 = arith.addf %mul3A_2297, %add3A_2298 : vector<128x128xf32>
    %exp23A_2300 = math.exp2 %add3A_2299 : vector<128x128xf32>
    %swap3A_2301 = arith.constant 16128 : index
    %swap3A_2302 = arith.constant 0 : index
    %swap3A_2303 = vector.load %arg4[%swap3A_2301, %swap3A_2302] : memref<32768x128xf32, #tpu.memory_space<vmem>>, vector<128x128xf32>
    tpu.vector_store %arg4[%swap3A_2301, %swap3A_2302], %exp23A_2300 {strides = array<i32>} : memref<32768x128xf32, #tpu.memory_space<vmem>>, vector<128x128xf32>,
    %get3A_2304 = arith.constant 0 : index
    %get3A_2305 = arith.constant 127 : index
    %get3A_2306 = vector.load %arg5[%get3A_2304, %get3A_2305] : memref<128x256xf32, #tpu.memory_space<vmem>>, vector<128x1xf32>
    %get3A_2307 = arith.constant 0 : index
    %get3A_2308 = arith.constant 0 : index
    %get3A_2309 = vector.load %arg2[%get3A_2307, %get3A_2308] : memref<1x128xf32, #tpu.memory_space<vmem>>, vector<1x128xf32>
    %sub3A_2310 = vector.broadcast %get3A_2306 : vector<128x1xf32> to vector<128x128xf32>
    %sub3A_2311 = vector.broadcast %get3A_2309 : vector<1x128xf32> to vector<128x128xf32>
    %sub3A_2312 = arith.subf %sub3A_2310, %sub3A_2311 : vector<128x128xf32>
    %mul3A_2313 = arith.mulf %sub3A_2312, %sub3A_2312 : vector<128x128xf32>
    %mul3A_2314 = vector.broadcast %mul3A_8 : vector<1x128xf32> to vector<128x128xf32>
    %mul3A_2315 = arith.mulf %mul3A_2313, %mul3A_2314 : vector<128x128xf32>
    %add3A_2316 = vector.broadcast %mul3A_14 : vector<1x128xf32> to vector<128x128xf32>
    %add3A_2317 = arith.addf %mul3A_2315, %add3A_2316 : vector<128x128xf32>
    %exp23A_2318 = math.exp2 %add3A_2317 : vector<128x128xf32>
    %swap3A_2319 = arith.constant 16256 : index
    %swap3A_2320 = arith.constant 0 : index
    %swap3A_2321 = vector.load %arg4[%swap3A_2319, %swap3A_2320] : memref<32768x128xf32, #tpu.memory_space<vmem>>, vector<128x128xf32>
    tpu.vector_store %arg4[%swap3A_2319, %swap3A_2320], %exp23A_2318 {strides = array<i32>} : memref<32768x128xf32, #tpu.memory_space<vmem>>, vector<128x128xf32>,
    %get3A_2322 = arith.constant 0 : index
    %get3A_2323 = arith.constant 128 : index
    %get3A_2324 = vector.load %arg5[%get3A_2322, %get3A_2323] : memref<128x256xf32, #tpu.memory_space<vmem>>, vector<128x1xf32>
    %get3A_2325 = arith.constant 0 : index
    %get3A_2326 = arith.constant 0 : index
    %get3A_2327 = vector.load %arg2[%get3A_2325, %get3A_2326] : memref<1x128xf32, #tpu.memory_space<vmem>>, vector<1x128xf32>
    %sub3A_2328 = vector.broadcast %get3A_2324 : vector<128x1xf32> to vector<128x128xf32>
    %sub3A_2329 = vector.broadcast %get3A_2327 : vector<1x128xf32> to vector<128x128xf32>
    %sub3A_2330 = arith.subf %sub3A_2328, %sub3A_2329 : vector<128x128xf32>
    %mul3A_2331 = arith.mulf %sub3A_2330, %sub3A_2330 : vector<128x128xf32>
    %mul3A_2332 = vector.broadcast %mul3A_8 : vector<1x128xf32> to vector<128x128xf32>
    %mul3A_2333 = arith.mulf %mul3A_2331, %mul3A_2332 : vector<128x128xf32>
    %add3A_2334 = vector.broadcast %mul3A_14 : vector<1x128xf32> to vector<128x128xf32>
    %add3A_2335 = arith.addf %mul3A_2333, %add3A_2334 : vector<128x128xf32>
    %exp23A_2336 = math.exp2 %add3A_2335 : vector<128x128xf32>
    %swap3A_2337 = arith.constant 16384 : index
    %swap3A_2338 = arith.constant 0 : index
    %swap3A_2339 = vector.load %arg4[%swap3A_2337, %swap3A_2338] : memref<32768x128xf32, #tpu.memory_space<vmem>>, vector<128x128xf32>
    tpu.vector_store %arg4[%swap3A_2337, %swap3A_2338], %exp23A_2336 {strides = array<i32>} : memref<32768x128xf32, #tpu.memory_space<vmem>>, vector<128x128xf32>,
    %get3A_2340 = arith.constant 0 : index
    %get3A_2341 = arith.constant 129 : index
    %get3A_2342 = vector.load %arg5[%get3A_2340, %get3A_2341] : memref<128x256xf32, #tpu.memory_space<vmem>>, vector<128x1xf32>
    %get3A_2343 = arith.constant 0 : index
    %get3A_2344 = arith.constant 0 : index
    %get3A_2345 = vector.load %arg2[%get3A_2343, %get3A_2344] : memref<1x128xf32, #tpu.memory_space<vmem>>, vector<1x128xf32>
    %sub3A_2346 = vector.broadcast %get3A_2342 : vector<128x1xf32> to vector<128x128xf32>
    %sub3A_2347 = vector.broadcast %get3A_2345 : vector<1x128xf32> to vector<128x128xf32>
    %sub3A_2348 = arith.subf %sub3A_2346, %sub3A_2347 : vector<128x128xf32>
    %mul3A_2349 = arith.mulf %sub3A_2348, %sub3A_2348 : vector<128x128xf32>
    %mul3A_2350 = vector.broadcast %mul3A_8 : vector<1x128xf32> to vector<128x128xf32>
    %mul3A_2351 = arith.mulf %mul3A_2349, %mul3A_2350 : vector<128x128xf32>
    %add3A_2352 = vector.broadcast %mul3A_14 : vector<1x128xf32> to vector<128x128xf32>
    %add3A_2353 = arith.addf %mul3A_2351, %add3A_2352 : vector<128x128xf32>
    %exp23A_2354 = math.exp2 %add3A_2353 : vector<128x128xf32>
    %swap3A_2355 = arith.constant 16512 : index
    %swap3A_2356 = arith.constant 0 : index
    %swap3A_2357 = vector.load %arg4[%swap3A_2355, %swap3A_2356] : memref<32768x128xf32, #tpu.memory_space<vmem>>, vector<128x128xf32>
    tpu.vector_store %arg4[%swap3A_2355, %swap3A_2356], %exp23A_2354 {strides = array<i32>} : memref<32768x128xf32, #tpu.memory_space<vmem>>, vector<128x128xf32>,
    %get3A_2358 = arith.constant 0 : index
    %get3A_2359 = arith.constant 130 : index
    %get3A_2360 = vector.load %arg5[%get3A_2358, %get3A_2359] : memref<128x256xf32, #tpu.memory_space<vmem>>, vector<128x1xf32>
    %get3A_2361 = arith.constant 0 : index
    %get3A_2362 = arith.constant 0 : index
    %get3A_2363 = vector.load %arg2[%get3A_2361, %get3A_2362] : memref<1x128xf32, #tpu.memory_space<vmem>>, vector<1x128xf32>
    %sub3A_2364 = vector.broadcast %get3A_2360 : vector<128x1xf32> to vector<128x128xf32>
    %sub3A_2365 = vector.broadcast %get3A_2363 : vector<1x128xf32> to vector<128x128xf32>
    %sub3A_2366 = arith.subf %sub3A_2364, %sub3A_2365 : vector<128x128xf32>
    %mul3A_2367 = arith.mulf %sub3A_2366, %sub3A_2366 : vector<128x128xf32>
    %mul3A_2368 = vector.broadcast %mul3A_8 : vector<1x128xf32> to vector<128x128xf32>
    %mul3A_2369 = arith.mulf %mul3A_2367, %mul3A_2368 : vector<128x128xf32>
    %add3A_2370 = vector.broadcast %mul3A_14 : vector<1x128xf32> to vector<128x128xf32>
    %add3A_2371 = arith.addf %mul3A_2369, %add3A_2370 : vector<128x128xf32>
    %exp23A_2372 = math.exp2 %add3A_2371 : vector<128x128xf32>
    %swap3A_2373 = arith.constant 16640 : index
    %swap3A_2374 = arith.constant 0 : index
    %swap3A_2375 = vector.load %arg4[%swap3A_2373, %swap3A_2374] : memref<32768x128xf32, #tpu.memory_space<vmem>>, vector<128x128xf32>
    tpu.vector_store %arg4[%swap3A_2373, %swap3A_2374], %exp23A_2372 {strides = array<i32>} : memref<32768x128xf32, #tpu.memory_space<vmem>>, vector<128x128xf32>,
    %get3A_2376 = arith.constant 0 : index
    %get3A_2377 = arith.constant 131 : index
    %get3A_2378 = vector.load %arg5[%get3A_2376, %get3A_2377] : memref<128x256xf32, #tpu.memory_space<vmem>>, vector<128x1xf32>
    %get3A_2379 = arith.constant 0 : index
    %get3A_2380 = arith.constant 0 : index
    %get3A_2381 = vector.load %arg2[%get3A_2379, %get3A_2380] : memref<1x128xf32, #tpu.memory_space<vmem>>, vector<1x128xf32>
    %sub3A_2382 = vector.broadcast %get3A_2378 : vector<128x1xf32> to vector<128x128xf32>
    %sub3A_2383 = vector.broadcast %get3A_2381 : vector<1x128xf32> to vector<128x128xf32>
    %sub3A_2384 = arith.subf %sub3A_2382, %sub3A_2383 : vector<128x128xf32>
    %mul3A_2385 = arith.mulf %sub3A_2384, %sub3A_2384 : vector<128x128xf32>
    %mul3A_2386 = vector.broadcast %mul3A_8 : vector<1x128xf32> to vector<128x128xf32>
    %mul3A_2387 = arith.mulf %mul3A_2385, %mul3A_2386 : vector<128x128xf32>
    %add3A_2388 = vector.broadcast %mul3A_14 : vector<1x128xf32> to vector<128x128xf32>
    %add3A_2389 = arith.addf %mul3A_2387, %add3A_2388 : vector<128x128xf32>
    %exp23A_2390 = math.exp2 %add3A_2389 : vector<128x128xf32>
    %swap3A_2391 = arith.constant 16768 : index
    %swap3A_2392 = arith.constant 0 : index
    %swap3A_2393 = vector.load %arg4[%swap3A_2391, %swap3A_2392] : memref<32768x128xf32, #tpu.memory_space<vmem>>, vector<128x128xf32>
    tpu.vector_store %arg4[%swap3A_2391, %swap3A_2392], %exp23A_2390 {strides = array<i32>} : memref<32768x128xf32, #tpu.memory_space<vmem>>, vector<128x128xf32>,
    %get3A_2394 = arith.constant 0 : index
    %get3A_2395 = arith.constant 132 : index
    %get3A_2396 = vector.load %arg5[%get3A_2394, %get3A_2395] : memref<128x256xf32, #tpu.memory_space<vmem>>, vector<128x1xf32>
    %get3A_2397 = arith.constant 0 : index
    %get3A_2398 = arith.constant 0 : index
    %get3A_2399 = vector.load %arg2[%get3A_2397, %get3A_2398] : memref<1x128xf32, #tpu.memory_space<vmem>>, vector<1x128xf32>
    %sub3A_2400 = vector.broadcast %get3A_2396 : vector<128x1xf32> to vector<128x128xf32>
    %sub3A_2401 = vector.broadcast %get3A_2399 : vector<1x128xf32> to vector<128x128xf32>
    %sub3A_2402 = arith.subf %sub3A_2400, %sub3A_2401 : vector<128x128xf32>
    %mul3A_2403 = arith.mulf %sub3A_2402, %sub3A_2402 : vector<128x128xf32>
    %mul3A_2404 = vector.broadcast %mul3A_8 : vector<1x128xf32> to vector<128x128xf32>
    %mul3A_2405 = arith.mulf %mul3A_2403, %mul3A_2404 : vector<128x128xf32>
    %add3A_2406 = vector.broadcast %mul3A_14 : vector<1x128xf32> to vector<128x128xf32>
    %add3A_2407 = arith.addf %mul3A_2405, %add3A_2406 : vector<128x128xf32>
    %exp23A_2408 = math.exp2 %add3A_2407 : vector<128x128xf32>
    %swap3A_2409 = arith.constant 16896 : index
    %swap3A_2410 = arith.constant 0 : index
    %swap3A_2411 = vector.load %arg4[%swap3A_2409, %swap3A_2410] : memref<32768x128xf32, #tpu.memory_space<vmem>>, vector<128x128xf32>
    tpu.vector_store %arg4[%swap3A_2409, %swap3A_2410], %exp23A_2408 {strides = array<i32>} : memref<32768x128xf32, #tpu.memory_space<vmem>>, vector<128x128xf32>,
    %get3A_2412 = arith.constant 0 : index
    %get3A_2413 = arith.constant 133 : index
    %get3A_2414 = vector.load %arg5[%get3A_2412, %get3A_2413] : memref<128x256xf32, #tpu.memory_space<vmem>>, vector<128x1xf32>
    %get3A_2415 = arith.constant 0 : index
    %get3A_2416 = arith.constant 0 : index
    %get3A_2417 = vector.load %arg2[%get3A_2415, %get3A_2416] : memref<1x128xf32, #tpu.memory_space<vmem>>, vector<1x128xf32>
    %sub3A_2418 = vector.broadcast %get3A_2414 : vector<128x1xf32> to vector<128x128xf32>
    %sub3A_2419 = vector.broadcast %get3A_2417 : vector<1x128xf32> to vector<128x128xf32>
    %sub3A_2420 = arith.subf %sub3A_2418, %sub3A_2419 : vector<128x128xf32>
    %mul3A_2421 = arith.mulf %sub3A_2420, %sub3A_2420 : vector<128x128xf32>
    %mul3A_2422 = vector.broadcast %mul3A_8 : vector<1x128xf32> to vector<128x128xf32>
    %mul3A_2423 = arith.mulf %mul3A_2421, %mul3A_2422 : vector<128x128xf32>
    %add3A_2424 = vector.broadcast %mul3A_14 : vector<1x128xf32> to vector<128x128xf32>
    %add3A_2425 = arith.addf %mul3A_2423, %add3A_2424 : vector<128x128xf32>
    %exp23A_2426 = math.exp2 %add3A_2425 : vector<128x128xf32>
    %swap3A_2427 = arith.constant 17024 : index
    %swap3A_2428 = arith.constant 0 : index
    %swap3A_2429 = vector.load %arg4[%swap3A_2427, %swap3A_2428] : memref<32768x128xf32, #tpu.memory_space<vmem>>, vector<128x128xf32>
    tpu.vector_store %arg4[%swap3A_2427, %swap3A_2428], %exp23A_2426 {strides = array<i32>} : memref<32768x128xf32, #tpu.memory_space<vmem>>, vector<128x128xf32>,
    %get3A_2430 = arith.constant 0 : index
    %get3A_2431 = arith.constant 134 : index
    %get3A_2432 = vector.load %arg5[%get3A_2430, %get3A_2431] : memref<128x256xf32, #tpu.memory_space<vmem>>, vector<128x1xf32>
    %get3A_2433 = arith.constant 0 : index
    %get3A_2434 = arith.constant 0 : index
    %get3A_2435 = vector.load %arg2[%get3A_2433, %get3A_2434] : memref<1x128xf32, #tpu.memory_space<vmem>>, vector<1x128xf32>
    %sub3A_2436 = vector.broadcast %get3A_2432 : vector<128x1xf32> to vector<128x128xf32>
    %sub3A_2437 = vector.broadcast %get3A_2435 : vector<1x128xf32> to vector<128x128xf32>
    %sub3A_2438 = arith.subf %sub3A_2436, %sub3A_2437 : vector<128x128xf32>
    %mul3A_2439 = arith.mulf %sub3A_2438, %sub3A_2438 : vector<128x128xf32>
    %mul3A_2440 = vector.broadcast %mul3A_8 : vector<1x128xf32> to vector<128x128xf32>
    %mul3A_2441 = arith.mulf %mul3A_2439, %mul3A_2440 : vector<128x128xf32>
    %add3A_2442 = vector.broadcast %mul3A_14 : vector<1x128xf32> to vector<128x128xf32>
    %add3A_2443 = arith.addf %mul3A_2441, %add3A_2442 : vector<128x128xf32>
    %exp23A_2444 = math.exp2 %add3A_2443 : vector<128x128xf32>
    %swap3A_2445 = arith.constant 17152 : index
    %swap3A_2446 = arith.constant 0 : index
    %swap3A_2447 = vector.load %arg4[%swap3A_2445, %swap3A_2446] : memref<32768x128xf32, #tpu.memory_space<vmem>>, vector<128x128xf32>
    tpu.vector_store %arg4[%swap3A_2445, %swap3A_2446], %exp23A_2444 {strides = array<i32>} : memref<32768x128xf32, #tpu.memory_space<vmem>>, vector<128x128xf32>,
    %get3A_2448 = arith.constant 0 : index
    %get3A_2449 = arith.constant 135 : index
    %get3A_2450 = vector.load %arg5[%get3A_2448, %get3A_2449] : memref<128x256xf32, #tpu.memory_space<vmem>>, vector<128x1xf32>
    %get3A_2451 = arith.constant 0 : index
    %get3A_2452 = arith.constant 0 : index
    %get3A_2453 = vector.load %arg2[%get3A_2451, %get3A_2452] : memref<1x128xf32, #tpu.memory_space<vmem>>, vector<1x128xf32>
    %sub3A_2454 = vector.broadcast %get3A_2450 : vector<128x1xf32> to vector<128x128xf32>
    %sub3A_2455 = vector.broadcast %get3A_2453 : vector<1x128xf32> to vector<128x128xf32>
    %sub3A_2456 = arith.subf %sub3A_2454, %sub3A_2455 : vector<128x128xf32>
    %mul3A_2457 = arith.mulf %sub3A_2456, %sub3A_2456 : vector<128x128xf32>
    %mul3A_2458 = vector.broadcast %mul3A_8 : vector<1x128xf32> to vector<128x128xf32>
    %mul3A_2459 = arith.mulf %mul3A_2457, %mul3A_2458 : vector<128x128xf32>
    %add3A_2460 = vector.broadcast %mul3A_14 : vector<1x128xf32> to vector<128x128xf32>
    %add3A_2461 = arith.addf %mul3A_2459, %add3A_2460 : vector<128x128xf32>
    %exp23A_2462 = math.exp2 %add3A_2461 : vector<128x128xf32>
    %swap3A_2463 = arith.constant 17280 : index
    %swap3A_2464 = arith.constant 0 : index
    %swap3A_2465 = vector.load %arg4[%swap3A_2463, %swap3A_2464] : memref<32768x128xf32, #tpu.memory_space<vmem>>, vector<128x128xf32>
    tpu.vector_store %arg4[%swap3A_2463, %swap3A_2464], %exp23A_2462 {strides = array<i32>} : memref<32768x128xf32, #tpu.memory_space<vmem>>, vector<128x128xf32>,
    %get3A_2466 = arith.constant 0 : index
    %get3A_2467 = arith.constant 136 : index
    %get3A_2468 = vector.load %arg5[%get3A_2466, %get3A_2467] : memref<128x256xf32, #tpu.memory_space<vmem>>, vector<128x1xf32>
    %get3A_2469 = arith.constant 0 : index
    %get3A_2470 = arith.constant 0 : index
    %get3A_2471 = vector.load %arg2[%get3A_2469, %get3A_2470] : memref<1x128xf32, #tpu.memory_space<vmem>>, vector<1x128xf32>
    %sub3A_2472 = vector.broadcast %get3A_2468 : vector<128x1xf32> to vector<128x128xf32>
    %sub3A_2473 = vector.broadcast %get3A_2471 : vector<1x128xf32> to vector<128x128xf32>
    %sub3A_2474 = arith.subf %sub3A_2472, %sub3A_2473 : vector<128x128xf32>
    %mul3A_2475 = arith.mulf %sub3A_2474, %sub3A_2474 : vector<128x128xf32>
    %mul3A_2476 = vector.broadcast %mul3A_8 : vector<1x128xf32> to vector<128x128xf32>
    %mul3A_2477 = arith.mulf %mul3A_2475, %mul3A_2476 : vector<128x128xf32>
    %add3A_2478 = vector.broadcast %mul3A_14 : vector<1x128xf32> to vector<128x128xf32>
    %add3A_2479 = arith.addf %mul3A_2477, %add3A_2478 : vector<128x128xf32>
    %exp23A_2480 = math.exp2 %add3A_2479 : vector<128x128xf32>
    %swap3A_2481 = arith.constant 17408 : index
    %swap3A_2482 = arith.constant 0 : index
    %swap3A_2483 = vector.load %arg4[%swap3A_2481, %swap3A_2482] : memref<32768x128xf32, #tpu.memory_space<vmem>>, vector<128x128xf32>
    tpu.vector_store %arg4[%swap3A_2481, %swap3A_2482], %exp23A_2480 {strides = array<i32>} : memref<32768x128xf32, #tpu.memory_space<vmem>>, vector<128x128xf32>,
    %get3A_2484 = arith.constant 0 : index
    %get3A_2485 = arith.constant 137 : index
    %get3A_2486 = vector.load %arg5[%get3A_2484, %get3A_2485] : memref<128x256xf32, #tpu.memory_space<vmem>>, vector<128x1xf32>
    %get3A_2487 = arith.constant 0 : index
    %get3A_2488 = arith.constant 0 : index
    %get3A_2489 = vector.load %arg2[%get3A_2487, %get3A_2488] : memref<1x128xf32, #tpu.memory_space<vmem>>, vector<1x128xf32>
    %sub3A_2490 = vector.broadcast %get3A_2486 : vector<128x1xf32> to vector<128x128xf32>
    %sub3A_2491 = vector.broadcast %get3A_2489 : vector<1x128xf32> to vector<128x128xf32>
    %sub3A_2492 = arith.subf %sub3A_2490, %sub3A_2491 : vector<128x128xf32>
    %mul3A_2493 = arith.mulf %sub3A_2492, %sub3A_2492 : vector<128x128xf32>
    %mul3A_2494 = vector.broadcast %mul3A_8 : vector<1x128xf32> to vector<128x128xf32>
    %mul3A_2495 = arith.mulf %mul3A_2493, %mul3A_2494 : vector<128x128xf32>
    %add3A_2496 = vector.broadcast %mul3A_14 : vector<1x128xf32> to vector<128x128xf32>
    %add3A_2497 = arith.addf %mul3A_2495, %add3A_2496 : vector<128x128xf32>
    %exp23A_2498 = math.exp2 %add3A_2497 : vector<128x128xf32>
    %swap3A_2499 = arith.constant 17536 : index
    %swap3A_2500 = arith.constant 0 : index
    %swap3A_2501 = vector.load %arg4[%swap3A_2499, %swap3A_2500] : memref<32768x128xf32, #tpu.memory_space<vmem>>, vector<128x128xf32>
    tpu.vector_store %arg4[%swap3A_2499, %swap3A_2500], %exp23A_2498 {strides = array<i32>} : memref<32768x128xf32, #tpu.memory_space<vmem>>, vector<128x128xf32>,
    %get3A_2502 = arith.constant 0 : index
    %get3A_2503 = arith.constant 138 : index
    %get3A_2504 = vector.load %arg5[%get3A_2502, %get3A_2503] : memref<128x256xf32, #tpu.memory_space<vmem>>, vector<128x1xf32>
    %get3A_2505 = arith.constant 0 : index
    %get3A_2506 = arith.constant 0 : index
    %get3A_2507 = vector.load %arg2[%get3A_2505, %get3A_2506] : memref<1x128xf32, #tpu.memory_space<vmem>>, vector<1x128xf32>
    %sub3A_2508 = vector.broadcast %get3A_2504 : vector<128x1xf32> to vector<128x128xf32>
    %sub3A_2509 = vector.broadcast %get3A_2507 : vector<1x128xf32> to vector<128x128xf32>
    %sub3A_2510 = arith.subf %sub3A_2508, %sub3A_2509 : vector<128x128xf32>
    %mul3A_2511 = arith.mulf %sub3A_2510, %sub3A_2510 : vector<128x128xf32>
    %mul3A_2512 = vector.broadcast %mul3A_8 : vector<1x128xf32> to vector<128x128xf32>
    %mul3A_2513 = arith.mulf %mul3A_2511, %mul3A_2512 : vector<128x128xf32>
    %add3A_2514 = vector.broadcast %mul3A_14 : vector<1x128xf32> to vector<128x128xf32>
    %add3A_2515 = arith.addf %mul3A_2513, %add3A_2514 : vector<128x128xf32>
    %exp23A_2516 = math.exp2 %add3A_2515 : vector<128x128xf32>
    %swap3A_2517 = arith.constant 17664 : index
    %swap3A_2518 = arith.constant 0 : index
    %swap3A_2519 = vector.load %arg4[%swap3A_2517, %swap3A_2518] : memref<32768x128xf32, #tpu.memory_space<vmem>>, vector<128x128xf32>
    tpu.vector_store %arg4[%swap3A_2517, %swap3A_2518], %exp23A_2516 {strides = array<i32>} : memref<32768x128xf32, #tpu.memory_space<vmem>>, vector<128x128xf32>,
    %get3A_2520 = arith.constant 0 : index
    %get3A_2521 = arith.constant 139 : index
    %get3A_2522 = vector.load %arg5[%get3A_2520, %get3A_2521] : memref<128x256xf32, #tpu.memory_space<vmem>>, vector<128x1xf32>
    %get3A_2523 = arith.constant 0 : index
    %get3A_2524 = arith.constant 0 : index
    %get3A_2525 = vector.load %arg2[%get3A_2523, %get3A_2524] : memref<1x128xf32, #tpu.memory_space<vmem>>, vector<1x128xf32>
    %sub3A_2526 = vector.broadcast %get3A_2522 : vector<128x1xf32> to vector<128x128xf32>
    %sub3A_2527 = vector.broadcast %get3A_2525 : vector<1x128xf32> to vector<128x128xf32>
    %sub3A_2528 = arith.subf %sub3A_2526, %sub3A_2527 : vector<128x128xf32>
    %mul3A_2529 = arith.mulf %sub3A_2528, %sub3A_2528 : vector<128x128xf32>
    %mul3A_2530 = vector.broadcast %mul3A_8 : vector<1x128xf32> to vector<128x128xf32>
    %mul3A_2531 = arith.mulf %mul3A_2529, %mul3A_2530 : vector<128x128xf32>
    %add3A_2532 = vector.broadcast %mul3A_14 : vector<1x128xf32> to vector<128x128xf32>
    %add3A_2533 = arith.addf %mul3A_2531, %add3A_2532 : vector<128x128xf32>
    %exp23A_2534 = math.exp2 %add3A_2533 : vector<128x128xf32>
    %swap3A_2535 = arith.constant 17792 : index
    %swap3A_2536 = arith.constant 0 : index
    %swap3A_2537 = vector.load %arg4[%swap3A_2535, %swap3A_2536] : memref<32768x128xf32, #tpu.memory_space<vmem>>, vector<128x128xf32>
    tpu.vector_store %arg4[%swap3A_2535, %swap3A_2536], %exp23A_2534 {strides = array<i32>} : memref<32768x128xf32, #tpu.memory_space<vmem>>, vector<128x128xf32>,
    %get3A_2538 = arith.constant 0 : index
    %get3A_2539 = arith.constant 140 : index
    %get3A_2540 = vector.load %arg5[%get3A_2538, %get3A_2539] : memref<128x256xf32, #tpu.memory_space<vmem>>, vector<128x1xf32>
    %get3A_2541 = arith.constant 0 : index
    %get3A_2542 = arith.constant 0 : index
    %get3A_2543 = vector.load %arg2[%get3A_2541, %get3A_2542] : memref<1x128xf32, #tpu.memory_space<vmem>>, vector<1x128xf32>
    %sub3A_2544 = vector.broadcast %get3A_2540 : vector<128x1xf32> to vector<128x128xf32>
    %sub3A_2545 = vector.broadcast %get3A_2543 : vector<1x128xf32> to vector<128x128xf32>
    %sub3A_2546 = arith.subf %sub3A_2544, %sub3A_2545 : vector<128x128xf32>
    %mul3A_2547 = arith.mulf %sub3A_2546, %sub3A_2546 : vector<128x128xf32>
    %mul3A_2548 = vector.broadcast %mul3A_8 : vector<1x128xf32> to vector<128x128xf32>
    %mul3A_2549 = arith.mulf %mul3A_2547, %mul3A_2548 : vector<128x128xf32>
    %add3A_2550 = vector.broadcast %mul3A_14 : vector<1x128xf32> to vector<128x128xf32>
    %add3A_2551 = arith.addf %mul3A_2549, %add3A_2550 : vector<128x128xf32>
    %exp23A_2552 = math.exp2 %add3A_2551 : vector<128x128xf32>
    %swap3A_2553 = arith.constant 17920 : index
    %swap3A_2554 = arith.constant 0 : index
    %swap3A_2555 = vector.load %arg4[%swap3A_2553, %swap3A_2554] : memref<32768x128xf32, #tpu.memory_space<vmem>>, vector<128x128xf32>
    tpu.vector_store %arg4[%swap3A_2553, %swap3A_2554], %exp23A_2552 {strides = array<i32>} : memref<32768x128xf32, #tpu.memory_space<vmem>>, vector<128x128xf32>,
    %get3A_2556 = arith.constant 0 : index
    %get3A_2557 = arith.constant 141 : index
    %get3A_2558 = vector.load %arg5[%get3A_2556, %get3A_2557] : memref<128x256xf32, #tpu.memory_space<vmem>>, vector<128x1xf32>
    %get3A_2559 = arith.constant 0 : index
    %get3A_2560 = arith.constant 0 : index
    %get3A_2561 = vector.load %arg2[%get3A_2559, %get3A_2560] : memref<1x128xf32, #tpu.memory_space<vmem>>, vector<1x128xf32>
    %sub3A_2562 = vector.broadcast %get3A_2558 : vector<128x1xf32> to vector<128x128xf32>
    %sub3A_2563 = vector.broadcast %get3A_2561 : vector<1x128xf32> to vector<128x128xf32>
    %sub3A_2564 = arith.subf %sub3A_2562, %sub3A_2563 : vector<128x128xf32>
    %mul3A_2565 = arith.mulf %sub3A_2564, %sub3A_2564 : vector<128x128xf32>
    %mul3A_2566 = vector.broadcast %mul3A_8 : vector<1x128xf32> to vector<128x128xf32>
    %mul3A_2567 = arith.mulf %mul3A_2565, %mul3A_2566 : vector<128x128xf32>
    %add3A_2568 = vector.broadcast %mul3A_14 : vector<1x128xf32> to vector<128x128xf32>
    %add3A_2569 = arith.addf %mul3A_2567, %add3A_2568 : vector<128x128xf32>
    %exp23A_2570 = math.exp2 %add3A_2569 : vector<128x128xf32>
    %swap3A_2571 = arith.constant 18048 : index
    %swap3A_2572 = arith.constant 0 : index
    %swap3A_2573 = vector.load %arg4[%swap3A_2571, %swap3A_2572] : memref<32768x128xf32, #tpu.memory_space<vmem>>, vector<128x128xf32>
    tpu.vector_store %arg4[%swap3A_2571, %swap3A_2572], %exp23A_2570 {strides = array<i32>} : memref<32768x128xf32, #tpu.memory_space<vmem>>, vector<128x128xf32>,
    %get3A_2574 = arith.constant 0 : index
    %get3A_2575 = arith.constant 142 : index
    %get3A_2576 = vector.load %arg5[%get3A_2574, %get3A_2575] : memref<128x256xf32, #tpu.memory_space<vmem>>, vector<128x1xf32>
    %get3A_2577 = arith.constant 0 : index
    %get3A_2578 = arith.constant 0 : index
    %get3A_2579 = vector.load %arg2[%get3A_2577, %get3A_2578] : memref<1x128xf32, #tpu.memory_space<vmem>>, vector<1x128xf32>
    %sub3A_2580 = vector.broadcast %get3A_2576 : vector<128x1xf32> to vector<128x128xf32>
    %sub3A_2581 = vector.broadcast %get3A_2579 : vector<1x128xf32> to vector<128x128xf32>
    %sub3A_2582 = arith.subf %sub3A_2580, %sub3A_2581 : vector<128x128xf32>
    %mul3A_2583 = arith.mulf %sub3A_2582, %sub3A_2582 : vector<128x128xf32>
    %mul3A_2584 = vector.broadcast %mul3A_8 : vector<1x128xf32> to vector<128x128xf32>
    %mul3A_2585 = arith.mulf %mul3A_2583, %mul3A_2584 : vector<128x128xf32>
    %add3A_2586 = vector.broadcast %mul3A_14 : vector<1x128xf32> to vector<128x128xf32>
    %add3A_2587 = arith.addf %mul3A_2585, %add3A_2586 : vector<128x128xf32>
    %exp23A_2588 = math.exp2 %add3A_2587 : vector<128x128xf32>
    %swap3A_2589 = arith.constant 18176 : index
    %swap3A_2590 = arith.constant 0 : index
    %swap3A_2591 = vector.load %arg4[%swap3A_2589, %swap3A_2590] : memref<32768x128xf32, #tpu.memory_space<vmem>>, vector<128x128xf32>
    tpu.vector_store %arg4[%swap3A_2589, %swap3A_2590], %exp23A_2588 {strides = array<i32>} : memref<32768x128xf32, #tpu.memory_space<vmem>>, vector<128x128xf32>,
    %get3A_2592 = arith.constant 0 : index
    %get3A_2593 = arith.constant 143 : index
    %get3A_2594 = vector.load %arg5[%get3A_2592, %get3A_2593] : memref<128x256xf32, #tpu.memory_space<vmem>>, vector<128x1xf32>
    %get3A_2595 = arith.constant 0 : index
    %get3A_2596 = arith.constant 0 : index
    %get3A_2597 = vector.load %arg2[%get3A_2595, %get3A_2596] : memref<1x128xf32, #tpu.memory_space<vmem>>, vector<1x128xf32>
    %sub3A_2598 = vector.broadcast %get3A_2594 : vector<128x1xf32> to vector<128x128xf32>
    %sub3A_2599 = vector.broadcast %get3A_2597 : vector<1x128xf32> to vector<128x128xf32>
    %sub3A_2600 = arith.subf %sub3A_2598, %sub3A_2599 : vector<128x128xf32>
    %mul3A_2601 = arith.mulf %sub3A_2600, %sub3A_2600 : vector<128x128xf32>
    %mul3A_2602 = vector.broadcast %mul3A_8 : vector<1x128xf32> to vector<128x128xf32>
    %mul3A_2603 = arith.mulf %mul3A_2601, %mul3A_2602 : vector<128x128xf32>
    %add3A_2604 = vector.broadcast %mul3A_14 : vector<1x128xf32> to vector<128x128xf32>
    %add3A_2605 = arith.addf %mul3A_2603, %add3A_2604 : vector<128x128xf32>
    %exp23A_2606 = math.exp2 %add3A_2605 : vector<128x128xf32>
    %swap3A_2607 = arith.constant 18304 : index
    %swap3A_2608 = arith.constant 0 : index
    %swap3A_2609 = vector.load %arg4[%swap3A_2607, %swap3A_2608] : memref<32768x128xf32, #tpu.memory_space<vmem>>, vector<128x128xf32>
    tpu.vector_store %arg4[%swap3A_2607, %swap3A_2608], %exp23A_2606 {strides = array<i32>} : memref<32768x128xf32, #tpu.memory_space<vmem>>, vector<128x128xf32>,
    %get3A_2610 = arith.constant 0 : index
    %get3A_2611 = arith.constant 144 : index
    %get3A_2612 = vector.load %arg5[%get3A_2610, %get3A_2611] : memref<128x256xf32, #tpu.memory_space<vmem>>, vector<128x1xf32>
    %get3A_2613 = arith.constant 0 : index
    %get3A_2614 = arith.constant 0 : index
    %get3A_2615 = vector.load %arg2[%get3A_2613, %get3A_2614] : memref<1x128xf32, #tpu.memory_space<vmem>>, vector<1x128xf32>
    %sub3A_2616 = vector.broadcast %get3A_2612 : vector<128x1xf32> to vector<128x128xf32>
    %sub3A_2617 = vector.broadcast %get3A_2615 : vector<1x128xf32> to vector<128x128xf32>
    %sub3A_2618 = arith.subf %sub3A_2616, %sub3A_2617 : vector<128x128xf32>
    %mul3A_2619 = arith.mulf %sub3A_2618, %sub3A_2618 : vector<128x128xf32>
    %mul3A_2620 = vector.broadcast %mul3A_8 : vector<1x128xf32> to vector<128x128xf32>
    %mul3A_2621 = arith.mulf %mul3A_2619, %mul3A_2620 : vector<128x128xf32>
    %add3A_2622 = vector.broadcast %mul3A_14 : vector<1x128xf32> to vector<128x128xf32>
    %add3A_2623 = arith.addf %mul3A_2621, %add3A_2622 : vector<128x128xf32>
    %exp23A_2624 = math.exp2 %add3A_2623 : vector<128x128xf32>
    %swap3A_2625 = arith.constant 18432 : index
    %swap3A_2626 = arith.constant 0 : index
    %swap3A_2627 = vector.load %arg4[%swap3A_2625, %swap3A_2626] : memref<32768x128xf32, #tpu.memory_space<vmem>>, vector<128x128xf32>
    tpu.vector_store %arg4[%swap3A_2625, %swap3A_2626], %exp23A_2624 {strides = array<i32>} : memref<32768x128xf32, #tpu.memory_space<vmem>>, vector<128x128xf32>,
    %get3A_2628 = arith.constant 0 : index
    %get3A_2629 = arith.constant 145 : index
    %get3A_2630 = vector.load %arg5[%get3A_2628, %get3A_2629] : memref<128x256xf32, #tpu.memory_space<vmem>>, vector<128x1xf32>
    %get3A_2631 = arith.constant 0 : index
    %get3A_2632 = arith.constant 0 : index
    %get3A_2633 = vector.load %arg2[%get3A_2631, %get3A_2632] : memref<1x128xf32, #tpu.memory_space<vmem>>, vector<1x128xf32>
    %sub3A_2634 = vector.broadcast %get3A_2630 : vector<128x1xf32> to vector<128x128xf32>
    %sub3A_2635 = vector.broadcast %get3A_2633 : vector<1x128xf32> to vector<128x128xf32>
    %sub3A_2636 = arith.subf %sub3A_2634, %sub3A_2635 : vector<128x128xf32>
    %mul3A_2637 = arith.mulf %sub3A_2636, %sub3A_2636 : vector<128x128xf32>
    %mul3A_2638 = vector.broadcast %mul3A_8 : vector<1x128xf32> to vector<128x128xf32>
    %mul3A_2639 = arith.mulf %mul3A_2637, %mul3A_2638 : vector<128x128xf32>
    %add3A_2640 = vector.broadcast %mul3A_14 : vector<1x128xf32> to vector<128x128xf32>
    %add3A_2641 = arith.addf %mul3A_2639, %add3A_2640 : vector<128x128xf32>
    %exp23A_2642 = math.exp2 %add3A_2641 : vector<128x128xf32>
    %swap3A_2643 = arith.constant 18560 : index
    %swap3A_2644 = arith.constant 0 : index
    %swap3A_2645 = vector.load %arg4[%swap3A_2643, %swap3A_2644] : memref<32768x128xf32, #tpu.memory_space<vmem>>, vector<128x128xf32>
    tpu.vector_store %arg4[%swap3A_2643, %swap3A_2644], %exp23A_2642 {strides = array<i32>} : memref<32768x128xf32, #tpu.memory_space<vmem>>, vector<128x128xf32>,
    %get3A_2646 = arith.constant 0 : index
    %get3A_2647 = arith.constant 146 : index
    %get3A_2648 = vector.load %arg5[%get3A_2646, %get3A_2647] : memref<128x256xf32, #tpu.memory_space<vmem>>, vector<128x1xf32>
    %get3A_2649 = arith.constant 0 : index
    %get3A_2650 = arith.constant 0 : index
    %get3A_2651 = vector.load %arg2[%get3A_2649, %get3A_2650] : memref<1x128xf32, #tpu.memory_space<vmem>>, vector<1x128xf32>
    %sub3A_2652 = vector.broadcast %get3A_2648 : vector<128x1xf32> to vector<128x128xf32>
    %sub3A_2653 = vector.broadcast %get3A_2651 : vector<1x128xf32> to vector<128x128xf32>
    %sub3A_2654 = arith.subf %sub3A_2652, %sub3A_2653 : vector<128x128xf32>
    %mul3A_2655 = arith.mulf %sub3A_2654, %sub3A_2654 : vector<128x128xf32>
    %mul3A_2656 = vector.broadcast %mul3A_8 : vector<1x128xf32> to vector<128x128xf32>
    %mul3A_2657 = arith.mulf %mul3A_2655, %mul3A_2656 : vector<128x128xf32>
    %add3A_2658 = vector.broadcast %mul3A_14 : vector<1x128xf32> to vector<128x128xf32>
    %add3A_2659 = arith.addf %mul3A_2657, %add3A_2658 : vector<128x128xf32>
    %exp23A_2660 = math.exp2 %add3A_2659 : vector<128x128xf32>
    %swap3A_2661 = arith.constant 18688 : index
    %swap3A_2662 = arith.constant 0 : index
    %swap3A_2663 = vector.load %arg4[%swap3A_2661, %swap3A_2662] : memref<32768x128xf32, #tpu.memory_space<vmem>>, vector<128x128xf32>
    tpu.vector_store %arg4[%swap3A_2661, %swap3A_2662], %exp23A_2660 {strides = array<i32>} : memref<32768x128xf32, #tpu.memory_space<vmem>>, vector<128x128xf32>,
    %get3A_2664 = arith.constant 0 : index
    %get3A_2665 = arith.constant 147 : index
    %get3A_2666 = vector.load %arg5[%get3A_2664, %get3A_2665] : memref<128x256xf32, #tpu.memory_space<vmem>>, vector<128x1xf32>
    %get3A_2667 = arith.constant 0 : index
    %get3A_2668 = arith.constant 0 : index
    %get3A_2669 = vector.load %arg2[%get3A_2667, %get3A_2668] : memref<1x128xf32, #tpu.memory_space<vmem>>, vector<1x128xf32>
    %sub3A_2670 = vector.broadcast %get3A_2666 : vector<128x1xf32> to vector<128x128xf32>
    %sub3A_2671 = vector.broadcast %get3A_2669 : vector<1x128xf32> to vector<128x128xf32>
    %sub3A_2672 = arith.subf %sub3A_2670, %sub3A_2671 : vector<128x128xf32>
    %mul3A_2673 = arith.mulf %sub3A_2672, %sub3A_2672 : vector<128x128xf32>
    %mul3A_2674 = vector.broadcast %mul3A_8 : vector<1x128xf32> to vector<128x128xf32>
    %mul3A_2675 = arith.mulf %mul3A_2673, %mul3A_2674 : vector<128x128xf32>
    %add3A_2676 = vector.broadcast %mul3A_14 : vector<1x128xf32> to vector<128x128xf32>
    %add3A_2677 = arith.addf %mul3A_2675, %add3A_2676 : vector<128x128xf32>
    %exp23A_2678 = math.exp2 %add3A_2677 : vector<128x128xf32>
    %swap3A_2679 = arith.constant 18816 : index
    %swap3A_2680 = arith.constant 0 : index
    %swap3A_2681 = vector.load %arg4[%swap3A_2679, %swap3A_2680] : memref<32768x128xf32, #tpu.memory_space<vmem>>, vector<128x128xf32>
    tpu.vector_store %arg4[%swap3A_2679, %swap3A_2680], %exp23A_2678 {strides = array<i32>} : memref<32768x128xf32, #tpu.memory_space<vmem>>, vector<128x128xf32>,
    %get3A_2682 = arith.constant 0 : index
    %get3A_2683 = arith.constant 148 : index
    %get3A_2684 = vector.load %arg5[%get3A_2682, %get3A_2683] : memref<128x256xf32, #tpu.memory_space<vmem>>, vector<128x1xf32>
    %get3A_2685 = arith.constant 0 : index
    %get3A_2686 = arith.constant 0 : index
    %get3A_2687 = vector.load %arg2[%get3A_2685, %get3A_2686] : memref<1x128xf32, #tpu.memory_space<vmem>>, vector<1x128xf32>
    %sub3A_2688 = vector.broadcast %get3A_2684 : vector<128x1xf32> to vector<128x128xf32>
    %sub3A_2689 = vector.broadcast %get3A_2687 : vector<1x128xf32> to vector<128x128xf32>
    %sub3A_2690 = arith.subf %sub3A_2688, %sub3A_2689 : vector<128x128xf32>
    %mul3A_2691 = arith.mulf %sub3A_2690, %sub3A_2690 : vector<128x128xf32>
    %mul3A_2692 = vector.broadcast %mul3A_8 : vector<1x128xf32> to vector<128x128xf32>
    %mul3A_2693 = arith.mulf %mul3A_2691, %mul3A_2692 : vector<128x128xf32>
    %add3A_2694 = vector.broadcast %mul3A_14 : vector<1x128xf32> to vector<128x128xf32>
    %add3A_2695 = arith.addf %mul3A_2693, %add3A_2694 : vector<128x128xf32>
    %exp23A_2696 = math.exp2 %add3A_2695 : vector<128x128xf32>
    %swap3A_2697 = arith.constant 18944 : index
    %swap3A_2698 = arith.constant 0 : index
    %swap3A_2699 = vector.load %arg4[%swap3A_2697, %swap3A_2698] : memref<32768x128xf32, #tpu.memory_space<vmem>>, vector<128x128xf32>
    tpu.vector_store %arg4[%swap3A_2697, %swap3A_2698], %exp23A_2696 {strides = array<i32>} : memref<32768x128xf32, #tpu.memory_space<vmem>>, vector<128x128xf32>,
    %get3A_2700 = arith.constant 0 : index
    %get3A_2701 = arith.constant 149 : index
    %get3A_2702 = vector.load %arg5[%get3A_2700, %get3A_2701] : memref<128x256xf32, #tpu.memory_space<vmem>>, vector<128x1xf32>
    %get3A_2703 = arith.constant 0 : index
    %get3A_2704 = arith.constant 0 : index
    %get3A_2705 = vector.load %arg2[%get3A_2703, %get3A_2704] : memref<1x128xf32, #tpu.memory_space<vmem>>, vector<1x128xf32>
    %sub3A_2706 = vector.broadcast %get3A_2702 : vector<128x1xf32> to vector<128x128xf32>
    %sub3A_2707 = vector.broadcast %get3A_2705 : vector<1x128xf32> to vector<128x128xf32>
    %sub3A_2708 = arith.subf %sub3A_2706, %sub3A_2707 : vector<128x128xf32>
    %mul3A_2709 = arith.mulf %sub3A_2708, %sub3A_2708 : vector<128x128xf32>
    %mul3A_2710 = vector.broadcast %mul3A_8 : vector<1x128xf32> to vector<128x128xf32>
    %mul3A_2711 = arith.mulf %mul3A_2709, %mul3A_2710 : vector<128x128xf32>
    %add3A_2712 = vector.broadcast %mul3A_14 : vector<1x128xf32> to vector<128x128xf32>
    %add3A_2713 = arith.addf %mul3A_2711, %add3A_2712 : vector<128x128xf32>
    %exp23A_2714 = math.exp2 %add3A_2713 : vector<128x128xf32>
    %swap3A_2715 = arith.constant 19072 : index
    %swap3A_2716 = arith.constant 0 : index
    %swap3A_2717 = vector.load %arg4[%swap3A_2715, %swap3A_2716] : memref<32768x128xf32, #tpu.memory_space<vmem>>, vector<128x128xf32>
    tpu.vector_store %arg4[%swap3A_2715, %swap3A_2716], %exp23A_2714 {strides = array<i32>} : memref<32768x128xf32, #tpu.memory_space<vmem>>, vector<128x128xf32>,
    %get3A_2718 = arith.constant 0 : index
    %get3A_2719 = arith.constant 150 : index
    %get3A_2720 = vector.load %arg5[%get3A_2718, %get3A_2719] : memref<128x256xf32, #tpu.memory_space<vmem>>, vector<128x1xf32>
    %get3A_2721 = arith.constant 0 : index
    %get3A_2722 = arith.constant 0 : index
    %get3A_2723 = vector.load %arg2[%get3A_2721, %get3A_2722] : memref<1x128xf32, #tpu.memory_space<vmem>>, vector<1x128xf32>
    %sub3A_2724 = vector.broadcast %get3A_2720 : vector<128x1xf32> to vector<128x128xf32>
    %sub3A_2725 = vector.broadcast %get3A_2723 : vector<1x128xf32> to vector<128x128xf32>
    %sub3A_2726 = arith.subf %sub3A_2724, %sub3A_2725 : vector<128x128xf32>
    %mul3A_2727 = arith.mulf %sub3A_2726, %sub3A_2726 : vector<128x128xf32>
    %mul3A_2728 = vector.broadcast %mul3A_8 : vector<1x128xf32> to vector<128x128xf32>
    %mul3A_2729 = arith.mulf %mul3A_2727, %mul3A_2728 : vector<128x128xf32>
    %add3A_2730 = vector.broadcast %mul3A_14 : vector<1x128xf32> to vector<128x128xf32>
    %add3A_2731 = arith.addf %mul3A_2729, %add3A_2730 : vector<128x128xf32>
    %exp23A_2732 = math.exp2 %add3A_2731 : vector<128x128xf32>
    %swap3A_2733 = arith.constant 19200 : index
    %swap3A_2734 = arith.constant 0 : index
    %swap3A_2735 = vector.load %arg4[%swap3A_2733, %swap3A_2734] : memref<32768x128xf32, #tpu.memory_space<vmem>>, vector<128x128xf32>
    tpu.vector_store %arg4[%swap3A_2733, %swap3A_2734], %exp23A_2732 {strides = array<i32>} : memref<32768x128xf32, #tpu.memory_space<vmem>>, vector<128x128xf32>,
    %get3A_2736 = arith.constant 0 : index
    %get3A_2737 = arith.constant 151 : index
    %get3A_2738 = vector.load %arg5[%get3A_2736, %get3A_2737] : memref<128x256xf32, #tpu.memory_space<vmem>>, vector<128x1xf32>
    %get3A_2739 = arith.constant 0 : index
    %get3A_2740 = arith.constant 0 : index
    %get3A_2741 = vector.load %arg2[%get3A_2739, %get3A_2740] : memref<1x128xf32, #tpu.memory_space<vmem>>, vector<1x128xf32>
    %sub3A_2742 = vector.broadcast %get3A_2738 : vector<128x1xf32> to vector<128x128xf32>
    %sub3A_2743 = vector.broadcast %get3A_2741 : vector<1x128xf32> to vector<128x128xf32>
    %sub3A_2744 = arith.subf %sub3A_2742, %sub3A_2743 : vector<128x128xf32>
    %mul3A_2745 = arith.mulf %sub3A_2744, %sub3A_2744 : vector<128x128xf32>
    %mul3A_2746 = vector.broadcast %mul3A_8 : vector<1x128xf32> to vector<128x128xf32>
    %mul3A_2747 = arith.mulf %mul3A_2745, %mul3A_2746 : vector<128x128xf32>
    %add3A_2748 = vector.broadcast %mul3A_14 : vector<1x128xf32> to vector<128x128xf32>
    %add3A_2749 = arith.addf %mul3A_2747, %add3A_2748 : vector<128x128xf32>
    %exp23A_2750 = math.exp2 %add3A_2749 : vector<128x128xf32>
    %swap3A_2751 = arith.constant 19328 : index
    %swap3A_2752 = arith.constant 0 : index
    %swap3A_2753 = vector.load %arg4[%swap3A_2751, %swap3A_2752] : memref<32768x128xf32, #tpu.memory_space<vmem>>, vector<128x128xf32>
    tpu.vector_store %arg4[%swap3A_2751, %swap3A_2752], %exp23A_2750 {strides = array<i32>} : memref<32768x128xf32, #tpu.memory_space<vmem>>, vector<128x128xf32>,
    %get3A_2754 = arith.constant 0 : index
    %get3A_2755 = arith.constant 152 : index
    %get3A_2756 = vector.load %arg5[%get3A_2754, %get3A_2755] : memref<128x256xf32, #tpu.memory_space<vmem>>, vector<128x1xf32>
    %get3A_2757 = arith.constant 0 : index
    %get3A_2758 = arith.constant 0 : index
    %get3A_2759 = vector.load %arg2[%get3A_2757, %get3A_2758] : memref<1x128xf32, #tpu.memory_space<vmem>>, vector<1x128xf32>
    %sub3A_2760 = vector.broadcast %get3A_2756 : vector<128x1xf32> to vector<128x128xf32>
    %sub3A_2761 = vector.broadcast %get3A_2759 : vector<1x128xf32> to vector<128x128xf32>
    %sub3A_2762 = arith.subf %sub3A_2760, %sub3A_2761 : vector<128x128xf32>
    %mul3A_2763 = arith.mulf %sub3A_2762, %sub3A_2762 : vector<128x128xf32>
    %mul3A_2764 = vector.broadcast %mul3A_8 : vector<1x128xf32> to vector<128x128xf32>
    %mul3A_2765 = arith.mulf %mul3A_2763, %mul3A_2764 : vector<128x128xf32>
    %add3A_2766 = vector.broadcast %mul3A_14 : vector<1x128xf32> to vector<128x128xf32>
    %add3A_2767 = arith.addf %mul3A_2765, %add3A_2766 : vector<128x128xf32>
    %exp23A_2768 = math.exp2 %add3A_2767 : vector<128x128xf32>
    %swap3A_2769 = arith.constant 19456 : index
    %swap3A_2770 = arith.constant 0 : index
    %swap3A_2771 = vector.load %arg4[%swap3A_2769, %swap3A_2770] : memref<32768x128xf32, #tpu.memory_space<vmem>>, vector<128x128xf32>
    tpu.vector_store %arg4[%swap3A_2769, %swap3A_2770], %exp23A_2768 {strides = array<i32>} : memref<32768x128xf32, #tpu.memory_space<vmem>>, vector<128x128xf32>,
    %get3A_2772 = arith.constant 0 : index
    %get3A_2773 = arith.constant 153 : index
    %get3A_2774 = vector.load %arg5[%get3A_2772, %get3A_2773] : memref<128x256xf32, #tpu.memory_space<vmem>>, vector<128x1xf32>
    %get3A_2775 = arith.constant 0 : index
    %get3A_2776 = arith.constant 0 : index
    %get3A_2777 = vector.load %arg2[%get3A_2775, %get3A_2776] : memref<1x128xf32, #tpu.memory_space<vmem>>, vector<1x128xf32>
    %sub3A_2778 = vector.broadcast %get3A_2774 : vector<128x1xf32> to vector<128x128xf32>
    %sub3A_2779 = vector.broadcast %get3A_2777 : vector<1x128xf32> to vector<128x128xf32>
    %sub3A_2780 = arith.subf %sub3A_2778, %sub3A_2779 : vector<128x128xf32>
    %mul3A_2781 = arith.mulf %sub3A_2780, %sub3A_2780 : vector<128x128xf32>
    %mul3A_2782 = vector.broadcast %mul3A_8 : vector<1x128xf32> to vector<128x128xf32>
    %mul3A_2783 = arith.mulf %mul3A_2781, %mul3A_2782 : vector<128x128xf32>
    %add3A_2784 = vector.broadcast %mul3A_14 : vector<1x128xf32> to vector<128x128xf32>
    %add3A_2785 = arith.addf %mul3A_2783, %add3A_2784 : vector<128x128xf32>
    %exp23A_2786 = math.exp2 %add3A_2785 : vector<128x128xf32>
    %swap3A_2787 = arith.constant 19584 : index
    %swap3A_2788 = arith.constant 0 : index
    %swap3A_2789 = vector.load %arg4[%swap3A_2787, %swap3A_2788] : memref<32768x128xf32, #tpu.memory_space<vmem>>, vector<128x128xf32>
    tpu.vector_store %arg4[%swap3A_2787, %swap3A_2788], %exp23A_2786 {strides = array<i32>} : memref<32768x128xf32, #tpu.memory_space<vmem>>, vector<128x128xf32>,
    %get3A_2790 = arith.constant 0 : index
    %get3A_2791 = arith.constant 154 : index
    %get3A_2792 = vector.load %arg5[%get3A_2790, %get3A_2791] : memref<128x256xf32, #tpu.memory_space<vmem>>, vector<128x1xf32>
    %get3A_2793 = arith.constant 0 : index
    %get3A_2794 = arith.constant 0 : index
    %get3A_2795 = vector.load %arg2[%get3A_2793, %get3A_2794] : memref<1x128xf32, #tpu.memory_space<vmem>>, vector<1x128xf32>
    %sub3A_2796 = vector.broadcast %get3A_2792 : vector<128x1xf32> to vector<128x128xf32>
    %sub3A_2797 = vector.broadcast %get3A_2795 : vector<1x128xf32> to vector<128x128xf32>
    %sub3A_2798 = arith.subf %sub3A_2796, %sub3A_2797 : vector<128x128xf32>
    %mul3A_2799 = arith.mulf %sub3A_2798, %sub3A_2798 : vector<128x128xf32>
    %mul3A_2800 = vector.broadcast %mul3A_8 : vector<1x128xf32> to vector<128x128xf32>
    %mul3A_2801 = arith.mulf %mul3A_2799, %mul3A_2800 : vector<128x128xf32>
    %add3A_2802 = vector.broadcast %mul3A_14 : vector<1x128xf32> to vector<128x128xf32>
    %add3A_2803 = arith.addf %mul3A_2801, %add3A_2802 : vector<128x128xf32>
    %exp23A_2804 = math.exp2 %add3A_2803 : vector<128x128xf32>
    %swap3A_2805 = arith.constant 19712 : index
    %swap3A_2806 = arith.constant 0 : index
    %swap3A_2807 = vector.load %arg4[%swap3A_2805, %swap3A_2806] : memref<32768x128xf32, #tpu.memory_space<vmem>>, vector<128x128xf32>
    tpu.vector_store %arg4[%swap3A_2805, %swap3A_2806], %exp23A_2804 {strides = array<i32>} : memref<32768x128xf32, #tpu.memory_space<vmem>>, vector<128x128xf32>,
    %get3A_2808 = arith.constant 0 : index
    %get3A_2809 = arith.constant 155 : index
    %get3A_2810 = vector.load %arg5[%get3A_2808, %get3A_2809] : memref<128x256xf32, #tpu.memory_space<vmem>>, vector<128x1xf32>
    %get3A_2811 = arith.constant 0 : index
    %get3A_2812 = arith.constant 0 : index
    %get3A_2813 = vector.load %arg2[%get3A_2811, %get3A_2812] : memref<1x128xf32, #tpu.memory_space<vmem>>, vector<1x128xf32>
    %sub3A_2814 = vector.broadcast %get3A_2810 : vector<128x1xf32> to vector<128x128xf32>
    %sub3A_2815 = vector.broadcast %get3A_2813 : vector<1x128xf32> to vector<128x128xf32>
    %sub3A_2816 = arith.subf %sub3A_2814, %sub3A_2815 : vector<128x128xf32>
    %mul3A_2817 = arith.mulf %sub3A_2816, %sub3A_2816 : vector<128x128xf32>
    %mul3A_2818 = vector.broadcast %mul3A_8 : vector<1x128xf32> to vector<128x128xf32>
    %mul3A_2819 = arith.mulf %mul3A_2817, %mul3A_2818 : vector<128x128xf32>
    %add3A_2820 = vector.broadcast %mul3A_14 : vector<1x128xf32> to vector<128x128xf32>
    %add3A_2821 = arith.addf %mul3A_2819, %add3A_2820 : vector<128x128xf32>
    %exp23A_2822 = math.exp2 %add3A_2821 : vector<128x128xf32>
    %swap3A_2823 = arith.constant 19840 : index
    %swap3A_2824 = arith.constant 0 : index
    %swap3A_2825 = vector.load %arg4[%swap3A_2823, %swap3A_2824] : memref<32768x128xf32, #tpu.memory_space<vmem>>, vector<128x128xf32>
    tpu.vector_store %arg4[%swap3A_2823, %swap3A_2824], %exp23A_2822 {strides = array<i32>} : memref<32768x128xf32, #tpu.memory_space<vmem>>, vector<128x128xf32>,
    %get3A_2826 = arith.constant 0 : index
    %get3A_2827 = arith.constant 156 : index
    %get3A_2828 = vector.load %arg5[%get3A_2826, %get3A_2827] : memref<128x256xf32, #tpu.memory_space<vmem>>, vector<128x1xf32>
    %get3A_2829 = arith.constant 0 : index
    %get3A_2830 = arith.constant 0 : index
    %get3A_2831 = vector.load %arg2[%get3A_2829, %get3A_2830] : memref<1x128xf32, #tpu.memory_space<vmem>>, vector<1x128xf32>
    %sub3A_2832 = vector.broadcast %get3A_2828 : vector<128x1xf32> to vector<128x128xf32>
    %sub3A_2833 = vector.broadcast %get3A_2831 : vector<1x128xf32> to vector<128x128xf32>
    %sub3A_2834 = arith.subf %sub3A_2832, %sub3A_2833 : vector<128x128xf32>
    %mul3A_2835 = arith.mulf %sub3A_2834, %sub3A_2834 : vector<128x128xf32>
    %mul3A_2836 = vector.broadcast %mul3A_8 : vector<1x128xf32> to vector<128x128xf32>
    %mul3A_2837 = arith.mulf %mul3A_2835, %mul3A_2836 : vector<128x128xf32>
    %add3A_2838 = vector.broadcast %mul3A_14 : vector<1x128xf32> to vector<128x128xf32>
    %add3A_2839 = arith.addf %mul3A_2837, %add3A_2838 : vector<128x128xf32>
    %exp23A_2840 = math.exp2 %add3A_2839 : vector<128x128xf32>
    %swap3A_2841 = arith.constant 19968 : index
    %swap3A_2842 = arith.constant 0 : index
    %swap3A_2843 = vector.load %arg4[%swap3A_2841, %swap3A_2842] : memref<32768x128xf32, #tpu.memory_space<vmem>>, vector<128x128xf32>
    tpu.vector_store %arg4[%swap3A_2841, %swap3A_2842], %exp23A_2840 {strides = array<i32>} : memref<32768x128xf32, #tpu.memory_space<vmem>>, vector<128x128xf32>,
    %get3A_2844 = arith.constant 0 : index
    %get3A_2845 = arith.constant 157 : index
    %get3A_2846 = vector.load %arg5[%get3A_2844, %get3A_2845] : memref<128x256xf32, #tpu.memory_space<vmem>>, vector<128x1xf32>
    %get3A_2847 = arith.constant 0 : index
    %get3A_2848 = arith.constant 0 : index
    %get3A_2849 = vector.load %arg2[%get3A_2847, %get3A_2848] : memref<1x128xf32, #tpu.memory_space<vmem>>, vector<1x128xf32>
    %sub3A_2850 = vector.broadcast %get3A_2846 : vector<128x1xf32> to vector<128x128xf32>
    %sub3A_2851 = vector.broadcast %get3A_2849 : vector<1x128xf32> to vector<128x128xf32>
    %sub3A_2852 = arith.subf %sub3A_2850, %sub3A_2851 : vector<128x128xf32>
    %mul3A_2853 = arith.mulf %sub3A_2852, %sub3A_2852 : vector<128x128xf32>
    %mul3A_2854 = vector.broadcast %mul3A_8 : vector<1x128xf32> to vector<128x128xf32>
    %mul3A_2855 = arith.mulf %mul3A_2853, %mul3A_2854 : vector<128x128xf32>
    %add3A_2856 = vector.broadcast %mul3A_14 : vector<1x128xf32> to vector<128x128xf32>
    %add3A_2857 = arith.addf %mul3A_2855, %add3A_2856 : vector<128x128xf32>
    %exp23A_2858 = math.exp2 %add3A_2857 : vector<128x128xf32>
    %swap3A_2859 = arith.constant 20096 : index
    %swap3A_2860 = arith.constant 0 : index
    %swap3A_2861 = vector.load %arg4[%swap3A_2859, %swap3A_2860] : memref<32768x128xf32, #tpu.memory_space<vmem>>, vector<128x128xf32>
    tpu.vector_store %arg4[%swap3A_2859, %swap3A_2860], %exp23A_2858 {strides = array<i32>} : memref<32768x128xf32, #tpu.memory_space<vmem>>, vector<128x128xf32>,
    %get3A_2862 = arith.constant 0 : index
    %get3A_2863 = arith.constant 158 : index
    %get3A_2864 = vector.load %arg5[%get3A_2862, %get3A_2863] : memref<128x256xf32, #tpu.memory_space<vmem>>, vector<128x1xf32>
    %get3A_2865 = arith.constant 0 : index
    %get3A_2866 = arith.constant 0 : index
    %get3A_2867 = vector.load %arg2[%get3A_2865, %get3A_2866] : memref<1x128xf32, #tpu.memory_space<vmem>>, vector<1x128xf32>
    %sub3A_2868 = vector.broadcast %get3A_2864 : vector<128x1xf32> to vector<128x128xf32>
    %sub3A_2869 = vector.broadcast %get3A_2867 : vector<1x128xf32> to vector<128x128xf32>
    %sub3A_2870 = arith.subf %sub3A_2868, %sub3A_2869 : vector<128x128xf32>
    %mul3A_2871 = arith.mulf %sub3A_2870, %sub3A_2870 : vector<128x128xf32>
    %mul3A_2872 = vector.broadcast %mul3A_8 : vector<1x128xf32> to vector<128x128xf32>
    %mul3A_2873 = arith.mulf %mul3A_2871, %mul3A_2872 : vector<128x128xf32>
    %add3A_2874 = vector.broadcast %mul3A_14 : vector<1x128xf32> to vector<128x128xf32>
    %add3A_2875 = arith.addf %mul3A_2873, %add3A_2874 : vector<128x128xf32>
    %exp23A_2876 = math.exp2 %add3A_2875 : vector<128x128xf32>
    %swap3A_2877 = arith.constant 20224 : index
    %swap3A_2878 = arith.constant 0 : index
    %swap3A_2879 = vector.load %arg4[%swap3A_2877, %swap3A_2878] : memref<32768x128xf32, #tpu.memory_space<vmem>>, vector<128x128xf32>
    tpu.vector_store %arg4[%swap3A_2877, %swap3A_2878], %exp23A_2876 {strides = array<i32>} : memref<32768x128xf32, #tpu.memory_space<vmem>>, vector<128x128xf32>,
    %get3A_2880 = arith.constant 0 : index
    %get3A_2881 = arith.constant 159 : index
    %get3A_2882 = vector.load %arg5[%get3A_2880, %get3A_2881] : memref<128x256xf32, #tpu.memory_space<vmem>>, vector<128x1xf32>
    %get3A_2883 = arith.constant 0 : index
    %get3A_2884 = arith.constant 0 : index
    %get3A_2885 = vector.load %arg2[%get3A_2883, %get3A_2884] : memref<1x128xf32, #tpu.memory_space<vmem>>, vector<1x128xf32>
    %sub3A_2886 = vector.broadcast %get3A_2882 : vector<128x1xf32> to vector<128x128xf32>
    %sub3A_2887 = vector.broadcast %get3A_2885 : vector<1x128xf32> to vector<128x128xf32>
    %sub3A_2888 = arith.subf %sub3A_2886, %sub3A_2887 : vector<128x128xf32>
    %mul3A_2889 = arith.mulf %sub3A_2888, %sub3A_2888 : vector<128x128xf32>
    %mul3A_2890 = vector.broadcast %mul3A_8 : vector<1x128xf32> to vector<128x128xf32>
    %mul3A_2891 = arith.mulf %mul3A_2889, %mul3A_2890 : vector<128x128xf32>
    %add3A_2892 = vector.broadcast %mul3A_14 : vector<1x128xf32> to vector<128x128xf32>
    %add3A_2893 = arith.addf %mul3A_2891, %add3A_2892 : vector<128x128xf32>
    %exp23A_2894 = math.exp2 %add3A_2893 : vector<128x128xf32>
    %swap3A_2895 = arith.constant 20352 : index
    %swap3A_2896 = arith.constant 0 : index
    %swap3A_2897 = vector.load %arg4[%swap3A_2895, %swap3A_2896] : memref<32768x128xf32, #tpu.memory_space<vmem>>, vector<128x128xf32>
    tpu.vector_store %arg4[%swap3A_2895, %swap3A_2896], %exp23A_2894 {strides = array<i32>} : memref<32768x128xf32, #tpu.memory_space<vmem>>, vector<128x128xf32>,
    %get3A_2898 = arith.constant 0 : index
    %get3A_2899 = arith.constant 160 : index
    %get3A_2900 = vector.load %arg5[%get3A_2898, %get3A_2899] : memref<128x256xf32, #tpu.memory_space<vmem>>, vector<128x1xf32>
    %get3A_2901 = arith.constant 0 : index
    %get3A_2902 = arith.constant 0 : index
    %get3A_2903 = vector.load %arg2[%get3A_2901, %get3A_2902] : memref<1x128xf32, #tpu.memory_space<vmem>>, vector<1x128xf32>
    %sub3A_2904 = vector.broadcast %get3A_2900 : vector<128x1xf32> to vector<128x128xf32>
    %sub3A_2905 = vector.broadcast %get3A_2903 : vector<1x128xf32> to vector<128x128xf32>
    %sub3A_2906 = arith.subf %sub3A_2904, %sub3A_2905 : vector<128x128xf32>
    %mul3A_2907 = arith.mulf %sub3A_2906, %sub3A_2906 : vector<128x128xf32>
    %mul3A_2908 = vector.broadcast %mul3A_8 : vector<1x128xf32> to vector<128x128xf32>
    %mul3A_2909 = arith.mulf %mul3A_2907, %mul3A_2908 : vector<128x128xf32>
    %add3A_2910 = vector.broadcast %mul3A_14 : vector<1x128xf32> to vector<128x128xf32>
    %add3A_2911 = arith.addf %mul3A_2909, %add3A_2910 : vector<128x128xf32>
    %exp23A_2912 = math.exp2 %add3A_2911 : vector<128x128xf32>
    %swap3A_2913 = arith.constant 20480 : index
    %swap3A_2914 = arith.constant 0 : index
    %swap3A_2915 = vector.load %arg4[%swap3A_2913, %swap3A_2914] : memref<32768x128xf32, #tpu.memory_space<vmem>>, vector<128x128xf32>
    tpu.vector_store %arg4[%swap3A_2913, %swap3A_2914], %exp23A_2912 {strides = array<i32>} : memref<32768x128xf32, #tpu.memory_space<vmem>>, vector<128x128xf32>,
    %get3A_2916 = arith.constant 0 : index
    %get3A_2917 = arith.constant 161 : index
    %get3A_2918 = vector.load %arg5[%get3A_2916, %get3A_2917] : memref<128x256xf32, #tpu.memory_space<vmem>>, vector<128x1xf32>
    %get3A_2919 = arith.constant 0 : index
    %get3A_2920 = arith.constant 0 : index
    %get3A_2921 = vector.load %arg2[%get3A_2919, %get3A_2920] : memref<1x128xf32, #tpu.memory_space<vmem>>, vector<1x128xf32>
    %sub3A_2922 = vector.broadcast %get3A_2918 : vector<128x1xf32> to vector<128x128xf32>
    %sub3A_2923 = vector.broadcast %get3A_2921 : vector<1x128xf32> to vector<128x128xf32>
    %sub3A_2924 = arith.subf %sub3A_2922, %sub3A_2923 : vector<128x128xf32>
    %mul3A_2925 = arith.mulf %sub3A_2924, %sub3A_2924 : vector<128x128xf32>
    %mul3A_2926 = vector.broadcast %mul3A_8 : vector<1x128xf32> to vector<128x128xf32>
    %mul3A_2927 = arith.mulf %mul3A_2925, %mul3A_2926 : vector<128x128xf32>
    %add3A_2928 = vector.broadcast %mul3A_14 : vector<1x128xf32> to vector<128x128xf32>
    %add3A_2929 = arith.addf %mul3A_2927, %add3A_2928 : vector<128x128xf32>
    %exp23A_2930 = math.exp2 %add3A_2929 : vector<128x128xf32>
    %swap3A_2931 = arith.constant 20608 : index
    %swap3A_2932 = arith.constant 0 : index
    %swap3A_2933 = vector.load %arg4[%swap3A_2931, %swap3A_2932] : memref<32768x128xf32, #tpu.memory_space<vmem>>, vector<128x128xf32>
    tpu.vector_store %arg4[%swap3A_2931, %swap3A_2932], %exp23A_2930 {strides = array<i32>} : memref<32768x128xf32, #tpu.memory_space<vmem>>, vector<128x128xf32>,
    %get3A_2934 = arith.constant 0 : index
    %get3A_2935 = arith.constant 162 : index
    %get3A_2936 = vector.load %arg5[%get3A_2934, %get3A_2935] : memref<128x256xf32, #tpu.memory_space<vmem>>, vector<128x1xf32>
    %get3A_2937 = arith.constant 0 : index
    %get3A_2938 = arith.constant 0 : index
    %get3A_2939 = vector.load %arg2[%get3A_2937, %get3A_2938] : memref<1x128xf32, #tpu.memory_space<vmem>>, vector<1x128xf32>
    %sub3A_2940 = vector.broadcast %get3A_2936 : vector<128x1xf32> to vector<128x128xf32>
    %sub3A_2941 = vector.broadcast %get3A_2939 : vector<1x128xf32> to vector<128x128xf32>
    %sub3A_2942 = arith.subf %sub3A_2940, %sub3A_2941 : vector<128x128xf32>
    %mul3A_2943 = arith.mulf %sub3A_2942, %sub3A_2942 : vector<128x128xf32>
    %mul3A_2944 = vector.broadcast %mul3A_8 : vector<1x128xf32> to vector<128x128xf32>
    %mul3A_2945 = arith.mulf %mul3A_2943, %mul3A_2944 : vector<128x128xf32>
    %add3A_2946 = vector.broadcast %mul3A_14 : vector<1x128xf32> to vector<128x128xf32>
    %add3A_2947 = arith.addf %mul3A_2945, %add3A_2946 : vector<128x128xf32>
    %exp23A_2948 = math.exp2 %add3A_2947 : vector<128x128xf32>
    %swap3A_2949 = arith.constant 20736 : index
    %swap3A_2950 = arith.constant 0 : index
    %swap3A_2951 = vector.load %arg4[%swap3A_2949, %swap3A_2950] : memref<32768x128xf32, #tpu.memory_space<vmem>>, vector<128x128xf32>
    tpu.vector_store %arg4[%swap3A_2949, %swap3A_2950], %exp23A_2948 {strides = array<i32>} : memref<32768x128xf32, #tpu.memory_space<vmem>>, vector<128x128xf32>,
    %get3A_2952 = arith.constant 0 : index
    %get3A_2953 = arith.constant 163 : index
    %get3A_2954 = vector.load %arg5[%get3A_2952, %get3A_2953] : memref<128x256xf32, #tpu.memory_space<vmem>>, vector<128x1xf32>
    %get3A_2955 = arith.constant 0 : index
    %get3A_2956 = arith.constant 0 : index
    %get3A_2957 = vector.load %arg2[%get3A_2955, %get3A_2956] : memref<1x128xf32, #tpu.memory_space<vmem>>, vector<1x128xf32>
    %sub3A_2958 = vector.broadcast %get3A_2954 : vector<128x1xf32> to vector<128x128xf32>
    %sub3A_2959 = vector.broadcast %get3A_2957 : vector<1x128xf32> to vector<128x128xf32>
    %sub3A_2960 = arith.subf %sub3A_2958, %sub3A_2959 : vector<128x128xf32>
    %mul3A_2961 = arith.mulf %sub3A_2960, %sub3A_2960 : vector<128x128xf32>
    %mul3A_2962 = vector.broadcast %mul3A_8 : vector<1x128xf32> to vector<128x128xf32>
    %mul3A_2963 = arith.mulf %mul3A_2961, %mul3A_2962 : vector<128x128xf32>
    %add3A_2964 = vector.broadcast %mul3A_14 : vector<1x128xf32> to vector<128x128xf32>
    %add3A_2965 = arith.addf %mul3A_2963, %add3A_2964 : vector<128x128xf32>
    %exp23A_2966 = math.exp2 %add3A_2965 : vector<128x128xf32>
    %swap3A_2967 = arith.constant 20864 : index
    %swap3A_2968 = arith.constant 0 : index
    %swap3A_2969 = vector.load %arg4[%swap3A_2967, %swap3A_2968] : memref<32768x128xf32, #tpu.memory_space<vmem>>, vector<128x128xf32>
    tpu.vector_store %arg4[%swap3A_2967, %swap3A_2968], %exp23A_2966 {strides = array<i32>} : memref<32768x128xf32, #tpu.memory_space<vmem>>, vector<128x128xf32>,
    %get3A_2970 = arith.constant 0 : index
    %get3A_2971 = arith.constant 164 : index
    %get3A_2972 = vector.load %arg5[%get3A_2970, %get3A_2971] : memref<128x256xf32, #tpu.memory_space<vmem>>, vector<128x1xf32>
    %get3A_2973 = arith.constant 0 : index
    %get3A_2974 = arith.constant 0 : index
    %get3A_2975 = vector.load %arg2[%get3A_2973, %get3A_2974] : memref<1x128xf32, #tpu.memory_space<vmem>>, vector<1x128xf32>
    %sub3A_2976 = vector.broadcast %get3A_2972 : vector<128x1xf32> to vector<128x128xf32>
    %sub3A_2977 = vector.broadcast %get3A_2975 : vector<1x128xf32> to vector<128x128xf32>
    %sub3A_2978 = arith.subf %sub3A_2976, %sub3A_2977 : vector<128x128xf32>
    %mul3A_2979 = arith.mulf %sub3A_2978, %sub3A_2978 : vector<128x128xf32>
    %mul3A_2980 = vector.broadcast %mul3A_8 : vector<1x128xf32> to vector<128x128xf32>
    %mul3A_2981 = arith.mulf %mul3A_2979, %mul3A_2980 : vector<128x128xf32>
    %add3A_2982 = vector.broadcast %mul3A_14 : vector<1x128xf32> to vector<128x128xf32>
    %add3A_2983 = arith.addf %mul3A_2981, %add3A_2982 : vector<128x128xf32>
    %exp23A_2984 = math.exp2 %add3A_2983 : vector<128x128xf32>
    %swap3A_2985 = arith.constant 20992 : index
    %swap3A_2986 = arith.constant 0 : index
    %swap3A_2987 = vector.load %arg4[%swap3A_2985, %swap3A_2986] : memref<32768x128xf32, #tpu.memory_space<vmem>>, vector<128x128xf32>
    tpu.vector_store %arg4[%swap3A_2985, %swap3A_2986], %exp23A_2984 {strides = array<i32>} : memref<32768x128xf32, #tpu.memory_space<vmem>>, vector<128x128xf32>,
    %get3A_2988 = arith.constant 0 : index
    %get3A_2989 = arith.constant 165 : index
    %get3A_2990 = vector.load %arg5[%get3A_2988, %get3A_2989] : memref<128x256xf32, #tpu.memory_space<vmem>>, vector<128x1xf32>
    %get3A_2991 = arith.constant 0 : index
    %get3A_2992 = arith.constant 0 : index
    %get3A_2993 = vector.load %arg2[%get3A_2991, %get3A_2992] : memref<1x128xf32, #tpu.memory_space<vmem>>, vector<1x128xf32>
    %sub3A_2994 = vector.broadcast %get3A_2990 : vector<128x1xf32> to vector<128x128xf32>
    %sub3A_2995 = vector.broadcast %get3A_2993 : vector<1x128xf32> to vector<128x128xf32>
    %sub3A_2996 = arith.subf %sub3A_2994, %sub3A_2995 : vector<128x128xf32>
    %mul3A_2997 = arith.mulf %sub3A_2996, %sub3A_2996 : vector<128x128xf32>
    %mul3A_2998 = vector.broadcast %mul3A_8 : vector<1x128xf32> to vector<128x128xf32>
    %mul3A_2999 = arith.mulf %mul3A_2997, %mul3A_2998 : vector<128x128xf32>
    %add3A_3000 = vector.broadcast %mul3A_14 : vector<1x128xf32> to vector<128x128xf32>
    %add3A_3001 = arith.addf %mul3A_2999, %add3A_3000 : vector<128x128xf32>
    %exp23A_3002 = math.exp2 %add3A_3001 : vector<128x128xf32>
    %swap3A_3003 = arith.constant 21120 : index
    %swap3A_3004 = arith.constant 0 : index
    %swap3A_3005 = vector.load %arg4[%swap3A_3003, %swap3A_3004] : memref<32768x128xf32, #tpu.memory_space<vmem>>, vector<128x128xf32>
    tpu.vector_store %arg4[%swap3A_3003, %swap3A_3004], %exp23A_3002 {strides = array<i32>} : memref<32768x128xf32, #tpu.memory_space<vmem>>, vector<128x128xf32>,
    %get3A_3006 = arith.constant 0 : index
    %get3A_3007 = arith.constant 166 : index
    %get3A_3008 = vector.load %arg5[%get3A_3006, %get3A_3007] : memref<128x256xf32, #tpu.memory_space<vmem>>, vector<128x1xf32>
    %get3A_3009 = arith.constant 0 : index
    %get3A_3010 = arith.constant 0 : index
    %get3A_3011 = vector.load %arg2[%get3A_3009, %get3A_3010] : memref<1x128xf32, #tpu.memory_space<vmem>>, vector<1x128xf32>
    %sub3A_3012 = vector.broadcast %get3A_3008 : vector<128x1xf32> to vector<128x128xf32>
    %sub3A_3013 = vector.broadcast %get3A_3011 : vector<1x128xf32> to vector<128x128xf32>
    %sub3A_3014 = arith.subf %sub3A_3012, %sub3A_3013 : vector<128x128xf32>
    %mul3A_3015 = arith.mulf %sub3A_3014, %sub3A_3014 : vector<128x128xf32>
    %mul3A_3016 = vector.broadcast %mul3A_8 : vector<1x128xf32> to vector<128x128xf32>
    %mul3A_3017 = arith.mulf %mul3A_3015, %mul3A_3016 : vector<128x128xf32>
    %add3A_3018 = vector.broadcast %mul3A_14 : vector<1x128xf32> to vector<128x128xf32>
    %add3A_3019 = arith.addf %mul3A_3017, %add3A_3018 : vector<128x128xf32>
    %exp23A_3020 = math.exp2 %add3A_3019 : vector<128x128xf32>
    %swap3A_3021 = arith.constant 21248 : index
    %swap3A_3022 = arith.constant 0 : index
    %swap3A_3023 = vector.load %arg4[%swap3A_3021, %swap3A_3022] : memref<32768x128xf32, #tpu.memory_space<vmem>>, vector<128x128xf32>
    tpu.vector_store %arg4[%swap3A_3021, %swap3A_3022], %exp23A_3020 {strides = array<i32>} : memref<32768x128xf32, #tpu.memory_space<vmem>>, vector<128x128xf32>,
    %get3A_3024 = arith.constant 0 : index
    %get3A_3025 = arith.constant 167 : index
    %get3A_3026 = vector.load %arg5[%get3A_3024, %get3A_3025] : memref<128x256xf32, #tpu.memory_space<vmem>>, vector<128x1xf32>
    %get3A_3027 = arith.constant 0 : index
    %get3A_3028 = arith.constant 0 : index
    %get3A_3029 = vector.load %arg2[%get3A_3027, %get3A_3028] : memref<1x128xf32, #tpu.memory_space<vmem>>, vector<1x128xf32>
    %sub3A_3030 = vector.broadcast %get3A_3026 : vector<128x1xf32> to vector<128x128xf32>
    %sub3A_3031 = vector.broadcast %get3A_3029 : vector<1x128xf32> to vector<128x128xf32>
    %sub3A_3032 = arith.subf %sub3A_3030, %sub3A_3031 : vector<128x128xf32>
    %mul3A_3033 = arith.mulf %sub3A_3032, %sub3A_3032 : vector<128x128xf32>
    %mul3A_3034 = vector.broadcast %mul3A_8 : vector<1x128xf32> to vector<128x128xf32>
    %mul3A_3035 = arith.mulf %mul3A_3033, %mul3A_3034 : vector<128x128xf32>
    %add3A_3036 = vector.broadcast %mul3A_14 : vector<1x128xf32> to vector<128x128xf32>
    %add3A_3037 = arith.addf %mul3A_3035, %add3A_3036 : vector<128x128xf32>
    %exp23A_3038 = math.exp2 %add3A_3037 : vector<128x128xf32>
    %swap3A_3039 = arith.constant 21376 : index
    %swap3A_3040 = arith.constant 0 : index
    %swap3A_3041 = vector.load %arg4[%swap3A_3039, %swap3A_3040] : memref<32768x128xf32, #tpu.memory_space<vmem>>, vector<128x128xf32>
    tpu.vector_store %arg4[%swap3A_3039, %swap3A_3040], %exp23A_3038 {strides = array<i32>} : memref<32768x128xf32, #tpu.memory_space<vmem>>, vector<128x128xf32>,
    %get3A_3042 = arith.constant 0 : index
    %get3A_3043 = arith.constant 168 : index
    %get3A_3044 = vector.load %arg5[%get3A_3042, %get3A_3043] : memref<128x256xf32, #tpu.memory_space<vmem>>, vector<128x1xf32>
    %get3A_3045 = arith.constant 0 : index
    %get3A_3046 = arith.constant 0 : index
    %get3A_3047 = vector.load %arg2[%get3A_3045, %get3A_3046] : memref<1x128xf32, #tpu.memory_space<vmem>>, vector<1x128xf32>
    %sub3A_3048 = vector.broadcast %get3A_3044 : vector<128x1xf32> to vector<128x128xf32>
    %sub3A_3049 = vector.broadcast %get3A_3047 : vector<1x128xf32> to vector<128x128xf32>
    %sub3A_3050 = arith.subf %sub3A_3048, %sub3A_3049 : vector<128x128xf32>
    %mul3A_3051 = arith.mulf %sub3A_3050, %sub3A_3050 : vector<128x128xf32>
    %mul3A_3052 = vector.broadcast %mul3A_8 : vector<1x128xf32> to vector<128x128xf32>
    %mul3A_3053 = arith.mulf %mul3A_3051, %mul3A_3052 : vector<128x128xf32>
    %add3A_3054 = vector.broadcast %mul3A_14 : vector<1x128xf32> to vector<128x128xf32>
    %add3A_3055 = arith.addf %mul3A_3053, %add3A_3054 : vector<128x128xf32>
    %exp23A_3056 = math.exp2 %add3A_3055 : vector<128x128xf32>
    %swap3A_3057 = arith.constant 21504 : index
    %swap3A_3058 = arith.constant 0 : index
    %swap3A_3059 = vector.load %arg4[%swap3A_3057, %swap3A_3058] : memref<32768x128xf32, #tpu.memory_space<vmem>>, vector<128x128xf32>
    tpu.vector_store %arg4[%swap3A_3057, %swap3A_3058], %exp23A_3056 {strides = array<i32>} : memref<32768x128xf32, #tpu.memory_space<vmem>>, vector<128x128xf32>,
    %get3A_3060 = arith.constant 0 : index
    %get3A_3061 = arith.constant 169 : index
    %get3A_3062 = vector.load %arg5[%get3A_3060, %get3A_3061] : memref<128x256xf32, #tpu.memory_space<vmem>>, vector<128x1xf32>
    %get3A_3063 = arith.constant 0 : index
    %get3A_3064 = arith.constant 0 : index
    %get3A_3065 = vector.load %arg2[%get3A_3063, %get3A_3064] : memref<1x128xf32, #tpu.memory_space<vmem>>, vector<1x128xf32>
    %sub3A_3066 = vector.broadcast %get3A_3062 : vector<128x1xf32> to vector<128x128xf32>
    %sub3A_3067 = vector.broadcast %get3A_3065 : vector<1x128xf32> to vector<128x128xf32>
    %sub3A_3068 = arith.subf %sub3A_3066, %sub3A_3067 : vector<128x128xf32>
    %mul3A_3069 = arith.mulf %sub3A_3068, %sub3A_3068 : vector<128x128xf32>
    %mul3A_3070 = vector.broadcast %mul3A_8 : vector<1x128xf32> to vector<128x128xf32>
    %mul3A_3071 = arith.mulf %mul3A_3069, %mul3A_3070 : vector<128x128xf32>
    %add3A_3072 = vector.broadcast %mul3A_14 : vector<1x128xf32> to vector<128x128xf32>
    %add3A_3073 = arith.addf %mul3A_3071, %add3A_3072 : vector<128x128xf32>
    %exp23A_3074 = math.exp2 %add3A_3073 : vector<128x128xf32>
    %swap3A_3075 = arith.constant 21632 : index
    %swap3A_3076 = arith.constant 0 : index
    %swap3A_3077 = vector.load %arg4[%swap3A_3075, %swap3A_3076] : memref<32768x128xf32, #tpu.memory_space<vmem>>, vector<128x128xf32>
    tpu.vector_store %arg4[%swap3A_3075, %swap3A_3076], %exp23A_3074 {strides = array<i32>} : memref<32768x128xf32, #tpu.memory_space<vmem>>, vector<128x128xf32>,
    %get3A_3078 = arith.constant 0 : index
    %get3A_3079 = arith.constant 170 : index
    %get3A_3080 = vector.load %arg5[%get3A_3078, %get3A_3079] : memref<128x256xf32, #tpu.memory_space<vmem>>, vector<128x1xf32>
    %get3A_3081 = arith.constant 0 : index
    %get3A_3082 = arith.constant 0 : index
    %get3A_3083 = vector.load %arg2[%get3A_3081, %get3A_3082] : memref<1x128xf32, #tpu.memory_space<vmem>>, vector<1x128xf32>
    %sub3A_3084 = vector.broadcast %get3A_3080 : vector<128x1xf32> to vector<128x128xf32>
    %sub3A_3085 = vector.broadcast %get3A_3083 : vector<1x128xf32> to vector<128x128xf32>
    %sub3A_3086 = arith.subf %sub3A_3084, %sub3A_3085 : vector<128x128xf32>
    %mul3A_3087 = arith.mulf %sub3A_3086, %sub3A_3086 : vector<128x128xf32>
    %mul3A_3088 = vector.broadcast %mul3A_8 : vector<1x128xf32> to vector<128x128xf32>
    %mul3A_3089 = arith.mulf %mul3A_3087, %mul3A_3088 : vector<128x128xf32>
    %add3A_3090 = vector.broadcast %mul3A_14 : vector<1x128xf32> to vector<128x128xf32>
    %add3A_3091 = arith.addf %mul3A_3089, %add3A_3090 : vector<128x128xf32>
    %exp23A_3092 = math.exp2 %add3A_3091 : vector<128x128xf32>
    %swap3A_3093 = arith.constant 21760 : index
    %swap3A_3094 = arith.constant 0 : index
    %swap3A_3095 = vector.load %arg4[%swap3A_3093, %swap3A_3094] : memref<32768x128xf32, #tpu.memory_space<vmem>>, vector<128x128xf32>
    tpu.vector_store %arg4[%swap3A_3093, %swap3A_3094], %exp23A_3092 {strides = array<i32>} : memref<32768x128xf32, #tpu.memory_space<vmem>>, vector<128x128xf32>,
    %get3A_3096 = arith.constant 0 : index
    %get3A_3097 = arith.constant 171 : index
    %get3A_3098 = vector.load %arg5[%get3A_3096, %get3A_3097] : memref<128x256xf32, #tpu.memory_space<vmem>>, vector<128x1xf32>
    %get3A_3099 = arith.constant 0 : index
    %get3A_3100 = arith.constant 0 : index
    %get3A_3101 = vector.load %arg2[%get3A_3099, %get3A_3100] : memref<1x128xf32, #tpu.memory_space<vmem>>, vector<1x128xf32>
    %sub3A_3102 = vector.broadcast %get3A_3098 : vector<128x1xf32> to vector<128x128xf32>
    %sub3A_3103 = vector.broadcast %get3A_3101 : vector<1x128xf32> to vector<128x128xf32>
    %sub3A_3104 = arith.subf %sub3A_3102, %sub3A_3103 : vector<128x128xf32>
    %mul3A_3105 = arith.mulf %sub3A_3104, %sub3A_3104 : vector<128x128xf32>
    %mul3A_3106 = vector.broadcast %mul3A_8 : vector<1x128xf32> to vector<128x128xf32>
    %mul3A_3107 = arith.mulf %mul3A_3105, %mul3A_3106 : vector<128x128xf32>
    %add3A_3108 = vector.broadcast %mul3A_14 : vector<1x128xf32> to vector<128x128xf32>
    %add3A_3109 = arith.addf %mul3A_3107, %add3A_3108 : vector<128x128xf32>
    %exp23A_3110 = math.exp2 %add3A_3109 : vector<128x128xf32>
    %swap3A_3111 = arith.constant 21888 : index
    %swap3A_3112 = arith.constant 0 : index
    %swap3A_3113 = vector.load %arg4[%swap3A_3111, %swap3A_3112] : memref<32768x128xf32, #tpu.memory_space<vmem>>, vector<128x128xf32>
    tpu.vector_store %arg4[%swap3A_3111, %swap3A_3112], %exp23A_3110 {strides = array<i32>} : memref<32768x128xf32, #tpu.memory_space<vmem>>, vector<128x128xf32>,
    %get3A_3114 = arith.constant 0 : index
    %get3A_3115 = arith.constant 172 : index
    %get3A_3116 = vector.load %arg5[%get3A_3114, %get3A_3115] : memref<128x256xf32, #tpu.memory_space<vmem>>, vector<128x1xf32>
    %get3A_3117 = arith.constant 0 : index
    %get3A_3118 = arith.constant 0 : index
    %get3A_3119 = vector.load %arg2[%get3A_3117, %get3A_3118] : memref<1x128xf32, #tpu.memory_space<vmem>>, vector<1x128xf32>
    %sub3A_3120 = vector.broadcast %get3A_3116 : vector<128x1xf32> to vector<128x128xf32>
    %sub3A_3121 = vector.broadcast %get3A_3119 : vector<1x128xf32> to vector<128x128xf32>
    %sub3A_3122 = arith.subf %sub3A_3120, %sub3A_3121 : vector<128x128xf32>
    %mul3A_3123 = arith.mulf %sub3A_3122, %sub3A_3122 : vector<128x128xf32>
    %mul3A_3124 = vector.broadcast %mul3A_8 : vector<1x128xf32> to vector<128x128xf32>
    %mul3A_3125 = arith.mulf %mul3A_3123, %mul3A_3124 : vector<128x128xf32>
    %add3A_3126 = vector.broadcast %mul3A_14 : vector<1x128xf32> to vector<128x128xf32>
    %add3A_3127 = arith.addf %mul3A_3125, %add3A_3126 : vector<128x128xf32>
    %exp23A_3128 = math.exp2 %add3A_3127 : vector<128x128xf32>
    %swap3A_3129 = arith.constant 22016 : index
    %swap3A_3130 = arith.constant 0 : index
    %swap3A_3131 = vector.load %arg4[%swap3A_3129, %swap3A_3130] : memref<32768x128xf32, #tpu.memory_space<vmem>>, vector<128x128xf32>
    tpu.vector_store %arg4[%swap3A_3129, %swap3A_3130], %exp23A_3128 {strides = array<i32>} : memref<32768x128xf32, #tpu.memory_space<vmem>>, vector<128x128xf32>,
    %get3A_3132 = arith.constant 0 : index
    %get3A_3133 = arith.constant 173 : index
    %get3A_3134 = vector.load %arg5[%get3A_3132, %get3A_3133] : memref<128x256xf32, #tpu.memory_space<vmem>>, vector<128x1xf32>
    %get3A_3135 = arith.constant 0 : index
    %get3A_3136 = arith.constant 0 : index
    %get3A_3137 = vector.load %arg2[%get3A_3135, %get3A_3136] : memref<1x128xf32, #tpu.memory_space<vmem>>, vector<1x128xf32>
    %sub3A_3138 = vector.broadcast %get3A_3134 : vector<128x1xf32> to vector<128x128xf32>
    %sub3A_3139 = vector.broadcast %get3A_3137 : vector<1x128xf32> to vector<128x128xf32>
    %sub3A_3140 = arith.subf %sub3A_3138, %sub3A_3139 : vector<128x128xf32>
    %mul3A_3141 = arith.mulf %sub3A_3140, %sub3A_3140 : vector<128x128xf32>
    %mul3A_3142 = vector.broadcast %mul3A_8 : vector<1x128xf32> to vector<128x128xf32>
    %mul3A_3143 = arith.mulf %mul3A_3141, %mul3A_3142 : vector<128x128xf32>
    %add3A_3144 = vector.broadcast %mul3A_14 : vector<1x128xf32> to vector<128x128xf32>
    %add3A_3145 = arith.addf %mul3A_3143, %add3A_3144 : vector<128x128xf32>
    %exp23A_3146 = math.exp2 %add3A_3145 : vector<128x128xf32>
    %swap3A_3147 = arith.constant 22144 : index
    %swap3A_3148 = arith.constant 0 : index
    %swap3A_3149 = vector.load %arg4[%swap3A_3147, %swap3A_3148] : memref<32768x128xf32, #tpu.memory_space<vmem>>, vector<128x128xf32>
    tpu.vector_store %arg4[%swap3A_3147, %swap3A_3148], %exp23A_3146 {strides = array<i32>} : memref<32768x128xf32, #tpu.memory_space<vmem>>, vector<128x128xf32>,
    %get3A_3150 = arith.constant 0 : index
    %get3A_3151 = arith.constant 174 : index
    %get3A_3152 = vector.load %arg5[%get3A_3150, %get3A_3151] : memref<128x256xf32, #tpu.memory_space<vmem>>, vector<128x1xf32>
    %get3A_3153 = arith.constant 0 : index
    %get3A_3154 = arith.constant 0 : index
    %get3A_3155 = vector.load %arg2[%get3A_3153, %get3A_3154] : memref<1x128xf32, #tpu.memory_space<vmem>>, vector<1x128xf32>
    %sub3A_3156 = vector.broadcast %get3A_3152 : vector<128x1xf32> to vector<128x128xf32>
    %sub3A_3157 = vector.broadcast %get3A_3155 : vector<1x128xf32> to vector<128x128xf32>
    %sub3A_3158 = arith.subf %sub3A_3156, %sub3A_3157 : vector<128x128xf32>
    %mul3A_3159 = arith.mulf %sub3A_3158, %sub3A_3158 : vector<128x128xf32>
    %mul3A_3160 = vector.broadcast %mul3A_8 : vector<1x128xf32> to vector<128x128xf32>
    %mul3A_3161 = arith.mulf %mul3A_3159, %mul3A_3160 : vector<128x128xf32>
    %add3A_3162 = vector.broadcast %mul3A_14 : vector<1x128xf32> to vector<128x128xf32>
    %add3A_3163 = arith.addf %mul3A_3161, %add3A_3162 : vector<128x128xf32>
    %exp23A_3164 = math.exp2 %add3A_3163 : vector<128x128xf32>
    %swap3A_3165 = arith.constant 22272 : index
    %swap3A_3166 = arith.constant 0 : index
    %swap3A_3167 = vector.load %arg4[%swap3A_3165, %swap3A_3166] : memref<32768x128xf32, #tpu.memory_space<vmem>>, vector<128x128xf32>
    tpu.vector_store %arg4[%swap3A_3165, %swap3A_3166], %exp23A_3164 {strides = array<i32>} : memref<32768x128xf32, #tpu.memory_space<vmem>>, vector<128x128xf32>,
    %get3A_3168 = arith.constant 0 : index
    %get3A_3169 = arith.constant 175 : index
    %get3A_3170 = vector.load %arg5[%get3A_3168, %get3A_3169] : memref<128x256xf32, #tpu.memory_space<vmem>>, vector<128x1xf32>
    %get3A_3171 = arith.constant 0 : index
    %get3A_3172 = arith.constant 0 : index
    %get3A_3173 = vector.load %arg2[%get3A_3171, %get3A_3172] : memref<1x128xf32, #tpu.memory_space<vmem>>, vector<1x128xf32>
    %sub3A_3174 = vector.broadcast %get3A_3170 : vector<128x1xf32> to vector<128x128xf32>
    %sub3A_3175 = vector.broadcast %get3A_3173 : vector<1x128xf32> to vector<128x128xf32>
    %sub3A_3176 = arith.subf %sub3A_3174, %sub3A_3175 : vector<128x128xf32>
    %mul3A_3177 = arith.mulf %sub3A_3176, %sub3A_3176 : vector<128x128xf32>
    %mul3A_3178 = vector.broadcast %mul3A_8 : vector<1x128xf32> to vector<128x128xf32>
    %mul3A_3179 = arith.mulf %mul3A_3177, %mul3A_3178 : vector<128x128xf32>
    %add3A_3180 = vector.broadcast %mul3A_14 : vector<1x128xf32> to vector<128x128xf32>
    %add3A_3181 = arith.addf %mul3A_3179, %add3A_3180 : vector<128x128xf32>
    %exp23A_3182 = math.exp2 %add3A_3181 : vector<128x128xf32>
    %swap3A_3183 = arith.constant 22400 : index
    %swap3A_3184 = arith.constant 0 : index
    %swap3A_3185 = vector.load %arg4[%swap3A_3183, %swap3A_3184] : memref<32768x128xf32, #tpu.memory_space<vmem>>, vector<128x128xf32>
    tpu.vector_store %arg4[%swap3A_3183, %swap3A_3184], %exp23A_3182 {strides = array<i32>} : memref<32768x128xf32, #tpu.memory_space<vmem>>, vector<128x128xf32>,
    %get3A_3186 = arith.constant 0 : index
    %get3A_3187 = arith.constant 176 : index
    %get3A_3188 = vector.load %arg5[%get3A_3186, %get3A_3187] : memref<128x256xf32, #tpu.memory_space<vmem>>, vector<128x1xf32>
    %get3A_3189 = arith.constant 0 : index
    %get3A_3190 = arith.constant 0 : index
    %get3A_3191 = vector.load %arg2[%get3A_3189, %get3A_3190] : memref<1x128xf32, #tpu.memory_space<vmem>>, vector<1x128xf32>
    %sub3A_3192 = vector.broadcast %get3A_3188 : vector<128x1xf32> to vector<128x128xf32>
    %sub3A_3193 = vector.broadcast %get3A_3191 : vector<1x128xf32> to vector<128x128xf32>
    %sub3A_3194 = arith.subf %sub3A_3192, %sub3A_3193 : vector<128x128xf32>
    %mul3A_3195 = arith.mulf %sub3A_3194, %sub3A_3194 : vector<128x128xf32>
    %mul3A_3196 = vector.broadcast %mul3A_8 : vector<1x128xf32> to vector<128x128xf32>
    %mul3A_3197 = arith.mulf %mul3A_3195, %mul3A_3196 : vector<128x128xf32>
    %add3A_3198 = vector.broadcast %mul3A_14 : vector<1x128xf32> to vector<128x128xf32>
    %add3A_3199 = arith.addf %mul3A_3197, %add3A_3198 : vector<128x128xf32>
    %exp23A_3200 = math.exp2 %add3A_3199 : vector<128x128xf32>
    %swap3A_3201 = arith.constant 22528 : index
    %swap3A_3202 = arith.constant 0 : index
    %swap3A_3203 = vector.load %arg4[%swap3A_3201, %swap3A_3202] : memref<32768x128xf32, #tpu.memory_space<vmem>>, vector<128x128xf32>
    tpu.vector_store %arg4[%swap3A_3201, %swap3A_3202], %exp23A_3200 {strides = array<i32>} : memref<32768x128xf32, #tpu.memory_space<vmem>>, vector<128x128xf32>,
    %get3A_3204 = arith.constant 0 : index
    %get3A_3205 = arith.constant 177 : index
    %get3A_3206 = vector.load %arg5[%get3A_3204, %get3A_3205] : memref<128x256xf32, #tpu.memory_space<vmem>>, vector<128x1xf32>
    %get3A_3207 = arith.constant 0 : index
    %get3A_3208 = arith.constant 0 : index
    %get3A_3209 = vector.load %arg2[%get3A_3207, %get3A_3208] : memref<1x128xf32, #tpu.memory_space<vmem>>, vector<1x128xf32>
    %sub3A_3210 = vector.broadcast %get3A_3206 : vector<128x1xf32> to vector<128x128xf32>
    %sub3A_3211 = vector.broadcast %get3A_3209 : vector<1x128xf32> to vector<128x128xf32>
    %sub3A_3212 = arith.subf %sub3A_3210, %sub3A_3211 : vector<128x128xf32>
    %mul3A_3213 = arith.mulf %sub3A_3212, %sub3A_3212 : vector<128x128xf32>
    %mul3A_3214 = vector.broadcast %mul3A_8 : vector<1x128xf32> to vector<128x128xf32>
    %mul3A_3215 = arith.mulf %mul3A_3213, %mul3A_3214 : vector<128x128xf32>
    %add3A_3216 = vector.broadcast %mul3A_14 : vector<1x128xf32> to vector<128x128xf32>
    %add3A_3217 = arith.addf %mul3A_3215, %add3A_3216 : vector<128x128xf32>
    %exp23A_3218 = math.exp2 %add3A_3217 : vector<128x128xf32>
    %swap3A_3219 = arith.constant 22656 : index
    %swap3A_3220 = arith.constant 0 : index
    %swap3A_3221 = vector.load %arg4[%swap3A_3219, %swap3A_3220] : memref<32768x128xf32, #tpu.memory_space<vmem>>, vector<128x128xf32>
    tpu.vector_store %arg4[%swap3A_3219, %swap3A_3220], %exp23A_3218 {strides = array<i32>} : memref<32768x128xf32, #tpu.memory_space<vmem>>, vector<128x128xf32>,
    %get3A_3222 = arith.constant 0 : index
    %get3A_3223 = arith.constant 178 : index
    %get3A_3224 = vector.load %arg5[%get3A_3222, %get3A_3223] : memref<128x256xf32, #tpu.memory_space<vmem>>, vector<128x1xf32>
    %get3A_3225 = arith.constant 0 : index
    %get3A_3226 = arith.constant 0 : index
    %get3A_3227 = vector.load %arg2[%get3A_3225, %get3A_3226] : memref<1x128xf32, #tpu.memory_space<vmem>>, vector<1x128xf32>
    %sub3A_3228 = vector.broadcast %get3A_3224 : vector<128x1xf32> to vector<128x128xf32>
    %sub3A_3229 = vector.broadcast %get3A_3227 : vector<1x128xf32> to vector<128x128xf32>
    %sub3A_3230 = arith.subf %sub3A_3228, %sub3A_3229 : vector<128x128xf32>
    %mul3A_3231 = arith.mulf %sub3A_3230, %sub3A_3230 : vector<128x128xf32>
    %mul3A_3232 = vector.broadcast %mul3A_8 : vector<1x128xf32> to vector<128x128xf32>
    %mul3A_3233 = arith.mulf %mul3A_3231, %mul3A_3232 : vector<128x128xf32>
    %add3A_3234 = vector.broadcast %mul3A_14 : vector<1x128xf32> to vector<128x128xf32>
    %add3A_3235 = arith.addf %mul3A_3233, %add3A_3234 : vector<128x128xf32>
    %exp23A_3236 = math.exp2 %add3A_3235 : vector<128x128xf32>
    %swap3A_3237 = arith.constant 22784 : index
    %swap3A_3238 = arith.constant 0 : index
    %swap3A_3239 = vector.load %arg4[%swap3A_3237, %swap3A_3238] : memref<32768x128xf32, #tpu.memory_space<vmem>>, vector<128x128xf32>
    tpu.vector_store %arg4[%swap3A_3237, %swap3A_3238], %exp23A_3236 {strides = array<i32>} : memref<32768x128xf32, #tpu.memory_space<vmem>>, vector<128x128xf32>,
    %get3A_3240 = arith.constant 0 : index
    %get3A_3241 = arith.constant 179 : index
    %get3A_3242 = vector.load %arg5[%get3A_3240, %get3A_3241] : memref<128x256xf32, #tpu.memory_space<vmem>>, vector<128x1xf32>
    %get3A_3243 = arith.constant 0 : index
    %get3A_3244 = arith.constant 0 : index
    %get3A_3245 = vector.load %arg2[%get3A_3243, %get3A_3244] : memref<1x128xf32, #tpu.memory_space<vmem>>, vector<1x128xf32>
    %sub3A_3246 = vector.broadcast %get3A_3242 : vector<128x1xf32> to vector<128x128xf32>
    %sub3A_3247 = vector.broadcast %get3A_3245 : vector<1x128xf32> to vector<128x128xf32>
    %sub3A_3248 = arith.subf %sub3A_3246, %sub3A_3247 : vector<128x128xf32>
    %mul3A_3249 = arith.mulf %sub3A_3248, %sub3A_3248 : vector<128x128xf32>
    %mul3A_3250 = vector.broadcast %mul3A_8 : vector<1x128xf32> to vector<128x128xf32>
    %mul3A_3251 = arith.mulf %mul3A_3249, %mul3A_3250 : vector<128x128xf32>
    %add3A_3252 = vector.broadcast %mul3A_14 : vector<1x128xf32> to vector<128x128xf32>
    %add3A_3253 = arith.addf %mul3A_3251, %add3A_3252 : vector<128x128xf32>
    %exp23A_3254 = math.exp2 %add3A_3253 : vector<128x128xf32>
    %swap3A_3255 = arith.constant 22912 : index
    %swap3A_3256 = arith.constant 0 : index
    %swap3A_3257 = vector.load %arg4[%swap3A_3255, %swap3A_3256] : memref<32768x128xf32, #tpu.memory_space<vmem>>, vector<128x128xf32>
    tpu.vector_store %arg4[%swap3A_3255, %swap3A_3256], %exp23A_3254 {strides = array<i32>} : memref<32768x128xf32, #tpu.memory_space<vmem>>, vector<128x128xf32>,
    %get3A_3258 = arith.constant 0 : index
    %get3A_3259 = arith.constant 180 : index
    %get3A_3260 = vector.load %arg5[%get3A_3258, %get3A_3259] : memref<128x256xf32, #tpu.memory_space<vmem>>, vector<128x1xf32>
    %get3A_3261 = arith.constant 0 : index
    %get3A_3262 = arith.constant 0 : index
    %get3A_3263 = vector.load %arg2[%get3A_3261, %get3A_3262] : memref<1x128xf32, #tpu.memory_space<vmem>>, vector<1x128xf32>
    %sub3A_3264 = vector.broadcast %get3A_3260 : vector<128x1xf32> to vector<128x128xf32>
    %sub3A_3265 = vector.broadcast %get3A_3263 : vector<1x128xf32> to vector<128x128xf32>
    %sub3A_3266 = arith.subf %sub3A_3264, %sub3A_3265 : vector<128x128xf32>
    %mul3A_3267 = arith.mulf %sub3A_3266, %sub3A_3266 : vector<128x128xf32>
    %mul3A_3268 = vector.broadcast %mul3A_8 : vector<1x128xf32> to vector<128x128xf32>
    %mul3A_3269 = arith.mulf %mul3A_3267, %mul3A_3268 : vector<128x128xf32>
    %add3A_3270 = vector.broadcast %mul3A_14 : vector<1x128xf32> to vector<128x128xf32>
    %add3A_3271 = arith.addf %mul3A_3269, %add3A_3270 : vector<128x128xf32>
    %exp23A_3272 = math.exp2 %add3A_3271 : vector<128x128xf32>
    %swap3A_3273 = arith.constant 23040 : index
    %swap3A_3274 = arith.constant 0 : index
    %swap3A_3275 = vector.load %arg4[%swap3A_3273, %swap3A_3274] : memref<32768x128xf32, #tpu.memory_space<vmem>>, vector<128x128xf32>
    tpu.vector_store %arg4[%swap3A_3273, %swap3A_3274], %exp23A_3272 {strides = array<i32>} : memref<32768x128xf32, #tpu.memory_space<vmem>>, vector<128x128xf32>,
    %get3A_3276 = arith.constant 0 : index
    %get3A_3277 = arith.constant 181 : index
    %get3A_3278 = vector.load %arg5[%get3A_3276, %get3A_3277] : memref<128x256xf32, #tpu.memory_space<vmem>>, vector<128x1xf32>
    %get3A_3279 = arith.constant 0 : index
    %get3A_3280 = arith.constant 0 : index
    %get3A_3281 = vector.load %arg2[%get3A_3279, %get3A_3280] : memref<1x128xf32, #tpu.memory_space<vmem>>, vector<1x128xf32>
    %sub3A_3282 = vector.broadcast %get3A_3278 : vector<128x1xf32> to vector<128x128xf32>
    %sub3A_3283 = vector.broadcast %get3A_3281 : vector<1x128xf32> to vector<128x128xf32>
    %sub3A_3284 = arith.subf %sub3A_3282, %sub3A_3283 : vector<128x128xf32>
    %mul3A_3285 = arith.mulf %sub3A_3284, %sub3A_3284 : vector<128x128xf32>
    %mul3A_3286 = vector.broadcast %mul3A_8 : vector<1x128xf32> to vector<128x128xf32>
    %mul3A_3287 = arith.mulf %mul3A_3285, %mul3A_3286 : vector<128x128xf32>
    %add3A_3288 = vector.broadcast %mul3A_14 : vector<1x128xf32> to vector<128x128xf32>
    %add3A_3289 = arith.addf %mul3A_3287, %add3A_3288 : vector<128x128xf32>
    %exp23A_3290 = math.exp2 %add3A_3289 : vector<128x128xf32>
    %swap3A_3291 = arith.constant 23168 : index
    %swap3A_3292 = arith.constant 0 : index
    %swap3A_3293 = vector.load %arg4[%swap3A_3291, %swap3A_3292] : memref<32768x128xf32, #tpu.memory_space<vmem>>, vector<128x128xf32>
    tpu.vector_store %arg4[%swap3A_3291, %swap3A_3292], %exp23A_3290 {strides = array<i32>} : memref<32768x128xf32, #tpu.memory_space<vmem>>, vector<128x128xf32>,
    %get3A_3294 = arith.constant 0 : index
    %get3A_3295 = arith.constant 182 : index
    %get3A_3296 = vector.load %arg5[%get3A_3294, %get3A_3295] : memref<128x256xf32, #tpu.memory_space<vmem>>, vector<128x1xf32>
    %get3A_3297 = arith.constant 0 : index
    %get3A_3298 = arith.constant 0 : index
    %get3A_3299 = vector.load %arg2[%get3A_3297, %get3A_3298] : memref<1x128xf32, #tpu.memory_space<vmem>>, vector<1x128xf32>
    %sub3A_3300 = vector.broadcast %get3A_3296 : vector<128x1xf32> to vector<128x128xf32>
    %sub3A_3301 = vector.broadcast %get3A_3299 : vector<1x128xf32> to vector<128x128xf32>
    %sub3A_3302 = arith.subf %sub3A_3300, %sub3A_3301 : vector<128x128xf32>
    %mul3A_3303 = arith.mulf %sub3A_3302, %sub3A_3302 : vector<128x128xf32>
    %mul3A_3304 = vector.broadcast %mul3A_8 : vector<1x128xf32> to vector<128x128xf32>
    %mul3A_3305 = arith.mulf %mul3A_3303, %mul3A_3304 : vector<128x128xf32>
    %add3A_3306 = vector.broadcast %mul3A_14 : vector<1x128xf32> to vector<128x128xf32>
    %add3A_3307 = arith.addf %mul3A_3305, %add3A_3306 : vector<128x128xf32>
    %exp23A_3308 = math.exp2 %add3A_3307 : vector<128x128xf32>
    %swap3A_3309 = arith.constant 23296 : index
    %swap3A_3310 = arith.constant 0 : index
    %swap3A_3311 = vector.load %arg4[%swap3A_3309, %swap3A_3310] : memref<32768x128xf32, #tpu.memory_space<vmem>>, vector<128x128xf32>
    tpu.vector_store %arg4[%swap3A_3309, %swap3A_3310], %exp23A_3308 {strides = array<i32>} : memref<32768x128xf32, #tpu.memory_space<vmem>>, vector<128x128xf32>,
    %get3A_3312 = arith.constant 0 : index
    %get3A_3313 = arith.constant 183 : index
    %get3A_3314 = vector.load %arg5[%get3A_3312, %get3A_3313] : memref<128x256xf32, #tpu.memory_space<vmem>>, vector<128x1xf32>
    %get3A_3315 = arith.constant 0 : index
    %get3A_3316 = arith.constant 0 : index
    %get3A_3317 = vector.load %arg2[%get3A_3315, %get3A_3316] : memref<1x128xf32, #tpu.memory_space<vmem>>, vector<1x128xf32>
    %sub3A_3318 = vector.broadcast %get3A_3314 : vector<128x1xf32> to vector<128x128xf32>
    %sub3A_3319 = vector.broadcast %get3A_3317 : vector<1x128xf32> to vector<128x128xf32>
    %sub3A_3320 = arith.subf %sub3A_3318, %sub3A_3319 : vector<128x128xf32>
    %mul3A_3321 = arith.mulf %sub3A_3320, %sub3A_3320 : vector<128x128xf32>
    %mul3A_3322 = vector.broadcast %mul3A_8 : vector<1x128xf32> to vector<128x128xf32>
    %mul3A_3323 = arith.mulf %mul3A_3321, %mul3A_3322 : vector<128x128xf32>
    %add3A_3324 = vector.broadcast %mul3A_14 : vector<1x128xf32> to vector<128x128xf32>
    %add3A_3325 = arith.addf %mul3A_3323, %add3A_3324 : vector<128x128xf32>
    %exp23A_3326 = math.exp2 %add3A_3325 : vector<128x128xf32>
    %swap3A_3327 = arith.constant 23424 : index
    %swap3A_3328 = arith.constant 0 : index
    %swap3A_3329 = vector.load %arg4[%swap3A_3327, %swap3A_3328] : memref<32768x128xf32, #tpu.memory_space<vmem>>, vector<128x128xf32>
    tpu.vector_store %arg4[%swap3A_3327, %swap3A_3328], %exp23A_3326 {strides = array<i32>} : memref<32768x128xf32, #tpu.memory_space<vmem>>, vector<128x128xf32>,
    %get3A_3330 = arith.constant 0 : index
    %get3A_3331 = arith.constant 184 : index
    %get3A_3332 = vector.load %arg5[%get3A_3330, %get3A_3331] : memref<128x256xf32, #tpu.memory_space<vmem>>, vector<128x1xf32>
    %get3A_3333 = arith.constant 0 : index
    %get3A_3334 = arith.constant 0 : index
    %get3A_3335 = vector.load %arg2[%get3A_3333, %get3A_3334] : memref<1x128xf32, #tpu.memory_space<vmem>>, vector<1x128xf32>
    %sub3A_3336 = vector.broadcast %get3A_3332 : vector<128x1xf32> to vector<128x128xf32>
    %sub3A_3337 = vector.broadcast %get3A_3335 : vector<1x128xf32> to vector<128x128xf32>
    %sub3A_3338 = arith.subf %sub3A_3336, %sub3A_3337 : vector<128x128xf32>
    %mul3A_3339 = arith.mulf %sub3A_3338, %sub3A_3338 : vector<128x128xf32>
    %mul3A_3340 = vector.broadcast %mul3A_8 : vector<1x128xf32> to vector<128x128xf32>
    %mul3A_3341 = arith.mulf %mul3A_3339, %mul3A_3340 : vector<128x128xf32>
    %add3A_3342 = vector.broadcast %mul3A_14 : vector<1x128xf32> to vector<128x128xf32>
    %add3A_3343 = arith.addf %mul3A_3341, %add3A_3342 : vector<128x128xf32>
    %exp23A_3344 = math.exp2 %add3A_3343 : vector<128x128xf32>
    %swap3A_3345 = arith.constant 23552 : index
    %swap3A_3346 = arith.constant 0 : index
    %swap3A_3347 = vector.load %arg4[%swap3A_3345, %swap3A_3346] : memref<32768x128xf32, #tpu.memory_space<vmem>>, vector<128x128xf32>
    tpu.vector_store %arg4[%swap3A_3345, %swap3A_3346], %exp23A_3344 {strides = array<i32>} : memref<32768x128xf32, #tpu.memory_space<vmem>>, vector<128x128xf32>,
    %get3A_3348 = arith.constant 0 : index
    %get3A_3349 = arith.constant 185 : index
    %get3A_3350 = vector.load %arg5[%get3A_3348, %get3A_3349] : memref<128x256xf32, #tpu.memory_space<vmem>>, vector<128x1xf32>
    %get3A_3351 = arith.constant 0 : index
    %get3A_3352 = arith.constant 0 : index
    %get3A_3353 = vector.load %arg2[%get3A_3351, %get3A_3352] : memref<1x128xf32, #tpu.memory_space<vmem>>, vector<1x128xf32>
    %sub3A_3354 = vector.broadcast %get3A_3350 : vector<128x1xf32> to vector<128x128xf32>
    %sub3A_3355 = vector.broadcast %get3A_3353 : vector<1x128xf32> to vector<128x128xf32>
    %sub3A_3356 = arith.subf %sub3A_3354, %sub3A_3355 : vector<128x128xf32>
    %mul3A_3357 = arith.mulf %sub3A_3356, %sub3A_3356 : vector<128x128xf32>
    %mul3A_3358 = vector.broadcast %mul3A_8 : vector<1x128xf32> to vector<128x128xf32>
    %mul3A_3359 = arith.mulf %mul3A_3357, %mul3A_3358 : vector<128x128xf32>
    %add3A_3360 = vector.broadcast %mul3A_14 : vector<1x128xf32> to vector<128x128xf32>
    %add3A_3361 = arith.addf %mul3A_3359, %add3A_3360 : vector<128x128xf32>
    %exp23A_3362 = math.exp2 %add3A_3361 : vector<128x128xf32>
    %swap3A_3363 = arith.constant 23680 : index
    %swap3A_3364 = arith.constant 0 : index
    %swap3A_3365 = vector.load %arg4[%swap3A_3363, %swap3A_3364] : memref<32768x128xf32, #tpu.memory_space<vmem>>, vector<128x128xf32>
    tpu.vector_store %arg4[%swap3A_3363, %swap3A_3364], %exp23A_3362 {strides = array<i32>} : memref<32768x128xf32, #tpu.memory_space<vmem>>, vector<128x128xf32>,
    %get3A_3366 = arith.constant 0 : index
    %get3A_3367 = arith.constant 186 : index
    %get3A_3368 = vector.load %arg5[%get3A_3366, %get3A_3367] : memref<128x256xf32, #tpu.memory_space<vmem>>, vector<128x1xf32>
    %get3A_3369 = arith.constant 0 : index
    %get3A_3370 = arith.constant 0 : index
    %get3A_3371 = vector.load %arg2[%get3A_3369, %get3A_3370] : memref<1x128xf32, #tpu.memory_space<vmem>>, vector<1x128xf32>
    %sub3A_3372 = vector.broadcast %get3A_3368 : vector<128x1xf32> to vector<128x128xf32>
    %sub3A_3373 = vector.broadcast %get3A_3371 : vector<1x128xf32> to vector<128x128xf32>
    %sub3A_3374 = arith.subf %sub3A_3372, %sub3A_3373 : vector<128x128xf32>
    %mul3A_3375 = arith.mulf %sub3A_3374, %sub3A_3374 : vector<128x128xf32>
    %mul3A_3376 = vector.broadcast %mul3A_8 : vector<1x128xf32> to vector<128x128xf32>
    %mul3A_3377 = arith.mulf %mul3A_3375, %mul3A_3376 : vector<128x128xf32>
    %add3A_3378 = vector.broadcast %mul3A_14 : vector<1x128xf32> to vector<128x128xf32>
    %add3A_3379 = arith.addf %mul3A_3377, %add3A_3378 : vector<128x128xf32>
    %exp23A_3380 = math.exp2 %add3A_3379 : vector<128x128xf32>
    %swap3A_3381 = arith.constant 23808 : index
    %swap3A_3382 = arith.constant 0 : index
    %swap3A_3383 = vector.load %arg4[%swap3A_3381, %swap3A_3382] : memref<32768x128xf32, #tpu.memory_space<vmem>>, vector<128x128xf32>
    tpu.vector_store %arg4[%swap3A_3381, %swap3A_3382], %exp23A_3380 {strides = array<i32>} : memref<32768x128xf32, #tpu.memory_space<vmem>>, vector<128x128xf32>,
    %get3A_3384 = arith.constant 0 : index
    %get3A_3385 = arith.constant 187 : index
    %get3A_3386 = vector.load %arg5[%get3A_3384, %get3A_3385] : memref<128x256xf32, #tpu.memory_space<vmem>>, vector<128x1xf32>
    %get3A_3387 = arith.constant 0 : index
    %get3A_3388 = arith.constant 0 : index
    %get3A_3389 = vector.load %arg2[%get3A_3387, %get3A_3388] : memref<1x128xf32, #tpu.memory_space<vmem>>, vector<1x128xf32>
    %sub3A_3390 = vector.broadcast %get3A_3386 : vector<128x1xf32> to vector<128x128xf32>
    %sub3A_3391 = vector.broadcast %get3A_3389 : vector<1x128xf32> to vector<128x128xf32>
    %sub3A_3392 = arith.subf %sub3A_3390, %sub3A_3391 : vector<128x128xf32>
    %mul3A_3393 = arith.mulf %sub3A_3392, %sub3A_3392 : vector<128x128xf32>
    %mul3A_3394 = vector.broadcast %mul3A_8 : vector<1x128xf32> to vector<128x128xf32>
    %mul3A_3395 = arith.mulf %mul3A_3393, %mul3A_3394 : vector<128x128xf32>
    %add3A_3396 = vector.broadcast %mul3A_14 : vector<1x128xf32> to vector<128x128xf32>
    %add3A_3397 = arith.addf %mul3A_3395, %add3A_3396 : vector<128x128xf32>
    %exp23A_3398 = math.exp2 %add3A_3397 : vector<128x128xf32>
    %swap3A_3399 = arith.constant 23936 : index
    %swap3A_3400 = arith.constant 0 : index
    %swap3A_3401 = vector.load %arg4[%swap3A_3399, %swap3A_3400] : memref<32768x128xf32, #tpu.memory_space<vmem>>, vector<128x128xf32>
    tpu.vector_store %arg4[%swap3A_3399, %swap3A_3400], %exp23A_3398 {strides = array<i32>} : memref<32768x128xf32, #tpu.memory_space<vmem>>, vector<128x128xf32>,
    %get3A_3402 = arith.constant 0 : index
    %get3A_3403 = arith.constant 188 : index
    %get3A_3404 = vector.load %arg5[%get3A_3402, %get3A_3403] : memref<128x256xf32, #tpu.memory_space<vmem>>, vector<128x1xf32>
    %get3A_3405 = arith.constant 0 : index
    %get3A_3406 = arith.constant 0 : index
    %get3A_3407 = vector.load %arg2[%get3A_3405, %get3A_3406] : memref<1x128xf32, #tpu.memory_space<vmem>>, vector<1x128xf32>
    %sub3A_3408 = vector.broadcast %get3A_3404 : vector<128x1xf32> to vector<128x128xf32>
    %sub3A_3409 = vector.broadcast %get3A_3407 : vector<1x128xf32> to vector<128x128xf32>
    %sub3A_3410 = arith.subf %sub3A_3408, %sub3A_3409 : vector<128x128xf32>
    %mul3A_3411 = arith.mulf %sub3A_3410, %sub3A_3410 : vector<128x128xf32>
    %mul3A_3412 = vector.broadcast %mul3A_8 : vector<1x128xf32> to vector<128x128xf32>
    %mul3A_3413 = arith.mulf %mul3A_3411, %mul3A_3412 : vector<128x128xf32>
    %add3A_3414 = vector.broadcast %mul3A_14 : vector<1x128xf32> to vector<128x128xf32>
    %add3A_3415 = arith.addf %mul3A_3413, %add3A_3414 : vector<128x128xf32>
    %exp23A_3416 = math.exp2 %add3A_3415 : vector<128x128xf32>
    %swap3A_3417 = arith.constant 24064 : index
    %swap3A_3418 = arith.constant 0 : index
    %swap3A_3419 = vector.load %arg4[%swap3A_3417, %swap3A_3418] : memref<32768x128xf32, #tpu.memory_space<vmem>>, vector<128x128xf32>
    tpu.vector_store %arg4[%swap3A_3417, %swap3A_3418], %exp23A_3416 {strides = array<i32>} : memref<32768x128xf32, #tpu.memory_space<vmem>>, vector<128x128xf32>,
    %get3A_3420 = arith.constant 0 : index
    %get3A_3421 = arith.constant 189 : index
    %get3A_3422 = vector.load %arg5[%get3A_3420, %get3A_3421] : memref<128x256xf32, #tpu.memory_space<vmem>>, vector<128x1xf32>
    %get3A_3423 = arith.constant 0 : index
    %get3A_3424 = arith.constant 0 : index
    %get3A_3425 = vector.load %arg2[%get3A_3423, %get3A_3424] : memref<1x128xf32, #tpu.memory_space<vmem>>, vector<1x128xf32>
    %sub3A_3426 = vector.broadcast %get3A_3422 : vector<128x1xf32> to vector<128x128xf32>
    %sub3A_3427 = vector.broadcast %get3A_3425 : vector<1x128xf32> to vector<128x128xf32>
    %sub3A_3428 = arith.subf %sub3A_3426, %sub3A_3427 : vector<128x128xf32>
    %mul3A_3429 = arith.mulf %sub3A_3428, %sub3A_3428 : vector<128x128xf32>
    %mul3A_3430 = vector.broadcast %mul3A_8 : vector<1x128xf32> to vector<128x128xf32>
    %mul3A_3431 = arith.mulf %mul3A_3429, %mul3A_3430 : vector<128x128xf32>
    %add3A_3432 = vector.broadcast %mul3A_14 : vector<1x128xf32> to vector<128x128xf32>
    %add3A_3433 = arith.addf %mul3A_3431, %add3A_3432 : vector<128x128xf32>
    %exp23A_3434 = math.exp2 %add3A_3433 : vector<128x128xf32>
    %swap3A_3435 = arith.constant 24192 : index
    %swap3A_3436 = arith.constant 0 : index
    %swap3A_3437 = vector.load %arg4[%swap3A_3435, %swap3A_3436] : memref<32768x128xf32, #tpu.memory_space<vmem>>, vector<128x128xf32>
    tpu.vector_store %arg4[%swap3A_3435, %swap3A_3436], %exp23A_3434 {strides = array<i32>} : memref<32768x128xf32, #tpu.memory_space<vmem>>, vector<128x128xf32>,
    %get3A_3438 = arith.constant 0 : index
    %get3A_3439 = arith.constant 190 : index
    %get3A_3440 = vector.load %arg5[%get3A_3438, %get3A_3439] : memref<128x256xf32, #tpu.memory_space<vmem>>, vector<128x1xf32>
    %get3A_3441 = arith.constant 0 : index
    %get3A_3442 = arith.constant 0 : index
    %get3A_3443 = vector.load %arg2[%get3A_3441, %get3A_3442] : memref<1x128xf32, #tpu.memory_space<vmem>>, vector<1x128xf32>
    %sub3A_3444 = vector.broadcast %get3A_3440 : vector<128x1xf32> to vector<128x128xf32>
    %sub3A_3445 = vector.broadcast %get3A_3443 : vector<1x128xf32> to vector<128x128xf32>
    %sub3A_3446 = arith.subf %sub3A_3444, %sub3A_3445 : vector<128x128xf32>
    %mul3A_3447 = arith.mulf %sub3A_3446, %sub3A_3446 : vector<128x128xf32>
    %mul3A_3448 = vector.broadcast %mul3A_8 : vector<1x128xf32> to vector<128x128xf32>
    %mul3A_3449 = arith.mulf %mul3A_3447, %mul3A_3448 : vector<128x128xf32>
    %add3A_3450 = vector.broadcast %mul3A_14 : vector<1x128xf32> to vector<128x128xf32>
    %add3A_3451 = arith.addf %mul3A_3449, %add3A_3450 : vector<128x128xf32>
    %exp23A_3452 = math.exp2 %add3A_3451 : vector<128x128xf32>
    %swap3A_3453 = arith.constant 24320 : index
    %swap3A_3454 = arith.constant 0 : index
    %swap3A_3455 = vector.load %arg4[%swap3A_3453, %swap3A_3454] : memref<32768x128xf32, #tpu.memory_space<vmem>>, vector<128x128xf32>
    tpu.vector_store %arg4[%swap3A_3453, %swap3A_3454], %exp23A_3452 {strides = array<i32>} : memref<32768x128xf32, #tpu.memory_space<vmem>>, vector<128x128xf32>,
    %get3A_3456 = arith.constant 0 : index
    %get3A_3457 = arith.constant 191 : index
    %get3A_3458 = vector.load %arg5[%get3A_3456, %get3A_3457] : memref<128x256xf32, #tpu.memory_space<vmem>>, vector<128x1xf32>
    %get3A_3459 = arith.constant 0 : index
    %get3A_3460 = arith.constant 0 : index
    %get3A_3461 = vector.load %arg2[%get3A_3459, %get3A_3460] : memref<1x128xf32, #tpu.memory_space<vmem>>, vector<1x128xf32>
    %sub3A_3462 = vector.broadcast %get3A_3458 : vector<128x1xf32> to vector<128x128xf32>
    %sub3A_3463 = vector.broadcast %get3A_3461 : vector<1x128xf32> to vector<128x128xf32>
    %sub3A_3464 = arith.subf %sub3A_3462, %sub3A_3463 : vector<128x128xf32>
    %mul3A_3465 = arith.mulf %sub3A_3464, %sub3A_3464 : vector<128x128xf32>
    %mul3A_3466 = vector.broadcast %mul3A_8 : vector<1x128xf32> to vector<128x128xf32>
    %mul3A_3467 = arith.mulf %mul3A_3465, %mul3A_3466 : vector<128x128xf32>
    %add3A_3468 = vector.broadcast %mul3A_14 : vector<1x128xf32> to vector<128x128xf32>
    %add3A_3469 = arith.addf %mul3A_3467, %add3A_3468 : vector<128x128xf32>
    %exp23A_3470 = math.exp2 %add3A_3469 : vector<128x128xf32>
    %swap3A_3471 = arith.constant 24448 : index
    %swap3A_3472 = arith.constant 0 : index
    %swap3A_3473 = vector.load %arg4[%swap3A_3471, %swap3A_3472] : memref<32768x128xf32, #tpu.memory_space<vmem>>, vector<128x128xf32>
    tpu.vector_store %arg4[%swap3A_3471, %swap3A_3472], %exp23A_3470 {strides = array<i32>} : memref<32768x128xf32, #tpu.memory_space<vmem>>, vector<128x128xf32>,
    %get3A_3474 = arith.constant 0 : index
    %get3A_3475 = arith.constant 192 : index
    %get3A_3476 = vector.load %arg5[%get3A_3474, %get3A_3475] : memref<128x256xf32, #tpu.memory_space<vmem>>, vector<128x1xf32>
    %get3A_3477 = arith.constant 0 : index
    %get3A_3478 = arith.constant 0 : index
    %get3A_3479 = vector.load %arg2[%get3A_3477, %get3A_3478] : memref<1x128xf32, #tpu.memory_space<vmem>>, vector<1x128xf32>
    %sub3A_3480 = vector.broadcast %get3A_3476 : vector<128x1xf32> to vector<128x128xf32>
    %sub3A_3481 = vector.broadcast %get3A_3479 : vector<1x128xf32> to vector<128x128xf32>
    %sub3A_3482 = arith.subf %sub3A_3480, %sub3A_3481 : vector<128x128xf32>
    %mul3A_3483 = arith.mulf %sub3A_3482, %sub3A_3482 : vector<128x128xf32>
    %mul3A_3484 = vector.broadcast %mul3A_8 : vector<1x128xf32> to vector<128x128xf32>
    %mul3A_3485 = arith.mulf %mul3A_3483, %mul3A_3484 : vector<128x128xf32>
    %add3A_3486 = vector.broadcast %mul3A_14 : vector<1x128xf32> to vector<128x128xf32>
    %add3A_3487 = arith.addf %mul3A_3485, %add3A_3486 : vector<128x128xf32>
    %exp23A_3488 = math.exp2 %add3A_3487 : vector<128x128xf32>
    %swap3A_3489 = arith.constant 24576 : index
    %swap3A_3490 = arith.constant 0 : index
    %swap3A_3491 = vector.load %arg4[%swap3A_3489, %swap3A_3490] : memref<32768x128xf32, #tpu.memory_space<vmem>>, vector<128x128xf32>
    tpu.vector_store %arg4[%swap3A_3489, %swap3A_3490], %exp23A_3488 {strides = array<i32>} : memref<32768x128xf32, #tpu.memory_space<vmem>>, vector<128x128xf32>,
    %get3A_3492 = arith.constant 0 : index
    %get3A_3493 = arith.constant 193 : index
    %get3A_3494 = vector.load %arg5[%get3A_3492, %get3A_3493] : memref<128x256xf32, #tpu.memory_space<vmem>>, vector<128x1xf32>
    %get3A_3495 = arith.constant 0 : index
    %get3A_3496 = arith.constant 0 : index
    %get3A_3497 = vector.load %arg2[%get3A_3495, %get3A_3496] : memref<1x128xf32, #tpu.memory_space<vmem>>, vector<1x128xf32>
    %sub3A_3498 = vector.broadcast %get3A_3494 : vector<128x1xf32> to vector<128x128xf32>
    %sub3A_3499 = vector.broadcast %get3A_3497 : vector<1x128xf32> to vector<128x128xf32>
    %sub3A_3500 = arith.subf %sub3A_3498, %sub3A_3499 : vector<128x128xf32>
    %mul3A_3501 = arith.mulf %sub3A_3500, %sub3A_3500 : vector<128x128xf32>
    %mul3A_3502 = vector.broadcast %mul3A_8 : vector<1x128xf32> to vector<128x128xf32>
    %mul3A_3503 = arith.mulf %mul3A_3501, %mul3A_3502 : vector<128x128xf32>
    %add3A_3504 = vector.broadcast %mul3A_14 : vector<1x128xf32> to vector<128x128xf32>
    %add3A_3505 = arith.addf %mul3A_3503, %add3A_3504 : vector<128x128xf32>
    %exp23A_3506 = math.exp2 %add3A_3505 : vector<128x128xf32>
    %swap3A_3507 = arith.constant 24704 : index
    %swap3A_3508 = arith.constant 0 : index
    %swap3A_3509 = vector.load %arg4[%swap3A_3507, %swap3A_3508] : memref<32768x128xf32, #tpu.memory_space<vmem>>, vector<128x128xf32>
    tpu.vector_store %arg4[%swap3A_3507, %swap3A_3508], %exp23A_3506 {strides = array<i32>} : memref<32768x128xf32, #tpu.memory_space<vmem>>, vector<128x128xf32>,
    %get3A_3510 = arith.constant 0 : index
    %get3A_3511 = arith.constant 194 : index
    %get3A_3512 = vector.load %arg5[%get3A_3510, %get3A_3511] : memref<128x256xf32, #tpu.memory_space<vmem>>, vector<128x1xf32>
    %get3A_3513 = arith.constant 0 : index
    %get3A_3514 = arith.constant 0 : index
    %get3A_3515 = vector.load %arg2[%get3A_3513, %get3A_3514] : memref<1x128xf32, #tpu.memory_space<vmem>>, vector<1x128xf32>
    %sub3A_3516 = vector.broadcast %get3A_3512 : vector<128x1xf32> to vector<128x128xf32>
    %sub3A_3517 = vector.broadcast %get3A_3515 : vector<1x128xf32> to vector<128x128xf32>
    %sub3A_3518 = arith.subf %sub3A_3516, %sub3A_3517 : vector<128x128xf32>
    %mul3A_3519 = arith.mulf %sub3A_3518, %sub3A_3518 : vector<128x128xf32>
    %mul3A_3520 = vector.broadcast %mul3A_8 : vector<1x128xf32> to vector<128x128xf32>
    %mul3A_3521 = arith.mulf %mul3A_3519, %mul3A_3520 : vector<128x128xf32>
    %add3A_3522 = vector.broadcast %mul3A_14 : vector<1x128xf32> to vector<128x128xf32>
    %add3A_3523 = arith.addf %mul3A_3521, %add3A_3522 : vector<128x128xf32>
    %exp23A_3524 = math.exp2 %add3A_3523 : vector<128x128xf32>
    %swap3A_3525 = arith.constant 24832 : index
    %swap3A_3526 = arith.constant 0 : index
    %swap3A_3527 = vector.load %arg4[%swap3A_3525, %swap3A_3526] : memref<32768x128xf32, #tpu.memory_space<vmem>>, vector<128x128xf32>
    tpu.vector_store %arg4[%swap3A_3525, %swap3A_3526], %exp23A_3524 {strides = array<i32>} : memref<32768x128xf32, #tpu.memory_space<vmem>>, vector<128x128xf32>,
    %get3A_3528 = arith.constant 0 : index
    %get3A_3529 = arith.constant 195 : index
    %get3A_3530 = vector.load %arg5[%get3A_3528, %get3A_3529] : memref<128x256xf32, #tpu.memory_space<vmem>>, vector<128x1xf32>
    %get3A_3531 = arith.constant 0 : index
    %get3A_3532 = arith.constant 0 : index
    %get3A_3533 = vector.load %arg2[%get3A_3531, %get3A_3532] : memref<1x128xf32, #tpu.memory_space<vmem>>, vector<1x128xf32>
    %sub3A_3534 = vector.broadcast %get3A_3530 : vector<128x1xf32> to vector<128x128xf32>
    %sub3A_3535 = vector.broadcast %get3A_3533 : vector<1x128xf32> to vector<128x128xf32>
    %sub3A_3536 = arith.subf %sub3A_3534, %sub3A_3535 : vector<128x128xf32>
    %mul3A_3537 = arith.mulf %sub3A_3536, %sub3A_3536 : vector<128x128xf32>
    %mul3A_3538 = vector.broadcast %mul3A_8 : vector<1x128xf32> to vector<128x128xf32>
    %mul3A_3539 = arith.mulf %mul3A_3537, %mul3A_3538 : vector<128x128xf32>
    %add3A_3540 = vector.broadcast %mul3A_14 : vector<1x128xf32> to vector<128x128xf32>
    %add3A_3541 = arith.addf %mul3A_3539, %add3A_3540 : vector<128x128xf32>
    %exp23A_3542 = math.exp2 %add3A_3541 : vector<128x128xf32>
    %swap3A_3543 = arith.constant 24960 : index
    %swap3A_3544 = arith.constant 0 : index
    %swap3A_3545 = vector.load %arg4[%swap3A_3543, %swap3A_3544] : memref<32768x128xf32, #tpu.memory_space<vmem>>, vector<128x128xf32>
    tpu.vector_store %arg4[%swap3A_3543, %swap3A_3544], %exp23A_3542 {strides = array<i32>} : memref<32768x128xf32, #tpu.memory_space<vmem>>, vector<128x128xf32>,
    %get3A_3546 = arith.constant 0 : index
    %get3A_3547 = arith.constant 196 : index
    %get3A_3548 = vector.load %arg5[%get3A_3546, %get3A_3547] : memref<128x256xf32, #tpu.memory_space<vmem>>, vector<128x1xf32>
    %get3A_3549 = arith.constant 0 : index
    %get3A_3550 = arith.constant 0 : index
    %get3A_3551 = vector.load %arg2[%get3A_3549, %get3A_3550] : memref<1x128xf32, #tpu.memory_space<vmem>>, vector<1x128xf32>
    %sub3A_3552 = vector.broadcast %get3A_3548 : vector<128x1xf32> to vector<128x128xf32>
    %sub3A_3553 = vector.broadcast %get3A_3551 : vector<1x128xf32> to vector<128x128xf32>
    %sub3A_3554 = arith.subf %sub3A_3552, %sub3A_3553 : vector<128x128xf32>
    %mul3A_3555 = arith.mulf %sub3A_3554, %sub3A_3554 : vector<128x128xf32>
    %mul3A_3556 = vector.broadcast %mul3A_8 : vector<1x128xf32> to vector<128x128xf32>
    %mul3A_3557 = arith.mulf %mul3A_3555, %mul3A_3556 : vector<128x128xf32>
    %add3A_3558 = vector.broadcast %mul3A_14 : vector<1x128xf32> to vector<128x128xf32>
    %add3A_3559 = arith.addf %mul3A_3557, %add3A_3558 : vector<128x128xf32>
    %exp23A_3560 = math.exp2 %add3A_3559 : vector<128x128xf32>
    %swap3A_3561 = arith.constant 25088 : index
    %swap3A_3562 = arith.constant 0 : index
    %swap3A_3563 = vector.load %arg4[%swap3A_3561, %swap3A_3562] : memref<32768x128xf32, #tpu.memory_space<vmem>>, vector<128x128xf32>
    tpu.vector_store %arg4[%swap3A_3561, %swap3A_3562], %exp23A_3560 {strides = array<i32>} : memref<32768x128xf32, #tpu.memory_space<vmem>>, vector<128x128xf32>,
    %get3A_3564 = arith.constant 0 : index
    %get3A_3565 = arith.constant 197 : index
    %get3A_3566 = vector.load %arg5[%get3A_3564, %get3A_3565] : memref<128x256xf32, #tpu.memory_space<vmem>>, vector<128x1xf32>
    %get3A_3567 = arith.constant 0 : index
    %get3A_3568 = arith.constant 0 : index
    %get3A_3569 = vector.load %arg2[%get3A_3567, %get3A_3568] : memref<1x128xf32, #tpu.memory_space<vmem>>, vector<1x128xf32>
    %sub3A_3570 = vector.broadcast %get3A_3566 : vector<128x1xf32> to vector<128x128xf32>
    %sub3A_3571 = vector.broadcast %get3A_3569 : vector<1x128xf32> to vector<128x128xf32>
    %sub3A_3572 = arith.subf %sub3A_3570, %sub3A_3571 : vector<128x128xf32>
    %mul3A_3573 = arith.mulf %sub3A_3572, %sub3A_3572 : vector<128x128xf32>
    %mul3A_3574 = vector.broadcast %mul3A_8 : vector<1x128xf32> to vector<128x128xf32>
    %mul3A_3575 = arith.mulf %mul3A_3573, %mul3A_3574 : vector<128x128xf32>
    %add3A_3576 = vector.broadcast %mul3A_14 : vector<1x128xf32> to vector<128x128xf32>
    %add3A_3577 = arith.addf %mul3A_3575, %add3A_3576 : vector<128x128xf32>
    %exp23A_3578 = math.exp2 %add3A_3577 : vector<128x128xf32>
    %swap3A_3579 = arith.constant 25216 : index
    %swap3A_3580 = arith.constant 0 : index
    %swap3A_3581 = vector.load %arg4[%swap3A_3579, %swap3A_3580] : memref<32768x128xf32, #tpu.memory_space<vmem>>, vector<128x128xf32>
    tpu.vector_store %arg4[%swap3A_3579, %swap3A_3580], %exp23A_3578 {strides = array<i32>} : memref<32768x128xf32, #tpu.memory_space<vmem>>, vector<128x128xf32>,
    %get3A_3582 = arith.constant 0 : index
    %get3A_3583 = arith.constant 198 : index
    %get3A_3584 = vector.load %arg5[%get3A_3582, %get3A_3583] : memref<128x256xf32, #tpu.memory_space<vmem>>, vector<128x1xf32>
    %get3A_3585 = arith.constant 0 : index
    %get3A_3586 = arith.constant 0 : index
    %get3A_3587 = vector.load %arg2[%get3A_3585, %get3A_3586] : memref<1x128xf32, #tpu.memory_space<vmem>>, vector<1x128xf32>
    %sub3A_3588 = vector.broadcast %get3A_3584 : vector<128x1xf32> to vector<128x128xf32>
    %sub3A_3589 = vector.broadcast %get3A_3587 : vector<1x128xf32> to vector<128x128xf32>
    %sub3A_3590 = arith.subf %sub3A_3588, %sub3A_3589 : vector<128x128xf32>
    %mul3A_3591 = arith.mulf %sub3A_3590, %sub3A_3590 : vector<128x128xf32>
    %mul3A_3592 = vector.broadcast %mul3A_8 : vector<1x128xf32> to vector<128x128xf32>
    %mul3A_3593 = arith.mulf %mul3A_3591, %mul3A_3592 : vector<128x128xf32>
    %add3A_3594 = vector.broadcast %mul3A_14 : vector<1x128xf32> to vector<128x128xf32>
    %add3A_3595 = arith.addf %mul3A_3593, %add3A_3594 : vector<128x128xf32>
    %exp23A_3596 = math.exp2 %add3A_3595 : vector<128x128xf32>
    %swap3A_3597 = arith.constant 25344 : index
    %swap3A_3598 = arith.constant 0 : index
    %swap3A_3599 = vector.load %arg4[%swap3A_3597, %swap3A_3598] : memref<32768x128xf32, #tpu.memory_space<vmem>>, vector<128x128xf32>
    tpu.vector_store %arg4[%swap3A_3597, %swap3A_3598], %exp23A_3596 {strides = array<i32>} : memref<32768x128xf32, #tpu.memory_space<vmem>>, vector<128x128xf32>,
    %get3A_3600 = arith.constant 0 : index
    %get3A_3601 = arith.constant 199 : index
    %get3A_3602 = vector.load %arg5[%get3A_3600, %get3A_3601] : memref<128x256xf32, #tpu.memory_space<vmem>>, vector<128x1xf32>
    %get3A_3603 = arith.constant 0 : index
    %get3A_3604 = arith.constant 0 : index
    %get3A_3605 = vector.load %arg2[%get3A_3603, %get3A_3604] : memref<1x128xf32, #tpu.memory_space<vmem>>, vector<1x128xf32>
    %sub3A_3606 = vector.broadcast %get3A_3602 : vector<128x1xf32> to vector<128x128xf32>
    %sub3A_3607 = vector.broadcast %get3A_3605 : vector<1x128xf32> to vector<128x128xf32>
    %sub3A_3608 = arith.subf %sub3A_3606, %sub3A_3607 : vector<128x128xf32>
    %mul3A_3609 = arith.mulf %sub3A_3608, %sub3A_3608 : vector<128x128xf32>
    %mul3A_3610 = vector.broadcast %mul3A_8 : vector<1x128xf32> to vector<128x128xf32>
    %mul3A_3611 = arith.mulf %mul3A_3609, %mul3A_3610 : vector<128x128xf32>
    %add3A_3612 = vector.broadcast %mul3A_14 : vector<1x128xf32> to vector<128x128xf32>
    %add3A_3613 = arith.addf %mul3A_3611, %add3A_3612 : vector<128x128xf32>
    %exp23A_3614 = math.exp2 %add3A_3613 : vector<128x128xf32>
    %swap3A_3615 = arith.constant 25472 : index
    %swap3A_3616 = arith.constant 0 : index
    %swap3A_3617 = vector.load %arg4[%swap3A_3615, %swap3A_3616] : memref<32768x128xf32, #tpu.memory_space<vmem>>, vector<128x128xf32>
    tpu.vector_store %arg4[%swap3A_3615, %swap3A_3616], %exp23A_3614 {strides = array<i32>} : memref<32768x128xf32, #tpu.memory_space<vmem>>, vector<128x128xf32>,
    %get3A_3618 = arith.constant 0 : index
    %get3A_3619 = arith.constant 200 : index
    %get3A_3620 = vector.load %arg5[%get3A_3618, %get3A_3619] : memref<128x256xf32, #tpu.memory_space<vmem>>, vector<128x1xf32>
    %get3A_3621 = arith.constant 0 : index
    %get3A_3622 = arith.constant 0 : index
    %get3A_3623 = vector.load %arg2[%get3A_3621, %get3A_3622] : memref<1x128xf32, #tpu.memory_space<vmem>>, vector<1x128xf32>
    %sub3A_3624 = vector.broadcast %get3A_3620 : vector<128x1xf32> to vector<128x128xf32>
    %sub3A_3625 = vector.broadcast %get3A_3623 : vector<1x128xf32> to vector<128x128xf32>
    %sub3A_3626 = arith.subf %sub3A_3624, %sub3A_3625 : vector<128x128xf32>
    %mul3A_3627 = arith.mulf %sub3A_3626, %sub3A_3626 : vector<128x128xf32>
    %mul3A_3628 = vector.broadcast %mul3A_8 : vector<1x128xf32> to vector<128x128xf32>
    %mul3A_3629 = arith.mulf %mul3A_3627, %mul3A_3628 : vector<128x128xf32>
    %add3A_3630 = vector.broadcast %mul3A_14 : vector<1x128xf32> to vector<128x128xf32>
    %add3A_3631 = arith.addf %mul3A_3629, %add3A_3630 : vector<128x128xf32>
    %exp23A_3632 = math.exp2 %add3A_3631 : vector<128x128xf32>
    %swap3A_3633 = arith.constant 25600 : index
    %swap3A_3634 = arith.constant 0 : index
    %swap3A_3635 = vector.load %arg4[%swap3A_3633, %swap3A_3634] : memref<32768x128xf32, #tpu.memory_space<vmem>>, vector<128x128xf32>
    tpu.vector_store %arg4[%swap3A_3633, %swap3A_3634], %exp23A_3632 {strides = array<i32>} : memref<32768x128xf32, #tpu.memory_space<vmem>>, vector<128x128xf32>,
    %get3A_3636 = arith.constant 0 : index
    %get3A_3637 = arith.constant 201 : index
    %get3A_3638 = vector.load %arg5[%get3A_3636, %get3A_3637] : memref<128x256xf32, #tpu.memory_space<vmem>>, vector<128x1xf32>
    %get3A_3639 = arith.constant 0 : index
    %get3A_3640 = arith.constant 0 : index
    %get3A_3641 = vector.load %arg2[%get3A_3639, %get3A_3640] : memref<1x128xf32, #tpu.memory_space<vmem>>, vector<1x128xf32>
    %sub3A_3642 = vector.broadcast %get3A_3638 : vector<128x1xf32> to vector<128x128xf32>
    %sub3A_3643 = vector.broadcast %get3A_3641 : vector<1x128xf32> to vector<128x128xf32>
    %sub3A_3644 = arith.subf %sub3A_3642, %sub3A_3643 : vector<128x128xf32>
    %mul3A_3645 = arith.mulf %sub3A_3644, %sub3A_3644 : vector<128x128xf32>
    %mul3A_3646 = vector.broadcast %mul3A_8 : vector<1x128xf32> to vector<128x128xf32>
    %mul3A_3647 = arith.mulf %mul3A_3645, %mul3A_3646 : vector<128x128xf32>
    %add3A_3648 = vector.broadcast %mul3A_14 : vector<1x128xf32> to vector<128x128xf32>
    %add3A_3649 = arith.addf %mul3A_3647, %add3A_3648 : vector<128x128xf32>
    %exp23A_3650 = math.exp2 %add3A_3649 : vector<128x128xf32>
    %swap3A_3651 = arith.constant 25728 : index
    %swap3A_3652 = arith.constant 0 : index
    %swap3A_3653 = vector.load %arg4[%swap3A_3651, %swap3A_3652] : memref<32768x128xf32, #tpu.memory_space<vmem>>, vector<128x128xf32>
    tpu.vector_store %arg4[%swap3A_3651, %swap3A_3652], %exp23A_3650 {strides = array<i32>} : memref<32768x128xf32, #tpu.memory_space<vmem>>, vector<128x128xf32>,
    %get3A_3654 = arith.constant 0 : index
    %get3A_3655 = arith.constant 202 : index
    %get3A_3656 = vector.load %arg5[%get3A_3654, %get3A_3655] : memref<128x256xf32, #tpu.memory_space<vmem>>, vector<128x1xf32>
    %get3A_3657 = arith.constant 0 : index
    %get3A_3658 = arith.constant 0 : index
    %get3A_3659 = vector.load %arg2[%get3A_3657, %get3A_3658] : memref<1x128xf32, #tpu.memory_space<vmem>>, vector<1x128xf32>
    %sub3A_3660 = vector.broadcast %get3A_3656 : vector<128x1xf32> to vector<128x128xf32>
    %sub3A_3661 = vector.broadcast %get3A_3659 : vector<1x128xf32> to vector<128x128xf32>
    %sub3A_3662 = arith.subf %sub3A_3660, %sub3A_3661 : vector<128x128xf32>
    %mul3A_3663 = arith.mulf %sub3A_3662, %sub3A_3662 : vector<128x128xf32>
    %mul3A_3664 = vector.broadcast %mul3A_8 : vector<1x128xf32> to vector<128x128xf32>
    %mul3A_3665 = arith.mulf %mul3A_3663, %mul3A_3664 : vector<128x128xf32>
    %add3A_3666 = vector.broadcast %mul3A_14 : vector<1x128xf32> to vector<128x128xf32>
    %add3A_3667 = arith.addf %mul3A_3665, %add3A_3666 : vector<128x128xf32>
    %exp23A_3668 = math.exp2 %add3A_3667 : vector<128x128xf32>
    %swap3A_3669 = arith.constant 25856 : index
    %swap3A_3670 = arith.constant 0 : index
    %swap3A_3671 = vector.load %arg4[%swap3A_3669, %swap3A_3670] : memref<32768x128xf32, #tpu.memory_space<vmem>>, vector<128x128xf32>
    tpu.vector_store %arg4[%swap3A_3669, %swap3A_3670], %exp23A_3668 {strides = array<i32>} : memref<32768x128xf32, #tpu.memory_space<vmem>>, vector<128x128xf32>,
    %get3A_3672 = arith.constant 0 : index
    %get3A_3673 = arith.constant 203 : index
    %get3A_3674 = vector.load %arg5[%get3A_3672, %get3A_3673] : memref<128x256xf32, #tpu.memory_space<vmem>>, vector<128x1xf32>
    %get3A_3675 = arith.constant 0 : index
    %get3A_3676 = arith.constant 0 : index
    %get3A_3677 = vector.load %arg2[%get3A_3675, %get3A_3676] : memref<1x128xf32, #tpu.memory_space<vmem>>, vector<1x128xf32>
    %sub3A_3678 = vector.broadcast %get3A_3674 : vector<128x1xf32> to vector<128x128xf32>
    %sub3A_3679 = vector.broadcast %get3A_3677 : vector<1x128xf32> to vector<128x128xf32>
    %sub3A_3680 = arith.subf %sub3A_3678, %sub3A_3679 : vector<128x128xf32>
    %mul3A_3681 = arith.mulf %sub3A_3680, %sub3A_3680 : vector<128x128xf32>
    %mul3A_3682 = vector.broadcast %mul3A_8 : vector<1x128xf32> to vector<128x128xf32>
    %mul3A_3683 = arith.mulf %mul3A_3681, %mul3A_3682 : vector<128x128xf32>
    %add3A_3684 = vector.broadcast %mul3A_14 : vector<1x128xf32> to vector<128x128xf32>
    %add3A_3685 = arith.addf %mul3A_3683, %add3A_3684 : vector<128x128xf32>
    %exp23A_3686 = math.exp2 %add3A_3685 : vector<128x128xf32>
    %swap3A_3687 = arith.constant 25984 : index
    %swap3A_3688 = arith.constant 0 : index
    %swap3A_3689 = vector.load %arg4[%swap3A_3687, %swap3A_3688] : memref<32768x128xf32, #tpu.memory_space<vmem>>, vector<128x128xf32>
    tpu.vector_store %arg4[%swap3A_3687, %swap3A_3688], %exp23A_3686 {strides = array<i32>} : memref<32768x128xf32, #tpu.memory_space<vmem>>, vector<128x128xf32>,
    %get3A_3690 = arith.constant 0 : index
    %get3A_3691 = arith.constant 204 : index
    %get3A_3692 = vector.load %arg5[%get3A_3690, %get3A_3691] : memref<128x256xf32, #tpu.memory_space<vmem>>, vector<128x1xf32>
    %get3A_3693 = arith.constant 0 : index
    %get3A_3694 = arith.constant 0 : index
    %get3A_3695 = vector.load %arg2[%get3A_3693, %get3A_3694] : memref<1x128xf32, #tpu.memory_space<vmem>>, vector<1x128xf32>
    %sub3A_3696 = vector.broadcast %get3A_3692 : vector<128x1xf32> to vector<128x128xf32>
    %sub3A_3697 = vector.broadcast %get3A_3695 : vector<1x128xf32> to vector<128x128xf32>
    %sub3A_3698 = arith.subf %sub3A_3696, %sub3A_3697 : vector<128x128xf32>
    %mul3A_3699 = arith.mulf %sub3A_3698, %sub3A_3698 : vector<128x128xf32>
    %mul3A_3700 = vector.broadcast %mul3A_8 : vector<1x128xf32> to vector<128x128xf32>
    %mul3A_3701 = arith.mulf %mul3A_3699, %mul3A_3700 : vector<128x128xf32>
    %add3A_3702 = vector.broadcast %mul3A_14 : vector<1x128xf32> to vector<128x128xf32>
    %add3A_3703 = arith.addf %mul3A_3701, %add3A_3702 : vector<128x128xf32>
    %exp23A_3704 = math.exp2 %add3A_3703 : vector<128x128xf32>
    %swap3A_3705 = arith.constant 26112 : index
    %swap3A_3706 = arith.constant 0 : index
    %swap3A_3707 = vector.load %arg4[%swap3A_3705, %swap3A_3706] : memref<32768x128xf32, #tpu.memory_space<vmem>>, vector<128x128xf32>
    tpu.vector_store %arg4[%swap3A_3705, %swap3A_3706], %exp23A_3704 {strides = array<i32>} : memref<32768x128xf32, #tpu.memory_space<vmem>>, vector<128x128xf32>,
    %get3A_3708 = arith.constant 0 : index
    %get3A_3709 = arith.constant 205 : index
    %get3A_3710 = vector.load %arg5[%get3A_3708, %get3A_3709] : memref<128x256xf32, #tpu.memory_space<vmem>>, vector<128x1xf32>
    %get3A_3711 = arith.constant 0 : index
    %get3A_3712 = arith.constant 0 : index
    %get3A_3713 = vector.load %arg2[%get3A_3711, %get3A_3712] : memref<1x128xf32, #tpu.memory_space<vmem>>, vector<1x128xf32>
    %sub3A_3714 = vector.broadcast %get3A_3710 : vector<128x1xf32> to vector<128x128xf32>
    %sub3A_3715 = vector.broadcast %get3A_3713 : vector<1x128xf32> to vector<128x128xf32>
    %sub3A_3716 = arith.subf %sub3A_3714, %sub3A_3715 : vector<128x128xf32>
    %mul3A_3717 = arith.mulf %sub3A_3716, %sub3A_3716 : vector<128x128xf32>
    %mul3A_3718 = vector.broadcast %mul3A_8 : vector<1x128xf32> to vector<128x128xf32>
    %mul3A_3719 = arith.mulf %mul3A_3717, %mul3A_3718 : vector<128x128xf32>
    %add3A_3720 = vector.broadcast %mul3A_14 : vector<1x128xf32> to vector<128x128xf32>
    %add3A_3721 = arith.addf %mul3A_3719, %add3A_3720 : vector<128x128xf32>
    %exp23A_3722 = math.exp2 %add3A_3721 : vector<128x128xf32>
    %swap3A_3723 = arith.constant 26240 : index
    %swap3A_3724 = arith.constant 0 : index
    %swap3A_3725 = vector.load %arg4[%swap3A_3723, %swap3A_3724] : memref<32768x128xf32, #tpu.memory_space<vmem>>, vector<128x128xf32>
    tpu.vector_store %arg4[%swap3A_3723, %swap3A_3724], %exp23A_3722 {strides = array<i32>} : memref<32768x128xf32, #tpu.memory_space<vmem>>, vector<128x128xf32>,
    %get3A_3726 = arith.constant 0 : index
    %get3A_3727 = arith.constant 206 : index
    %get3A_3728 = vector.load %arg5[%get3A_3726, %get3A_3727] : memref<128x256xf32, #tpu.memory_space<vmem>>, vector<128x1xf32>
    %get3A_3729 = arith.constant 0 : index
    %get3A_3730 = arith.constant 0 : index
    %get3A_3731 = vector.load %arg2[%get3A_3729, %get3A_3730] : memref<1x128xf32, #tpu.memory_space<vmem>>, vector<1x128xf32>
    %sub3A_3732 = vector.broadcast %get3A_3728 : vector<128x1xf32> to vector<128x128xf32>
    %sub3A_3733 = vector.broadcast %get3A_3731 : vector<1x128xf32> to vector<128x128xf32>
    %sub3A_3734 = arith.subf %sub3A_3732, %sub3A_3733 : vector<128x128xf32>
    %mul3A_3735 = arith.mulf %sub3A_3734, %sub3A_3734 : vector<128x128xf32>
    %mul3A_3736 = vector.broadcast %mul3A_8 : vector<1x128xf32> to vector<128x128xf32>
    %mul3A_3737 = arith.mulf %mul3A_3735, %mul3A_3736 : vector<128x128xf32>
    %add3A_3738 = vector.broadcast %mul3A_14 : vector<1x128xf32> to vector<128x128xf32>
    %add3A_3739 = arith.addf %mul3A_3737, %add3A_3738 : vector<128x128xf32>
    %exp23A_3740 = math.exp2 %add3A_3739 : vector<128x128xf32>
    %swap3A_3741 = arith.constant 26368 : index
    %swap3A_3742 = arith.constant 0 : index
    %swap3A_3743 = vector.load %arg4[%swap3A_3741, %swap3A_3742] : memref<32768x128xf32, #tpu.memory_space<vmem>>, vector<128x128xf32>
    tpu.vector_store %arg4[%swap3A_3741, %swap3A_3742], %exp23A_3740 {strides = array<i32>} : memref<32768x128xf32, #tpu.memory_space<vmem>>, vector<128x128xf32>,
    %get3A_3744 = arith.constant 0 : index
    %get3A_3745 = arith.constant 207 : index
    %get3A_3746 = vector.load %arg5[%get3A_3744, %get3A_3745] : memref<128x256xf32, #tpu.memory_space<vmem>>, vector<128x1xf32>
    %get3A_3747 = arith.constant 0 : index
    %get3A_3748 = arith.constant 0 : index
    %get3A_3749 = vector.load %arg2[%get3A_3747, %get3A_3748] : memref<1x128xf32, #tpu.memory_space<vmem>>, vector<1x128xf32>
    %sub3A_3750 = vector.broadcast %get3A_3746 : vector<128x1xf32> to vector<128x128xf32>
    %sub3A_3751 = vector.broadcast %get3A_3749 : vector<1x128xf32> to vector<128x128xf32>
    %sub3A_3752 = arith.subf %sub3A_3750, %sub3A_3751 : vector<128x128xf32>
    %mul3A_3753 = arith.mulf %sub3A_3752, %sub3A_3752 : vector<128x128xf32>
    %mul3A_3754 = vector.broadcast %mul3A_8 : vector<1x128xf32> to vector<128x128xf32>
    %mul3A_3755 = arith.mulf %mul3A_3753, %mul3A_3754 : vector<128x128xf32>
    %add3A_3756 = vector.broadcast %mul3A_14 : vector<1x128xf32> to vector<128x128xf32>
    %add3A_3757 = arith.addf %mul3A_3755, %add3A_3756 : vector<128x128xf32>
    %exp23A_3758 = math.exp2 %add3A_3757 : vector<128x128xf32>
    %swap3A_3759 = arith.constant 26496 : index
    %swap3A_3760 = arith.constant 0 : index
    %swap3A_3761 = vector.load %arg4[%swap3A_3759, %swap3A_3760] : memref<32768x128xf32, #tpu.memory_space<vmem>>, vector<128x128xf32>
    tpu.vector_store %arg4[%swap3A_3759, %swap3A_3760], %exp23A_3758 {strides = array<i32>} : memref<32768x128xf32, #tpu.memory_space<vmem>>, vector<128x128xf32>,
    %get3A_3762 = arith.constant 0 : index
    %get3A_3763 = arith.constant 208 : index
    %get3A_3764 = vector.load %arg5[%get3A_3762, %get3A_3763] : memref<128x256xf32, #tpu.memory_space<vmem>>, vector<128x1xf32>
    %get3A_3765 = arith.constant 0 : index
    %get3A_3766 = arith.constant 0 : index
    %get3A_3767 = vector.load %arg2[%get3A_3765, %get3A_3766] : memref<1x128xf32, #tpu.memory_space<vmem>>, vector<1x128xf32>
    %sub3A_3768 = vector.broadcast %get3A_3764 : vector<128x1xf32> to vector<128x128xf32>
    %sub3A_3769 = vector.broadcast %get3A_3767 : vector<1x128xf32> to vector<128x128xf32>
    %sub3A_3770 = arith.subf %sub3A_3768, %sub3A_3769 : vector<128x128xf32>
    %mul3A_3771 = arith.mulf %sub3A_3770, %sub3A_3770 : vector<128x128xf32>
    %mul3A_3772 = vector.broadcast %mul3A_8 : vector<1x128xf32> to vector<128x128xf32>
    %mul3A_3773 = arith.mulf %mul3A_3771, %mul3A_3772 : vector<128x128xf32>
    %add3A_3774 = vector.broadcast %mul3A_14 : vector<1x128xf32> to vector<128x128xf32>
    %add3A_3775 = arith.addf %mul3A_3773, %add3A_3774 : vector<128x128xf32>
    %exp23A_3776 = math.exp2 %add3A_3775 : vector<128x128xf32>
    %swap3A_3777 = arith.constant 26624 : index
    %swap3A_3778 = arith.constant 0 : index
    %swap3A_3779 = vector.load %arg4[%swap3A_3777, %swap3A_3778] : memref<32768x128xf32, #tpu.memory_space<vmem>>, vector<128x128xf32>
    tpu.vector_store %arg4[%swap3A_3777, %swap3A_3778], %exp23A_3776 {strides = array<i32>} : memref<32768x128xf32, #tpu.memory_space<vmem>>, vector<128x128xf32>,
    %get3A_3780 = arith.constant 0 : index
    %get3A_3781 = arith.constant 209 : index
    %get3A_3782 = vector.load %arg5[%get3A_3780, %get3A_3781] : memref<128x256xf32, #tpu.memory_space<vmem>>, vector<128x1xf32>
    %get3A_3783 = arith.constant 0 : index
    %get3A_3784 = arith.constant 0 : index
    %get3A_3785 = vector.load %arg2[%get3A_3783, %get3A_3784] : memref<1x128xf32, #tpu.memory_space<vmem>>, vector<1x128xf32>
    %sub3A_3786 = vector.broadcast %get3A_3782 : vector<128x1xf32> to vector<128x128xf32>
    %sub3A_3787 = vector.broadcast %get3A_3785 : vector<1x128xf32> to vector<128x128xf32>
    %sub3A_3788 = arith.subf %sub3A_3786, %sub3A_3787 : vector<128x128xf32>
    %mul3A_3789 = arith.mulf %sub3A_3788, %sub3A_3788 : vector<128x128xf32>
    %mul3A_3790 = vector.broadcast %mul3A_8 : vector<1x128xf32> to vector<128x128xf32>
    %mul3A_3791 = arith.mulf %mul3A_3789, %mul3A_3790 : vector<128x128xf32>
    %add3A_3792 = vector.broadcast %mul3A_14 : vector<1x128xf32> to vector<128x128xf32>
    %add3A_3793 = arith.addf %mul3A_3791, %add3A_3792 : vector<128x128xf32>
    %exp23A_3794 = math.exp2 %add3A_3793 : vector<128x128xf32>
    %swap3A_3795 = arith.constant 26752 : index
    %swap3A_3796 = arith.constant 0 : index
    %swap3A_3797 = vector.load %arg4[%swap3A_3795, %swap3A_3796] : memref<32768x128xf32, #tpu.memory_space<vmem>>, vector<128x128xf32>
    tpu.vector_store %arg4[%swap3A_3795, %swap3A_3796], %exp23A_3794 {strides = array<i32>} : memref<32768x128xf32, #tpu.memory_space<vmem>>, vector<128x128xf32>,
    %get3A_3798 = arith.constant 0 : index
    %get3A_3799 = arith.constant 210 : index
    %get3A_3800 = vector.load %arg5[%get3A_3798, %get3A_3799] : memref<128x256xf32, #tpu.memory_space<vmem>>, vector<128x1xf32>
    %get3A_3801 = arith.constant 0 : index
    %get3A_3802 = arith.constant 0 : index
    %get3A_3803 = vector.load %arg2[%get3A_3801, %get3A_3802] : memref<1x128xf32, #tpu.memory_space<vmem>>, vector<1x128xf32>
    %sub3A_3804 = vector.broadcast %get3A_3800 : vector<128x1xf32> to vector<128x128xf32>
    %sub3A_3805 = vector.broadcast %get3A_3803 : vector<1x128xf32> to vector<128x128xf32>
    %sub3A_3806 = arith.subf %sub3A_3804, %sub3A_3805 : vector<128x128xf32>
    %mul3A_3807 = arith.mulf %sub3A_3806, %sub3A_3806 : vector<128x128xf32>
    %mul3A_3808 = vector.broadcast %mul3A_8 : vector<1x128xf32> to vector<128x128xf32>
    %mul3A_3809 = arith.mulf %mul3A_3807, %mul3A_3808 : vector<128x128xf32>
    %add3A_3810 = vector.broadcast %mul3A_14 : vector<1x128xf32> to vector<128x128xf32>
    %add3A_3811 = arith.addf %mul3A_3809, %add3A_3810 : vector<128x128xf32>
    %exp23A_3812 = math.exp2 %add3A_3811 : vector<128x128xf32>
    %swap3A_3813 = arith.constant 26880 : index
    %swap3A_3814 = arith.constant 0 : index
    %swap3A_3815 = vector.load %arg4[%swap3A_3813, %swap3A_3814] : memref<32768x128xf32, #tpu.memory_space<vmem>>, vector<128x128xf32>
    tpu.vector_store %arg4[%swap3A_3813, %swap3A_3814], %exp23A_3812 {strides = array<i32>} : memref<32768x128xf32, #tpu.memory_space<vmem>>, vector<128x128xf32>,
    %get3A_3816 = arith.constant 0 : index
    %get3A_3817 = arith.constant 211 : index
    %get3A_3818 = vector.load %arg5[%get3A_3816, %get3A_3817] : memref<128x256xf32, #tpu.memory_space<vmem>>, vector<128x1xf32>
    %get3A_3819 = arith.constant 0 : index
    %get3A_3820 = arith.constant 0 : index
    %get3A_3821 = vector.load %arg2[%get3A_3819, %get3A_3820] : memref<1x128xf32, #tpu.memory_space<vmem>>, vector<1x128xf32>
    %sub3A_3822 = vector.broadcast %get3A_3818 : vector<128x1xf32> to vector<128x128xf32>
    %sub3A_3823 = vector.broadcast %get3A_3821 : vector<1x128xf32> to vector<128x128xf32>
    %sub3A_3824 = arith.subf %sub3A_3822, %sub3A_3823 : vector<128x128xf32>
    %mul3A_3825 = arith.mulf %sub3A_3824, %sub3A_3824 : vector<128x128xf32>
    %mul3A_3826 = vector.broadcast %mul3A_8 : vector<1x128xf32> to vector<128x128xf32>
    %mul3A_3827 = arith.mulf %mul3A_3825, %mul3A_3826 : vector<128x128xf32>
    %add3A_3828 = vector.broadcast %mul3A_14 : vector<1x128xf32> to vector<128x128xf32>
    %add3A_3829 = arith.addf %mul3A_3827, %add3A_3828 : vector<128x128xf32>
    %exp23A_3830 = math.exp2 %add3A_3829 : vector<128x128xf32>
    %swap3A_3831 = arith.constant 27008 : index
    %swap3A_3832 = arith.constant 0 : index
    %swap3A_3833 = vector.load %arg4[%swap3A_3831, %swap3A_3832] : memref<32768x128xf32, #tpu.memory_space<vmem>>, vector<128x128xf32>
    tpu.vector_store %arg4[%swap3A_3831, %swap3A_3832], %exp23A_3830 {strides = array<i32>} : memref<32768x128xf32, #tpu.memory_space<vmem>>, vector<128x128xf32>,
    %get3A_3834 = arith.constant 0 : index
    %get3A_3835 = arith.constant 212 : index
    %get3A_3836 = vector.load %arg5[%get3A_3834, %get3A_3835] : memref<128x256xf32, #tpu.memory_space<vmem>>, vector<128x1xf32>
    %get3A_3837 = arith.constant 0 : index
    %get3A_3838 = arith.constant 0 : index
    %get3A_3839 = vector.load %arg2[%get3A_3837, %get3A_3838] : memref<1x128xf32, #tpu.memory_space<vmem>>, vector<1x128xf32>
    %sub3A_3840 = vector.broadcast %get3A_3836 : vector<128x1xf32> to vector<128x128xf32>
    %sub3A_3841 = vector.broadcast %get3A_3839 : vector<1x128xf32> to vector<128x128xf32>
    %sub3A_3842 = arith.subf %sub3A_3840, %sub3A_3841 : vector<128x128xf32>
    %mul3A_3843 = arith.mulf %sub3A_3842, %sub3A_3842 : vector<128x128xf32>
    %mul3A_3844 = vector.broadcast %mul3A_8 : vector<1x128xf32> to vector<128x128xf32>
    %mul3A_3845 = arith.mulf %mul3A_3843, %mul3A_3844 : vector<128x128xf32>
    %add3A_3846 = vector.broadcast %mul3A_14 : vector<1x128xf32> to vector<128x128xf32>
    %add3A_3847 = arith.addf %mul3A_3845, %add3A_3846 : vector<128x128xf32>
    %exp23A_3848 = math.exp2 %add3A_3847 : vector<128x128xf32>
    %swap3A_3849 = arith.constant 27136 : index
    %swap3A_3850 = arith.constant 0 : index
    %swap3A_3851 = vector.load %arg4[%swap3A_3849, %swap3A_3850] : memref<32768x128xf32, #tpu.memory_space<vmem>>, vector<128x128xf32>
    tpu.vector_store %arg4[%swap3A_3849, %swap3A_3850], %exp23A_3848 {strides = array<i32>} : memref<32768x128xf32, #tpu.memory_space<vmem>>, vector<128x128xf32>,
    %get3A_3852 = arith.constant 0 : index
    %get3A_3853 = arith.constant 213 : index
    %get3A_3854 = vector.load %arg5[%get3A_3852, %get3A_3853] : memref<128x256xf32, #tpu.memory_space<vmem>>, vector<128x1xf32>
    %get3A_3855 = arith.constant 0 : index
    %get3A_3856 = arith.constant 0 : index
    %get3A_3857 = vector.load %arg2[%get3A_3855, %get3A_3856] : memref<1x128xf32, #tpu.memory_space<vmem>>, vector<1x128xf32>
    %sub3A_3858 = vector.broadcast %get3A_3854 : vector<128x1xf32> to vector<128x128xf32>
    %sub3A_3859 = vector.broadcast %get3A_3857 : vector<1x128xf32> to vector<128x128xf32>
    %sub3A_3860 = arith.subf %sub3A_3858, %sub3A_3859 : vector<128x128xf32>
    %mul3A_3861 = arith.mulf %sub3A_3860, %sub3A_3860 : vector<128x128xf32>
    %mul3A_3862 = vector.broadcast %mul3A_8 : vector<1x128xf32> to vector<128x128xf32>
    %mul3A_3863 = arith.mulf %mul3A_3861, %mul3A_3862 : vector<128x128xf32>
    %add3A_3864 = vector.broadcast %mul3A_14 : vector<1x128xf32> to vector<128x128xf32>
    %add3A_3865 = arith.addf %mul3A_3863, %add3A_3864 : vector<128x128xf32>
    %exp23A_3866 = math.exp2 %add3A_3865 : vector<128x128xf32>
    %swap3A_3867 = arith.constant 27264 : index
    %swap3A_3868 = arith.constant 0 : index
    %swap3A_3869 = vector.load %arg4[%swap3A_3867, %swap3A_3868] : memref<32768x128xf32, #tpu.memory_space<vmem>>, vector<128x128xf32>
    tpu.vector_store %arg4[%swap3A_3867, %swap3A_3868], %exp23A_3866 {strides = array<i32>} : memref<32768x128xf32, #tpu.memory_space<vmem>>, vector<128x128xf32>,
    %get3A_3870 = arith.constant 0 : index
    %get3A_3871 = arith.constant 214 : index
    %get3A_3872 = vector.load %arg5[%get3A_3870, %get3A_3871] : memref<128x256xf32, #tpu.memory_space<vmem>>, vector<128x1xf32>
    %get3A_3873 = arith.constant 0 : index
    %get3A_3874 = arith.constant 0 : index
    %get3A_3875 = vector.load %arg2[%get3A_3873, %get3A_3874] : memref<1x128xf32, #tpu.memory_space<vmem>>, vector<1x128xf32>
    %sub3A_3876 = vector.broadcast %get3A_3872 : vector<128x1xf32> to vector<128x128xf32>
    %sub3A_3877 = vector.broadcast %get3A_3875 : vector<1x128xf32> to vector<128x128xf32>
    %sub3A_3878 = arith.subf %sub3A_3876, %sub3A_3877 : vector<128x128xf32>
    %mul3A_3879 = arith.mulf %sub3A_3878, %sub3A_3878 : vector<128x128xf32>
    %mul3A_3880 = vector.broadcast %mul3A_8 : vector<1x128xf32> to vector<128x128xf32>
    %mul3A_3881 = arith.mulf %mul3A_3879, %mul3A_3880 : vector<128x128xf32>
    %add3A_3882 = vector.broadcast %mul3A_14 : vector<1x128xf32> to vector<128x128xf32>
    %add3A_3883 = arith.addf %mul3A_3881, %add3A_3882 : vector<128x128xf32>
    %exp23A_3884 = math.exp2 %add3A_3883 : vector<128x128xf32>
    %swap3A_3885 = arith.constant 27392 : index
    %swap3A_3886 = arith.constant 0 : index
    %swap3A_3887 = vector.load %arg4[%swap3A_3885, %swap3A_3886] : memref<32768x128xf32, #tpu.memory_space<vmem>>, vector<128x128xf32>
    tpu.vector_store %arg4[%swap3A_3885, %swap3A_3886], %exp23A_3884 {strides = array<i32>} : memref<32768x128xf32, #tpu.memory_space<vmem>>, vector<128x128xf32>,
    %get3A_3888 = arith.constant 0 : index
    %get3A_3889 = arith.constant 215 : index
    %get3A_3890 = vector.load %arg5[%get3A_3888, %get3A_3889] : memref<128x256xf32, #tpu.memory_space<vmem>>, vector<128x1xf32>
    %get3A_3891 = arith.constant 0 : index
    %get3A_3892 = arith.constant 0 : index
    %get3A_3893 = vector.load %arg2[%get3A_3891, %get3A_3892] : memref<1x128xf32, #tpu.memory_space<vmem>>, vector<1x128xf32>
    %sub3A_3894 = vector.broadcast %get3A_3890 : vector<128x1xf32> to vector<128x128xf32>
    %sub3A_3895 = vector.broadcast %get3A_3893 : vector<1x128xf32> to vector<128x128xf32>
    %sub3A_3896 = arith.subf %sub3A_3894, %sub3A_3895 : vector<128x128xf32>
    %mul3A_3897 = arith.mulf %sub3A_3896, %sub3A_3896 : vector<128x128xf32>
    %mul3A_3898 = vector.broadcast %mul3A_8 : vector<1x128xf32> to vector<128x128xf32>
    %mul3A_3899 = arith.mulf %mul3A_3897, %mul3A_3898 : vector<128x128xf32>
    %add3A_3900 = vector.broadcast %mul3A_14 : vector<1x128xf32> to vector<128x128xf32>
    %add3A_3901 = arith.addf %mul3A_3899, %add3A_3900 : vector<128x128xf32>
    %exp23A_3902 = math.exp2 %add3A_3901 : vector<128x128xf32>
    %swap3A_3903 = arith.constant 27520 : index
    %swap3A_3904 = arith.constant 0 : index
    %swap3A_3905 = vector.load %arg4[%swap3A_3903, %swap3A_3904] : memref<32768x128xf32, #tpu.memory_space<vmem>>, vector<128x128xf32>
    tpu.vector_store %arg4[%swap3A_3903, %swap3A_3904], %exp23A_3902 {strides = array<i32>} : memref<32768x128xf32, #tpu.memory_space<vmem>>, vector<128x128xf32>,
    %get3A_3906 = arith.constant 0 : index
    %get3A_3907 = arith.constant 216 : index
    %get3A_3908 = vector.load %arg5[%get3A_3906, %get3A_3907] : memref<128x256xf32, #tpu.memory_space<vmem>>, vector<128x1xf32>
    %get3A_3909 = arith.constant 0 : index
    %get3A_3910 = arith.constant 0 : index
    %get3A_3911 = vector.load %arg2[%get3A_3909, %get3A_3910] : memref<1x128xf32, #tpu.memory_space<vmem>>, vector<1x128xf32>
    %sub3A_3912 = vector.broadcast %get3A_3908 : vector<128x1xf32> to vector<128x128xf32>
    %sub3A_3913 = vector.broadcast %get3A_3911 : vector<1x128xf32> to vector<128x128xf32>
    %sub3A_3914 = arith.subf %sub3A_3912, %sub3A_3913 : vector<128x128xf32>
    %mul3A_3915 = arith.mulf %sub3A_3914, %sub3A_3914 : vector<128x128xf32>
    %mul3A_3916 = vector.broadcast %mul3A_8 : vector<1x128xf32> to vector<128x128xf32>
    %mul3A_3917 = arith.mulf %mul3A_3915, %mul3A_3916 : vector<128x128xf32>
    %add3A_3918 = vector.broadcast %mul3A_14 : vector<1x128xf32> to vector<128x128xf32>
    %add3A_3919 = arith.addf %mul3A_3917, %add3A_3918 : vector<128x128xf32>
    %exp23A_3920 = math.exp2 %add3A_3919 : vector<128x128xf32>
    %swap3A_3921 = arith.constant 27648 : index
    %swap3A_3922 = arith.constant 0 : index
    %swap3A_3923 = vector.load %arg4[%swap3A_3921, %swap3A_3922] : memref<32768x128xf32, #tpu.memory_space<vmem>>, vector<128x128xf32>
    tpu.vector_store %arg4[%swap3A_3921, %swap3A_3922], %exp23A_3920 {strides = array<i32>} : memref<32768x128xf32, #tpu.memory_space<vmem>>, vector<128x128xf32>,
    %get3A_3924 = arith.constant 0 : index
    %get3A_3925 = arith.constant 217 : index
    %get3A_3926 = vector.load %arg5[%get3A_3924, %get3A_3925] : memref<128x256xf32, #tpu.memory_space<vmem>>, vector<128x1xf32>
    %get3A_3927 = arith.constant 0 : index
    %get3A_3928 = arith.constant 0 : index
    %get3A_3929 = vector.load %arg2[%get3A_3927, %get3A_3928] : memref<1x128xf32, #tpu.memory_space<vmem>>, vector<1x128xf32>
    %sub3A_3930 = vector.broadcast %get3A_3926 : vector<128x1xf32> to vector<128x128xf32>
    %sub3A_3931 = vector.broadcast %get3A_3929 : vector<1x128xf32> to vector<128x128xf32>
    %sub3A_3932 = arith.subf %sub3A_3930, %sub3A_3931 : vector<128x128xf32>
    %mul3A_3933 = arith.mulf %sub3A_3932, %sub3A_3932 : vector<128x128xf32>
    %mul3A_3934 = vector.broadcast %mul3A_8 : vector<1x128xf32> to vector<128x128xf32>
    %mul3A_3935 = arith.mulf %mul3A_3933, %mul3A_3934 : vector<128x128xf32>
    %add3A_3936 = vector.broadcast %mul3A_14 : vector<1x128xf32> to vector<128x128xf32>
    %add3A_3937 = arith.addf %mul3A_3935, %add3A_3936 : vector<128x128xf32>
    %exp23A_3938 = math.exp2 %add3A_3937 : vector<128x128xf32>
    %swap3A_3939 = arith.constant 27776 : index
    %swap3A_3940 = arith.constant 0 : index
    %swap3A_3941 = vector.load %arg4[%swap3A_3939, %swap3A_3940] : memref<32768x128xf32, #tpu.memory_space<vmem>>, vector<128x128xf32>
    tpu.vector_store %arg4[%swap3A_3939, %swap3A_3940], %exp23A_3938 {strides = array<i32>} : memref<32768x128xf32, #tpu.memory_space<vmem>>, vector<128x128xf32>,
    %get3A_3942 = arith.constant 0 : index
    %get3A_3943 = arith.constant 218 : index
    %get3A_3944 = vector.load %arg5[%get3A_3942, %get3A_3943] : memref<128x256xf32, #tpu.memory_space<vmem>>, vector<128x1xf32>
    %get3A_3945 = arith.constant 0 : index
    %get3A_3946 = arith.constant 0 : index
    %get3A_3947 = vector.load %arg2[%get3A_3945, %get3A_3946] : memref<1x128xf32, #tpu.memory_space<vmem>>, vector<1x128xf32>
    %sub3A_3948 = vector.broadcast %get3A_3944 : vector<128x1xf32> to vector<128x128xf32>
    %sub3A_3949 = vector.broadcast %get3A_3947 : vector<1x128xf32> to vector<128x128xf32>
    %sub3A_3950 = arith.subf %sub3A_3948, %sub3A_3949 : vector<128x128xf32>
    %mul3A_3951 = arith.mulf %sub3A_3950, %sub3A_3950 : vector<128x128xf32>
    %mul3A_3952 = vector.broadcast %mul3A_8 : vector<1x128xf32> to vector<128x128xf32>
    %mul3A_3953 = arith.mulf %mul3A_3951, %mul3A_3952 : vector<128x128xf32>
    %add3A_3954 = vector.broadcast %mul3A_14 : vector<1x128xf32> to vector<128x128xf32>
    %add3A_3955 = arith.addf %mul3A_3953, %add3A_3954 : vector<128x128xf32>
    %exp23A_3956 = math.exp2 %add3A_3955 : vector<128x128xf32>
    %swap3A_3957 = arith.constant 27904 : index
    %swap3A_3958 = arith.constant 0 : index
    %swap3A_3959 = vector.load %arg4[%swap3A_3957, %swap3A_3958] : memref<32768x128xf32, #tpu.memory_space<vmem>>, vector<128x128xf32>
    tpu.vector_store %arg4[%swap3A_3957, %swap3A_3958], %exp23A_3956 {strides = array<i32>} : memref<32768x128xf32, #tpu.memory_space<vmem>>, vector<128x128xf32>,
    %get3A_3960 = arith.constant 0 : index
    %get3A_3961 = arith.constant 219 : index
    %get3A_3962 = vector.load %arg5[%get3A_3960, %get3A_3961] : memref<128x256xf32, #tpu.memory_space<vmem>>, vector<128x1xf32>
    %get3A_3963 = arith.constant 0 : index
    %get3A_3964 = arith.constant 0 : index
    %get3A_3965 = vector.load %arg2[%get3A_3963, %get3A_3964] : memref<1x128xf32, #tpu.memory_space<vmem>>, vector<1x128xf32>
    %sub3A_3966 = vector.broadcast %get3A_3962 : vector<128x1xf32> to vector<128x128xf32>
    %sub3A_3967 = vector.broadcast %get3A_3965 : vector<1x128xf32> to vector<128x128xf32>
    %sub3A_3968 = arith.subf %sub3A_3966, %sub3A_3967 : vector<128x128xf32>
    %mul3A_3969 = arith.mulf %sub3A_3968, %sub3A_3968 : vector<128x128xf32>
    %mul3A_3970 = vector.broadcast %mul3A_8 : vector<1x128xf32> to vector<128x128xf32>
    %mul3A_3971 = arith.mulf %mul3A_3969, %mul3A_3970 : vector<128x128xf32>
    %add3A_3972 = vector.broadcast %mul3A_14 : vector<1x128xf32> to vector<128x128xf32>
    %add3A_3973 = arith.addf %mul3A_3971, %add3A_3972 : vector<128x128xf32>
    %exp23A_3974 = math.exp2 %add3A_3973 : vector<128x128xf32>
    %swap3A_3975 = arith.constant 28032 : index
    %swap3A_3976 = arith.constant 0 : index
    %swap3A_3977 = vector.load %arg4[%swap3A_3975, %swap3A_3976] : memref<32768x128xf32, #tpu.memory_space<vmem>>, vector<128x128xf32>
    tpu.vector_store %arg4[%swap3A_3975, %swap3A_3976], %exp23A_3974 {strides = array<i32>} : memref<32768x128xf32, #tpu.memory_space<vmem>>, vector<128x128xf32>,
    %get3A_3978 = arith.constant 0 : index
    %get3A_3979 = arith.constant 220 : index
    %get3A_3980 = vector.load %arg5[%get3A_3978, %get3A_3979] : memref<128x256xf32, #tpu.memory_space<vmem>>, vector<128x1xf32>
    %get3A_3981 = arith.constant 0 : index
    %get3A_3982 = arith.constant 0 : index
    %get3A_3983 = vector.load %arg2[%get3A_3981, %get3A_3982] : memref<1x128xf32, #tpu.memory_space<vmem>>, vector<1x128xf32>
    %sub3A_3984 = vector.broadcast %get3A_3980 : vector<128x1xf32> to vector<128x128xf32>
    %sub3A_3985 = vector.broadcast %get3A_3983 : vector<1x128xf32> to vector<128x128xf32>
    %sub3A_3986 = arith.subf %sub3A_3984, %sub3A_3985 : vector<128x128xf32>
    %mul3A_3987 = arith.mulf %sub3A_3986, %sub3A_3986 : vector<128x128xf32>
    %mul3A_3988 = vector.broadcast %mul3A_8 : vector<1x128xf32> to vector<128x128xf32>
    %mul3A_3989 = arith.mulf %mul3A_3987, %mul3A_3988 : vector<128x128xf32>
    %add3A_3990 = vector.broadcast %mul3A_14 : vector<1x128xf32> to vector<128x128xf32>
    %add3A_3991 = arith.addf %mul3A_3989, %add3A_3990 : vector<128x128xf32>
    %exp23A_3992 = math.exp2 %add3A_3991 : vector<128x128xf32>
    %swap3A_3993 = arith.constant 28160 : index
    %swap3A_3994 = arith.constant 0 : index
    %swap3A_3995 = vector.load %arg4[%swap3A_3993, %swap3A_3994] : memref<32768x128xf32, #tpu.memory_space<vmem>>, vector<128x128xf32>
    tpu.vector_store %arg4[%swap3A_3993, %swap3A_3994], %exp23A_3992 {strides = array<i32>} : memref<32768x128xf32, #tpu.memory_space<vmem>>, vector<128x128xf32>,
    %get3A_3996 = arith.constant 0 : index
    %get3A_3997 = arith.constant 221 : index
    %get3A_3998 = vector.load %arg5[%get3A_3996, %get3A_3997] : memref<128x256xf32, #tpu.memory_space<vmem>>, vector<128x1xf32>
    %get3A_3999 = arith.constant 0 : index
    %get3A_4000 = arith.constant 0 : index
    %get3A_4001 = vector.load %arg2[%get3A_3999, %get3A_4000] : memref<1x128xf32, #tpu.memory_space<vmem>>, vector<1x128xf32>
    %sub3A_4002 = vector.broadcast %get3A_3998 : vector<128x1xf32> to vector<128x128xf32>
    %sub3A_4003 = vector.broadcast %get3A_4001 : vector<1x128xf32> to vector<128x128xf32>
    %sub3A_4004 = arith.subf %sub3A_4002, %sub3A_4003 : vector<128x128xf32>
    %mul3A_4005 = arith.mulf %sub3A_4004, %sub3A_4004 : vector<128x128xf32>
    %mul3A_4006 = vector.broadcast %mul3A_8 : vector<1x128xf32> to vector<128x128xf32>
    %mul3A_4007 = arith.mulf %mul3A_4005, %mul3A_4006 : vector<128x128xf32>
    %add3A_4008 = vector.broadcast %mul3A_14 : vector<1x128xf32> to vector<128x128xf32>
    %add3A_4009 = arith.addf %mul3A_4007, %add3A_4008 : vector<128x128xf32>
    %exp23A_4010 = math.exp2 %add3A_4009 : vector<128x128xf32>
    %swap3A_4011 = arith.constant 28288 : index
    %swap3A_4012 = arith.constant 0 : index
    %swap3A_4013 = vector.load %arg4[%swap3A_4011, %swap3A_4012] : memref<32768x128xf32, #tpu.memory_space<vmem>>, vector<128x128xf32>
    tpu.vector_store %arg4[%swap3A_4011, %swap3A_4012], %exp23A_4010 {strides = array<i32>} : memref<32768x128xf32, #tpu.memory_space<vmem>>, vector<128x128xf32>,
    %get3A_4014 = arith.constant 0 : index
    %get3A_4015 = arith.constant 222 : index
    %get3A_4016 = vector.load %arg5[%get3A_4014, %get3A_4015] : memref<128x256xf32, #tpu.memory_space<vmem>>, vector<128x1xf32>
    %get3A_4017 = arith.constant 0 : index
    %get3A_4018 = arith.constant 0 : index
    %get3A_4019 = vector.load %arg2[%get3A_4017, %get3A_4018] : memref<1x128xf32, #tpu.memory_space<vmem>>, vector<1x128xf32>
    %sub3A_4020 = vector.broadcast %get3A_4016 : vector<128x1xf32> to vector<128x128xf32>
    %sub3A_4021 = vector.broadcast %get3A_4019 : vector<1x128xf32> to vector<128x128xf32>
    %sub3A_4022 = arith.subf %sub3A_4020, %sub3A_4021 : vector<128x128xf32>
    %mul3A_4023 = arith.mulf %sub3A_4022, %sub3A_4022 : vector<128x128xf32>
    %mul3A_4024 = vector.broadcast %mul3A_8 : vector<1x128xf32> to vector<128x128xf32>
    %mul3A_4025 = arith.mulf %mul3A_4023, %mul3A_4024 : vector<128x128xf32>
    %add3A_4026 = vector.broadcast %mul3A_14 : vector<1x128xf32> to vector<128x128xf32>
    %add3A_4027 = arith.addf %mul3A_4025, %add3A_4026 : vector<128x128xf32>
    %exp23A_4028 = math.exp2 %add3A_4027 : vector<128x128xf32>
    %swap3A_4029 = arith.constant 28416 : index
    %swap3A_4030 = arith.constant 0 : index
    %swap3A_4031 = vector.load %arg4[%swap3A_4029, %swap3A_4030] : memref<32768x128xf32, #tpu.memory_space<vmem>>, vector<128x128xf32>
    tpu.vector_store %arg4[%swap3A_4029, %swap3A_4030], %exp23A_4028 {strides = array<i32>} : memref<32768x128xf32, #tpu.memory_space<vmem>>, vector<128x128xf32>,
    %get3A_4032 = arith.constant 0 : index
    %get3A_4033 = arith.constant 223 : index
    %get3A_4034 = vector.load %arg5[%get3A_4032, %get3A_4033] : memref<128x256xf32, #tpu.memory_space<vmem>>, vector<128x1xf32>
    %get3A_4035 = arith.constant 0 : index
    %get3A_4036 = arith.constant 0 : index
    %get3A_4037 = vector.load %arg2[%get3A_4035, %get3A_4036] : memref<1x128xf32, #tpu.memory_space<vmem>>, vector<1x128xf32>
    %sub3A_4038 = vector.broadcast %get3A_4034 : vector<128x1xf32> to vector<128x128xf32>
    %sub3A_4039 = vector.broadcast %get3A_4037 : vector<1x128xf32> to vector<128x128xf32>
    %sub3A_4040 = arith.subf %sub3A_4038, %sub3A_4039 : vector<128x128xf32>
    %mul3A_4041 = arith.mulf %sub3A_4040, %sub3A_4040 : vector<128x128xf32>
    %mul3A_4042 = vector.broadcast %mul3A_8 : vector<1x128xf32> to vector<128x128xf32>
    %mul3A_4043 = arith.mulf %mul3A_4041, %mul3A_4042 : vector<128x128xf32>
    %add3A_4044 = vector.broadcast %mul3A_14 : vector<1x128xf32> to vector<128x128xf32>
    %add3A_4045 = arith.addf %mul3A_4043, %add3A_4044 : vector<128x128xf32>
    %exp23A_4046 = math.exp2 %add3A_4045 : vector<128x128xf32>
    %swap3A_4047 = arith.constant 28544 : index
    %swap3A_4048 = arith.constant 0 : index
    %swap3A_4049 = vector.load %arg4[%swap3A_4047, %swap3A_4048] : memref<32768x128xf32, #tpu.memory_space<vmem>>, vector<128x128xf32>
    tpu.vector_store %arg4[%swap3A_4047, %swap3A_4048], %exp23A_4046 {strides = array<i32>} : memref<32768x128xf32, #tpu.memory_space<vmem>>, vector<128x128xf32>,
    %get3A_4050 = arith.constant 0 : index
    %get3A_4051 = arith.constant 224 : index
    %get3A_4052 = vector.load %arg5[%get3A_4050, %get3A_4051] : memref<128x256xf32, #tpu.memory_space<vmem>>, vector<128x1xf32>
    %get3A_4053 = arith.constant 0 : index
    %get3A_4054 = arith.constant 0 : index
    %get3A_4055 = vector.load %arg2[%get3A_4053, %get3A_4054] : memref<1x128xf32, #tpu.memory_space<vmem>>, vector<1x128xf32>
    %sub3A_4056 = vector.broadcast %get3A_4052 : vector<128x1xf32> to vector<128x128xf32>
    %sub3A_4057 = vector.broadcast %get3A_4055 : vector<1x128xf32> to vector<128x128xf32>
    %sub3A_4058 = arith.subf %sub3A_4056, %sub3A_4057 : vector<128x128xf32>
    %mul3A_4059 = arith.mulf %sub3A_4058, %sub3A_4058 : vector<128x128xf32>
    %mul3A_4060 = vector.broadcast %mul3A_8 : vector<1x128xf32> to vector<128x128xf32>
    %mul3A_4061 = arith.mulf %mul3A_4059, %mul3A_4060 : vector<128x128xf32>
    %add3A_4062 = vector.broadcast %mul3A_14 : vector<1x128xf32> to vector<128x128xf32>
    %add3A_4063 = arith.addf %mul3A_4061, %add3A_4062 : vector<128x128xf32>
    %exp23A_4064 = math.exp2 %add3A_4063 : vector<128x128xf32>
    %swap3A_4065 = arith.constant 28672 : index
    %swap3A_4066 = arith.constant 0 : index
    %swap3A_4067 = vector.load %arg4[%swap3A_4065, %swap3A_4066] : memref<32768x128xf32, #tpu.memory_space<vmem>>, vector<128x128xf32>
    tpu.vector_store %arg4[%swap3A_4065, %swap3A_4066], %exp23A_4064 {strides = array<i32>} : memref<32768x128xf32, #tpu.memory_space<vmem>>, vector<128x128xf32>,
    %get3A_4068 = arith.constant 0 : index
    %get3A_4069 = arith.constant 225 : index
    %get3A_4070 = vector.load %arg5[%get3A_4068, %get3A_4069] : memref<128x256xf32, #tpu.memory_space<vmem>>, vector<128x1xf32>
    %get3A_4071 = arith.constant 0 : index
    %get3A_4072 = arith.constant 0 : index
    %get3A_4073 = vector.load %arg2[%get3A_4071, %get3A_4072] : memref<1x128xf32, #tpu.memory_space<vmem>>, vector<1x128xf32>
    %sub3A_4074 = vector.broadcast %get3A_4070 : vector<128x1xf32> to vector<128x128xf32>
    %sub3A_4075 = vector.broadcast %get3A_4073 : vector<1x128xf32> to vector<128x128xf32>
    %sub3A_4076 = arith.subf %sub3A_4074, %sub3A_4075 : vector<128x128xf32>
    %mul3A_4077 = arith.mulf %sub3A_4076, %sub3A_4076 : vector<128x128xf32>
    %mul3A_4078 = vector.broadcast %mul3A_8 : vector<1x128xf32> to vector<128x128xf32>
    %mul3A_4079 = arith.mulf %mul3A_4077, %mul3A_4078 : vector<128x128xf32>
    %add3A_4080 = vector.broadcast %mul3A_14 : vector<1x128xf32> to vector<128x128xf32>
    %add3A_4081 = arith.addf %mul3A_4079, %add3A_4080 : vector<128x128xf32>
    %exp23A_4082 = math.exp2 %add3A_4081 : vector<128x128xf32>
    %swap3A_4083 = arith.constant 28800 : index
    %swap3A_4084 = arith.constant 0 : index
    %swap3A_4085 = vector.load %arg4[%swap3A_4083, %swap3A_4084] : memref<32768x128xf32, #tpu.memory_space<vmem>>, vector<128x128xf32>
    tpu.vector_store %arg4[%swap3A_4083, %swap3A_4084], %exp23A_4082 {strides = array<i32>} : memref<32768x128xf32, #tpu.memory_space<vmem>>, vector<128x128xf32>,
    %get3A_4086 = arith.constant 0 : index
    %get3A_4087 = arith.constant 226 : index
    %get3A_4088 = vector.load %arg5[%get3A_4086, %get3A_4087] : memref<128x256xf32, #tpu.memory_space<vmem>>, vector<128x1xf32>
    %get3A_4089 = arith.constant 0 : index
    %get3A_4090 = arith.constant 0 : index
    %get3A_4091 = vector.load %arg2[%get3A_4089, %get3A_4090] : memref<1x128xf32, #tpu.memory_space<vmem>>, vector<1x128xf32>
    %sub3A_4092 = vector.broadcast %get3A_4088 : vector<128x1xf32> to vector<128x128xf32>
    %sub3A_4093 = vector.broadcast %get3A_4091 : vector<1x128xf32> to vector<128x128xf32>
    %sub3A_4094 = arith.subf %sub3A_4092, %sub3A_4093 : vector<128x128xf32>
    %mul3A_4095 = arith.mulf %sub3A_4094, %sub3A_4094 : vector<128x128xf32>
    %mul3A_4096 = vector.broadcast %mul3A_8 : vector<1x128xf32> to vector<128x128xf32>
    %mul3A_4097 = arith.mulf %mul3A_4095, %mul3A_4096 : vector<128x128xf32>
    %add3A_4098 = vector.broadcast %mul3A_14 : vector<1x128xf32> to vector<128x128xf32>
    %add3A_4099 = arith.addf %mul3A_4097, %add3A_4098 : vector<128x128xf32>
    %exp23A_4100 = math.exp2 %add3A_4099 : vector<128x128xf32>
    %swap3A_4101 = arith.constant 28928 : index
    %swap3A_4102 = arith.constant 0 : index
    %swap3A_4103 = vector.load %arg4[%swap3A_4101, %swap3A_4102] : memref<32768x128xf32, #tpu.memory_space<vmem>>, vector<128x128xf32>
    tpu.vector_store %arg4[%swap3A_4101, %swap3A_4102], %exp23A_4100 {strides = array<i32>} : memref<32768x128xf32, #tpu.memory_space<vmem>>, vector<128x128xf32>,
    %get3A_4104 = arith.constant 0 : index
    %get3A_4105 = arith.constant 227 : index
    %get3A_4106 = vector.load %arg5[%get3A_4104, %get3A_4105] : memref<128x256xf32, #tpu.memory_space<vmem>>, vector<128x1xf32>
    %get3A_4107 = arith.constant 0 : index
    %get3A_4108 = arith.constant 0 : index
    %get3A_4109 = vector.load %arg2[%get3A_4107, %get3A_4108] : memref<1x128xf32, #tpu.memory_space<vmem>>, vector<1x128xf32>
    %sub3A_4110 = vector.broadcast %get3A_4106 : vector<128x1xf32> to vector<128x128xf32>
    %sub3A_4111 = vector.broadcast %get3A_4109 : vector<1x128xf32> to vector<128x128xf32>
    %sub3A_4112 = arith.subf %sub3A_4110, %sub3A_4111 : vector<128x128xf32>
    %mul3A_4113 = arith.mulf %sub3A_4112, %sub3A_4112 : vector<128x128xf32>
    %mul3A_4114 = vector.broadcast %mul3A_8 : vector<1x128xf32> to vector<128x128xf32>
    %mul3A_4115 = arith.mulf %mul3A_4113, %mul3A_4114 : vector<128x128xf32>
    %add3A_4116 = vector.broadcast %mul3A_14 : vector<1x128xf32> to vector<128x128xf32>
    %add3A_4117 = arith.addf %mul3A_4115, %add3A_4116 : vector<128x128xf32>
    %exp23A_4118 = math.exp2 %add3A_4117 : vector<128x128xf32>
    %swap3A_4119 = arith.constant 29056 : index
    %swap3A_4120 = arith.constant 0 : index
    %swap3A_4121 = vector.load %arg4[%swap3A_4119, %swap3A_4120] : memref<32768x128xf32, #tpu.memory_space<vmem>>, vector<128x128xf32>
    tpu.vector_store %arg4[%swap3A_4119, %swap3A_4120], %exp23A_4118 {strides = array<i32>} : memref<32768x128xf32, #tpu.memory_space<vmem>>, vector<128x128xf32>,
    %get3A_4122 = arith.constant 0 : index
    %get3A_4123 = arith.constant 228 : index
    %get3A_4124 = vector.load %arg5[%get3A_4122, %get3A_4123] : memref<128x256xf32, #tpu.memory_space<vmem>>, vector<128x1xf32>
    %get3A_4125 = arith.constant 0 : index
    %get3A_4126 = arith.constant 0 : index
    %get3A_4127 = vector.load %arg2[%get3A_4125, %get3A_4126] : memref<1x128xf32, #tpu.memory_space<vmem>>, vector<1x128xf32>
    %sub3A_4128 = vector.broadcast %get3A_4124 : vector<128x1xf32> to vector<128x128xf32>
    %sub3A_4129 = vector.broadcast %get3A_4127 : vector<1x128xf32> to vector<128x128xf32>
    %sub3A_4130 = arith.subf %sub3A_4128, %sub3A_4129 : vector<128x128xf32>
    %mul3A_4131 = arith.mulf %sub3A_4130, %sub3A_4130 : vector<128x128xf32>
    %mul3A_4132 = vector.broadcast %mul3A_8 : vector<1x128xf32> to vector<128x128xf32>
    %mul3A_4133 = arith.mulf %mul3A_4131, %mul3A_4132 : vector<128x128xf32>
    %add3A_4134 = vector.broadcast %mul3A_14 : vector<1x128xf32> to vector<128x128xf32>
    %add3A_4135 = arith.addf %mul3A_4133, %add3A_4134 : vector<128x128xf32>
    %exp23A_4136 = math.exp2 %add3A_4135 : vector<128x128xf32>
    %swap3A_4137 = arith.constant 29184 : index
    %swap3A_4138 = arith.constant 0 : index
    %swap3A_4139 = vector.load %arg4[%swap3A_4137, %swap3A_4138] : memref<32768x128xf32, #tpu.memory_space<vmem>>, vector<128x128xf32>
    tpu.vector_store %arg4[%swap3A_4137, %swap3A_4138], %exp23A_4136 {strides = array<i32>} : memref<32768x128xf32, #tpu.memory_space<vmem>>, vector<128x128xf32>,
    %get3A_4140 = arith.constant 0 : index
    %get3A_4141 = arith.constant 229 : index
    %get3A_4142 = vector.load %arg5[%get3A_4140, %get3A_4141] : memref<128x256xf32, #tpu.memory_space<vmem>>, vector<128x1xf32>
    %get3A_4143 = arith.constant 0 : index
    %get3A_4144 = arith.constant 0 : index
    %get3A_4145 = vector.load %arg2[%get3A_4143, %get3A_4144] : memref<1x128xf32, #tpu.memory_space<vmem>>, vector<1x128xf32>
    %sub3A_4146 = vector.broadcast %get3A_4142 : vector<128x1xf32> to vector<128x128xf32>
    %sub3A_4147 = vector.broadcast %get3A_4145 : vector<1x128xf32> to vector<128x128xf32>
    %sub3A_4148 = arith.subf %sub3A_4146, %sub3A_4147 : vector<128x128xf32>
    %mul3A_4149 = arith.mulf %sub3A_4148, %sub3A_4148 : vector<128x128xf32>
    %mul3A_4150 = vector.broadcast %mul3A_8 : vector<1x128xf32> to vector<128x128xf32>
    %mul3A_4151 = arith.mulf %mul3A_4149, %mul3A_4150 : vector<128x128xf32>
    %add3A_4152 = vector.broadcast %mul3A_14 : vector<1x128xf32> to vector<128x128xf32>
    %add3A_4153 = arith.addf %mul3A_4151, %add3A_4152 : vector<128x128xf32>
    %exp23A_4154 = math.exp2 %add3A_4153 : vector<128x128xf32>
    %swap3A_4155 = arith.constant 29312 : index
    %swap3A_4156 = arith.constant 0 : index
    %swap3A_4157 = vector.load %arg4[%swap3A_4155, %swap3A_4156] : memref<32768x128xf32, #tpu.memory_space<vmem>>, vector<128x128xf32>
    tpu.vector_store %arg4[%swap3A_4155, %swap3A_4156], %exp23A_4154 {strides = array<i32>} : memref<32768x128xf32, #tpu.memory_space<vmem>>, vector<128x128xf32>,
    %get3A_4158 = arith.constant 0 : index
    %get3A_4159 = arith.constant 230 : index
    %get3A_4160 = vector.load %arg5[%get3A_4158, %get3A_4159] : memref<128x256xf32, #tpu.memory_space<vmem>>, vector<128x1xf32>
    %get3A_4161 = arith.constant 0 : index
    %get3A_4162 = arith.constant 0 : index
    %get3A_4163 = vector.load %arg2[%get3A_4161, %get3A_4162] : memref<1x128xf32, #tpu.memory_space<vmem>>, vector<1x128xf32>
    %sub3A_4164 = vector.broadcast %get3A_4160 : vector<128x1xf32> to vector<128x128xf32>
    %sub3A_4165 = vector.broadcast %get3A_4163 : vector<1x128xf32> to vector<128x128xf32>
    %sub3A_4166 = arith.subf %sub3A_4164, %sub3A_4165 : vector<128x128xf32>
    %mul3A_4167 = arith.mulf %sub3A_4166, %sub3A_4166 : vector<128x128xf32>
    %mul3A_4168 = vector.broadcast %mul3A_8 : vector<1x128xf32> to vector<128x128xf32>
    %mul3A_4169 = arith.mulf %mul3A_4167, %mul3A_4168 : vector<128x128xf32>
    %add3A_4170 = vector.broadcast %mul3A_14 : vector<1x128xf32> to vector<128x128xf32>
    %add3A_4171 = arith.addf %mul3A_4169, %add3A_4170 : vector<128x128xf32>
    %exp23A_4172 = math.exp2 %add3A_4171 : vector<128x128xf32>
    %swap3A_4173 = arith.constant 29440 : index
    %swap3A_4174 = arith.constant 0 : index
    %swap3A_4175 = vector.load %arg4[%swap3A_4173, %swap3A_4174] : memref<32768x128xf32, #tpu.memory_space<vmem>>, vector<128x128xf32>
    tpu.vector_store %arg4[%swap3A_4173, %swap3A_4174], %exp23A_4172 {strides = array<i32>} : memref<32768x128xf32, #tpu.memory_space<vmem>>, vector<128x128xf32>,
    %get3A_4176 = arith.constant 0 : index
    %get3A_4177 = arith.constant 231 : index
    %get3A_4178 = vector.load %arg5[%get3A_4176, %get3A_4177] : memref<128x256xf32, #tpu.memory_space<vmem>>, vector<128x1xf32>
    %get3A_4179 = arith.constant 0 : index
    %get3A_4180 = arith.constant 0 : index
    %get3A_4181 = vector.load %arg2[%get3A_4179, %get3A_4180] : memref<1x128xf32, #tpu.memory_space<vmem>>, vector<1x128xf32>
    %sub3A_4182 = vector.broadcast %get3A_4178 : vector<128x1xf32> to vector<128x128xf32>
    %sub3A_4183 = vector.broadcast %get3A_4181 : vector<1x128xf32> to vector<128x128xf32>
    %sub3A_4184 = arith.subf %sub3A_4182, %sub3A_4183 : vector<128x128xf32>
    %mul3A_4185 = arith.mulf %sub3A_4184, %sub3A_4184 : vector<128x128xf32>
    %mul3A_4186 = vector.broadcast %mul3A_8 : vector<1x128xf32> to vector<128x128xf32>
    %mul3A_4187 = arith.mulf %mul3A_4185, %mul3A_4186 : vector<128x128xf32>
    %add3A_4188 = vector.broadcast %mul3A_14 : vector<1x128xf32> to vector<128x128xf32>
    %add3A_4189 = arith.addf %mul3A_4187, %add3A_4188 : vector<128x128xf32>
    %exp23A_4190 = math.exp2 %add3A_4189 : vector<128x128xf32>
    %swap3A_4191 = arith.constant 29568 : index
    %swap3A_4192 = arith.constant 0 : index
    %swap3A_4193 = vector.load %arg4[%swap3A_4191, %swap3A_4192] : memref<32768x128xf32, #tpu.memory_space<vmem>>, vector<128x128xf32>
    tpu.vector_store %arg4[%swap3A_4191, %swap3A_4192], %exp23A_4190 {strides = array<i32>} : memref<32768x128xf32, #tpu.memory_space<vmem>>, vector<128x128xf32>,
    %get3A_4194 = arith.constant 0 : index
    %get3A_4195 = arith.constant 232 : index
    %get3A_4196 = vector.load %arg5[%get3A_4194, %get3A_4195] : memref<128x256xf32, #tpu.memory_space<vmem>>, vector<128x1xf32>
    %get3A_4197 = arith.constant 0 : index
    %get3A_4198 = arith.constant 0 : index
    %get3A_4199 = vector.load %arg2[%get3A_4197, %get3A_4198] : memref<1x128xf32, #tpu.memory_space<vmem>>, vector<1x128xf32>
    %sub3A_4200 = vector.broadcast %get3A_4196 : vector<128x1xf32> to vector<128x128xf32>
    %sub3A_4201 = vector.broadcast %get3A_4199 : vector<1x128xf32> to vector<128x128xf32>
    %sub3A_4202 = arith.subf %sub3A_4200, %sub3A_4201 : vector<128x128xf32>
    %mul3A_4203 = arith.mulf %sub3A_4202, %sub3A_4202 : vector<128x128xf32>
    %mul3A_4204 = vector.broadcast %mul3A_8 : vector<1x128xf32> to vector<128x128xf32>
    %mul3A_4205 = arith.mulf %mul3A_4203, %mul3A_4204 : vector<128x128xf32>
    %add3A_4206 = vector.broadcast %mul3A_14 : vector<1x128xf32> to vector<128x128xf32>
    %add3A_4207 = arith.addf %mul3A_4205, %add3A_4206 : vector<128x128xf32>
    %exp23A_4208 = math.exp2 %add3A_4207 : vector<128x128xf32>
    %swap3A_4209 = arith.constant 29696 : index
    %swap3A_4210 = arith.constant 0 : index
    %swap3A_4211 = vector.load %arg4[%swap3A_4209, %swap3A_4210] : memref<32768x128xf32, #tpu.memory_space<vmem>>, vector<128x128xf32>
    tpu.vector_store %arg4[%swap3A_4209, %swap3A_4210], %exp23A_4208 {strides = array<i32>} : memref<32768x128xf32, #tpu.memory_space<vmem>>, vector<128x128xf32>,
    %get3A_4212 = arith.constant 0 : index
    %get3A_4213 = arith.constant 233 : index
    %get3A_4214 = vector.load %arg5[%get3A_4212, %get3A_4213] : memref<128x256xf32, #tpu.memory_space<vmem>>, vector<128x1xf32>
    %get3A_4215 = arith.constant 0 : index
    %get3A_4216 = arith.constant 0 : index
    %get3A_4217 = vector.load %arg2[%get3A_4215, %get3A_4216] : memref<1x128xf32, #tpu.memory_space<vmem>>, vector<1x128xf32>
    %sub3A_4218 = vector.broadcast %get3A_4214 : vector<128x1xf32> to vector<128x128xf32>
    %sub3A_4219 = vector.broadcast %get3A_4217 : vector<1x128xf32> to vector<128x128xf32>
    %sub3A_4220 = arith.subf %sub3A_4218, %sub3A_4219 : vector<128x128xf32>
    %mul3A_4221 = arith.mulf %sub3A_4220, %sub3A_4220 : vector<128x128xf32>
    %mul3A_4222 = vector.broadcast %mul3A_8 : vector<1x128xf32> to vector<128x128xf32>
    %mul3A_4223 = arith.mulf %mul3A_4221, %mul3A_4222 : vector<128x128xf32>
    %add3A_4224 = vector.broadcast %mul3A_14 : vector<1x128xf32> to vector<128x128xf32>
    %add3A_4225 = arith.addf %mul3A_4223, %add3A_4224 : vector<128x128xf32>
    %exp23A_4226 = math.exp2 %add3A_4225 : vector<128x128xf32>
    %swap3A_4227 = arith.constant 29824 : index
    %swap3A_4228 = arith.constant 0 : index
    %swap3A_4229 = vector.load %arg4[%swap3A_4227, %swap3A_4228] : memref<32768x128xf32, #tpu.memory_space<vmem>>, vector<128x128xf32>
    tpu.vector_store %arg4[%swap3A_4227, %swap3A_4228], %exp23A_4226 {strides = array<i32>} : memref<32768x128xf32, #tpu.memory_space<vmem>>, vector<128x128xf32>,
    %get3A_4230 = arith.constant 0 : index
    %get3A_4231 = arith.constant 234 : index
    %get3A_4232 = vector.load %arg5[%get3A_4230, %get3A_4231] : memref<128x256xf32, #tpu.memory_space<vmem>>, vector<128x1xf32>
    %get3A_4233 = arith.constant 0 : index
    %get3A_4234 = arith.constant 0 : index
    %get3A_4235 = vector.load %arg2[%get3A_4233, %get3A_4234] : memref<1x128xf32, #tpu.memory_space<vmem>>, vector<1x128xf32>
    %sub3A_4236 = vector.broadcast %get3A_4232 : vector<128x1xf32> to vector<128x128xf32>
    %sub3A_4237 = vector.broadcast %get3A_4235 : vector<1x128xf32> to vector<128x128xf32>
    %sub3A_4238 = arith.subf %sub3A_4236, %sub3A_4237 : vector<128x128xf32>
    %mul3A_4239 = arith.mulf %sub3A_4238, %sub3A_4238 : vector<128x128xf32>
    %mul3A_4240 = vector.broadcast %mul3A_8 : vector<1x128xf32> to vector<128x128xf32>
    %mul3A_4241 = arith.mulf %mul3A_4239, %mul3A_4240 : vector<128x128xf32>
    %add3A_4242 = vector.broadcast %mul3A_14 : vector<1x128xf32> to vector<128x128xf32>
    %add3A_4243 = arith.addf %mul3A_4241, %add3A_4242 : vector<128x128xf32>
    %exp23A_4244 = math.exp2 %add3A_4243 : vector<128x128xf32>
    %swap3A_4245 = arith.constant 29952 : index
    %swap3A_4246 = arith.constant 0 : index
    %swap3A_4247 = vector.load %arg4[%swap3A_4245, %swap3A_4246] : memref<32768x128xf32, #tpu.memory_space<vmem>>, vector<128x128xf32>
    tpu.vector_store %arg4[%swap3A_4245, %swap3A_4246], %exp23A_4244 {strides = array<i32>} : memref<32768x128xf32, #tpu.memory_space<vmem>>, vector<128x128xf32>,
    %get3A_4248 = arith.constant 0 : index
    %get3A_4249 = arith.constant 235 : index
    %get3A_4250 = vector.load %arg5[%get3A_4248, %get3A_4249] : memref<128x256xf32, #tpu.memory_space<vmem>>, vector<128x1xf32>
    %get3A_4251 = arith.constant 0 : index
    %get3A_4252 = arith.constant 0 : index
    %get3A_4253 = vector.load %arg2[%get3A_4251, %get3A_4252] : memref<1x128xf32, #tpu.memory_space<vmem>>, vector<1x128xf32>
    %sub3A_4254 = vector.broadcast %get3A_4250 : vector<128x1xf32> to vector<128x128xf32>
    %sub3A_4255 = vector.broadcast %get3A_4253 : vector<1x128xf32> to vector<128x128xf32>
    %sub3A_4256 = arith.subf %sub3A_4254, %sub3A_4255 : vector<128x128xf32>
    %mul3A_4257 = arith.mulf %sub3A_4256, %sub3A_4256 : vector<128x128xf32>
    %mul3A_4258 = vector.broadcast %mul3A_8 : vector<1x128xf32> to vector<128x128xf32>
    %mul3A_4259 = arith.mulf %mul3A_4257, %mul3A_4258 : vector<128x128xf32>
    %add3A_4260 = vector.broadcast %mul3A_14 : vector<1x128xf32> to vector<128x128xf32>
    %add3A_4261 = arith.addf %mul3A_4259, %add3A_4260 : vector<128x128xf32>
    %exp23A_4262 = math.exp2 %add3A_4261 : vector<128x128xf32>
    %swap3A_4263 = arith.constant 30080 : index
    %swap3A_4264 = arith.constant 0 : index
    %swap3A_4265 = vector.load %arg4[%swap3A_4263, %swap3A_4264] : memref<32768x128xf32, #tpu.memory_space<vmem>>, vector<128x128xf32>
    tpu.vector_store %arg4[%swap3A_4263, %swap3A_4264], %exp23A_4262 {strides = array<i32>} : memref<32768x128xf32, #tpu.memory_space<vmem>>, vector<128x128xf32>,
    %get3A_4266 = arith.constant 0 : index
    %get3A_4267 = arith.constant 236 : index
    %get3A_4268 = vector.load %arg5[%get3A_4266, %get3A_4267] : memref<128x256xf32, #tpu.memory_space<vmem>>, vector<128x1xf32>
    %get3A_4269 = arith.constant 0 : index
    %get3A_4270 = arith.constant 0 : index
    %get3A_4271 = vector.load %arg2[%get3A_4269, %get3A_4270] : memref<1x128xf32, #tpu.memory_space<vmem>>, vector<1x128xf32>
    %sub3A_4272 = vector.broadcast %get3A_4268 : vector<128x1xf32> to vector<128x128xf32>
    %sub3A_4273 = vector.broadcast %get3A_4271 : vector<1x128xf32> to vector<128x128xf32>
    %sub3A_4274 = arith.subf %sub3A_4272, %sub3A_4273 : vector<128x128xf32>
    %mul3A_4275 = arith.mulf %sub3A_4274, %sub3A_4274 : vector<128x128xf32>
    %mul3A_4276 = vector.broadcast %mul3A_8 : vector<1x128xf32> to vector<128x128xf32>
    %mul3A_4277 = arith.mulf %mul3A_4275, %mul3A_4276 : vector<128x128xf32>
    %add3A_4278 = vector.broadcast %mul3A_14 : vector<1x128xf32> to vector<128x128xf32>
    %add3A_4279 = arith.addf %mul3A_4277, %add3A_4278 : vector<128x128xf32>
    %exp23A_4280 = math.exp2 %add3A_4279 : vector<128x128xf32>
    %swap3A_4281 = arith.constant 30208 : index
    %swap3A_4282 = arith.constant 0 : index
    %swap3A_4283 = vector.load %arg4[%swap3A_4281, %swap3A_4282] : memref<32768x128xf32, #tpu.memory_space<vmem>>, vector<128x128xf32>
    tpu.vector_store %arg4[%swap3A_4281, %swap3A_4282], %exp23A_4280 {strides = array<i32>} : memref<32768x128xf32, #tpu.memory_space<vmem>>, vector<128x128xf32>,
    %get3A_4284 = arith.constant 0 : index
    %get3A_4285 = arith.constant 237 : index
    %get3A_4286 = vector.load %arg5[%get3A_4284, %get3A_4285] : memref<128x256xf32, #tpu.memory_space<vmem>>, vector<128x1xf32>
    %get3A_4287 = arith.constant 0 : index
    %get3A_4288 = arith.constant 0 : index
    %get3A_4289 = vector.load %arg2[%get3A_4287, %get3A_4288] : memref<1x128xf32, #tpu.memory_space<vmem>>, vector<1x128xf32>
    %sub3A_4290 = vector.broadcast %get3A_4286 : vector<128x1xf32> to vector<128x128xf32>
    %sub3A_4291 = vector.broadcast %get3A_4289 : vector<1x128xf32> to vector<128x128xf32>
    %sub3A_4292 = arith.subf %sub3A_4290, %sub3A_4291 : vector<128x128xf32>
    %mul3A_4293 = arith.mulf %sub3A_4292, %sub3A_4292 : vector<128x128xf32>
    %mul3A_4294 = vector.broadcast %mul3A_8 : vector<1x128xf32> to vector<128x128xf32>
    %mul3A_4295 = arith.mulf %mul3A_4293, %mul3A_4294 : vector<128x128xf32>
    %add3A_4296 = vector.broadcast %mul3A_14 : vector<1x128xf32> to vector<128x128xf32>
    %add3A_4297 = arith.addf %mul3A_4295, %add3A_4296 : vector<128x128xf32>
    %exp23A_4298 = math.exp2 %add3A_4297 : vector<128x128xf32>
    %swap3A_4299 = arith.constant 30336 : index
    %swap3A_4300 = arith.constant 0 : index
    %swap3A_4301 = vector.load %arg4[%swap3A_4299, %swap3A_4300] : memref<32768x128xf32, #tpu.memory_space<vmem>>, vector<128x128xf32>
    tpu.vector_store %arg4[%swap3A_4299, %swap3A_4300], %exp23A_4298 {strides = array<i32>} : memref<32768x128xf32, #tpu.memory_space<vmem>>, vector<128x128xf32>,
    %get3A_4302 = arith.constant 0 : index
    %get3A_4303 = arith.constant 238 : index
    %get3A_4304 = vector.load %arg5[%get3A_4302, %get3A_4303] : memref<128x256xf32, #tpu.memory_space<vmem>>, vector<128x1xf32>
    %get3A_4305 = arith.constant 0 : index
    %get3A_4306 = arith.constant 0 : index
    %get3A_4307 = vector.load %arg2[%get3A_4305, %get3A_4306] : memref<1x128xf32, #tpu.memory_space<vmem>>, vector<1x128xf32>
    %sub3A_4308 = vector.broadcast %get3A_4304 : vector<128x1xf32> to vector<128x128xf32>
    %sub3A_4309 = vector.broadcast %get3A_4307 : vector<1x128xf32> to vector<128x128xf32>
    %sub3A_4310 = arith.subf %sub3A_4308, %sub3A_4309 : vector<128x128xf32>
    %mul3A_4311 = arith.mulf %sub3A_4310, %sub3A_4310 : vector<128x128xf32>
    %mul3A_4312 = vector.broadcast %mul3A_8 : vector<1x128xf32> to vector<128x128xf32>
    %mul3A_4313 = arith.mulf %mul3A_4311, %mul3A_4312 : vector<128x128xf32>
    %add3A_4314 = vector.broadcast %mul3A_14 : vector<1x128xf32> to vector<128x128xf32>
    %add3A_4315 = arith.addf %mul3A_4313, %add3A_4314 : vector<128x128xf32>
    %exp23A_4316 = math.exp2 %add3A_4315 : vector<128x128xf32>
    %swap3A_4317 = arith.constant 30464 : index
    %swap3A_4318 = arith.constant 0 : index
    %swap3A_4319 = vector.load %arg4[%swap3A_4317, %swap3A_4318] : memref<32768x128xf32, #tpu.memory_space<vmem>>, vector<128x128xf32>
    tpu.vector_store %arg4[%swap3A_4317, %swap3A_4318], %exp23A_4316 {strides = array<i32>} : memref<32768x128xf32, #tpu.memory_space<vmem>>, vector<128x128xf32>,
    %get3A_4320 = arith.constant 0 : index
    %get3A_4321 = arith.constant 239 : index
    %get3A_4322 = vector.load %arg5[%get3A_4320, %get3A_4321] : memref<128x256xf32, #tpu.memory_space<vmem>>, vector<128x1xf32>
    %get3A_4323 = arith.constant 0 : index
    %get3A_4324 = arith.constant 0 : index
    %get3A_4325 = vector.load %arg2[%get3A_4323, %get3A_4324] : memref<1x128xf32, #tpu.memory_space<vmem>>, vector<1x128xf32>
    %sub3A_4326 = vector.broadcast %get3A_4322 : vector<128x1xf32> to vector<128x128xf32>
    %sub3A_4327 = vector.broadcast %get3A_4325 : vector<1x128xf32> to vector<128x128xf32>
    %sub3A_4328 = arith.subf %sub3A_4326, %sub3A_4327 : vector<128x128xf32>
    %mul3A_4329 = arith.mulf %sub3A_4328, %sub3A_4328 : vector<128x128xf32>
    %mul3A_4330 = vector.broadcast %mul3A_8 : vector<1x128xf32> to vector<128x128xf32>
    %mul3A_4331 = arith.mulf %mul3A_4329, %mul3A_4330 : vector<128x128xf32>
    %add3A_4332 = vector.broadcast %mul3A_14 : vector<1x128xf32> to vector<128x128xf32>
    %add3A_4333 = arith.addf %mul3A_4331, %add3A_4332 : vector<128x128xf32>
    %exp23A_4334 = math.exp2 %add3A_4333 : vector<128x128xf32>
    %swap3A_4335 = arith.constant 30592 : index
    %swap3A_4336 = arith.constant 0 : index
    %swap3A_4337 = vector.load %arg4[%swap3A_4335, %swap3A_4336] : memref<32768x128xf32, #tpu.memory_space<vmem>>, vector<128x128xf32>
    tpu.vector_store %arg4[%swap3A_4335, %swap3A_4336], %exp23A_4334 {strides = array<i32>} : memref<32768x128xf32, #tpu.memory_space<vmem>>, vector<128x128xf32>,
    %get3A_4338 = arith.constant 0 : index
    %get3A_4339 = arith.constant 240 : index
    %get3A_4340 = vector.load %arg5[%get3A_4338, %get3A_4339] : memref<128x256xf32, #tpu.memory_space<vmem>>, vector<128x1xf32>
    %get3A_4341 = arith.constant 0 : index
    %get3A_4342 = arith.constant 0 : index
    %get3A_4343 = vector.load %arg2[%get3A_4341, %get3A_4342] : memref<1x128xf32, #tpu.memory_space<vmem>>, vector<1x128xf32>
    %sub3A_4344 = vector.broadcast %get3A_4340 : vector<128x1xf32> to vector<128x128xf32>
    %sub3A_4345 = vector.broadcast %get3A_4343 : vector<1x128xf32> to vector<128x128xf32>
    %sub3A_4346 = arith.subf %sub3A_4344, %sub3A_4345 : vector<128x128xf32>
    %mul3A_4347 = arith.mulf %sub3A_4346, %sub3A_4346 : vector<128x128xf32>
    %mul3A_4348 = vector.broadcast %mul3A_8 : vector<1x128xf32> to vector<128x128xf32>
    %mul3A_4349 = arith.mulf %mul3A_4347, %mul3A_4348 : vector<128x128xf32>
    %add3A_4350 = vector.broadcast %mul3A_14 : vector<1x128xf32> to vector<128x128xf32>
    %add3A_4351 = arith.addf %mul3A_4349, %add3A_4350 : vector<128x128xf32>
    %exp23A_4352 = math.exp2 %add3A_4351 : vector<128x128xf32>
    %swap3A_4353 = arith.constant 30720 : index
    %swap3A_4354 = arith.constant 0 : index
    %swap3A_4355 = vector.load %arg4[%swap3A_4353, %swap3A_4354] : memref<32768x128xf32, #tpu.memory_space<vmem>>, vector<128x128xf32>
    tpu.vector_store %arg4[%swap3A_4353, %swap3A_4354], %exp23A_4352 {strides = array<i32>} : memref<32768x128xf32, #tpu.memory_space<vmem>>, vector<128x128xf32>,
    %get3A_4356 = arith.constant 0 : index
    %get3A_4357 = arith.constant 241 : index
    %get3A_4358 = vector.load %arg5[%get3A_4356, %get3A_4357] : memref<128x256xf32, #tpu.memory_space<vmem>>, vector<128x1xf32>
    %get3A_4359 = arith.constant 0 : index
    %get3A_4360 = arith.constant 0 : index
    %get3A_4361 = vector.load %arg2[%get3A_4359, %get3A_4360] : memref<1x128xf32, #tpu.memory_space<vmem>>, vector<1x128xf32>
    %sub3A_4362 = vector.broadcast %get3A_4358 : vector<128x1xf32> to vector<128x128xf32>
    %sub3A_4363 = vector.broadcast %get3A_4361 : vector<1x128xf32> to vector<128x128xf32>
    %sub3A_4364 = arith.subf %sub3A_4362, %sub3A_4363 : vector<128x128xf32>
    %mul3A_4365 = arith.mulf %sub3A_4364, %sub3A_4364 : vector<128x128xf32>
    %mul3A_4366 = vector.broadcast %mul3A_8 : vector<1x128xf32> to vector<128x128xf32>
    %mul3A_4367 = arith.mulf %mul3A_4365, %mul3A_4366 : vector<128x128xf32>
    %add3A_4368 = vector.broadcast %mul3A_14 : vector<1x128xf32> to vector<128x128xf32>
    %add3A_4369 = arith.addf %mul3A_4367, %add3A_4368 : vector<128x128xf32>
    %exp23A_4370 = math.exp2 %add3A_4369 : vector<128x128xf32>
    %swap3A_4371 = arith.constant 30848 : index
    %swap3A_4372 = arith.constant 0 : index
    %swap3A_4373 = vector.load %arg4[%swap3A_4371, %swap3A_4372] : memref<32768x128xf32, #tpu.memory_space<vmem>>, vector<128x128xf32>
    tpu.vector_store %arg4[%swap3A_4371, %swap3A_4372], %exp23A_4370 {strides = array<i32>} : memref<32768x128xf32, #tpu.memory_space<vmem>>, vector<128x128xf32>,
    %get3A_4374 = arith.constant 0 : index
    %get3A_4375 = arith.constant 242 : index
    %get3A_4376 = vector.load %arg5[%get3A_4374, %get3A_4375] : memref<128x256xf32, #tpu.memory_space<vmem>>, vector<128x1xf32>
    %get3A_4377 = arith.constant 0 : index
    %get3A_4378 = arith.constant 0 : index
    %get3A_4379 = vector.load %arg2[%get3A_4377, %get3A_4378] : memref<1x128xf32, #tpu.memory_space<vmem>>, vector<1x128xf32>
    %sub3A_4380 = vector.broadcast %get3A_4376 : vector<128x1xf32> to vector<128x128xf32>
    %sub3A_4381 = vector.broadcast %get3A_4379 : vector<1x128xf32> to vector<128x128xf32>
    %sub3A_4382 = arith.subf %sub3A_4380, %sub3A_4381 : vector<128x128xf32>
    %mul3A_4383 = arith.mulf %sub3A_4382, %sub3A_4382 : vector<128x128xf32>
    %mul3A_4384 = vector.broadcast %mul3A_8 : vector<1x128xf32> to vector<128x128xf32>
    %mul3A_4385 = arith.mulf %mul3A_4383, %mul3A_4384 : vector<128x128xf32>
    %add3A_4386 = vector.broadcast %mul3A_14 : vector<1x128xf32> to vector<128x128xf32>
    %add3A_4387 = arith.addf %mul3A_4385, %add3A_4386 : vector<128x128xf32>
    %exp23A_4388 = math.exp2 %add3A_4387 : vector<128x128xf32>
    %swap3A_4389 = arith.constant 30976 : index
    %swap3A_4390 = arith.constant 0 : index
    %swap3A_4391 = vector.load %arg4[%swap3A_4389, %swap3A_4390] : memref<32768x128xf32, #tpu.memory_space<vmem>>, vector<128x128xf32>
    tpu.vector_store %arg4[%swap3A_4389, %swap3A_4390], %exp23A_4388 {strides = array<i32>} : memref<32768x128xf32, #tpu.memory_space<vmem>>, vector<128x128xf32>,
    %get3A_4392 = arith.constant 0 : index
    %get3A_4393 = arith.constant 243 : index
    %get3A_4394 = vector.load %arg5[%get3A_4392, %get3A_4393] : memref<128x256xf32, #tpu.memory_space<vmem>>, vector<128x1xf32>
    %get3A_4395 = arith.constant 0 : index
    %get3A_4396 = arith.constant 0 : index
    %get3A_4397 = vector.load %arg2[%get3A_4395, %get3A_4396] : memref<1x128xf32, #tpu.memory_space<vmem>>, vector<1x128xf32>
    %sub3A_4398 = vector.broadcast %get3A_4394 : vector<128x1xf32> to vector<128x128xf32>
    %sub3A_4399 = vector.broadcast %get3A_4397 : vector<1x128xf32> to vector<128x128xf32>
    %sub3A_4400 = arith.subf %sub3A_4398, %sub3A_4399 : vector<128x128xf32>
    %mul3A_4401 = arith.mulf %sub3A_4400, %sub3A_4400 : vector<128x128xf32>
    %mul3A_4402 = vector.broadcast %mul3A_8 : vector<1x128xf32> to vector<128x128xf32>
    %mul3A_4403 = arith.mulf %mul3A_4401, %mul3A_4402 : vector<128x128xf32>
    %add3A_4404 = vector.broadcast %mul3A_14 : vector<1x128xf32> to vector<128x128xf32>
    %add3A_4405 = arith.addf %mul3A_4403, %add3A_4404 : vector<128x128xf32>
    %exp23A_4406 = math.exp2 %add3A_4405 : vector<128x128xf32>
    %swap3A_4407 = arith.constant 31104 : index
    %swap3A_4408 = arith.constant 0 : index
    %swap3A_4409 = vector.load %arg4[%swap3A_4407, %swap3A_4408] : memref<32768x128xf32, #tpu.memory_space<vmem>>, vector<128x128xf32>
    tpu.vector_store %arg4[%swap3A_4407, %swap3A_4408], %exp23A_4406 {strides = array<i32>} : memref<32768x128xf32, #tpu.memory_space<vmem>>, vector<128x128xf32>,
    %get3A_4410 = arith.constant 0 : index
    %get3A_4411 = arith.constant 244 : index
    %get3A_4412 = vector.load %arg5[%get3A_4410, %get3A_4411] : memref<128x256xf32, #tpu.memory_space<vmem>>, vector<128x1xf32>
    %get3A_4413 = arith.constant 0 : index
    %get3A_4414 = arith.constant 0 : index
    %get3A_4415 = vector.load %arg2[%get3A_4413, %get3A_4414] : memref<1x128xf32, #tpu.memory_space<vmem>>, vector<1x128xf32>
    %sub3A_4416 = vector.broadcast %get3A_4412 : vector<128x1xf32> to vector<128x128xf32>
    %sub3A_4417 = vector.broadcast %get3A_4415 : vector<1x128xf32> to vector<128x128xf32>
    %sub3A_4418 = arith.subf %sub3A_4416, %sub3A_4417 : vector<128x128xf32>
    %mul3A_4419 = arith.mulf %sub3A_4418, %sub3A_4418 : vector<128x128xf32>
    %mul3A_4420 = vector.broadcast %mul3A_8 : vector<1x128xf32> to vector<128x128xf32>
    %mul3A_4421 = arith.mulf %mul3A_4419, %mul3A_4420 : vector<128x128xf32>
    %add3A_4422 = vector.broadcast %mul3A_14 : vector<1x128xf32> to vector<128x128xf32>
    %add3A_4423 = arith.addf %mul3A_4421, %add3A_4422 : vector<128x128xf32>
    %exp23A_4424 = math.exp2 %add3A_4423 : vector<128x128xf32>
    %swap3A_4425 = arith.constant 31232 : index
    %swap3A_4426 = arith.constant 0 : index
    %swap3A_4427 = vector.load %arg4[%swap3A_4425, %swap3A_4426] : memref<32768x128xf32, #tpu.memory_space<vmem>>, vector<128x128xf32>
    tpu.vector_store %arg4[%swap3A_4425, %swap3A_4426], %exp23A_4424 {strides = array<i32>} : memref<32768x128xf32, #tpu.memory_space<vmem>>, vector<128x128xf32>,
    %get3A_4428 = arith.constant 0 : index
    %get3A_4429 = arith.constant 245 : index
    %get3A_4430 = vector.load %arg5[%get3A_4428, %get3A_4429] : memref<128x256xf32, #tpu.memory_space<vmem>>, vector<128x1xf32>
    %get3A_4431 = arith.constant 0 : index
    %get3A_4432 = arith.constant 0 : index
    %get3A_4433 = vector.load %arg2[%get3A_4431, %get3A_4432] : memref<1x128xf32, #tpu.memory_space<vmem>>, vector<1x128xf32>
    %sub3A_4434 = vector.broadcast %get3A_4430 : vector<128x1xf32> to vector<128x128xf32>
    %sub3A_4435 = vector.broadcast %get3A_4433 : vector<1x128xf32> to vector<128x128xf32>
    %sub3A_4436 = arith.subf %sub3A_4434, %sub3A_4435 : vector<128x128xf32>
    %mul3A_4437 = arith.mulf %sub3A_4436, %sub3A_4436 : vector<128x128xf32>
    %mul3A_4438 = vector.broadcast %mul3A_8 : vector<1x128xf32> to vector<128x128xf32>
    %mul3A_4439 = arith.mulf %mul3A_4437, %mul3A_4438 : vector<128x128xf32>
    %add3A_4440 = vector.broadcast %mul3A_14 : vector<1x128xf32> to vector<128x128xf32>
    %add3A_4441 = arith.addf %mul3A_4439, %add3A_4440 : vector<128x128xf32>
    %exp23A_4442 = math.exp2 %add3A_4441 : vector<128x128xf32>
    %swap3A_4443 = arith.constant 31360 : index
    %swap3A_4444 = arith.constant 0 : index
    %swap3A_4445 = vector.load %arg4[%swap3A_4443, %swap3A_4444] : memref<32768x128xf32, #tpu.memory_space<vmem>>, vector<128x128xf32>
    tpu.vector_store %arg4[%swap3A_4443, %swap3A_4444], %exp23A_4442 {strides = array<i32>} : memref<32768x128xf32, #tpu.memory_space<vmem>>, vector<128x128xf32>,
    %get3A_4446 = arith.constant 0 : index
    %get3A_4447 = arith.constant 246 : index
    %get3A_4448 = vector.load %arg5[%get3A_4446, %get3A_4447] : memref<128x256xf32, #tpu.memory_space<vmem>>, vector<128x1xf32>
    %get3A_4449 = arith.constant 0 : index
    %get3A_4450 = arith.constant 0 : index
    %get3A_4451 = vector.load %arg2[%get3A_4449, %get3A_4450] : memref<1x128xf32, #tpu.memory_space<vmem>>, vector<1x128xf32>
    %sub3A_4452 = vector.broadcast %get3A_4448 : vector<128x1xf32> to vector<128x128xf32>
    %sub3A_4453 = vector.broadcast %get3A_4451 : vector<1x128xf32> to vector<128x128xf32>
    %sub3A_4454 = arith.subf %sub3A_4452, %sub3A_4453 : vector<128x128xf32>
    %mul3A_4455 = arith.mulf %sub3A_4454, %sub3A_4454 : vector<128x128xf32>
    %mul3A_4456 = vector.broadcast %mul3A_8 : vector<1x128xf32> to vector<128x128xf32>
    %mul3A_4457 = arith.mulf %mul3A_4455, %mul3A_4456 : vector<128x128xf32>
    %add3A_4458 = vector.broadcast %mul3A_14 : vector<1x128xf32> to vector<128x128xf32>
    %add3A_4459 = arith.addf %mul3A_4457, %add3A_4458 : vector<128x128xf32>
    %exp23A_4460 = math.exp2 %add3A_4459 : vector<128x128xf32>
    %swap3A_4461 = arith.constant 31488 : index
    %swap3A_4462 = arith.constant 0 : index
    %swap3A_4463 = vector.load %arg4[%swap3A_4461, %swap3A_4462] : memref<32768x128xf32, #tpu.memory_space<vmem>>, vector<128x128xf32>
    tpu.vector_store %arg4[%swap3A_4461, %swap3A_4462], %exp23A_4460 {strides = array<i32>} : memref<32768x128xf32, #tpu.memory_space<vmem>>, vector<128x128xf32>,
    %get3A_4464 = arith.constant 0 : index
    %get3A_4465 = arith.constant 247 : index
    %get3A_4466 = vector.load %arg5[%get3A_4464, %get3A_4465] : memref<128x256xf32, #tpu.memory_space<vmem>>, vector<128x1xf32>
    %get3A_4467 = arith.constant 0 : index
    %get3A_4468 = arith.constant 0 : index
    %get3A_4469 = vector.load %arg2[%get3A_4467, %get3A_4468] : memref<1x128xf32, #tpu.memory_space<vmem>>, vector<1x128xf32>
    %sub3A_4470 = vector.broadcast %get3A_4466 : vector<128x1xf32> to vector<128x128xf32>
    %sub3A_4471 = vector.broadcast %get3A_4469 : vector<1x128xf32> to vector<128x128xf32>
    %sub3A_4472 = arith.subf %sub3A_4470, %sub3A_4471 : vector<128x128xf32>
    %mul3A_4473 = arith.mulf %sub3A_4472, %sub3A_4472 : vector<128x128xf32>
    %mul3A_4474 = vector.broadcast %mul3A_8 : vector<1x128xf32> to vector<128x128xf32>
    %mul3A_4475 = arith.mulf %mul3A_4473, %mul3A_4474 : vector<128x128xf32>
    %add3A_4476 = vector.broadcast %mul3A_14 : vector<1x128xf32> to vector<128x128xf32>
    %add3A_4477 = arith.addf %mul3A_4475, %add3A_4476 : vector<128x128xf32>
    %exp23A_4478 = math.exp2 %add3A_4477 : vector<128x128xf32>
    %swap3A_4479 = arith.constant 31616 : index
    %swap3A_4480 = arith.constant 0 : index
    %swap3A_4481 = vector.load %arg4[%swap3A_4479, %swap3A_4480] : memref<32768x128xf32, #tpu.memory_space<vmem>>, vector<128x128xf32>
    tpu.vector_store %arg4[%swap3A_4479, %swap3A_4480], %exp23A_4478 {strides = array<i32>} : memref<32768x128xf32, #tpu.memory_space<vmem>>, vector<128x128xf32>,
    %get3A_4482 = arith.constant 0 : index
    %get3A_4483 = arith.constant 248 : index
    %get3A_4484 = vector.load %arg5[%get3A_4482, %get3A_4483] : memref<128x256xf32, #tpu.memory_space<vmem>>, vector<128x1xf32>
    %get3A_4485 = arith.constant 0 : index
    %get3A_4486 = arith.constant 0 : index
    %get3A_4487 = vector.load %arg2[%get3A_4485, %get3A_4486] : memref<1x128xf32, #tpu.memory_space<vmem>>, vector<1x128xf32>
    %sub3A_4488 = vector.broadcast %get3A_4484 : vector<128x1xf32> to vector<128x128xf32>
    %sub3A_4489 = vector.broadcast %get3A_4487 : vector<1x128xf32> to vector<128x128xf32>
    %sub3A_4490 = arith.subf %sub3A_4488, %sub3A_4489 : vector<128x128xf32>
    %mul3A_4491 = arith.mulf %sub3A_4490, %sub3A_4490 : vector<128x128xf32>
    %mul3A_4492 = vector.broadcast %mul3A_8 : vector<1x128xf32> to vector<128x128xf32>
    %mul3A_4493 = arith.mulf %mul3A_4491, %mul3A_4492 : vector<128x128xf32>
    %add3A_4494 = vector.broadcast %mul3A_14 : vector<1x128xf32> to vector<128x128xf32>
    %add3A_4495 = arith.addf %mul3A_4493, %add3A_4494 : vector<128x128xf32>
    %exp23A_4496 = math.exp2 %add3A_4495 : vector<128x128xf32>
    %swap3A_4497 = arith.constant 31744 : index
    %swap3A_4498 = arith.constant 0 : index
    %swap3A_4499 = vector.load %arg4[%swap3A_4497, %swap3A_4498] : memref<32768x128xf32, #tpu.memory_space<vmem>>, vector<128x128xf32>
    tpu.vector_store %arg4[%swap3A_4497, %swap3A_4498], %exp23A_4496 {strides = array<i32>} : memref<32768x128xf32, #tpu.memory_space<vmem>>, vector<128x128xf32>,
    %get3A_4500 = arith.constant 0 : index
    %get3A_4501 = arith.constant 249 : index
    %get3A_4502 = vector.load %arg5[%get3A_4500, %get3A_4501] : memref<128x256xf32, #tpu.memory_space<vmem>>, vector<128x1xf32>
    %get3A_4503 = arith.constant 0 : index
    %get3A_4504 = arith.constant 0 : index
    %get3A_4505 = vector.load %arg2[%get3A_4503, %get3A_4504] : memref<1x128xf32, #tpu.memory_space<vmem>>, vector<1x128xf32>
    %sub3A_4506 = vector.broadcast %get3A_4502 : vector<128x1xf32> to vector<128x128xf32>
    %sub3A_4507 = vector.broadcast %get3A_4505 : vector<1x128xf32> to vector<128x128xf32>
    %sub3A_4508 = arith.subf %sub3A_4506, %sub3A_4507 : vector<128x128xf32>
    %mul3A_4509 = arith.mulf %sub3A_4508, %sub3A_4508 : vector<128x128xf32>
    %mul3A_4510 = vector.broadcast %mul3A_8 : vector<1x128xf32> to vector<128x128xf32>
    %mul3A_4511 = arith.mulf %mul3A_4509, %mul3A_4510 : vector<128x128xf32>
    %add3A_4512 = vector.broadcast %mul3A_14 : vector<1x128xf32> to vector<128x128xf32>
    %add3A_4513 = arith.addf %mul3A_4511, %add3A_4512 : vector<128x128xf32>
    %exp23A_4514 = math.exp2 %add3A_4513 : vector<128x128xf32>
    %swap3A_4515 = arith.constant 31872 : index
    %swap3A_4516 = arith.constant 0 : index
    %swap3A_4517 = vector.load %arg4[%swap3A_4515, %swap3A_4516] : memref<32768x128xf32, #tpu.memory_space<vmem>>, vector<128x128xf32>
    tpu.vector_store %arg4[%swap3A_4515, %swap3A_4516], %exp23A_4514 {strides = array<i32>} : memref<32768x128xf32, #tpu.memory_space<vmem>>, vector<128x128xf32>,
    %get3A_4518 = arith.constant 0 : index
    %get3A_4519 = arith.constant 250 : index
    %get3A_4520 = vector.load %arg5[%get3A_4518, %get3A_4519] : memref<128x256xf32, #tpu.memory_space<vmem>>, vector<128x1xf32>
    %get3A_4521 = arith.constant 0 : index
    %get3A_4522 = arith.constant 0 : index
    %get3A_4523 = vector.load %arg2[%get3A_4521, %get3A_4522] : memref<1x128xf32, #tpu.memory_space<vmem>>, vector<1x128xf32>
    %sub3A_4524 = vector.broadcast %get3A_4520 : vector<128x1xf32> to vector<128x128xf32>
    %sub3A_4525 = vector.broadcast %get3A_4523 : vector<1x128xf32> to vector<128x128xf32>
    %sub3A_4526 = arith.subf %sub3A_4524, %sub3A_4525 : vector<128x128xf32>
    %mul3A_4527 = arith.mulf %sub3A_4526, %sub3A_4526 : vector<128x128xf32>
    %mul3A_4528 = vector.broadcast %mul3A_8 : vector<1x128xf32> to vector<128x128xf32>
    %mul3A_4529 = arith.mulf %mul3A_4527, %mul3A_4528 : vector<128x128xf32>
    %add3A_4530 = vector.broadcast %mul3A_14 : vector<1x128xf32> to vector<128x128xf32>
    %add3A_4531 = arith.addf %mul3A_4529, %add3A_4530 : vector<128x128xf32>
    %exp23A_4532 = math.exp2 %add3A_4531 : vector<128x128xf32>
    %swap3A_4533 = arith.constant 32000 : index
    %swap3A_4534 = arith.constant 0 : index
    %swap3A_4535 = vector.load %arg4[%swap3A_4533, %swap3A_4534] : memref<32768x128xf32, #tpu.memory_space<vmem>>, vector<128x128xf32>
    tpu.vector_store %arg4[%swap3A_4533, %swap3A_4534], %exp23A_4532 {strides = array<i32>} : memref<32768x128xf32, #tpu.memory_space<vmem>>, vector<128x128xf32>,
    %get3A_4536 = arith.constant 0 : index
    %get3A_4537 = arith.constant 251 : index
    %get3A_4538 = vector.load %arg5[%get3A_4536, %get3A_4537] : memref<128x256xf32, #tpu.memory_space<vmem>>, vector<128x1xf32>
    %get3A_4539 = arith.constant 0 : index
    %get3A_4540 = arith.constant 0 : index
    %get3A_4541 = vector.load %arg2[%get3A_4539, %get3A_4540] : memref<1x128xf32, #tpu.memory_space<vmem>>, vector<1x128xf32>
    %sub3A_4542 = vector.broadcast %get3A_4538 : vector<128x1xf32> to vector<128x128xf32>
    %sub3A_4543 = vector.broadcast %get3A_4541 : vector<1x128xf32> to vector<128x128xf32>
    %sub3A_4544 = arith.subf %sub3A_4542, %sub3A_4543 : vector<128x128xf32>
    %mul3A_4545 = arith.mulf %sub3A_4544, %sub3A_4544 : vector<128x128xf32>
    %mul3A_4546 = vector.broadcast %mul3A_8 : vector<1x128xf32> to vector<128x128xf32>
    %mul3A_4547 = arith.mulf %mul3A_4545, %mul3A_4546 : vector<128x128xf32>
    %add3A_4548 = vector.broadcast %mul3A_14 : vector<1x128xf32> to vector<128x128xf32>
    %add3A_4549 = arith.addf %mul3A_4547, %add3A_4548 : vector<128x128xf32>
    %exp23A_4550 = math.exp2 %add3A_4549 : vector<128x128xf32>
    %swap3A_4551 = arith.constant 32128 : index
    %swap3A_4552 = arith.constant 0 : index
    %swap3A_4553 = vector.load %arg4[%swap3A_4551, %swap3A_4552] : memref<32768x128xf32, #tpu.memory_space<vmem>>, vector<128x128xf32>
    tpu.vector_store %arg4[%swap3A_4551, %swap3A_4552], %exp23A_4550 {strides = array<i32>} : memref<32768x128xf32, #tpu.memory_space<vmem>>, vector<128x128xf32>,
    %get3A_4554 = arith.constant 0 : index
    %get3A_4555 = arith.constant 252 : index
    %get3A_4556 = vector.load %arg5[%get3A_4554, %get3A_4555] : memref<128x256xf32, #tpu.memory_space<vmem>>, vector<128x1xf32>
    %get3A_4557 = arith.constant 0 : index
    %get3A_4558 = arith.constant 0 : index
    %get3A_4559 = vector.load %arg2[%get3A_4557, %get3A_4558] : memref<1x128xf32, #tpu.memory_space<vmem>>, vector<1x128xf32>
    %sub3A_4560 = vector.broadcast %get3A_4556 : vector<128x1xf32> to vector<128x128xf32>
    %sub3A_4561 = vector.broadcast %get3A_4559 : vector<1x128xf32> to vector<128x128xf32>
    %sub3A_4562 = arith.subf %sub3A_4560, %sub3A_4561 : vector<128x128xf32>
    %mul3A_4563 = arith.mulf %sub3A_4562, %sub3A_4562 : vector<128x128xf32>
    %mul3A_4564 = vector.broadcast %mul3A_8 : vector<1x128xf32> to vector<128x128xf32>
    %mul3A_4565 = arith.mulf %mul3A_4563, %mul3A_4564 : vector<128x128xf32>
    %add3A_4566 = vector.broadcast %mul3A_14 : vector<1x128xf32> to vector<128x128xf32>
    %add3A_4567 = arith.addf %mul3A_4565, %add3A_4566 : vector<128x128xf32>
    %exp23A_4568 = math.exp2 %add3A_4567 : vector<128x128xf32>
    %swap3A_4569 = arith.constant 32256 : index
    %swap3A_4570 = arith.constant 0 : index
    %swap3A_4571 = vector.load %arg4[%swap3A_4569, %swap3A_4570] : memref<32768x128xf32, #tpu.memory_space<vmem>>, vector<128x128xf32>
    tpu.vector_store %arg4[%swap3A_4569, %swap3A_4570], %exp23A_4568 {strides = array<i32>} : memref<32768x128xf32, #tpu.memory_space<vmem>>, vector<128x128xf32>,
    %get3A_4572 = arith.constant 0 : index
    %get3A_4573 = arith.constant 253 : index
    %get3A_4574 = vector.load %arg5[%get3A_4572, %get3A_4573] : memref<128x256xf32, #tpu.memory_space<vmem>>, vector<128x1xf32>
    %get3A_4575 = arith.constant 0 : index
    %get3A_4576 = arith.constant 0 : index
    %get3A_4577 = vector.load %arg2[%get3A_4575, %get3A_4576] : memref<1x128xf32, #tpu.memory_space<vmem>>, vector<1x128xf32>
    %sub3A_4578 = vector.broadcast %get3A_4574 : vector<128x1xf32> to vector<128x128xf32>
    %sub3A_4579 = vector.broadcast %get3A_4577 : vector<1x128xf32> to vector<128x128xf32>
    %sub3A_4580 = arith.subf %sub3A_4578, %sub3A_4579 : vector<128x128xf32>
    %mul3A_4581 = arith.mulf %sub3A_4580, %sub3A_4580 : vector<128x128xf32>
    %mul3A_4582 = vector.broadcast %mul3A_8 : vector<1x128xf32> to vector<128x128xf32>
    %mul3A_4583 = arith.mulf %mul3A_4581, %mul3A_4582 : vector<128x128xf32>
    %add3A_4584 = vector.broadcast %mul3A_14 : vector<1x128xf32> to vector<128x128xf32>
    %add3A_4585 = arith.addf %mul3A_4583, %add3A_4584 : vector<128x128xf32>
    %exp23A_4586 = math.exp2 %add3A_4585 : vector<128x128xf32>
    %swap3A_4587 = arith.constant 32384 : index
    %swap3A_4588 = arith.constant 0 : index
    %swap3A_4589 = vector.load %arg4[%swap3A_4587, %swap3A_4588] : memref<32768x128xf32, #tpu.memory_space<vmem>>, vector<128x128xf32>
    tpu.vector_store %arg4[%swap3A_4587, %swap3A_4588], %exp23A_4586 {strides = array<i32>} : memref<32768x128xf32, #tpu.memory_space<vmem>>, vector<128x128xf32>,
    %get3A_4590 = arith.constant 0 : index
    %get3A_4591 = arith.constant 254 : index
    %get3A_4592 = vector.load %arg5[%get3A_4590, %get3A_4591] : memref<128x256xf32, #tpu.memory_space<vmem>>, vector<128x1xf32>
    %get3A_4593 = arith.constant 0 : index
    %get3A_4594 = arith.constant 0 : index
    %get3A_4595 = vector.load %arg2[%get3A_4593, %get3A_4594] : memref<1x128xf32, #tpu.memory_space<vmem>>, vector<1x128xf32>
    %sub3A_4596 = vector.broadcast %get3A_4592 : vector<128x1xf32> to vector<128x128xf32>
    %sub3A_4597 = vector.broadcast %get3A_4595 : vector<1x128xf32> to vector<128x128xf32>
    %sub3A_4598 = arith.subf %sub3A_4596, %sub3A_4597 : vector<128x128xf32>
    %mul3A_4599 = arith.mulf %sub3A_4598, %sub3A_4598 : vector<128x128xf32>
    %mul3A_4600 = vector.broadcast %mul3A_8 : vector<1x128xf32> to vector<128x128xf32>
    %mul3A_4601 = arith.mulf %mul3A_4599, %mul3A_4600 : vector<128x128xf32>
    %add3A_4602 = vector.broadcast %mul3A_14 : vector<1x128xf32> to vector<128x128xf32>
    %add3A_4603 = arith.addf %mul3A_4601, %add3A_4602 : vector<128x128xf32>
    %exp23A_4604 = math.exp2 %add3A_4603 : vector<128x128xf32>
    %swap3A_4605 = arith.constant 32512 : index
    %swap3A_4606 = arith.constant 0 : index
    %swap3A_4607 = vector.load %arg4[%swap3A_4605, %swap3A_4606] : memref<32768x128xf32, #tpu.memory_space<vmem>>, vector<128x128xf32>
    tpu.vector_store %arg4[%swap3A_4605, %swap3A_4606], %exp23A_4604 {strides = array<i32>} : memref<32768x128xf32, #tpu.memory_space<vmem>>, vector<128x128xf32>,
    %get3A_4608 = arith.constant 0 : index
    %get3A_4609 = arith.constant 255 : index
    %get3A_4610 = vector.load %arg5[%get3A_4608, %get3A_4609] : memref<128x256xf32, #tpu.memory_space<vmem>>, vector<128x1xf32>
    %get3A_4611 = arith.constant 0 : index
    %get3A_4612 = arith.constant 0 : index
    %get3A_4613 = vector.load %arg2[%get3A_4611, %get3A_4612] : memref<1x128xf32, #tpu.memory_space<vmem>>, vector<1x128xf32>
    %sub3A_4614 = vector.broadcast %get3A_4610 : vector<128x1xf32> to vector<128x128xf32>
    %sub3A_4615 = vector.broadcast %get3A_4613 : vector<1x128xf32> to vector<128x128xf32>
    %sub3A_4616 = arith.subf %sub3A_4614, %sub3A_4615 : vector<128x128xf32>
    %mul3A_4617 = arith.mulf %sub3A_4616, %sub3A_4616 : vector<128x128xf32>
    %mul3A_4618 = vector.broadcast %mul3A_8 : vector<1x128xf32> to vector<128x128xf32>
    %mul3A_4619 = arith.mulf %mul3A_4617, %mul3A_4618 : vector<128x128xf32>
    %add3A_4620 = vector.broadcast %mul3A_14 : vector<1x128xf32> to vector<128x128xf32>
    %add3A_4621 = arith.addf %mul3A_4619, %add3A_4620 : vector<128x128xf32>
    %exp23A_4622 = math.exp2 %add3A_4621 : vector<128x128xf32>
    %swap3A_4623 = arith.constant 32640 : index
    %swap3A_4624 = arith.constant 0 : index
    %swap3A_4625 = vector.load %arg4[%swap3A_4623, %swap3A_4624] : memref<32768x128xf32, #tpu.memory_space<vmem>>, vector<128x128xf32>
    tpu.vector_store %arg4[%swap3A_4623, %swap3A_4624], %exp23A_4622 {strides = array<i32>} : memref<32768x128xf32, #tpu.memory_space<vmem>>, vector<128x128xf32>,
    return
  }
  func.func @transform_0(%arg0: i32) -> (i32, i32) {
    %c0_i32 = arith.constant 0 : i32
    %c0_i32_0 = arith.constant 0 : i32
    return %arg0, %c0_i32 : i32, i32
  }
  func.func @transform_1(%arg0: i32) -> (i32, i32) {
    %c0_i32 = arith.constant 0 : i32
    %c0_i32_0 = arith.constant 0 : i32
    %c0_i32_1 = arith.constant 0 : i32
    return %c0_i32, %c0_i32_0 : i32, i32
  }
  func.func @transform_2(%arg0: i32) -> (i32, i32) {
    %c0_i32 = arith.constant 0 : i32
    %c0_i32_0 = arith.constant 0 : i32
    %c0_i32_1 = arith.constant 0 : i32
    return %c0_i32, %c0_i32_0 : i32, i32
  }
  func.func @transform_3(%arg0: i32) -> (i32, i32) {
    %c0_i32 = arith.constant 0 : i32
    %c0_i32_0 = arith.constant 0 : i32
    return %arg0, %c0_i32 : i32, i32
  }
}

</mosaic_0001>

<sc_bundles>
// kernel: kernel.4.cloned.1.call-start
scs
__scs_entry_jumppad:
0x0: {  	(pc) =	sbr.rel $0x88, $3  }
0x1: {  	(tag) =	ssettag $0x0;
	lr =	simm.s32 $0x1  }
0x2: {  	[smem:$0x3F9B] =	sst lr;
	_ =	strace $0xD0000000  }
0x3: {  	_ = 	snop  }
0x4: {  	_ = 	snop  }
0x5: {  	_ = 	snop  }
0x6: {  	_ = 	snop  }
0x7: {  	_ = 	snop  }
__scs_overlays_trampoline_lowered:
0x8: {  	[smem:$0x3FAA] =	sst s0  }
0x9: {  	[smem:$0x3FAB] =	sst s1  }
0xa: {  	[smem:$0x3FAC] =	sst s2  }
0xb: {  	[smem:$0x3FAD] =	sst s3  }
0xc: {  	[smem:$0x3FAE] =	sst s4  }
0xd: {  	[smem:$0x3FAF] =	sst s5  }
0xe: {  	[smem:$0x3FB0] =	sst s6  }
0xf: {  	[smem:$0x3FB1] =	sst s7  }
0x10: {  	[smem:$0x3FB2] =	sst s8  }
0x11: {  	[smem:$0x3FB3] =	sst s9;
	s0 =	simm.s32 @!p0 $0x0  }
0x12: {  	s1 =	sld [smem:$0x3F99];
	s0 =	simm.s32 @p0 $0x1  }
0x13: {  	[smem:$0x3FB4] =	sst s0;
	s0 =	simm.s32 @!p1 $0x0  }
0x14: {  	s2 =	sld [smem:$0x3F98];
	s0 =	simm.s32 @p1 $0x1  }
0x15: {  	[smem:$0x3FB5] =	sst s0;
	s0 =	simm.s32 @!p2 $0x0  }
0x16: {  	s3 =	sld [smem:$0x3FDB];
	s0 =	simm.s32 @p2 $0x1  }
0x17: {  	s4 =	simm.s32 $0x1BF5;
	[smem:$0x3FB7] =	sst s0  }
0x18: {  	s0 =	sld [smem:$0x3F9A];
	_ =	swait.ge [sflag:s4], $0x0  }
0x19: {  	s7 =	sld [smem:$0x3F9B]  }
0x1a: {  	s8 =	sadd.s32 $0xFFFFE003, lr  }
0x1b: {  	s9 =	sadd.s32 $0xFFFFFEF7, lr;
	s5 =	simm.s32 $0xFFFFFFFF;
	p2 =	slt.u32 s8, $0xFFFFF086  }
0x1c: {  	p1 =	slt.u32 s9, $0xF7A;
	s5 =	simm.s32 @!p2 $0x0  }
0x1d: {  	s5 =	simm.s32 @p1 $0x1;
	p0 =	seq.s32 s7, s2  }
0x1e: {  	s7 =	smul.u32 @!p0 $0xF7A, s2;
	p2 =	seq.s32 @!p0 s5, $0x0  }
0x1f: {  	s9 =	smul.u32 $0xF7A, s1;
	s8 =	simm.s32 @!p0 $0x1BF5;
	p2 =	por !p2, p0  }
0x20: {  	[sflag:s8] =	ssyncset.s32 @!p0 $0xFFFFF086;
	s6 =	sadd.s32 @!p0 s3, s7;
	s7 =	simm.s32 @!p0 $0x108  }
0x21: {  	s3 =	sadd.s32 s3, s9;
	s6 =	sadd.s32 @!p0 $0x88, s6;
	s7 =	simm.s32 @p2 $0x1082  }
0x22: {  	[simem:s7], [sflag:s8] =	dma.local @!p0 [hbm:s6], $0xF7A  }
0x23: {  	s9 =	sor.u32 $0xD0000000, s2;
	s6 =	simm.s32 $0x108;
	_ =	swait.ge @!p0 [sflag:s8], $0x0  }
0x24: {  	s3 =	sadd.s32 $0x88, s3;
	s6 =	simm.s32 @!p1 $0x1082;
	[sflag:s4] =	ssyncset.s32 $0xFFFFF086  }
0x25: {  	[simem:s6], [sflag:s4] =	dma.local [hbm:s3], $0xF7A  }
0x26: {  	[smem:$0x3F9B] =	sst s1;
	(tag) =	ssettag s2;
	_ =	strace s9  }
0x27: {  	s1 =	sld [smem:$0x3FAB]  }
0x28: {  	s2 =	sld [smem:$0x3FAC]  }
0x29: {  	s4 =	sld [smem:$0x3FAE]  }
0x2a: {  	p0 =	seq.s32 s5, $0x0;
	s5 =	sld [smem:$0x3FAF]  }
0x2b: {  	s6 =	sld [smem:$0x3FB0]  }
0x2c: {  	s7 =	sld [smem:$0x3FB1]  }
0x2d: {  	s3 =	simm.s32 $0x108;
	s8 =	sld [smem:$0x3FB2]  }
0x2e: {  	s3 =	simm.s32 @!p0 $0x1082;
	s9 =	sld [smem:$0x3FB3]  }
0x2f: {  	lr =	sadd.s32 s0, s3;
	s0 =	sld [smem:$0x3FAA]  }
0x30: {  	s3 =	sld [smem:$0x3FAD]  }
0x31: {  	[smem:$0x3FB6] =	sst s10  }
0x32: {  	s10 =	sld [smem:$0x3FB4];
	_ =	sdelay $0x3  }
0x33: {  	p0 =	seq.s32 s10, $0x1;
	s10 =	sld [smem:$0x3FB6];
	_ =	sdelay $0x3  }
0x34: {  	[smem:$0x3FB6] =	sst s10  }
0x35: {  	s10 =	sld [smem:$0x3FB5];
	_ =	sdelay $0x3  }
0x36: {  	p1 =	seq.s32 s10, $0x1;
	s10 =	sld [smem:$0x3FB6];
	_ =	sdelay $0x3  }
0x37: {  	[smem:$0x3FB6] =	sst s10  }
0x38: {  	s10 =	sld [smem:$0x3FB7]  }
0x39: {  	_ = 	snop;
	(pc) =	sbr.ind lr, $3  }
0x3a: {  	_ = 	snop  }
0x3b: {  	_ = 	snop  }
0x3c: {  	p2 =	seq.s32 s10, $0x1;
	s10 =	sld [smem:$0x3FB6]  }
0x3d: {  	_ =	shalt  }
0x3e: {  	_ =	shalt  }
0x3f: {  	_ =	shalt  }
0x40: {  	_ =	shalt  }
0x41: {  	_ =	shalt  }
0x42: {  	_ =	shalt  }
0x43: {  	_ =	shalt  }
0x44: {  	_ =	shalt  }
0x45: {  	_ =	shalt  }
0x46: {  	_ =	shalt  }
0x47: {  	_ =	shalt  }
0x48: {  	_ =	shalt  }
0x49: {  	_ =	shalt  }
0x4a: {  	_ =	shalt  }
0x4b: {  	_ =	shalt  }
0x4c: {  	_ =	shalt  }
0x4d: {  	_ =	shalt  }
0x4e: {  	_ =	shalt  }
0x4f: {  	_ =	shalt  }
0x50: {  	_ =	shalt  }
0x51: {  	_ =	shalt  }
0x52: {  	_ =	shalt  }
0x53: {  	_ =	shalt  }
0x54: {  	_ =	shalt  }
0x55: {  	_ =	shalt  }
0x56: {  	_ =	shalt  }
0x57: {  	_ =	shalt  }
0x58: {  	_ =	shalt  }
0x59: {  	_ =	shalt  }
0x5a: {  	_ =	shalt  }
0x5b: {  	_ =	shalt  }
0x5c: {  	_ =	shalt  }
0x5d: {  	_ =	shalt  }
0x5e: {  	_ =	shalt  }
0x5f: {  	_ =	shalt  }
0x60: {  	_ =	shalt  }
0x61: {  	_ =	shalt  }
0x62: {  	_ =	shalt  }
0x63: {  	_ =	shalt  }
0x64: {  	_ =	shalt  }
0x65: {  	_ =	shalt  }
0x66: {  	_ =	shalt  }
0x67: {  	_ =	shalt  }
0x68: {  	_ =	shalt  }
0x69: {  	_ =	shalt  }
0x6a: {  	_ =	shalt  }
0x6b: {  	_ =	shalt  }
0x6c: {  	_ =	shalt  }
0x6d: {  	_ =	shalt  }
0x6e: {  	_ =	shalt  }
0x6f: {  	_ =	shalt  }
0x70: {  	_ =	shalt  }
0x71: {  	_ =	shalt  }
0x72: {  	_ =	shalt  }
0x73: {  	_ =	shalt  }
0x74: {  	_ =	shalt  }
0x75: {  	_ =	shalt  }
0x76: {  	_ =	shalt  }
0x77: {  	_ =	shalt  }
0x78: {  	_ =	shalt  }
0x79: {  	_ =	shalt  }
0x7a: {  	_ =	shalt  }
0x7b: {  	_ =	shalt  }
0x7c: {  	_ =	shalt  }
0x7d: {  	_ =	shalt  }
0x7e: {  	_ =	shalt  }
0x7f: {  	_ =	shalt  }
0x80: {  	_ =	shalt  }
0x81: {  	_ =	shalt  }
0x82: {  	_ =	shalt  }
0x83: {  	_ =	shalt  }
0x84: {  	_ =	shalt  }
0x85: {  	_ =	shalt  }
0x86: {  	_ =	shalt  }
0x87: {  	_ =	shalt  }
.Lfunc_end0:
.L_simem_size_0:
called_computation_lowered:
.L_overlay_start_0:
0x88: {  	s2 =	sld [smem:$0x3FD9]  }
0x89: {  	s3 =	sld [smem:$0x3FFE];
	_ =	sdelay $0x1  }
0x8a: {  	s1 =	srdreg.scid  }
0x8b: {  	s0 =	sand.u32 $0x1, s1  }
0x8c: {  	s17 =	sshll.u32 s0, $0xA;
	s2 =	sadd.s32 s3, s2  }
0x8d: {  	s2 =	sadd.s32 s2, s17  }
0x8e: {  	[smem:$0x3FC2] =	sst s2  }
0x8f: {  	_ = 	snop  }
0x90: {  	s2 =	sld [smem:$0x3FC5]  }
0x91: {  	s18 =	sld [smem:$0x3FC4]  }
0x92: {  	s4 =	sld [smem:$0x3FD0];
	(tm) =	ssettm $0x1  }
0x93: {  	s5 =	sld [smem:$0x3FFB];
	_ =	sdelay $0x3  }
0x94: {  	_ =	strace s5  }
0x95: {  	s5 =	sld [smem:$0x3FFC];
	_ =	sdelay $0x3  }
0x96: {  	_ =	strace s5  }
0x97: {  	s5 =	sld [smem:$0x3FFD];
	_ =	sdelay $0x3  }
0x98: {  	_ =	strace s5  }
0x99: {  	_ =	strace $0x8FFFFFFF  }
0x9a: {  	s19 =	sld [smem:$0x3FDB];
	_ =	sdelay $0x1  }
0x9b: {  	s6 =	simm.s32 $_scs_section_size  }
0x9c: {  	s7 =	simm.s32 $_size__tile_overlayer_lowered;
	s8 =	simm.s32 $_tile_overlayer_lowered  }
0x9d: {  	s22 =	simm.s32 $0x1BFF;
	s21 =	sshll.u32 s8, $0x1;
	s5 =	sadd.s32 s6, s19  }
0x9e: {  	s9 =	simm.s32 $0x0;
	s20 =	sshll.u32 s7, $0x1;
	s7 =	sadd.s32 s21, s5  }
0x9f: {  	[timem:s9], [sflag:s22] =	dma.local [hbm:s7], s20  }
0xa0: {  	_ =	swait.ge [sflag:s22], s20  }
0xa1: {  	s6 =	ssub.s32 $0x0, s20;
	[sflag:s22] =	ssyncset.done $0x0  }
0xa2: {  	[sflag:s22] =	ssyncadd.s32 s6;
	_ =	sdelay $0x1  }
0xa3: {  	s23 =	simm.s32 $0x1B8B  }
0xa4: {  	_ =	swait.ge [sflag:s23], $0x1  }
0xa5: {  	[sflag:s23] =	ssyncset.done $0x0  }
0xa6: {  	s25 =	simm.s32 $0x1B8E;
	s24 =	sld [smem:$0x3FFE];
	[sflag:s23] =	ssyncadd.s32 $0xFFFFFFFF  }
0xa7: {  	s26 =	simm.s32 $execute0_lowered;
	[smem:$0x3FD2] =	sst s25  }
0xa8: {  	s7 =	sshll.u32 s26, $0x1;
	_ =	strace $0x80000046;
	[dreg:$0x1] =	wrdreg $0xFFFFFFFF  }
0xa9: {  	s28 =	simm.s32 $_size_execute0_lowered;
	s5 =	sadd.s32 s5, s7;
	[dreg:$0x0] =	wrdreg $0x0  }
0xaa: {  	s7 =	sshll.u32 s28, $0x1;
	[dreg:$0x2] =	wrdreg s5  }
0xab: {  	[dreg:$0x3] =	wrdreg s7  }
0xac: {  	[dreg:$0x4] =	wrdreg $0xC0  }
0xad: {  	_ =	task [dreg:s9], $0x5FFFF  }
0xae: {  	[dreg:$0x1] =	wrdreg $0xFFFFFFFF  }
0xaf: {  	[dreg:$0x0] =	wrdreg $0x60  }
0xb0: {  	[dreg:$0x2] =	wrdreg s4  }
0xb1: {  	[dreg:$0x3] =	wrdreg s24  }
0xb2: {  	[dreg:$0x4] =	wrdreg s2  }
0xb3: {  	[dreg:$0x5] =	wrdreg s18  }
0xb4: {  	[dreg:$0x6] =	wrdreg $0x9  }
0xb5: {  	_ =	task.clear_ibuf [dreg:s9], $0x7FFFF;
	_ =	strace $0x90000046  }
0xb6: {  	s29 =	simm.s32 $0x9;
	_ =	strace $0x80000048  }
0xb7: {  	_ =	swait.ge [sflag:s29], $0x1  }
0xb8: {  	[sflag:s29] =	ssyncadd.s32 $0xFFFFFFFF  }
0xb9: {  	_ =	strace $0x90000048  }
0xba: {  	_ =	sfence  }
0xbb: {  	s30 =	sld [smem:$0x0];
	_ =	sdelay $0x2  }
0xbc: {  	s31 =	sshll.u32 s1, $0xD;
	s1 =	sshrl.u32 s1, $0x2  }
0xbd: {  	s3 =	sand.u32 $0x4000, s31;
	s1 =	sadd.s32 s1, s30  }
0xbe: {  	s0 =	sor.u32 s3, s0;
	s1 =	sshll.u32 s1, $0x11  }
0xbf: {  	s0 =	sor.u32 s1, s0  }
0xc0: {  	s0 =	sadd.s32 $0x8F2B, s0  }
0xc1: {  	[sflag:s0] =	ssyncadd.remote.s32 $0x1  }
0xc2: {  	_ =	sfence.sel $0xFFFF  }
0xc3: {  	[dreg:$0x0] =	wrdreg $0xFFFFFFFF;
	(pc) =	sbr.abs _section_cstart, $3  }
0xc4: {  	[dreg:$0x1] =	wrdreg $0xFFFFFFFF  }
0xc5: {  	_ =	task.clear_ibuf [dreg:s9], $0x2FFFF;
	_ =	strace $0x9FFFFFFF  }
0xc6: {  	(tm) =	ssettm $0x7FFFFFFF  }
0xc7: {  	_ =	shalt  }
tec
execute0_lowered:
.L_overlay_start_1:
0x0: {  	(tag) =	ssettag $0x1  }
0x1: {  	s5 =	rddreg [dreg:$0x0]  }
0x2: {  	s6 =	rddreg [dreg:$0x1]  }
0x3: {  	s2 =	rddreg [dreg:$0x2]  }
0x4: {  	s3 =	rddreg [dreg:$0x3];
	s4 =	srdreg.scid  }
0x5: {  	s0 =	rddreg [dreg:$0x4];
	s1 =	stileid.u32;
	s11 =	simm.s32 $0x4000  }
0x6: {  	s12 =	simm.s32 $0x1;
	s13 =	simm.s32 $0x2;
	s14 =	simm.s32 $0x3  }
0x7: {  	s15 =	simm.s32 $0x4;
	s16 =	simm.s32 $0x10000;
	s17 =	simm.s32 $0x5  }
0x8: {  	s18 =	simm.s32 $0x0;
	s7 =	sand.u32 $0x1, s4;
	s4 =	simm.s32 $0x0  }
0x9: {  	s8 =	sshll.u32 s1, $0xC;
	s9 =	sshll.u32 s7, $0xB;
	s7 =	ssub.s32 $0x2, s7  }
0xa: {  	[smem:$0x7FF] =	sst s4;
	s8 =	sor.u32 s9, s8;
	s31 =	sshrl.u32 s7, $0x1  }
0xb: {  	_ =	strace $0x80000047;
	s9 =	sadd.s32 s8, s6;
	s10 =	ssub.s32 s7, s31  }
0xc: {  	s5 =	sadd.s32 s5, s8;
	s6 =	sadd.s32 $0xC00, s9;
	s7 =	sadd.s32 $0x10C00, s9  }
0xd: {  	s8 =	smax.u32 s10, $0x1;
	s9 =	simm.s32 $0x8000;
	s10 =	simm.s32 $0xC000  }
.LBB2_1:
0xe: {  	[tilespmem:s9], [sflag:$0x1] =	stream.linear.gather [hbm4b:s2+s4], $0x4000, $0x38;
	[tilespmem:$0x14000] =	vst v63  }
0xf: {  	_ = 	snop  }
0x10: {  	[tilespmem:s10], [sflag:$0x2] =	stream.linear.gather [hbm4b:s3+s4], $0x4000, $0x38;
	[tilespmem:$0x14000] =	vst v63  }
0x11: {  	_ = 	snop  }
0x12: {  	[tilespmem:s4], [sflag:$0x3] =	stream.linear.gather [hbm4b:s5+s4], $0x4000, $0x38;
	[tilespmem:$0x14000] =	vst v63  }
0x13: {  	_ = 	snop  }
0x14: {  	[tilespmem:s11], [sflag:$0x4] =	stream.linear.gather [hbm4b:s6+s4], $0x4000, $0x38;
	[tilespmem:$0x14000] =	vst v63  }
0x15: {  	_ =	swait.ge [sflag:s12], $0x4000  }
0x16: {  	[sflag:s12] =	ssyncset.done $0x0  }
0x17: {  	[sflag:s12] =	ssyncadd.s32 $0xFFFFC000  }
0x18: {  	_ =	swait.ge [sflag:s13], $0x4000  }
0x19: {  	[sflag:s13] =	ssyncset.done $0x0  }
0x1a: {  	[sflag:s13] =	ssyncadd.s32 $0xFFFFC000  }
0x1b: {  	_ =	swait.ge [sflag:s14], $0x4000  }
0x1c: {  	[sflag:s14] =	ssyncset.done $0x0  }
0x1d: {  	[sflag:s14] =	ssyncadd.s32 $0xFFFFC000  }
0x1e: {  	_ =	swait.ge [sflag:s15], $0x4000  }
0x1f: {  	[sflag:s15] =	ssyncset.done $0x0  }
0x20: {  	s19 =	simm.s32 $0x0;
	[sflag:s15] =	ssyncadd.s32 $0xFFFFC000  }
0x21: {  	v0 =	vld [tilespmem:s19+$0x0];
	_ =	sdelay $0x6  }
0x22: {  	v2 =	vld [tilespmem:s19+$0x4000]  }
0x23: {  	v1 =	vld.idx.msk [tilespmem:v0+s9+$0x0], $0xffff  }
0x24: {  	v3 =	vld [tilespmem:s19+$0x10]  }
0x25: {  	v0 =	vld.idx.msk [tilespmem:v0+s10+$0x0], $0xffff;
	_ =	sdelay $0x2  }
0x26: {  	v1 =	vmul.f32 v2, v1;
	_ =	sdelay $0x1  }
0x27: {  	v0 =	vadd.f32 v1, v0;
	_ =	sdelay $0x1  }
0x28: {  	v1 =	vld [tilespmem:s19+$0x4010];
	[tilespmem:s19+$0x10000] =	vst v0  }
0x29: {  	v0 =	vld.idx.msk [tilespmem:v3+s9+$0x0], $0xffff  }
0x2a: {  	v2 =	vld.idx.msk [tilespmem:v3+s10+$0x0], $0xffff  }
0x2b: {  	v3 =	vld [tilespmem:s19+$0x20];
	_ =	sdelay $0x2  }
0x2c: {  	v0 =	vmul.f32 v1, v0;
	_ =	sdelay $0x1  }
0x2d: {  	v0 =	vadd.f32 v0, v2;
	_ =	sdelay $0x1  }
0x2e: {  	v1 =	vld [tilespmem:s19+$0x4020];
	[tilespmem:s19+$0x10010] =	vst v0  }
0x2f: {  	v0 =	vld.idx.msk [tilespmem:v3+s9+$0x0], $0xffff  }
0x30: {  	v2 =	vld.idx.msk [tilespmem:v3+s10+$0x0], $0xffff  }
0x31: {  	v3 =	vld [tilespmem:s19+$0x30];
	_ =	sdelay $0x2  }
0x32: {  	v0 =	vmul.f32 v1, v0;
	_ =	sdelay $0x1  }
0x33: {  	v0 =	vadd.f32 v0, v2;
	_ =	sdelay $0x1  }
0x34: {  	v1 =	vld [tilespmem:s19+$0x4030];
	[tilespmem:s19+$0x10020] =	vst v0  }
0x35: {  	v0 =	vld.idx.msk [tilespmem:v3+s9+$0x0], $0xffff  }
0x36: {  	v2 =	vld.idx.msk [tilespmem:v3+s10+$0x0], $0xffff  }
0x37: {  	v3 =	vld [tilespmem:s19+$0x40];
	_ =	sdelay $0x2  }
0x38: {  	v0 =	vmul.f32 v1, v0;
	_ =	sdelay $0x1  }
0x39: {  	v0 =	vadd.f32 v0, v2;
	_ =	sdelay $0x1  }
0x3a: {  	v1 =	vld [tilespmem:s19+$0x4040];
	[tilespmem:s19+$0x10030] =	vst v0  }
0x3b: {  	v0 =	vld.idx.msk [tilespmem:v3+s9+$0x0], $0xffff  }
0x3c: {  	v2 =	vld.idx.msk [tilespmem:v3+s10+$0x0], $0xffff  }
0x3d: {  	v3 =	vld [tilespmem:s19+$0x50];
	_ =	sdelay $0x2  }
0x3e: {  	v0 =	vmul.f32 v1, v0;
	_ =	sdelay $0x1  }
0x3f: {  	v0 =	vadd.f32 v0, v2;
	_ =	sdelay $0x1  }
0x40: {  	[tilespmem:s19+$0x10040] =	vst v0;
	v0 =	vld [tilespmem:s19+$0x4050]  }
0x41: {  	v1 =	vld.idx.msk [tilespmem:v3+s9+$0x0], $0xffff  }
0x42: {  	v2 =	vld.idx.msk [tilespmem:v3+s10+$0x0], $0xffff  }
0x43: {  	v3 =	vld [tilespmem:s19+$0x60];
	_ =	sdelay $0x2  }
0x44: {  	v0 =	vmul.f32 v0, v1;
	_ =	sdelay $0x1  }
0x45: {  	v0 =	vadd.f32 v0, v2;
	_ =	sdelay $0x1  }
0x46: {  	[tilespmem:s19+$0x10050] =	vst v0;
	v0 =	vld [tilespmem:s19+$0x4060]  }
0x47: {  	v1 =	vld.idx.msk [tilespmem:v3+s9+$0x0], $0xffff  }
0x48: {  	v2 =	vld.idx.msk [tilespmem:v3+s10+$0x0], $0xffff  }
0x49: {  	v3 =	vld [tilespmem:s19+$0x70];
	_ =	sdelay $0x2  }
0x4a: {  	v0 =	vmul.f32 v0, v1;
	_ =	sdelay $0x1  }
0x4b: {  	v0 =	vadd.f32 v0, v2;
	_ =	sdelay $0x1  }
0x4c: {  	[tilespmem:s19+$0x10060] =	vst v0;
	v0 =	vld [tilespmem:s19+$0x4070]  }
0x4d: {  	v1 =	vld.idx.msk [tilespmem:v3+s9+$0x0], $0xffff;
	_ =	sdelay $0x3  }
0x4e: {  	s22 =	simm.s32 $0x80;
	v2 =	vld.idx.msk [tilespmem:v3+s10+$0x0], $0xffff  }
0x4f: {  	v1 =	vmul.f32 v0, v1;
	v0 =	vld [tilespmem:s22+$0x0];
	_ =	sdelay $0x4  }
0x50: {  	s20 =	simm.s32 $0x400;
	v1 =	vadd.f32 v1, v2  }
.LBB2_2:
0x51: {  	_ = 	snop  }
0x52: {  	p0 =	sne.s32 s20, $0xFE00;
	s21 =	smov.u32 s20;
	s20 =	sadd.s32 $0x200, s20;
	[tilespmem:s19+$0x10070] =	vst v1  }
0x53: {  	s19 =	smov.u32 s22;
	v1 =	vld.idx.msk [tilespmem:v0+s9+$0x0], $0xffff  }
0x54: {  	v2 =	vld [tilespmem:s19+$0x4000]  }
0x55: {  	v0 =	vld.idx.msk [tilespmem:v0+s10+$0x0], $0xffff  }
0x56: {  	v3 =	vld [tilespmem:s19+$0x10];
	_ =	sdelay $0x2  }
0x57: {  	v1 =	vmul.f32 v2, v1;
	_ =	sdelay $0x1  }
0x58: {  	v0 =	vadd.f32 v1, v0;
	_ =	sdelay $0x1  }
0x59: {  	[tilespmem:s19+$0x10000] =	vst v0  }
0x5a: {  	v0 =	vld.idx.msk [tilespmem:v3+s9+$0x0], $0xffff  }
0x5b: {  	v1 =	vld [tilespmem:s19+$0x4010]  }
0x5c: {  	v2 =	vld.idx.msk [tilespmem:v3+s10+$0x0], $0xffff  }
0x5d: {  	v3 =	vld [tilespmem:s19+$0x20];
	_ =	sdelay $0x2  }
0x5e: {  	v0 =	vmul.f32 v1, v0;
	_ =	sdelay $0x1  }
0x5f: {  	v0 =	vadd.f32 v0, v2;
	_ =	sdelay $0x1  }
0x60: {  	[tilespmem:s19+$0x10010] =	vst v0  }
0x61: {  	v0 =	vld.idx.msk [tilespmem:v3+s9+$0x0], $0xffff  }
0x62: {  	v1 =	vld [tilespmem:s19+$0x4020]  }
0x63: {  	v2 =	vld.idx.msk [tilespmem:v3+s10+$0x0], $0xffff  }
0x64: {  	v3 =	vld [tilespmem:s19+$0x30];
	_ =	sdelay $0x2  }
0x65: {  	v0 =	vmul.f32 v1, v0;
	_ =	sdelay $0x1  }
0x66: {  	v0 =	vadd.f32 v0, v2;
	_ =	sdelay $0x1  }
0x67: {  	[tilespmem:s19+$0x10020] =	vst v0  }
0x68: {  	v0 =	vld.idx.msk [tilespmem:v3+s9+$0x0], $0xffff  }
0x69: {  	v1 =	vld [tilespmem:s19+$0x4030]  }
0x6a: {  	v2 =	vld.idx.msk [tilespmem:v3+s10+$0x0], $0xffff  }
0x6b: {  	v3 =	vld [tilespmem:s19+$0x40];
	_ =	sdelay $0x2  }
0x6c: {  	v0 =	vmul.f32 v1, v0;
	_ =	sdelay $0x1  }
0x6d: {  	v0 =	vadd.f32 v0, v2;
	_ =	sdelay $0x1  }
0x6e: {  	[tilespmem:s19+$0x10030] =	vst v0  }
0x6f: {  	v0 =	vld.idx.msk [tilespmem:v3+s9+$0x0], $0xffff  }
0x70: {  	v1 =	vld [tilespmem:s19+$0x4040]  }
0x71: {  	v2 =	vld.idx.msk [tilespmem:v3+s10+$0x0], $0xffff  }
0x72: {  	v3 =	vld [tilespmem:s19+$0x50];
	_ =	sdelay $0x2  }
0x73: {  	v0 =	vmul.f32 v1, v0;
	_ =	sdelay $0x1  }
0x74: {  	v0 =	vadd.f32 v0, v2;
	_ =	sdelay $0x1  }
0x75: {  	[tilespmem:s19+$0x10040] =	vst v0;
	v0 =	vld [tilespmem:s19+$0x4050]  }
0x76: {  	v1 =	vld.idx.msk [tilespmem:v3+s9+$0x0], $0xffff  }
0x77: {  	v2 =	vld.idx.msk [tilespmem:v3+s10+$0x0], $0xffff;
	_ =	sdelay $0x1  }
0x78: {  	v3 =	vld [tilespmem:s19+$0x60];
	_ =	sdelay $0x2  }
0x79: {  	v0 =	vmul.f32 v0, v1;
	_ =	sdelay $0x1  }
0x7a: {  	v0 =	vadd.f32 v0, v2;
	_ =	sdelay $0x1  }
0x7b: {  	[tilespmem:s19+$0x10050] =	vst v0;
	v0 =	vld [tilespmem:s19+$0x4060]  }
0x7c: {  	v1 =	vld.idx.msk [tilespmem:v3+s9+$0x0], $0xffff  }
0x7d: {  	v2 =	vld.idx.msk [tilespmem:v3+s10+$0x0], $0xffff;
	_ =	sdelay $0x1  }
0x7e: {  	v3 =	vld [tilespmem:s19+$0x70];
	_ =	sdelay $0x2  }
0x7f: {  	v0 =	vmul.f32 v0, v1;
	_ =	sdelay $0x1  }
0x80: {  	v0 =	vadd.f32 v0, v2;
	_ =	sdelay $0x1  }
0x81: {  	[tilespmem:s19+$0x10060] =	vst v0;
	v1 =	vld [tilespmem:s19+$0x4070]  }
0x82: {  	v2 =	vld.idx.msk [tilespmem:v3+s9+$0x0], $0xffff  }
0x83: {  	v3 =	vld.idx.msk [tilespmem:v3+s10+$0x0], $0xffff  }
0x84: {  	s22 =	sshra.s32 s21, $0x2  }
0x85: {  	v0 =	vld [tilespmem:s22+$0x0]  }
.Ltmp0:
0x86: {  	(pc) =	sbr.rel @p0 .LBB2_2-.Ltmp0, $3  }
0x87: {  	_ = 	snop  }
0x88: {  	v1 =	vmul.f32 v1, v2;
	_ =	sdelay $0x1  }
0x89: {  	v1 =	vadd.f32 v1, v3  }
0x8a: {  	_ =	sdelay $0x2  }
0x8b: {  	[tilespmem:s19+$0x10070] =	vst v1  }
0x8c: {  	v1 =	vld.idx.msk [tilespmem:v0+s9+$0x0], $0xffff  }
0x8d: {  	v2 =	vld [tilespmem:s22+$0x4000]  }
0x8e: {  	v40 =	vld.idx.msk [tilespmem:v0+s10+$0x0], $0xffff  }
0x8f: {  	v3 =	vld [tilespmem:s22+$0x10];
	_ =	sdelay $0x2  }
0x90: {  	v1 =	vmul.f32 v2, v1;
	_ =	sdelay $0x1  }
0x91: {  	v0 =	vadd.f32 v1, v40;
	_ =	sdelay $0x1  }
0x92: {  	v41 =	vld [tilespmem:s22+$0x4010];
	[tilespmem:s22+$0x10000] =	vst v0  }
0x93: {  	v0 =	vld.idx.msk [tilespmem:v3+s9+$0x0], $0xffff  }
0x94: {  	v43 =	vld [tilespmem:s22+$0x20]  }
0x95: {  	v42 =	vld.idx.msk [tilespmem:v3+s10+$0x0], $0xffff;
	_ =	sdelay $0x2  }
0x96: {  	v0 =	vmul.f32 v41, v0;
	_ =	sdelay $0x1  }
0x97: {  	v0 =	vadd.f32 v0, v42;
	_ =	sdelay $0x1  }
0x98: {  	v44 =	vld [tilespmem:s22+$0x4020];
	[tilespmem:s22+$0x10010] =	vst v0  }
0x99: {  	v0 =	vld.idx.msk [tilespmem:v43+s9+$0x0], $0xffff  }
0x9a: {  	v46 =	vld [tilespmem:s22+$0x30]  }
0x9b: {  	v45 =	vld.idx.msk [tilespmem:v43+s10+$0x0], $0xffff;
	_ =	sdelay $0x2  }
0x9c: {  	v0 =	vmul.f32 v44, v0;
	_ =	sdelay $0x1  }
0x9d: {  	v0 =	vadd.f32 v0, v45;
	_ =	sdelay $0x1  }
0x9e: {  	v47 =	vld [tilespmem:s22+$0x4030];
	[tilespmem:s22+$0x10020] =	vst v0  }
0x9f: {  	v0 =	vld.idx.msk [tilespmem:v46+s9+$0x0], $0xffff  }
0xa0: {  	v49 =	vld [tilespmem:s22+$0x40]  }
0xa1: {  	v48 =	vld.idx.msk [tilespmem:v46+s10+$0x0], $0xffff;
	_ =	sdelay $0x2  }
0xa2: {  	v0 =	vmul.f32 v47, v0;
	_ =	sdelay $0x1  }
0xa3: {  	v0 =	vadd.f32 v0, v48;
	_ =	sdelay $0x1  }
0xa4: {  	v50 =	vld [tilespmem:s22+$0x4040];
	[tilespmem:s22+$0x10030] =	vst v0  }
0xa5: {  	v0 =	vld.idx.msk [tilespmem:v49+s9+$0x0], $0xffff  }
0xa6: {  	v52 =	vld [tilespmem:s22+$0x50]  }
0xa7: {  	v51 =	vld.idx.msk [tilespmem:v49+s10+$0x0], $0xffff;
	_ =	sdelay $0x2  }
0xa8: {  	v0 =	vmul.f32 v50, v0;
	_ =	sdelay $0x1  }
0xa9: {  	v0 =	vadd.f32 v0, v51;
	_ =	sdelay $0x1  }
0xaa: {  	v53 =	vld [tilespmem:s22+$0x4050];
	[tilespmem:s22+$0x10040] =	vst v0  }
0xab: {  	v54 =	vld.idx.msk [tilespmem:v52+s9+$0x0], $0xffff  }
0xac: {  	v56 =	vld [tilespmem:s22+$0x60]  }
0xad: {  	v55 =	vld.idx.msk [tilespmem:v52+s10+$0x0], $0xffff;
	_ =	sdelay $0x2  }
0xae: {  	v0 =	vmul.f32 v53, v54;
	_ =	sdelay $0x1  }
0xaf: {  	v0 =	vadd.f32 v0, v55;
	_ =	sdelay $0x1  }
0xb0: {  	v57 =	vld [tilespmem:s22+$0x4060];
	[tilespmem:s22+$0x10050] =	vst v0  }
0xb1: {  	v58 =	vld.idx.msk [tilespmem:v56+s9+$0x0], $0xffff  }
0xb2: {  	v60 =	vld [tilespmem:s22+$0x70]  }
0xb3: {  	v59 =	vld.idx.msk [tilespmem:v56+s10+$0x0], $0xffff;
	_ =	sdelay $0x2  }
0xb4: {  	v0 =	vmul.f32 v57, v58;
	_ =	sdelay $0x1  }
0xb5: {  	v0 =	vadd.f32 v0, v59;
	_ =	sdelay $0x1  }
0xb6: {  	v61 =	vld [tilespmem:s22+$0x4070];
	[tilespmem:s22+$0x10060] =	vst v0  }
0xb7: {  	v62 =	vld.idx.msk [tilespmem:v60+s9+$0x0], $0xffff;
	_ =	sdelay $0x1  }
0xb8: {  	v63 =	vld.idx.msk [tilespmem:v60+s10+$0x0], $0xffff;
	_ =	sdelay $0x2  }
0xb9: {  	v0 =	vmul.f32 v61, v62;
	_ =	sdelay $0x1  }
0xba: {  	s18 =	sadd.s32 $0x1, s18;
	v0 =	vadd.f32 v0, v63  }
0xbb: {  	p0 =	sne.s32 s18, s8  }
.Ltmp1:
0xbc: {  	[tilespmem:s22+$0x10070] =	vst v0;
	(pc) =	sbr.rel @p0 .LBB2_1-.Ltmp1, $4  }
0xbd: {  	[hbm4b:s7+s4] =	stream.linear.scatter [tilespmem:s16], [sflag:$0x5], $0x4000, $0x38;
	[tilespmem:$0x14000] =	vst v63  }
0xbe: {  	_ =	swait.ge [sflag:s17], $0x4000  }
0xbf: {  	[sflag:s17] =	ssyncset.done $0x0  }
0xc0: {  	[sflag:s17] =	ssyncadd.s32 $0xFFFFC000  }
0xc1: {  	_ =	sfence.sel $0x180000  }
0xc2: {  	[bflag:$0x0] =	sbarrier.arrive $0xFFFF  }
0xc3: {  	p0 =	sne.s32 s1, $0x0;
	_ =	strace $0x90000047  }
0xc4: {  	s0 =	sadd.s32 @!p0 $0x100000, s0;
	[bflag:$0x2] =	sbarrier.arrive $0xFFFF  }
0xc5: {  	[sflag:s0] =	ssyncadd.tile.s32 @!p0 $0x1;
	_ =	shalt  }
.Lfunc_end2:
_tile_overlayer_lowered:
.L_overlay_start_2:
0xc6: {  	(tag) =	ssettag $0x2  }
0xc7: {  	s0 =	rddreg [dreg:$0x0];
	s2 =	stileid.u32  }
0xc8: {  	s1 =	rddreg [dreg:$0x1];
	p0 =	sne.s32 s2, $0x0  }
0xc9: {  	s3 =	rddreg [dreg:$0x2];
	[bflag:$0x3] =	sbarrier.arrive $0xFFFF;
	s2 =	simm.s32 @!p0 $0x1C05  }
0xca: {  	[timem:s3], [sflag:s2] =	dma.local @!p0 [hbm:s0], s1  }
0xcb: {  	s0 =	simm.s32 @!p0 $0x5  }
0xcc: {  	_ =	swait.ge @!p0 [sflag:s0], s1  }
0xcd: {  	s1 =	ssub.s32 @!p0 $0x0, s1;
	[sflag:s0] =	ssyncset.done @!p0 $0x0  }
0xce: {  	[sflag:s0] =	ssyncadd.s32 @!p0 s1  }
0xcf: {  	[bflag:$0x3] =	sbarrier.arrive $0xFFFF  }
0xd0: {  	_ =	shalt  }

</sc_bundles>
